<compile_context>
chip_gen: v7x
topology: tpu7x:2x2x1
jax: 0.10.2.dev20260603
libtpu: 0.0.44.dev20260713+nightly
codegen_flags: <defaults>
</compile_context>

<pallas_src>
import jax
import jax.numpy as jnp
from jax import lax
from jax.experimental import pallas as pl
from jax.experimental.pallas import tpu as pltpu
from jax.experimental.pallas import tpu_sc as plsc

_EPS = 1e-5
_NCORES = 2
_NSUB = 16
_K = 80




def _make_agg(n, e, fh, with_counts):
    ncs = e // (_K * _NSUB)
    nquad = ncs // 4
    na = n + 8
    nr = (na // _NSUB) // 8 * 8
    rem = na - nr * _NSUB
    mesh = plsc.VectorSubcoreMesh(core_axis_name="c", subcore_axis_name="s")

    nbuf = 4
    cw = 16
    out_type = [jax.ShapeDtypeStruct((_NCORES, na, fh), jnp.float32)]
    scratch = [
        pltpu.VMEM((ncs, _K), jnp.int32),
        pltpu.VMEM((ncs, _K), jnp.int32),
        pltpu.VMEM_SHARED((na, fh), jnp.float32),
    ] + [pltpu.VMEM((_K, fh), jnp.float32) for _ in range(nbuf)] \
      + [pltpu.SemaphoreType.DMA for _ in range(2 * nbuf + 1)]
    if with_counts:
        out_type.append(jax.ShapeDtypeStruct((na, cw), jnp.float32))
        scratch += [
            pltpu.VMEM((_K, cw), jnp.float32),
            pltpu.VMEM((_K, cw), jnp.float32),
            pltpu.VMEM_SHARED((na, cw), jnp.float32),
            pltpu.SemaphoreType.DMA,
        ]

    def body(p_hbm, edge_hbm, *rest):
        if with_counts:
            (ones_hbm, zer_hbm, out_hbm, cnt_hbm, srcb, dstb, acc_sh,
             *tl) = rest
            rows = tl[:nbuf]
            gsem = tl[nbuf:2 * nbuf]
            ssem = tl[2 * nbuf:3 * nbuf]
            zsem = tl[3 * nbuf]
            ones, zb, cnt_sh, csem = tl[3 * nbuf + 1:]
        else:
            (out_hbm, srcb, dstb, acc_sh, *tl) = rest
            rows = tl[:nbuf]
            gsem = tl[nbuf:2 * nbuf]
            ssem = tl[2 * nbuf:3 * nbuf]
            zsem = tl[3 * nbuf]
        c = lax.axis_index("c")
        s = lax.axis_index("s")

        zeros16 = jnp.zeros((16,), jnp.float32)

        def zrow(r, _):
            for j in range(fh // 16):
                rows[0][r, pl.ds(j * 16, 16)] = zeros16
            return 0

        lax.fori_loop(0, _K, zrow, 0)

        base = s * nr
        full, tail = nr // _K, nr % _K

        def zfill(dst_sh, zsrc, fire):
            def op(src_sl, dst_sl):
                if fire:
                    pltpu.async_copy(src_sl, dst_sl, zsem)
                else:
                    pltpu.make_async_copy(src_sl, dst_sl, zsem).wait()

            for j in range(full):
                op(zsrc.at[pl.ds(0, _K)], dst_sh.at[pl.ds(base + j * _K, _K)])
            if tail:
                op(zsrc.at[pl.ds(0, tail)],
                   dst_sh.at[pl.ds(base + full * _K, tail)])
            if rem:
                @pl.when(s == _NSUB - 1)
                def _():
                    op(zsrc.at[pl.ds(0, rem)],
                       dst_sh.at[pl.ds(nr * _NSUB, rem)])

        def zfill_all(fire):
            zfill(acc_sh, rows[0], fire)
            if with_counts:
                @pl.when(c == 0)
                def _():
                    zfill(cnt_sh, zb, fire)

        if with_counts:
            pltpu.sync_copy(ones_hbm, ones)
            pltpu.sync_copy(zer_hbm, zb)

        zfill_all(True)

        row_off = c * n
        pltpu.sync_copy(edge_hbm.at[0, pl.ds(s * ncs, ncs)], srcb)
        pltpu.sync_copy(edge_hbm.at[1, pl.ds(s * ncs, ncs)], dstb)

        def fixrow(r, _):
            for j in range(_K // 16):
                sl = pl.ds(j * 16, 16)
                srcb[r, sl] = srcb[r, sl] + row_off
            return 0

        lax.fori_loop(0, ncs, fixrow, 0)
        zfill_all(False)

        def gstart(j, b):
            pltpu.async_copy(p_hbm.at[srcb.at[j]], rows[b], gsem[b])

        def gwait(j, b):
            pltpu.make_async_copy(p_hbm.at[srcb.at[j]], rows[b],
                                  gsem[b]).wait()

        def sstart(j, b):
            pltpu.async_copy(rows[b], acc_sh.at[dstb.at[j]], ssem[b],
                             add=True)
            if with_counts:
                @pl.when(c == 0)
                def _():
                    pltpu.async_copy(ones, cnt_sh.at[dstb.at[j]], csem,
                                     add=True)

        def swait(j, b):
            pltpu.make_async_copy(rows[b], acc_sh.at[dstb.at[j]],
                                  ssem[b]).wait()

        for b in range(nbuf):
            gstart(b, b)

        plsc.subcore_barrier()

        def quad(t, _):
            j0 = nbuf * t
            for b in range(nbuf):
                gwait(j0 + b, b)
                sstart(j0 + b, b)
            for b in range(nbuf):
                jn = j0 + b + nbuf

                @pl.when(jn < ncs)
                def _(b=b, j=j0 + b, jn=jn):
                    swait(j, b)
                    gstart(jn, b)

            return 0

        lax.fori_loop(0, nquad, quad, 0)

        for j in range(nquad * nbuf, ncs):
            gwait(j, j % nbuf)
            sstart(j, j % nbuf)
        for j in range(ncs - nbuf, ncs):
            swait(j, j % nbuf)
        if with_counts:
            @pl.when(c == 0)
            def _():
                def cdrain(j, _):
                    pltpu.make_async_copy(ones, cnt_sh.at[dstb.at[0]],
                                          csem).wait()
                    return 0

                lax.fori_loop(0, ncs, cdrain, 0)

        plsc.subcore_barrier()

        def wb(src_sh, dst_hbm_full, lead):
            dst3 = dst_hbm_full.at[lead] if lead is not None else dst_hbm_full
            pltpu.sync_copy(src_sh.at[pl.ds(base, nr)],
                            dst3.at[pl.ds(base, nr)])
            if rem:
                @pl.when(s == _NSUB - 1)
                def _():
                    pltpu.sync_copy(src_sh.at[pl.ds(nr * _NSUB, rem)],
                                    dst3.at[pl.ds(nr * _NSUB, rem)])

        wb(acc_sh, out_hbm, c)
        if with_counts:
            @pl.when(c == 0)
            def _():
                wb(cnt_sh, cnt_hbm, None)

    k = pl.kernel(body, out_type=out_type, mesh=mesh, scratch_types=scratch,
                  compiler_params=pltpu.CompilerParams(
                      use_tc_tiling_on_sc=False))
    if with_counts:
        return k
    return lambda *a: k(*a)[0]



_DN = (((1,), (1,)), ((), ()))


def _split_store(pp, p_ref):
    n, f2 = pp.shape
    fh = f2 // 2
    p_ref[:n, :] = pp[:, :fh]
    p_ref[n:, :] = pp[:, fh:]


def _layer_z(a_ref, c_ref, hp, wl_ref, wr_ref, b_ref):
    n = hp.shape[0]
    cnt = jnp.maximum(c_ref[:n, :1], 1.0)
    a = a_ref[...]
    mean = jnp.concatenate([a[0, :n], a[1, :n]], axis=1) / cnt
    z = lax.dot_general(mean, wl_ref[...], _DN,
                        preferred_element_type=jnp.float32) + b_ref[...]
    return z + lax.dot_general(hp, wr_ref[...], _DN,
                               preferred_element_type=jnp.float32)


def _bn_relu(z, g_ref, be_ref):
    mu = jnp.mean(z, axis=0, keepdims=True)
    zc = z - mu
    var = jnp.mean(zc * zc, axis=0, keepdims=True)
    return jnp.maximum(zc * lax.rsqrt(var + _EPS) * g_ref[...] + be_ref[...],
                       0.0)


def _s1_body(a_ref, c_ref, x_ref, wl_ref, wr_ref, b_ref, g_ref, be_ref,
             h_ref):
    z = _layer_z(a_ref, c_ref, x_ref[...], wl_ref, wr_ref, b_ref)
    _split_store(_bn_relu(z, g_ref, be_ref), h_ref)


def _s2_body(a_ref, c_ref, h1_ref, wl_ref, wr_ref, b_ref, g_ref, be_ref,
             w3l_ref, w3r_ref, b3_ref, p_ref, rn_ref):
    h1s = h1_ref[...]
    n = h1s.shape[0] // 2
    h1 = jnp.concatenate([h1s[:n], h1s[n:]], axis=1)
    z = _layer_z(a_ref, c_ref, h1, wl_ref, wr_ref, b_ref)
    h2 = _bn_relu(z, g_ref, be_ref)
    fpad = 2 * p_ref.shape[1] - w3l_ref.shape[0]
    pp = lax.dot_general(h2, w3l_ref[...], _DN,
                         preferred_element_type=jnp.float32)
    pp = jnp.concatenate([pp, jnp.zeros((n, fpad), jnp.float32)], axis=1)
    _split_store(pp, p_ref)
    rn_ref[...] = lax.dot_general(h2, w3r_ref[...], _DN,
                                  preferred_element_type=jnp.float32) + b3_ref[...]


def _sfin_body(a_ref, c_ref, r_ref, o_ref):
    n, d_out = r_ref.shape
    cnt = jnp.maximum(c_ref[:n, :1], 1.0)
    a = a_ref[...]
    agg = jnp.concatenate([a[0, :n], a[1, :n]], axis=1)
    o_ref[...] = agg[:, :d_out] / cnt + r_ref[...]


def _sds(shape):
    return jax.ShapeDtypeStruct(shape, jnp.float32)




def kernel(x, edge_index, W1l, b1, W1r, g1, be1, W2l, b2, W2r, g2, be2,
           W3l, b3, W3r):
    n, d_in = x.shape
    e = edge_index.shape[1]
    d_hid = W1l.shape[0]
    d_out = W3l.shape[0]
    f3 = 64
    fh = d_hid // 2
    fh3 = f3 // 2

    edges = edge_index.reshape(2, e // _K, _K)
    ones_c = jnp.ones((_K, 16), jnp.float32)
    zer_c = jnp.zeros((_K, 16), jnp.float32)

    agg1 = _make_agg(n, e, fh, True)
    agg2 = _make_agg(n, e, fh, False)
    agg3 = _make_agg(n, e, fh3, False)

    x2 = jnp.concatenate([x[:, :fh], x[:, fh:]], axis=0)

    a1, cnt = agg1(x2, edges, ones_c, zer_c)

    h1 = pl.pallas_call(_s1_body, out_shape=_sds((2 * n, fh)))(
        a1, cnt, x, W1l, W1r, b1[None, :], g1[None, :], be1[None, :])

    a2 = agg2(h1, edges)

    p3, r3 = pl.pallas_call(
        _s2_body,
        out_shape=[_sds((2 * n, fh3)), _sds((n, d_out))])(
            a2, cnt, h1, W2l, W2r, b2[None, :], g2[None, :], be2[None, :],
            W3l, W3r, b3[None, :])

    a3 = agg3(p3, edges)

    return pl.pallas_call(_sfin_body, out_shape=_sds((n, d_out)))(a3, cnt, r3)

# --- scband reference (transcript-rebuilt; emitter-appended) ---
"""Pipeline reference for scband-graph-sage-nc-15126874816626 (READ-ONLY COPY).

The authoritative reference and input builder live on the scoring server;
editing this copy changes nothing except your own understanding.
"""

import jax, jax.numpy as jnp
import numpy as np

N = 10000
E = 320000
D_IN = 128
D_HID = 128
D_OUT = 40
EPS = 1e-5


def setup_inputs(seed: int = 0) -> dict:
    key = jax.random.key(seed)
    ks = jax.random.split(key, 18)
    scale = 0.05
    x = jax.random.normal(ks[0], (N, D_IN), dtype=jnp.float32)
    edge_index = jax.random.randint(ks[1], (2, E), 0, N, dtype=jnp.int32)
    inp = {
        "x": x,
        "edge_index": edge_index,
        "W1l": jax.random.normal(ks[2], (D_HID, D_IN), dtype=jnp.float32) * scale,
        "b1": jnp.zeros((D_HID,), dtype=jnp.float32),
        "W1r": jax.random.normal(ks[3], (D_HID, D_IN), dtype=jnp.float32) * scale,
        "g1": jnp.ones((D_HID,), dtype=jnp.float32),
        "be1": jnp.zeros((D_HID,), dtype=jnp.float32),
        "W2l": jax.random.normal(ks[4], (D_HID, D_HID), dtype=jnp.float32) * scale,
        "b2": jnp.zeros((D_HID,), dtype=jnp.float32),
        "W2r": jax.random.normal(ks[5], (D_HID, D_HID), dtype=jnp.float32) * scale,
        "g2": jnp.ones((D_HID,), dtype=jnp.float32),
        "be2": jnp.zeros((D_HID,), dtype=jnp.float32),
        "W3l": jax.random.normal(ks[6], (D_OUT, D_HID), dtype=jnp.float32) * scale,
        "b3": jnp.zeros((D_OUT,), dtype=jnp.float32),
        "W3r": jax.random.normal(ks[7], (D_OUT, D_HID), dtype=jnp.float32) * scale,
    }
    return inp


def sage_conv(x, src, dst, Wl, bl, Wr):
    # PyG SAGEConv(aggr='mean'): out = lin_l(mean_{j in N(i)} x_j) + lin_r(x_i)
    msgs = jnp.take(x, src, axis=0)
    s = jax.ops.segment_sum(msgs, dst, num_segments=N)
    cnt = jax.ops.segment_sum(jnp.ones((src.shape[0],), dtype=jnp.float32), dst, num_segments=N)
    mean = s / jnp.maximum(cnt, 1.0)[:, None]
    return mean @ Wl.T + bl + x @ Wr.T


def batch_norm(h, gamma, beta):
    mu = jnp.mean(h, axis=0)
    var = jnp.var(h, axis=0)
    return (h - mu) / jnp.sqrt(var + EPS) * gamma + beta


def reference(x, edge_index, W1l, b1, W1r, g1, be1, W2l, b2, W2r, g2, be2, W3l, b3, W3r):
    src = edge_index[0]
    dst = edge_index[1]
    h = sage_conv(x, src, dst, W1l, b1, W1r)
    h = jax.nn.relu(batch_norm(h, g1, be1))
    h = sage_conv(h, src, dst, W2l, b2, W2r)
    h = jax.nn.relu(batch_norm(h, g2, be2))
    h = sage_conv(h, src, dst, W3l, b3, W3r)
    return h

if __name__ == "__main__":
    import jax
    _d = setup_inputs()
    print(jax.jit(kernel)(*tuple(_d.values())))

</pallas_src>

<mosaic_0001>
#map = affine_map<(d0, d1) -> (0, 0)>
#map1 = affine_map<(d0, d1) -> (0, 0, 0)>
module attributes {stable_mosaic.version = 14 : i64} {
  func.func @body(%arg0: i32, %arg1: i32, %arg2: memref<20000x64xf32, #tpu.memory_space<hbm>>, %arg3: memref<2x4000x80xi32, #tpu.memory_space<hbm>>, %arg4: memref<2x10008x64xf32, #tpu.memory_space<hbm>>, %arg5: memref<250x80xi32, #tpu.memory_space<vmem>>, %arg6: memref<250x80xi32, #tpu.memory_space<vmem>>, %arg7: memref<10008x64xf32, #tpu.memory_space<vmem_shared>>, %arg8: memref<80x64xf32, #tpu.memory_space<vmem>>, %arg9: memref<80x64xf32, #tpu.memory_space<vmem>>, %arg10: memref<80x64xf32, #tpu.memory_space<vmem>>, %arg11: memref<80x64xf32, #tpu.memory_space<vmem>>, %arg12: memref<!tpu.dma_semaphore, #tpu.memory_space<semaphore_mem>>, %arg13: memref<!tpu.dma_semaphore, #tpu.memory_space<semaphore_mem>>, %arg14: memref<!tpu.dma_semaphore, #tpu.memory_space<semaphore_mem>>, %arg15: memref<!tpu.dma_semaphore, #tpu.memory_space<semaphore_mem>>, %arg16: memref<!tpu.dma_semaphore, #tpu.memory_space<semaphore_mem>>, %arg17: memref<!tpu.dma_semaphore, #tpu.memory_space<semaphore_mem>>, %arg18: memref<!tpu.dma_semaphore, #tpu.memory_space<semaphore_mem>>, %arg19: memref<!tpu.dma_semaphore, #tpu.memory_space<semaphore_mem>>, %arg20: memref<!tpu.dma_semaphore, #tpu.memory_space<semaphore_mem>>) attributes {dimension_semantics = [#tpu.dimension_semantics<core_parallel>, #tpu.dimension_semantics<subcore_parallel>], iteration_bounds = array<i64: 2, 16>, scalar_prefetch = 0 : i64, scratch_operands = 16 : i64, tpu.core_type = #tpu.core_type<sc_vector_subcore>, window_params = [{transform_indices = #map}, {transform_indices = #map1}, {transform_indices = #map1}]} {
    %broadcast_in_dim3A = arith.constant 0.000000e+00 : f32
    %broadcast_in_dim3A_0 = vector.broadcast %broadcast_in_dim3A : f32 to vector<16xf32>
    %scan3A = arith.constant 0 : i32
    %scan3A_1 = arith.constant 0 : i32
    %scan3A_2 = arith.constant 80 : i32
    %scan3A_3 = arith.addi %scan3A_1, %scan3A_2 : i32
    %scan3A_4 = arith.constant 1 : i32
    %scan3A_5 = scf.for %scan3A_315 = %scan3A_1 to %scan3A_3 step %scan3A_4 iter_args(%scan3A_316 = %scan3A) -> (i32)  : i32 {
      %swap3A = arith.index_cast %scan3A_315 : i32 to index
      %swap3A_317 = arith.constant 0 : index
      %swap3A_318 = tpu.vector_load %arg8[%swap3A, %swap3A_317] {strides = array<i32>} : memref<80x64xf32, #tpu.memory_space<vmem>>, vector<1x16xf32>,
      %swap3A_319 = vector.shape_cast %swap3A_318 : vector<1x16xf32> to vector<16xf32>
      %swap3A_320 = vector.shape_cast %broadcast_in_dim3A_0 : vector<16xf32> to vector<1x16xf32>
      tpu.vector_store %arg8[%swap3A, %swap3A_317], %swap3A_320 {strides = array<i32>} : memref<80x64xf32, #tpu.memory_space<vmem>>, vector<1x16xf32>,
      %swap3A_321 = arith.index_cast %scan3A_315 : i32 to index
      %swap3A_322 = arith.constant 16 : index
      %swap3A_323 = tpu.vector_load %arg8[%swap3A_321, %swap3A_322] {strides = array<i32>} : memref<80x64xf32, #tpu.memory_space<vmem>>, vector<1x16xf32>,
      %swap3A_324 = vector.shape_cast %swap3A_323 : vector<1x16xf32> to vector<16xf32>
      %swap3A_325 = vector.shape_cast %broadcast_in_dim3A_0 : vector<16xf32> to vector<1x16xf32>
      tpu.vector_store %arg8[%swap3A_321, %swap3A_322], %swap3A_325 {strides = array<i32>} : memref<80x64xf32, #tpu.memory_space<vmem>>, vector<1x16xf32>,
      %swap3A_326 = arith.index_cast %scan3A_315 : i32 to index
      %swap3A_327 = arith.constant 32 : index
      %swap3A_328 = tpu.vector_load %arg8[%swap3A_326, %swap3A_327] {strides = array<i32>} : memref<80x64xf32, #tpu.memory_space<vmem>>, vector<1x16xf32>,
      %swap3A_329 = vector.shape_cast %swap3A_328 : vector<1x16xf32> to vector<16xf32>
      %swap3A_330 = vector.shape_cast %broadcast_in_dim3A_0 : vector<16xf32> to vector<1x16xf32>
      tpu.vector_store %arg8[%swap3A_326, %swap3A_327], %swap3A_330 {strides = array<i32>} : memref<80x64xf32, #tpu.memory_space<vmem>>, vector<1x16xf32>,
      %swap3A_331 = arith.index_cast %scan3A_315 : i32 to index
      %swap3A_332 = arith.constant 48 : index
      %swap3A_333 = tpu.vector_load %arg8[%swap3A_331, %swap3A_332] {strides = array<i32>} : memref<80x64xf32, #tpu.memory_space<vmem>>, vector<1x16xf32>,
      %swap3A_334 = vector.shape_cast %swap3A_333 : vector<1x16xf32> to vector<16xf32>
      %swap3A_335 = vector.shape_cast %broadcast_in_dim3A_0 : vector<16xf32> to vector<1x16xf32>
      tpu.vector_store %arg8[%swap3A_331, %swap3A_332], %swap3A_335 {strides = array<i32>} : memref<80x64xf32, #tpu.memory_space<vmem>>, vector<1x16xf32>,
      %scan3A_336 = arith.constant 0 : i32
      scf.yield %scan3A_336 : i32
    }
    %scan3A_6 = arith.constant 80 : i32
    %mul3A = arith.constant 624 : i32
    %mul3A_7 = arith.muli %arg1, %mul3A : i32
    %add3A = arith.constant 0 : i32
    %add3A_8 = arith.addi %mul3A_7, %add3A : i32
    %dma_start3A = arith.constant 0 : i32
    %dma_start3A_9 = arith.constant 0 : i32
    %dma_start3A_10 = tpu.memref_slice %arg8[%dma_start3A, %dma_start3A_9] : memref<80x64xf32, #tpu.memory_space<vmem>> -> memref<80x64xf32, #tpu.memory_space<vmem>>
    %dma_start3A_11 = arith.constant 0 : i32
    %dma_start3A_12 = tpu.memref_slice %arg7[%add3A_8, %dma_start3A_11] : memref<10008x64xf32, #tpu.memory_space<vmem_shared>> -> memref<80x64xf32, #tpu.memory_space<vmem_shared>>
    %dma_start3A_13 = arith.constant 0 : i32
    %dma_start3A_14 = tpu.memref_slice %arg7[%add3A_8, %dma_start3A_13] : memref<10008x64xf32, #tpu.memory_space<vmem_shared>> -> memref<80x64xf32, #tpu.memory_space<vmem_shared>>
    %dma_start3A_15 = arith.constant 0 : i32
    %dma_start3A_16 = arith.constant 0 : i32
    %dma_start3A_17 = tpu.memref_slice %arg8[%dma_start3A_15, %dma_start3A_16] : memref<80x64xf32, #tpu.memory_space<vmem>> -> memref<80x64xf32, #tpu.memory_space<vmem>>
    tpu.enqueue_dma source(%dma_start3A_17 : memref<80x64xf32, #tpu.memory_space<vmem>>) target(%dma_start3A_14 : memref<80x64xf32, #tpu.memory_space<vmem_shared>>) target_semaphore(%arg20 : memref<!tpu.dma_semaphore, #tpu.memory_space<semaphore_mem>>)
    %add3A_18 = arith.constant 80 : i32
    %add3A_19 = arith.addi %mul3A_7, %add3A_18 : i32
    %dma_start3A_20 = arith.constant 0 : i32
    %dma_start3A_21 = arith.constant 0 : i32
    %dma_start3A_22 = tpu.memref_slice %arg8[%dma_start3A_20, %dma_start3A_21] : memref<80x64xf32, #tpu.memory_space<vmem>> -> memref<80x64xf32, #tpu.memory_space<vmem>>
    %dma_start3A_23 = arith.constant 0 : i32
    %dma_start3A_24 = tpu.memref_slice %arg7[%add3A_19, %dma_start3A_23] : memref<10008x64xf32, #tpu.memory_space<vmem_shared>> -> memref<80x64xf32, #tpu.memory_space<vmem_shared>>
    %dma_start3A_25 = arith.constant 0 : i32
    %dma_start3A_26 = tpu.memref_slice %arg7[%add3A_19, %dma_start3A_25] : memref<10008x64xf32, #tpu.memory_space<vmem_shared>> -> memref<80x64xf32, #tpu.memory_space<vmem_shared>>
    %dma_start3A_27 = arith.constant 0 : i32
    %dma_start3A_28 = arith.constant 0 : i32
    %dma_start3A_29 = tpu.memref_slice %arg8[%dma_start3A_27, %dma_start3A_28] : memref<80x64xf32, #tpu.memory_space<vmem>> -> memref<80x64xf32, #tpu.memory_space<vmem>>
    tpu.enqueue_dma source(%dma_start3A_29 : memref<80x64xf32, #tpu.memory_space<vmem>>) target(%dma_start3A_26 : memref<80x64xf32, #tpu.memory_space<vmem_shared>>) target_semaphore(%arg20 : memref<!tpu.dma_semaphore, #tpu.memory_space<semaphore_mem>>)
    %add3A_30 = arith.constant 160 : i32
    %add3A_31 = arith.addi %mul3A_7, %add3A_30 : i32
    %dma_start3A_32 = arith.constant 0 : i32
    %dma_start3A_33 = arith.constant 0 : i32
    %dma_start3A_34 = tpu.memref_slice %arg8[%dma_start3A_32, %dma_start3A_33] : memref<80x64xf32, #tpu.memory_space<vmem>> -> memref<80x64xf32, #tpu.memory_space<vmem>>
    %dma_start3A_35 = arith.constant 0 : i32
    %dma_start3A_36 = tpu.memref_slice %arg7[%add3A_31, %dma_start3A_35] : memref<10008x64xf32, #tpu.memory_space<vmem_shared>> -> memref<80x64xf32, #tpu.memory_space<vmem_shared>>
    %dma_start3A_37 = arith.constant 0 : i32
    %dma_start3A_38 = tpu.memref_slice %arg7[%add3A_31, %dma_start3A_37] : memref<10008x64xf32, #tpu.memory_space<vmem_shared>> -> memref<80x64xf32, #tpu.memory_space<vmem_shared>>
    %dma_start3A_39 = arith.constant 0 : i32
    %dma_start3A_40 = arith.constant 0 : i32
    %dma_start3A_41 = tpu.memref_slice %arg8[%dma_start3A_39, %dma_start3A_40] : memref<80x64xf32, #tpu.memory_space<vmem>> -> memref<80x64xf32, #tpu.memory_space<vmem>>
    tpu.enqueue_dma source(%dma_start3A_41 : memref<80x64xf32, #tpu.memory_space<vmem>>) target(%dma_start3A_38 : memref<80x64xf32, #tpu.memory_space<vmem_shared>>) target_semaphore(%arg20 : memref<!tpu.dma_semaphore, #tpu.memory_space<semaphore_mem>>)
    %add3A_42 = arith.constant 240 : i32
    %add3A_43 = arith.addi %mul3A_7, %add3A_42 : i32
    %dma_start3A_44 = arith.constant 0 : i32
    %dma_start3A_45 = arith.constant 0 : i32
    %dma_start3A_46 = tpu.memref_slice %arg8[%dma_start3A_44, %dma_start3A_45] : memref<80x64xf32, #tpu.memory_space<vmem>> -> memref<80x64xf32, #tpu.memory_space<vmem>>
    %dma_start3A_47 = arith.constant 0 : i32
    %dma_start3A_48 = tpu.memref_slice %arg7[%add3A_43, %dma_start3A_47] : memref<10008x64xf32, #tpu.memory_space<vmem_shared>> -> memref<80x64xf32, #tpu.memory_space<vmem_shared>>
    %dma_start3A_49 = arith.constant 0 : i32
    %dma_start3A_50 = tpu.memref_slice %arg7[%add3A_43, %dma_start3A_49] : memref<10008x64xf32, #tpu.memory_space<vmem_shared>> -> memref<80x64xf32, #tpu.memory_space<vmem_shared>>
    %dma_start3A_51 = arith.constant 0 : i32
    %dma_start3A_52 = arith.constant 0 : i32
    %dma_start3A_53 = tpu.memref_slice %arg8[%dma_start3A_51, %dma_start3A_52] : memref<80x64xf32, #tpu.memory_space<vmem>> -> memref<80x64xf32, #tpu.memory_space<vmem>>
    tpu.enqueue_dma source(%dma_start3A_53 : memref<80x64xf32, #tpu.memory_space<vmem>>) target(%dma_start3A_50 : memref<80x64xf32, #tpu.memory_space<vmem_shared>>) target_semaphore(%arg20 : memref<!tpu.dma_semaphore, #tpu.memory_space<semaphore_mem>>)
    %add3A_54 = arith.constant 320 : i32
    %add3A_55 = arith.addi %mul3A_7, %add3A_54 : i32
    %dma_start3A_56 = arith.constant 0 : i32
    %dma_start3A_57 = arith.constant 0 : i32
    %dma_start3A_58 = tpu.memref_slice %arg8[%dma_start3A_56, %dma_start3A_57] : memref<80x64xf32, #tpu.memory_space<vmem>> -> memref<80x64xf32, #tpu.memory_space<vmem>>
    %dma_start3A_59 = arith.constant 0 : i32
    %dma_start3A_60 = tpu.memref_slice %arg7[%add3A_55, %dma_start3A_59] : memref<10008x64xf32, #tpu.memory_space<vmem_shared>> -> memref<80x64xf32, #tpu.memory_space<vmem_shared>>
    %dma_start3A_61 = arith.constant 0 : i32
    %dma_start3A_62 = tpu.memref_slice %arg7[%add3A_55, %dma_start3A_61] : memref<10008x64xf32, #tpu.memory_space<vmem_shared>> -> memref<80x64xf32, #tpu.memory_space<vmem_shared>>
    %dma_start3A_63 = arith.constant 0 : i32
    %dma_start3A_64 = arith.constant 0 : i32
    %dma_start3A_65 = tpu.memref_slice %arg8[%dma_start3A_63, %dma_start3A_64] : memref<80x64xf32, #tpu.memory_space<vmem>> -> memref<80x64xf32, #tpu.memory_space<vmem>>
    tpu.enqueue_dma source(%dma_start3A_65 : memref<80x64xf32, #tpu.memory_space<vmem>>) target(%dma_start3A_62 : memref<80x64xf32, #tpu.memory_space<vmem_shared>>) target_semaphore(%arg20 : memref<!tpu.dma_semaphore, #tpu.memory_space<semaphore_mem>>)
    %add3A_66 = arith.constant 400 : i32
    %add3A_67 = arith.addi %mul3A_7, %add3A_66 : i32
    %dma_start3A_68 = arith.constant 0 : i32
    %dma_start3A_69 = arith.constant 0 : i32
    %dma_start3A_70 = tpu.memref_slice %arg8[%dma_start3A_68, %dma_start3A_69] : memref<80x64xf32, #tpu.memory_space<vmem>> -> memref<80x64xf32, #tpu.memory_space<vmem>>
    %dma_start3A_71 = arith.constant 0 : i32
    %dma_start3A_72 = tpu.memref_slice %arg7[%add3A_67, %dma_start3A_71] : memref<10008x64xf32, #tpu.memory_space<vmem_shared>> -> memref<80x64xf32, #tpu.memory_space<vmem_shared>>
    %dma_start3A_73 = arith.constant 0 : i32
    %dma_start3A_74 = tpu.memref_slice %arg7[%add3A_67, %dma_start3A_73] : memref<10008x64xf32, #tpu.memory_space<vmem_shared>> -> memref<80x64xf32, #tpu.memory_space<vmem_shared>>
    %dma_start3A_75 = arith.constant 0 : i32
    %dma_start3A_76 = arith.constant 0 : i32
    %dma_start3A_77 = tpu.memref_slice %arg8[%dma_start3A_75, %dma_start3A_76] : memref<80x64xf32, #tpu.memory_space<vmem>> -> memref<80x64xf32, #tpu.memory_space<vmem>>
    tpu.enqueue_dma source(%dma_start3A_77 : memref<80x64xf32, #tpu.memory_space<vmem>>) target(%dma_start3A_74 : memref<80x64xf32, #tpu.memory_space<vmem_shared>>) target_semaphore(%arg20 : memref<!tpu.dma_semaphore, #tpu.memory_space<semaphore_mem>>)
    %add3A_78 = arith.constant 480 : i32
    %add3A_79 = arith.addi %mul3A_7, %add3A_78 : i32
    %dma_start3A_80 = arith.constant 0 : i32
    %dma_start3A_81 = arith.constant 0 : i32
    %dma_start3A_82 = tpu.memref_slice %arg8[%dma_start3A_80, %dma_start3A_81] : memref<80x64xf32, #tpu.memory_space<vmem>> -> memref<80x64xf32, #tpu.memory_space<vmem>>
    %dma_start3A_83 = arith.constant 0 : i32
    %dma_start3A_84 = tpu.memref_slice %arg7[%add3A_79, %dma_start3A_83] : memref<10008x64xf32, #tpu.memory_space<vmem_shared>> -> memref<80x64xf32, #tpu.memory_space<vmem_shared>>
    %dma_start3A_85 = arith.constant 0 : i32
    %dma_start3A_86 = tpu.memref_slice %arg7[%add3A_79, %dma_start3A_85] : memref<10008x64xf32, #tpu.memory_space<vmem_shared>> -> memref<80x64xf32, #tpu.memory_space<vmem_shared>>
    %dma_start3A_87 = arith.constant 0 : i32
    %dma_start3A_88 = arith.constant 0 : i32
    %dma_start3A_89 = tpu.memref_slice %arg8[%dma_start3A_87, %dma_start3A_88] : memref<80x64xf32, #tpu.memory_space<vmem>> -> memref<80x64xf32, #tpu.memory_space<vmem>>
    tpu.enqueue_dma source(%dma_start3A_89 : memref<80x64xf32, #tpu.memory_space<vmem>>) target(%dma_start3A_86 : memref<80x64xf32, #tpu.memory_space<vmem_shared>>) target_semaphore(%arg20 : memref<!tpu.dma_semaphore, #tpu.memory_space<semaphore_mem>>)
    %add3A_90 = arith.constant 560 : i32
    %add3A_91 = arith.addi %mul3A_7, %add3A_90 : i32
    %dma_start3A_92 = arith.constant 0 : i32
    %dma_start3A_93 = arith.constant 0 : i32
    %dma_start3A_94 = tpu.memref_slice %arg8[%dma_start3A_92, %dma_start3A_93] : memref<80x64xf32, #tpu.memory_space<vmem>> -> memref<64x64xf32, #tpu.memory_space<vmem>>
    %dma_start3A_95 = arith.constant 0 : i32
    %dma_start3A_96 = tpu.memref_slice %arg7[%add3A_91, %dma_start3A_95] : memref<10008x64xf32, #tpu.memory_space<vmem_shared>> -> memref<64x64xf32, #tpu.memory_space<vmem_shared>>
    %dma_start3A_97 = arith.constant 0 : i32
    %dma_start3A_98 = tpu.memref_slice %arg7[%add3A_91, %dma_start3A_97] : memref<10008x64xf32, #tpu.memory_space<vmem_shared>> -> memref<64x64xf32, #tpu.memory_space<vmem_shared>>
    %dma_start3A_99 = arith.constant 0 : i32
    %dma_start3A_100 = arith.constant 0 : i32
    %dma_start3A_101 = tpu.memref_slice %arg8[%dma_start3A_99, %dma_start3A_100] : memref<80x64xf32, #tpu.memory_space<vmem>> -> memref<64x64xf32, #tpu.memory_space<vmem>>
    tpu.enqueue_dma source(%dma_start3A_101 : memref<64x64xf32, #tpu.memory_space<vmem>>) target(%dma_start3A_98 : memref<64x64xf32, #tpu.memory_space<vmem_shared>>) target_semaphore(%arg20 : memref<!tpu.dma_semaphore, #tpu.memory_space<semaphore_mem>>)
    %eq3A = arith.constant 15 : i32
    %eq3A_102 = arith.cmpi eq, %arg1, %eq3A : i32
    %convert_element_type3A = arith.extui %eq3A_102 : i1 to i32
    %cond3A = arith.constant 0 : i32
    %cond3A_103 = arith.cmpi ne, %convert_element_type3A, %cond3A : i32
    scf.if %cond3A_103 {
      %dma_start3A_315 = arith.constant 0 : i32
      %dma_start3A_316 = arith.constant 0 : i32
      %dma_start3A_317 = tpu.memref_slice %arg8[%dma_start3A_315, %dma_start3A_316] : memref<80x64xf32, #tpu.memory_space<vmem>> -> memref<24x64xf32, #tpu.memory_space<vmem>>
      %dma_start3A_318 = arith.constant 9984 : i32
      %dma_start3A_319 = arith.constant 0 : i32
      %dma_start3A_320 = tpu.memref_slice %arg7[%dma_start3A_318, %dma_start3A_319] : memref<10008x64xf32, #tpu.memory_space<vmem_shared>> -> memref<24x64xf32, #tpu.memory_space<vmem_shared>>
      %dma_start3A_321 = arith.constant 9984 : i32
      %dma_start3A_322 = arith.constant 0 : i32
      %dma_start3A_323 = tpu.memref_slice %arg7[%dma_start3A_321, %dma_start3A_322] : memref<10008x64xf32, #tpu.memory_space<vmem_shared>> -> memref<24x64xf32, #tpu.memory_space<vmem_shared>>
      %dma_start3A_324 = arith.constant 0 : i32
      %dma_start3A_325 = arith.constant 0 : i32
      %dma_start3A_326 = tpu.memref_slice %arg8[%dma_start3A_324, %dma_start3A_325] : memref<80x64xf32, #tpu.memory_space<vmem>> -> memref<24x64xf32, #tpu.memory_space<vmem>>
      tpu.enqueue_dma source(%dma_start3A_326 : memref<24x64xf32, #tpu.memory_space<vmem>>) target(%dma_start3A_323 : memref<24x64xf32, #tpu.memory_space<vmem_shared>>) target_semaphore(%arg20 : memref<!tpu.dma_semaphore, #tpu.memory_space<semaphore_mem>>)
    } else {
    }
    %mul3A_104 = arith.constant 10000 : i32
    %mul3A_105 = arith.muli %arg0, %mul3A_104 : i32
    %mul3A_106 = arith.constant 250 : i32
    %mul3A_107 = arith.muli %arg1, %mul3A_106 : i32
    %run_scoped3A = arith.constant 0 : i32
    "tpu.region"() ({
      %run_scoped3A_315 = tpu.sem_alloc : memref<!tpu.dma_semaphore, #tpu.memory_space<semaphore_mem>>
      %dma_start3A_316 = arith.constant 0 : i32
      %dma_start3A_317 = tpu.memref_slice %arg3[%run_scoped3A, %mul3A_107, %dma_start3A_316] : memref<2x4000x80xi32, #tpu.memory_space<hbm>> -> memref<1x250x80xi32, #tpu.memory_space<hbm>>
      %dma_start3A_318 = tpu.memref_squeeze %dma_start3A_317 : memref<1x250x80xi32, #tpu.memory_space<hbm>> -> memref<250x80xi32, #tpu.memory_space<hbm>>
      %dma_start3A_319 = arith.constant 0 : i32
      %dma_start3A_320 = tpu.memref_slice %arg3[%run_scoped3A, %mul3A_107, %dma_start3A_319] : memref<2x4000x80xi32, #tpu.memory_space<hbm>> -> memref<1x250x80xi32, #tpu.memory_space<hbm>>
      %dma_start3A_321 = tpu.memref_squeeze %dma_start3A_320 : memref<1x250x80xi32, #tpu.memory_space<hbm>> -> memref<250x80xi32, #tpu.memory_space<hbm>>
      tpu.enqueue_dma source(%dma_start3A_321 : memref<250x80xi32, #tpu.memory_space<hbm>>) target(%arg5 : memref<250x80xi32, #tpu.memory_space<vmem>>) target_semaphore(%run_scoped3A_315 : memref<!tpu.dma_semaphore, #tpu.memory_space<semaphore_mem>>)
      %dma_wait3A_322 = arith.constant 0 : i32
      %dma_wait3A_323 = tpu.memref_slice %arg3[%run_scoped3A, %mul3A_107, %dma_wait3A_322] : memref<2x4000x80xi32, #tpu.memory_space<hbm>> -> memref<1x250x80xi32, #tpu.memory_space<hbm>>
      %dma_wait3A_324 = tpu.memref_squeeze %dma_wait3A_323 : memref<1x250x80xi32, #tpu.memory_space<hbm>> -> memref<250x80xi32, #tpu.memory_space<hbm>>
      %dma_wait3A_325 = arith.constant 0 : i32
      %dma_wait3A_326 = tpu.memref_slice %arg3[%run_scoped3A, %mul3A_107, %dma_wait3A_325] : memref<2x4000x80xi32, #tpu.memory_space<hbm>> -> memref<1x250x80xi32, #tpu.memory_space<hbm>>
      %dma_wait3A_327 = tpu.memref_squeeze %dma_wait3A_326 : memref<1x250x80xi32, #tpu.memory_space<hbm>> -> memref<250x80xi32, #tpu.memory_space<hbm>>
      tpu.wait_dma2 semaphore(%run_scoped3A_315 : memref<!tpu.dma_semaphore, #tpu.memory_space<semaphore_mem>>) src(%dma_wait3A_327 : memref<250x80xi32, #tpu.memory_space<hbm>>) dst(%arg5 : memref<250x80xi32, #tpu.memory_space<vmem>>)
      tpu.yield
    }) : () -> ()
    %mul3A_108 = arith.constant 250 : i32
    %mul3A_109 = arith.muli %arg1, %mul3A_108 : i32
    %run_scoped3A_110 = arith.constant 1 : i32
    "tpu.region"() ({
      %run_scoped3A_315 = tpu.sem_alloc : memref<!tpu.dma_semaphore, #tpu.memory_space<semaphore_mem>>
      %dma_start3A_316 = arith.constant 0 : i32
      %dma_start3A_317 = tpu.memref_slice %arg3[%run_scoped3A_110, %mul3A_109, %dma_start3A_316] : memref<2x4000x80xi32, #tpu.memory_space<hbm>> -> memref<1x250x80xi32, #tpu.memory_space<hbm>>
      %dma_start3A_318 = tpu.memref_squeeze %dma_start3A_317 : memref<1x250x80xi32, #tpu.memory_space<hbm>> -> memref<250x80xi32, #tpu.memory_space<hbm>>
      %dma_start3A_319 = arith.constant 0 : i32
      %dma_start3A_320 = tpu.memref_slice %arg3[%run_scoped3A_110, %mul3A_109, %dma_start3A_319] : memref<2x4000x80xi32, #tpu.memory_space<hbm>> -> memref<1x250x80xi32, #tpu.memory_space<hbm>>
      %dma_start3A_321 = tpu.memref_squeeze %dma_start3A_320 : memref<1x250x80xi32, #tpu.memory_space<hbm>> -> memref<250x80xi32, #tpu.memory_space<hbm>>
      tpu.enqueue_dma source(%dma_start3A_321 : memref<250x80xi32, #tpu.memory_space<hbm>>) target(%arg6 : memref<250x80xi32, #tpu.memory_space<vmem>>) target_semaphore(%run_scoped3A_315 : memref<!tpu.dma_semaphore, #tpu.memory_space<semaphore_mem>>)
      %dma_wait3A_322 = arith.constant 0 : i32
      %dma_wait3A_323 = tpu.memref_slice %arg3[%run_scoped3A_110, %mul3A_109, %dma_wait3A_322] : memref<2x4000x80xi32, #tpu.memory_space<hbm>> -> memref<1x250x80xi32, #tpu.memory_space<hbm>>
      %dma_wait3A_324 = tpu.memref_squeeze %dma_wait3A_323 : memref<1x250x80xi32, #tpu.memory_space<hbm>> -> memref<250x80xi32, #tpu.memory_space<hbm>>
      %dma_wait3A_325 = arith.constant 0 : i32
      %dma_wait3A_326 = tpu.memref_slice %arg3[%run_scoped3A_110, %mul3A_109, %dma_wait3A_325] : memref<2x4000x80xi32, #tpu.memory_space<hbm>> -> memref<1x250x80xi32, #tpu.memory_space<hbm>>
      %dma_wait3A_327 = tpu.memref_squeeze %dma_wait3A_326 : memref<1x250x80xi32, #tpu.memory_space<hbm>> -> memref<250x80xi32, #tpu.memory_space<hbm>>
      tpu.wait_dma2 semaphore(%run_scoped3A_315 : memref<!tpu.dma_semaphore, #tpu.memory_space<semaphore_mem>>) src(%dma_wait3A_327 : memref<250x80xi32, #tpu.memory_space<hbm>>) dst(%arg6 : memref<250x80xi32, #tpu.memory_space<vmem>>)
      tpu.yield
    }) : () -> ()
    %scan3A_111 = arith.constant 0 : i32
    %scan3A_112 = arith.constant 0 : i32
    %scan3A_113 = arith.constant 250 : i32
    %scan3A_114 = arith.addi %scan3A_112, %scan3A_113 : i32
    %scan3A_115 = arith.constant 1 : i32
    %scan3A_116 = scf.for %scan3A_315 = %scan3A_112 to %scan3A_114 step %scan3A_115 iter_args(%scan3A_316 = %scan3A_111) -> (i32)  : i32 {
      %get3A = arith.index_cast %scan3A_315 : i32 to index
      %get3A_317 = arith.constant 0 : index
      %get3A_318 = tpu.vector_load %arg5[%get3A, %get3A_317] {strides = array<i32>} : memref<250x80xi32, #tpu.memory_space<vmem>>, vector<1x16xi32>,
      %get3A_319 = vector.shape_cast %get3A_318 : vector<1x16xi32> to vector<16xi32>
      %add3A_320 = vector.broadcast %mul3A_105 : i32 to vector<16xi32>
      %add3A_321 = arith.addi %get3A_319, %add3A_320 : vector<16xi32>
      %swap3A = arith.index_cast %scan3A_315 : i32 to index
      %swap3A_322 = arith.constant 0 : index
      %swap3A_323 = tpu.vector_load %arg5[%swap3A, %swap3A_322] {strides = array<i32>} : memref<250x80xi32, #tpu.memory_space<vmem>>, vector<1x16xi32>,
      %swap3A_324 = vector.shape_cast %swap3A_323 : vector<1x16xi32> to vector<16xi32>
      %swap3A_325 = vector.shape_cast %add3A_321 : vector<16xi32> to vector<1x16xi32>
      tpu.vector_store %arg5[%swap3A, %swap3A_322], %swap3A_325 {strides = array<i32>} : memref<250x80xi32, #tpu.memory_space<vmem>>, vector<1x16xi32>,
      %get3A_326 = arith.index_cast %scan3A_315 : i32 to index
      %get3A_327 = arith.constant 16 : index
      %get3A_328 = tpu.vector_load %arg5[%get3A_326, %get3A_327] {strides = array<i32>} : memref<250x80xi32, #tpu.memory_space<vmem>>, vector<1x16xi32>,
      %get3A_329 = vector.shape_cast %get3A_328 : vector<1x16xi32> to vector<16xi32>
      %add3A_330 = vector.broadcast %mul3A_105 : i32 to vector<16xi32>
      %add3A_331 = arith.addi %get3A_329, %add3A_330 : vector<16xi32>
      %swap3A_332 = arith.index_cast %scan3A_315 : i32 to index
      %swap3A_333 = arith.constant 16 : index
      %swap3A_334 = tpu.vector_load %arg5[%swap3A_332, %swap3A_333] {strides = array<i32>} : memref<250x80xi32, #tpu.memory_space<vmem>>, vector<1x16xi32>,
      %swap3A_335 = vector.shape_cast %swap3A_334 : vector<1x16xi32> to vector<16xi32>
      %swap3A_336 = vector.shape_cast %add3A_331 : vector<16xi32> to vector<1x16xi32>
      tpu.vector_store %arg5[%swap3A_332, %swap3A_333], %swap3A_336 {strides = array<i32>} : memref<250x80xi32, #tpu.memory_space<vmem>>, vector<1x16xi32>,
      %get3A_337 = arith.index_cast %scan3A_315 : i32 to index
      %get3A_338 = arith.constant 32 : index
      %get3A_339 = tpu.vector_load %arg5[%get3A_337, %get3A_338] {strides = array<i32>} : memref<250x80xi32, #tpu.memory_space<vmem>>, vector<1x16xi32>,
      %get3A_340 = vector.shape_cast %get3A_339 : vector<1x16xi32> to vector<16xi32>
      %add3A_341 = vector.broadcast %mul3A_105 : i32 to vector<16xi32>
      %add3A_342 = arith.addi %get3A_340, %add3A_341 : vector<16xi32>
      %swap3A_343 = arith.index_cast %scan3A_315 : i32 to index
      %swap3A_344 = arith.constant 32 : index
      %swap3A_345 = tpu.vector_load %arg5[%swap3A_343, %swap3A_344] {strides = array<i32>} : memref<250x80xi32, #tpu.memory_space<vmem>>, vector<1x16xi32>,
      %swap3A_346 = vector.shape_cast %swap3A_345 : vector<1x16xi32> to vector<16xi32>
      %swap3A_347 = vector.shape_cast %add3A_342 : vector<16xi32> to vector<1x16xi32>
      tpu.vector_store %arg5[%swap3A_343, %swap3A_344], %swap3A_347 {strides = array<i32>} : memref<250x80xi32, #tpu.memory_space<vmem>>, vector<1x16xi32>,
      %get3A_348 = arith.index_cast %scan3A_315 : i32 to index
      %get3A_349 = arith.constant 48 : index
      %get3A_350 = tpu.vector_load %arg5[%get3A_348, %get3A_349] {strides = array<i32>} : memref<250x80xi32, #tpu.memory_space<vmem>>, vector<1x16xi32>,
      %get3A_351 = vector.shape_cast %get3A_350 : vector<1x16xi32> to vector<16xi32>
      %add3A_352 = vector.broadcast %mul3A_105 : i32 to vector<16xi32>
      %add3A_353 = arith.addi %get3A_351, %add3A_352 : vector<16xi32>
      %swap3A_354 = arith.index_cast %scan3A_315 : i32 to index
      %swap3A_355 = arith.constant 48 : index
      %swap3A_356 = tpu.vector_load %arg5[%swap3A_354, %swap3A_355] {strides = array<i32>} : memref<250x80xi32, #tpu.memory_space<vmem>>, vector<1x16xi32>,
      %swap3A_357 = vector.shape_cast %swap3A_356 : vector<1x16xi32> to vector<16xi32>
      %swap3A_358 = vector.shape_cast %add3A_353 : vector<16xi32> to vector<1x16xi32>
      tpu.vector_store %arg5[%swap3A_354, %swap3A_355], %swap3A_358 {strides = array<i32>} : memref<250x80xi32, #tpu.memory_space<vmem>>, vector<1x16xi32>,
      %get3A_359 = arith.index_cast %scan3A_315 : i32 to index
      %get3A_360 = arith.constant 64 : index
      %get3A_361 = tpu.vector_load %arg5[%get3A_359, %get3A_360] {strides = array<i32>} : memref<250x80xi32, #tpu.memory_space<vmem>>, vector<1x16xi32>,
      %get3A_362 = vector.shape_cast %get3A_361 : vector<1x16xi32> to vector<16xi32>
      %add3A_363 = vector.broadcast %mul3A_105 : i32 to vector<16xi32>
      %add3A_364 = arith.addi %get3A_362, %add3A_363 : vector<16xi32>
      %swap3A_365 = arith.index_cast %scan3A_315 : i32 to index
      %swap3A_366 = arith.constant 64 : index
      %swap3A_367 = tpu.vector_load %arg5[%swap3A_365, %swap3A_366] {strides = array<i32>} : memref<250x80xi32, #tpu.memory_space<vmem>>, vector<1x16xi32>,
      %swap3A_368 = vector.shape_cast %swap3A_367 : vector<1x16xi32> to vector<16xi32>
      %swap3A_369 = vector.shape_cast %add3A_364 : vector<16xi32> to vector<1x16xi32>
      tpu.vector_store %arg5[%swap3A_365, %swap3A_366], %swap3A_369 {strides = array<i32>} : memref<250x80xi32, #tpu.memory_space<vmem>>, vector<1x16xi32>,
      %scan3A_370 = arith.constant 0 : i32
      scf.yield %scan3A_370 : i32
    }
    %scan3A_117 = arith.constant 250 : i32
    %add3A_118 = arith.constant 0 : i32
    %add3A_119 = arith.addi %mul3A_7, %add3A_118 : i32
    %dma_wait3A = arith.constant 0 : i32
    %dma_wait3A_120 = arith.constant 0 : i32
    %dma_wait3A_121 = tpu.memref_slice %arg8[%dma_wait3A, %dma_wait3A_120] : memref<80x64xf32, #tpu.memory_space<vmem>> -> memref<80x64xf32, #tpu.memory_space<vmem>>
    %dma_wait3A_122 = arith.constant 0 : i32
    %dma_wait3A_123 = tpu.memref_slice %arg7[%add3A_119, %dma_wait3A_122] : memref<10008x64xf32, #tpu.memory_space<vmem_shared>> -> memref<80x64xf32, #tpu.memory_space<vmem_shared>>
    %dma_wait3A_124 = arith.constant 0 : i32
    %dma_wait3A_125 = tpu.memref_slice %arg7[%add3A_119, %dma_wait3A_124] : memref<10008x64xf32, #tpu.memory_space<vmem_shared>> -> memref<80x64xf32, #tpu.memory_space<vmem_shared>>
    %dma_wait3A_126 = arith.constant 0 : i32
    %dma_wait3A_127 = arith.constant 0 : i32
    %dma_wait3A_128 = tpu.memref_slice %arg8[%dma_wait3A_126, %dma_wait3A_127] : memref<80x64xf32, #tpu.memory_space<vmem>> -> memref<80x64xf32, #tpu.memory_space<vmem>>
    tpu.wait_dma2 semaphore(%arg20 : memref<!tpu.dma_semaphore, #tpu.memory_space<semaphore_mem>>) src(%dma_wait3A_128 : memref<80x64xf32, #tpu.memory_space<vmem>>) dst(%dma_wait3A_125 : memref<80x64xf32, #tpu.memory_space<vmem_shared>>)
    %add3A_129 = arith.constant 80 : i32
    %add3A_130 = arith.addi %mul3A_7, %add3A_129 : i32
    %dma_wait3A_131 = arith.constant 0 : i32
    %dma_wait3A_132 = arith.constant 0 : i32
    %dma_wait3A_133 = tpu.memref_slice %arg8[%dma_wait3A_131, %dma_wait3A_132] : memref<80x64xf32, #tpu.memory_space<vmem>> -> memref<80x64xf32, #tpu.memory_space<vmem>>
    %dma_wait3A_134 = arith.constant 0 : i32
    %dma_wait3A_135 = tpu.memref_slice %arg7[%add3A_130, %dma_wait3A_134] : memref<10008x64xf32, #tpu.memory_space<vmem_shared>> -> memref<80x64xf32, #tpu.memory_space<vmem_shared>>
    %dma_wait3A_136 = arith.constant 0 : i32
    %dma_wait3A_137 = tpu.memref_slice %arg7[%add3A_130, %dma_wait3A_136] : memref<10008x64xf32, #tpu.memory_space<vmem_shared>> -> memref<80x64xf32, #tpu.memory_space<vmem_shared>>
    %dma_wait3A_138 = arith.constant 0 : i32
    %dma_wait3A_139 = arith.constant 0 : i32
    %dma_wait3A_140 = tpu.memref_slice %arg8[%dma_wait3A_138, %dma_wait3A_139] : memref<80x64xf32, #tpu.memory_space<vmem>> -> memref<80x64xf32, #tpu.memory_space<vmem>>
    tpu.wait_dma2 semaphore(%arg20 : memref<!tpu.dma_semaphore, #tpu.memory_space<semaphore_mem>>) src(%dma_wait3A_140 : memref<80x64xf32, #tpu.memory_space<vmem>>) dst(%dma_wait3A_137 : memref<80x64xf32, #tpu.memory_space<vmem_shared>>)
    %add3A_141 = arith.constant 160 : i32
    %add3A_142 = arith.addi %mul3A_7, %add3A_141 : i32
    %dma_wait3A_143 = arith.constant 0 : i32
    %dma_wait3A_144 = arith.constant 0 : i32
    %dma_wait3A_145 = tpu.memref_slice %arg8[%dma_wait3A_143, %dma_wait3A_144] : memref<80x64xf32, #tpu.memory_space<vmem>> -> memref<80x64xf32, #tpu.memory_space<vmem>>
    %dma_wait3A_146 = arith.constant 0 : i32
    %dma_wait3A_147 = tpu.memref_slice %arg7[%add3A_142, %dma_wait3A_146] : memref<10008x64xf32, #tpu.memory_space<vmem_shared>> -> memref<80x64xf32, #tpu.memory_space<vmem_shared>>
    %dma_wait3A_148 = arith.constant 0 : i32
    %dma_wait3A_149 = tpu.memref_slice %arg7[%add3A_142, %dma_wait3A_148] : memref<10008x64xf32, #tpu.memory_space<vmem_shared>> -> memref<80x64xf32, #tpu.memory_space<vmem_shared>>
    %dma_wait3A_150 = arith.constant 0 : i32
    %dma_wait3A_151 = arith.constant 0 : i32
    %dma_wait3A_152 = tpu.memref_slice %arg8[%dma_wait3A_150, %dma_wait3A_151] : memref<80x64xf32, #tpu.memory_space<vmem>> -> memref<80x64xf32, #tpu.memory_space<vmem>>
    tpu.wait_dma2 semaphore(%arg20 : memref<!tpu.dma_semaphore, #tpu.memory_space<semaphore_mem>>) src(%dma_wait3A_152 : memref<80x64xf32, #tpu.memory_space<vmem>>) dst(%dma_wait3A_149 : memref<80x64xf32, #tpu.memory_space<vmem_shared>>)
    %add3A_153 = arith.constant 240 : i32
    %add3A_154 = arith.addi %mul3A_7, %add3A_153 : i32
    %dma_wait3A_155 = arith.constant 0 : i32
    %dma_wait3A_156 = arith.constant 0 : i32
    %dma_wait3A_157 = tpu.memref_slice %arg8[%dma_wait3A_155, %dma_wait3A_156] : memref<80x64xf32, #tpu.memory_space<vmem>> -> memref<80x64xf32, #tpu.memory_space<vmem>>
    %dma_wait3A_158 = arith.constant 0 : i32
    %dma_wait3A_159 = tpu.memref_slice %arg7[%add3A_154, %dma_wait3A_158] : memref<10008x64xf32, #tpu.memory_space<vmem_shared>> -> memref<80x64xf32, #tpu.memory_space<vmem_shared>>
    %dma_wait3A_160 = arith.constant 0 : i32
    %dma_wait3A_161 = tpu.memref_slice %arg7[%add3A_154, %dma_wait3A_160] : memref<10008x64xf32, #tpu.memory_space<vmem_shared>> -> memref<80x64xf32, #tpu.memory_space<vmem_shared>>
    %dma_wait3A_162 = arith.constant 0 : i32
    %dma_wait3A_163 = arith.constant 0 : i32
    %dma_wait3A_164 = tpu.memref_slice %arg8[%dma_wait3A_162, %dma_wait3A_163] : memref<80x64xf32, #tpu.memory_space<vmem>> -> memref<80x64xf32, #tpu.memory_space<vmem>>
    tpu.wait_dma2 semaphore(%arg20 : memref<!tpu.dma_semaphore, #tpu.memory_space<semaphore_mem>>) src(%dma_wait3A_164 : memref<80x64xf32, #tpu.memory_space<vmem>>) dst(%dma_wait3A_161 : memref<80x64xf32, #tpu.memory_space<vmem_shared>>)
    %add3A_165 = arith.constant 320 : i32
    %add3A_166 = arith.addi %mul3A_7, %add3A_165 : i32
    %dma_wait3A_167 = arith.constant 0 : i32
    %dma_wait3A_168 = arith.constant 0 : i32
    %dma_wait3A_169 = tpu.memref_slice %arg8[%dma_wait3A_167, %dma_wait3A_168] : memref<80x64xf32, #tpu.memory_space<vmem>> -> memref<80x64xf32, #tpu.memory_space<vmem>>
    %dma_wait3A_170 = arith.constant 0 : i32
    %dma_wait3A_171 = tpu.memref_slice %arg7[%add3A_166, %dma_wait3A_170] : memref<10008x64xf32, #tpu.memory_space<vmem_shared>> -> memref<80x64xf32, #tpu.memory_space<vmem_shared>>
    %dma_wait3A_172 = arith.constant 0 : i32
    %dma_wait3A_173 = tpu.memref_slice %arg7[%add3A_166, %dma_wait3A_172] : memref<10008x64xf32, #tpu.memory_space<vmem_shared>> -> memref<80x64xf32, #tpu.memory_space<vmem_shared>>
    %dma_wait3A_174 = arith.constant 0 : i32
    %dma_wait3A_175 = arith.constant 0 : i32
    %dma_wait3A_176 = tpu.memref_slice %arg8[%dma_wait3A_174, %dma_wait3A_175] : memref<80x64xf32, #tpu.memory_space<vmem>> -> memref<80x64xf32, #tpu.memory_space<vmem>>
    tpu.wait_dma2 semaphore(%arg20 : memref<!tpu.dma_semaphore, #tpu.memory_space<semaphore_mem>>) src(%dma_wait3A_176 : memref<80x64xf32, #tpu.memory_space<vmem>>) dst(%dma_wait3A_173 : memref<80x64xf32, #tpu.memory_space<vmem_shared>>)
    %add3A_177 = arith.constant 400 : i32
    %add3A_178 = arith.addi %mul3A_7, %add3A_177 : i32
    %dma_wait3A_179 = arith.constant 0 : i32
    %dma_wait3A_180 = arith.constant 0 : i32
    %dma_wait3A_181 = tpu.memref_slice %arg8[%dma_wait3A_179, %dma_wait3A_180] : memref<80x64xf32, #tpu.memory_space<vmem>> -> memref<80x64xf32, #tpu.memory_space<vmem>>
    %dma_wait3A_182 = arith.constant 0 : i32
    %dma_wait3A_183 = tpu.memref_slice %arg7[%add3A_178, %dma_wait3A_182] : memref<10008x64xf32, #tpu.memory_space<vmem_shared>> -> memref<80x64xf32, #tpu.memory_space<vmem_shared>>
    %dma_wait3A_184 = arith.constant 0 : i32
    %dma_wait3A_185 = tpu.memref_slice %arg7[%add3A_178, %dma_wait3A_184] : memref<10008x64xf32, #tpu.memory_space<vmem_shared>> -> memref<80x64xf32, #tpu.memory_space<vmem_shared>>
    %dma_wait3A_186 = arith.constant 0 : i32
    %dma_wait3A_187 = arith.constant 0 : i32
    %dma_wait3A_188 = tpu.memref_slice %arg8[%dma_wait3A_186, %dma_wait3A_187] : memref<80x64xf32, #tpu.memory_space<vmem>> -> memref<80x64xf32, #tpu.memory_space<vmem>>
    tpu.wait_dma2 semaphore(%arg20 : memref<!tpu.dma_semaphore, #tpu.memory_space<semaphore_mem>>) src(%dma_wait3A_188 : memref<80x64xf32, #tpu.memory_space<vmem>>) dst(%dma_wait3A_185 : memref<80x64xf32, #tpu.memory_space<vmem_shared>>)
    %add3A_189 = arith.constant 480 : i32
    %add3A_190 = arith.addi %mul3A_7, %add3A_189 : i32
    %dma_wait3A_191 = arith.constant 0 : i32
    %dma_wait3A_192 = arith.constant 0 : i32
    %dma_wait3A_193 = tpu.memref_slice %arg8[%dma_wait3A_191, %dma_wait3A_192] : memref<80x64xf32, #tpu.memory_space<vmem>> -> memref<80x64xf32, #tpu.memory_space<vmem>>
    %dma_wait3A_194 = arith.constant 0 : i32
    %dma_wait3A_195 = tpu.memref_slice %arg7[%add3A_190, %dma_wait3A_194] : memref<10008x64xf32, #tpu.memory_space<vmem_shared>> -> memref<80x64xf32, #tpu.memory_space<vmem_shared>>
    %dma_wait3A_196 = arith.constant 0 : i32
    %dma_wait3A_197 = tpu.memref_slice %arg7[%add3A_190, %dma_wait3A_196] : memref<10008x64xf32, #tpu.memory_space<vmem_shared>> -> memref<80x64xf32, #tpu.memory_space<vmem_shared>>
    %dma_wait3A_198 = arith.constant 0 : i32
    %dma_wait3A_199 = arith.constant 0 : i32
    %dma_wait3A_200 = tpu.memref_slice %arg8[%dma_wait3A_198, %dma_wait3A_199] : memref<80x64xf32, #tpu.memory_space<vmem>> -> memref<80x64xf32, #tpu.memory_space<vmem>>
    tpu.wait_dma2 semaphore(%arg20 : memref<!tpu.dma_semaphore, #tpu.memory_space<semaphore_mem>>) src(%dma_wait3A_200 : memref<80x64xf32, #tpu.memory_space<vmem>>) dst(%dma_wait3A_197 : memref<80x64xf32, #tpu.memory_space<vmem_shared>>)
    %add3A_201 = arith.constant 560 : i32
    %add3A_202 = arith.addi %mul3A_7, %add3A_201 : i32
    %dma_wait3A_203 = arith.constant 0 : i32
    %dma_wait3A_204 = arith.constant 0 : i32
    %dma_wait3A_205 = tpu.memref_slice %arg8[%dma_wait3A_203, %dma_wait3A_204] : memref<80x64xf32, #tpu.memory_space<vmem>> -> memref<64x64xf32, #tpu.memory_space<vmem>>
    %dma_wait3A_206 = arith.constant 0 : i32
    %dma_wait3A_207 = tpu.memref_slice %arg7[%add3A_202, %dma_wait3A_206] : memref<10008x64xf32, #tpu.memory_space<vmem_shared>> -> memref<64x64xf32, #tpu.memory_space<vmem_shared>>
    %dma_wait3A_208 = arith.constant 0 : i32
    %dma_wait3A_209 = tpu.memref_slice %arg7[%add3A_202, %dma_wait3A_208] : memref<10008x64xf32, #tpu.memory_space<vmem_shared>> -> memref<64x64xf32, #tpu.memory_space<vmem_shared>>
    %dma_wait3A_210 = arith.constant 0 : i32
    %dma_wait3A_211 = arith.constant 0 : i32
    %dma_wait3A_212 = tpu.memref_slice %arg8[%dma_wait3A_210, %dma_wait3A_211] : memref<80x64xf32, #tpu.memory_space<vmem>> -> memref<64x64xf32, #tpu.memory_space<vmem>>
    tpu.wait_dma2 semaphore(%arg20 : memref<!tpu.dma_semaphore, #tpu.memory_space<semaphore_mem>>) src(%dma_wait3A_212 : memref<64x64xf32, #tpu.memory_space<vmem>>) dst(%dma_wait3A_209 : memref<64x64xf32, #tpu.memory_space<vmem_shared>>)
    %eq3A_213 = arith.constant 15 : i32
    %eq3A_214 = arith.cmpi eq, %arg1, %eq3A_213 : i32
    %convert_element_type3A_215 = arith.extui %eq3A_214 : i1 to i32
    %cond3A_216 = arith.constant 0 : i32
    %cond3A_217 = arith.cmpi ne, %convert_element_type3A_215, %cond3A_216 : i32
    scf.if %cond3A_217 {
      %dma_wait3A_315 = arith.constant 0 : i32
      %dma_wait3A_316 = arith.constant 0 : i32
      %dma_wait3A_317 = tpu.memref_slice %arg8[%dma_wait3A_315, %dma_wait3A_316] : memref<80x64xf32, #tpu.memory_space<vmem>> -> memref<24x64xf32, #tpu.memory_space<vmem>>
      %dma_wait3A_318 = arith.constant 9984 : i32
      %dma_wait3A_319 = arith.constant 0 : i32
      %dma_wait3A_320 = tpu.memref_slice %arg7[%dma_wait3A_318, %dma_wait3A_319] : memref<10008x64xf32, #tpu.memory_space<vmem_shared>> -> memref<24x64xf32, #tpu.memory_space<vmem_shared>>
      %dma_wait3A_321 = arith.constant 9984 : i32
      %dma_wait3A_322 = arith.constant 0 : i32
      %dma_wait3A_323 = tpu.memref_slice %arg7[%dma_wait3A_321, %dma_wait3A_322] : memref<10008x64xf32, #tpu.memory_space<vmem_shared>> -> memref<24x64xf32, #tpu.memory_space<vmem_shared>>
      %dma_wait3A_324 = arith.constant 0 : i32
      %dma_wait3A_325 = arith.constant 0 : i32
      %dma_wait3A_326 = tpu.memref_slice %arg8[%dma_wait3A_324, %dma_wait3A_325] : memref<80x64xf32, #tpu.memory_space<vmem>> -> memref<24x64xf32, #tpu.memory_space<vmem>>
      tpu.wait_dma2 semaphore(%arg20 : memref<!tpu.dma_semaphore, #tpu.memory_space<semaphore_mem>>) src(%dma_wait3A_326 : memref<24x64xf32, #tpu.memory_space<vmem>>) dst(%dma_wait3A_323 : memref<24x64xf32, #tpu.memory_space<vmem_shared>>)
    } else {
    }
    %dma_start3A_218 = arith.constant 0 : i32
    %dma_start3A_219 = arith.constant 0 : i32
    %dma_start3A_220 = tpu.memref_slice %arg5[%dma_start3A_218, %dma_start3A_219] : memref<250x80xi32, #tpu.memory_space<vmem>> -> memref<1x80xi32, #tpu.memory_space<vmem>>
    %dma_start3A_221 = tpu.memref_squeeze %dma_start3A_220 : memref<1x80xi32, #tpu.memory_space<vmem>> -> memref<80xi32, #tpu.memory_space<vmem>>
    %dma_start3A_222 = arith.constant 0 : i32
    %dma_start3A_223 = arith.constant 0 : i32
    %dma_start3A_224 = tpu.memref_slice %arg2[%dma_start3A_222, %dma_start3A_223] : memref<20000x64xf32, #tpu.memory_space<hbm>> -> memref<20000x64xf32, #tpu.memory_space<hbm>>
    tpu.enqueue_indirect_dma source(%dma_start3A_224 : memref<20000x64xf32, #tpu.memory_space<hbm>>) target(%arg8 : memref<80x64xf32, #tpu.memory_space<vmem>>) offsets(%dma_start3A_221 : memref<80xi32, #tpu.memory_space<vmem>>) semaphore(%arg12 : memref<!tpu.dma_semaphore, #tpu.memory_space<semaphore_mem>>)
    %dma_start3A_225 = arith.constant 1 : i32
    %dma_start3A_226 = arith.constant 0 : i32
    %dma_start3A_227 = tpu.memref_slice %arg5[%dma_start3A_225, %dma_start3A_226] : memref<250x80xi32, #tpu.memory_space<vmem>> -> memref<1x80xi32, #tpu.memory_space<vmem>>
    %dma_start3A_228 = tpu.memref_squeeze %dma_start3A_227 : memref<1x80xi32, #tpu.memory_space<vmem>> -> memref<80xi32, #tpu.memory_space<vmem>>
    %dma_start3A_229 = arith.constant 0 : i32
    %dma_start3A_230 = arith.constant 0 : i32
    %dma_start3A_231 = tpu.memref_slice %arg2[%dma_start3A_229, %dma_start3A_230] : memref<20000x64xf32, #tpu.memory_space<hbm>> -> memref<20000x64xf32, #tpu.memory_space<hbm>>
    tpu.enqueue_indirect_dma source(%dma_start3A_231 : memref<20000x64xf32, #tpu.memory_space<hbm>>) target(%arg9 : memref<80x64xf32, #tpu.memory_space<vmem>>) offsets(%dma_start3A_228 : memref<80xi32, #tpu.memory_space<vmem>>) semaphore(%arg13 : memref<!tpu.dma_semaphore, #tpu.memory_space<semaphore_mem>>)
    %dma_start3A_232 = arith.constant 2 : i32
    %dma_start3A_233 = arith.constant 0 : i32
    %dma_start3A_234 = tpu.memref_slice %arg5[%dma_start3A_232, %dma_start3A_233] : memref<250x80xi32, #tpu.memory_space<vmem>> -> memref<1x80xi32, #tpu.memory_space<vmem>>
    %dma_start3A_235 = tpu.memref_squeeze %dma_start3A_234 : memref<1x80xi32, #tpu.memory_space<vmem>> -> memref<80xi32, #tpu.memory_space<vmem>>
    %dma_start3A_236 = arith.constant 0 : i32
    %dma_start3A_237 = arith.constant 0 : i32
    %dma_start3A_238 = tpu.memref_slice %arg2[%dma_start3A_236, %dma_start3A_237] : memref<20000x64xf32, #tpu.memory_space<hbm>> -> memref<20000x64xf32, #tpu.memory_space<hbm>>
    tpu.enqueue_indirect_dma source(%dma_start3A_238 : memref<20000x64xf32, #tpu.memory_space<hbm>>) target(%arg10 : memref<80x64xf32, #tpu.memory_space<vmem>>) offsets(%dma_start3A_235 : memref<80xi32, #tpu.memory_space<vmem>>) semaphore(%arg14 : memref<!tpu.dma_semaphore, #tpu.memory_space<semaphore_mem>>)
    %dma_start3A_239 = arith.constant 3 : i32
    %dma_start3A_240 = arith.constant 0 : i32
    %dma_start3A_241 = tpu.memref_slice %arg5[%dma_start3A_239, %dma_start3A_240] : memref<250x80xi32, #tpu.memory_space<vmem>> -> memref<1x80xi32, #tpu.memory_space<vmem>>
    %dma_start3A_242 = tpu.memref_squeeze %dma_start3A_241 : memref<1x80xi32, #tpu.memory_space<vmem>> -> memref<80xi32, #tpu.memory_space<vmem>>
    %dma_start3A_243 = arith.constant 0 : i32
    %dma_start3A_244 = arith.constant 0 : i32
    %dma_start3A_245 = tpu.memref_slice %arg2[%dma_start3A_243, %dma_start3A_244] : memref<20000x64xf32, #tpu.memory_space<hbm>> -> memref<20000x64xf32, #tpu.memory_space<hbm>>
    tpu.enqueue_indirect_dma source(%dma_start3A_245 : memref<20000x64xf32, #tpu.memory_space<hbm>>) target(%arg11 : memref<80x64xf32, #tpu.memory_space<vmem>>) offsets(%dma_start3A_242 : memref<80xi32, #tpu.memory_space<vmem>>) semaphore(%arg15 : memref<!tpu.dma_semaphore, #tpu.memory_space<semaphore_mem>>)
    %barrier3A = arith.constant 0 : index
    tpu.barrier barrier_id(%barrier3A)
    %scan3A_246 = arith.constant 0 : i32
    %scan3A_247 = arith.constant 0 : i32
    %scan3A_248 = arith.constant 62 : i32
    %scan3A_249 = arith.addi %scan3A_247, %scan3A_248 : i32
    %scan3A_250 = arith.constant 1 : i32
    %scan3A_251 = scf.for %scan3A_315 = %scan3A_247 to %scan3A_249 step %scan3A_250 iter_args(%scan3A_316 = %scan3A_246) -> (i32)  : i32 {
      %mul3A_317 = arith.constant 4 : i32
      %mul3A_318 = arith.muli %mul3A_317, %scan3A_315 : i32
      %add3A_319 = arith.constant 0 : i32
      %add3A_320 = arith.addi %mul3A_318, %add3A_319 : i32
      %dma_wait3A_321 = arith.constant 0 : i32
      %dma_wait3A_322 = tpu.memref_slice %arg5[%add3A_320, %dma_wait3A_321] : memref<250x80xi32, #tpu.memory_space<vmem>> -> memref<1x80xi32, #tpu.memory_space<vmem>>
      %dma_wait3A_323 = tpu.memref_squeeze %dma_wait3A_322 : memref<1x80xi32, #tpu.memory_space<vmem>> -> memref<80xi32, #tpu.memory_space<vmem>>
      %dma_wait3A_324 = arith.constant 0 : i32
      %dma_wait3A_325 = arith.constant 0 : i32
      %dma_wait3A_326 = tpu.memref_slice %arg2[%dma_wait3A_324, %dma_wait3A_325] : memref<20000x64xf32, #tpu.memory_space<hbm>> -> memref<20000x64xf32, #tpu.memory_space<hbm>>
      tpu.wait_indirect_dma semaphore(%arg12 : memref<!tpu.dma_semaphore, #tpu.memory_space<semaphore_mem>>) src(%dma_wait3A_326 : memref<20000x64xf32, #tpu.memory_space<hbm>>) dst(%arg8 : memref<80x64xf32, #tpu.memory_space<vmem>>)
      %add3A_327 = arith.constant 0 : i32
      %add3A_328 = arith.addi %mul3A_318, %add3A_327 : i32
      %dma_start3A_329 = arith.constant 0 : i32
      %dma_start3A_330 = tpu.memref_slice %arg6[%add3A_328, %dma_start3A_329] : memref<250x80xi32, #tpu.memory_space<vmem>> -> memref<1x80xi32, #tpu.memory_space<vmem>>
      %dma_start3A_331 = tpu.memref_squeeze %dma_start3A_330 : memref<1x80xi32, #tpu.memory_space<vmem>> -> memref<80xi32, #tpu.memory_space<vmem>>
      %dma_start3A_332 = arith.constant 0 : i32
      %dma_start3A_333 = arith.constant 0 : i32
      %dma_start3A_334 = tpu.memref_slice %arg7[%dma_start3A_332, %dma_start3A_333] : memref<10008x64xf32, #tpu.memory_space<vmem_shared>> -> memref<10008x64xf32, #tpu.memory_space<vmem_shared>>
      tpu.enqueue_indirect_dma source(%arg8 : memref<80x64xf32, #tpu.memory_space<vmem>>) target(%dma_start3A_334 : memref<10008x64xf32, #tpu.memory_space<vmem_shared>>) offsets(%dma_start3A_331 : memref<80xi32, #tpu.memory_space<vmem>>) semaphore(%arg16 : memref<!tpu.dma_semaphore, #tpu.memory_space<semaphore_mem>>) {add = true}
      %add3A_335 = arith.constant 1 : i32
      %add3A_336 = arith.addi %mul3A_318, %add3A_335 : i32
      %dma_wait3A_337 = arith.constant 0 : i32
      %dma_wait3A_338 = tpu.memref_slice %arg5[%add3A_336, %dma_wait3A_337] : memref<250x80xi32, #tpu.memory_space<vmem>> -> memref<1x80xi32, #tpu.memory_space<vmem>>
      %dma_wait3A_339 = tpu.memref_squeeze %dma_wait3A_338 : memref<1x80xi32, #tpu.memory_space<vmem>> -> memref<80xi32, #tpu.memory_space<vmem>>
      %dma_wait3A_340 = arith.constant 0 : i32
      %dma_wait3A_341 = arith.constant 0 : i32
      %dma_wait3A_342 = tpu.memref_slice %arg2[%dma_wait3A_340, %dma_wait3A_341] : memref<20000x64xf32, #tpu.memory_space<hbm>> -> memref<20000x64xf32, #tpu.memory_space<hbm>>
      tpu.wait_indirect_dma semaphore(%arg13 : memref<!tpu.dma_semaphore, #tpu.memory_space<semaphore_mem>>) src(%dma_wait3A_342 : memref<20000x64xf32, #tpu.memory_space<hbm>>) dst(%arg9 : memref<80x64xf32, #tpu.memory_space<vmem>>)
      %add3A_343 = arith.constant 1 : i32
      %add3A_344 = arith.addi %mul3A_318, %add3A_343 : i32
      %dma_start3A_345 = arith.constant 0 : i32
      %dma_start3A_346 = tpu.memref_slice %arg6[%add3A_344, %dma_start3A_345] : memref<250x80xi32, #tpu.memory_space<vmem>> -> memref<1x80xi32, #tpu.memory_space<vmem>>
      %dma_start3A_347 = tpu.memref_squeeze %dma_start3A_346 : memref<1x80xi32, #tpu.memory_space<vmem>> -> memref<80xi32, #tpu.memory_space<vmem>>
      %dma_start3A_348 = arith.constant 0 : i32
      %dma_start3A_349 = arith.constant 0 : i32
      %dma_start3A_350 = tpu.memref_slice %arg7[%dma_start3A_348, %dma_start3A_349] : memref<10008x64xf32, #tpu.memory_space<vmem_shared>> -> memref<10008x64xf32, #tpu.memory_space<vmem_shared>>
      tpu.enqueue_indirect_dma source(%arg9 : memref<80x64xf32, #tpu.memory_space<vmem>>) target(%dma_start3A_350 : memref<10008x64xf32, #tpu.memory_space<vmem_shared>>) offsets(%dma_start3A_347 : memref<80xi32, #tpu.memory_space<vmem>>) semaphore(%arg17 : memref<!tpu.dma_semaphore, #tpu.memory_space<semaphore_mem>>) {add = true}
      %add3A_351 = arith.constant 2 : i32
      %add3A_352 = arith.addi %mul3A_318, %add3A_351 : i32
      %dma_wait3A_353 = arith.constant 0 : i32
      %dma_wait3A_354 = tpu.memref_slice %arg5[%add3A_352, %dma_wait3A_353] : memref<250x80xi32, #tpu.memory_space<vmem>> -> memref<1x80xi32, #tpu.memory_space<vmem>>
      %dma_wait3A_355 = tpu.memref_squeeze %dma_wait3A_354 : memref<1x80xi32, #tpu.memory_space<vmem>> -> memref<80xi32, #tpu.memory_space<vmem>>
      %dma_wait3A_356 = arith.constant 0 : i32
      %dma_wait3A_357 = arith.constant 0 : i32
      %dma_wait3A_358 = tpu.memref_slice %arg2[%dma_wait3A_356, %dma_wait3A_357] : memref<20000x64xf32, #tpu.memory_space<hbm>> -> memref<20000x64xf32, #tpu.memory_space<hbm>>
      tpu.wait_indirect_dma semaphore(%arg14 : memref<!tpu.dma_semaphore, #tpu.memory_space<semaphore_mem>>) src(%dma_wait3A_358 : memref<20000x64xf32, #tpu.memory_space<hbm>>) dst(%arg10 : memref<80x64xf32, #tpu.memory_space<vmem>>)
      %add3A_359 = arith.constant 2 : i32
      %add3A_360 = arith.addi %mul3A_318, %add3A_359 : i32
      %dma_start3A_361 = arith.constant 0 : i32
      %dma_start3A_362 = tpu.memref_slice %arg6[%add3A_360, %dma_start3A_361] : memref<250x80xi32, #tpu.memory_space<vmem>> -> memref<1x80xi32, #tpu.memory_space<vmem>>
      %dma_start3A_363 = tpu.memref_squeeze %dma_start3A_362 : memref<1x80xi32, #tpu.memory_space<vmem>> -> memref<80xi32, #tpu.memory_space<vmem>>
      %dma_start3A_364 = arith.constant 0 : i32
      %dma_start3A_365 = arith.constant 0 : i32
      %dma_start3A_366 = tpu.memref_slice %arg7[%dma_start3A_364, %dma_start3A_365] : memref<10008x64xf32, #tpu.memory_space<vmem_shared>> -> memref<10008x64xf32, #tpu.memory_space<vmem_shared>>
      tpu.enqueue_indirect_dma source(%arg10 : memref<80x64xf32, #tpu.memory_space<vmem>>) target(%dma_start3A_366 : memref<10008x64xf32, #tpu.memory_space<vmem_shared>>) offsets(%dma_start3A_363 : memref<80xi32, #tpu.memory_space<vmem>>) semaphore(%arg18 : memref<!tpu.dma_semaphore, #tpu.memory_space<semaphore_mem>>) {add = true}
      %add3A_367 = arith.constant 3 : i32
      %add3A_368 = arith.addi %mul3A_318, %add3A_367 : i32
      %dma_wait3A_369 = arith.constant 0 : i32
      %dma_wait3A_370 = tpu.memref_slice %arg5[%add3A_368, %dma_wait3A_369] : memref<250x80xi32, #tpu.memory_space<vmem>> -> memref<1x80xi32, #tpu.memory_space<vmem>>
      %dma_wait3A_371 = tpu.memref_squeeze %dma_wait3A_370 : memref<1x80xi32, #tpu.memory_space<vmem>> -> memref<80xi32, #tpu.memory_space<vmem>>
      %dma_wait3A_372 = arith.constant 0 : i32
      %dma_wait3A_373 = arith.constant 0 : i32
      %dma_wait3A_374 = tpu.memref_slice %arg2[%dma_wait3A_372, %dma_wait3A_373] : memref<20000x64xf32, #tpu.memory_space<hbm>> -> memref<20000x64xf32, #tpu.memory_space<hbm>>
      tpu.wait_indirect_dma semaphore(%arg15 : memref<!tpu.dma_semaphore, #tpu.memory_space<semaphore_mem>>) src(%dma_wait3A_374 : memref<20000x64xf32, #tpu.memory_space<hbm>>) dst(%arg11 : memref<80x64xf32, #tpu.memory_space<vmem>>)
      %add3A_375 = arith.constant 3 : i32
      %add3A_376 = arith.addi %mul3A_318, %add3A_375 : i32
      %dma_start3A_377 = arith.constant 0 : i32
      %dma_start3A_378 = tpu.memref_slice %arg6[%add3A_376, %dma_start3A_377] : memref<250x80xi32, #tpu.memory_space<vmem>> -> memref<1x80xi32, #tpu.memory_space<vmem>>
      %dma_start3A_379 = tpu.memref_squeeze %dma_start3A_378 : memref<1x80xi32, #tpu.memory_space<vmem>> -> memref<80xi32, #tpu.memory_space<vmem>>
      %dma_start3A_380 = arith.constant 0 : i32
      %dma_start3A_381 = arith.constant 0 : i32
      %dma_start3A_382 = tpu.memref_slice %arg7[%dma_start3A_380, %dma_start3A_381] : memref<10008x64xf32, #tpu.memory_space<vmem_shared>> -> memref<10008x64xf32, #tpu.memory_space<vmem_shared>>
      tpu.enqueue_indirect_dma source(%arg11 : memref<80x64xf32, #tpu.memory_space<vmem>>) target(%dma_start3A_382 : memref<10008x64xf32, #tpu.memory_space<vmem_shared>>) offsets(%dma_start3A_379 : memref<80xi32, #tpu.memory_space<vmem>>) semaphore(%arg19 : memref<!tpu.dma_semaphore, #tpu.memory_space<semaphore_mem>>) {add = true}
      %add3A_383 = arith.constant 0 : i32
      %add3A_384 = arith.addi %mul3A_318, %add3A_383 : i32
      %add3A_385 = arith.constant 4 : i32
      %add3A_386 = arith.addi %add3A_384, %add3A_385 : i32
      %lt3A = arith.constant 250 : i32
      %lt3A_387 = arith.cmpi slt, %add3A_386, %lt3A : i32
      %add3A_388 = arith.constant 0 : i32
      %add3A_389 = arith.addi %mul3A_318, %add3A_388 : i32
      %convert_element_type3A_390 = arith.extui %lt3A_387 : i1 to i32
      %cond3A_391 = arith.constant 0 : i32
      %cond3A_392 = arith.cmpi ne, %convert_element_type3A_390, %cond3A_391 : i32
      scf.if %cond3A_392 {
        %dma_wait3A_427 = arith.constant 0 : i32
        %dma_wait3A_428 = tpu.memref_slice %arg6[%add3A_389, %dma_wait3A_427] : memref<250x80xi32, #tpu.memory_space<vmem>> -> memref<1x80xi32, #tpu.memory_space<vmem>>
        %dma_wait3A_429 = tpu.memref_squeeze %dma_wait3A_428 : memref<1x80xi32, #tpu.memory_space<vmem>> -> memref<80xi32, #tpu.memory_space<vmem>>
        %dma_wait3A_430 = arith.constant 0 : i32
        %dma_wait3A_431 = arith.constant 0 : i32
        %dma_wait3A_432 = tpu.memref_slice %arg7[%dma_wait3A_430, %dma_wait3A_431] : memref<10008x64xf32, #tpu.memory_space<vmem_shared>> -> memref<10008x64xf32, #tpu.memory_space<vmem_shared>>
        tpu.wait_indirect_dma semaphore(%arg16 : memref<!tpu.dma_semaphore, #tpu.memory_space<semaphore_mem>>) src(%arg8 : memref<80x64xf32, #tpu.memory_space<vmem>>) dst(%dma_wait3A_432 : memref<10008x64xf32, #tpu.memory_space<vmem_shared>>)
        %dma_start3A_433 = arith.constant 0 : i32
        %dma_start3A_434 = tpu.memref_slice %arg5[%add3A_386, %dma_start3A_433] : memref<250x80xi32, #tpu.memory_space<vmem>> -> memref<1x80xi32, #tpu.memory_space<vmem>>
        %dma_start3A_435 = tpu.memref_squeeze %dma_start3A_434 : memref<1x80xi32, #tpu.memory_space<vmem>> -> memref<80xi32, #tpu.memory_space<vmem>>
        %dma_start3A_436 = arith.constant 0 : i32
        %dma_start3A_437 = arith.constant 0 : i32
        %dma_start3A_438 = tpu.memref_slice %arg2[%dma_start3A_436, %dma_start3A_437] : memref<20000x64xf32, #tpu.memory_space<hbm>> -> memref<20000x64xf32, #tpu.memory_space<hbm>>
        tpu.enqueue_indirect_dma source(%dma_start3A_438 : memref<20000x64xf32, #tpu.memory_space<hbm>>) target(%arg8 : memref<80x64xf32, #tpu.memory_space<vmem>>) offsets(%dma_start3A_435 : memref<80xi32, #tpu.memory_space<vmem>>) semaphore(%arg12 : memref<!tpu.dma_semaphore, #tpu.memory_space<semaphore_mem>>)
      } else {
      }
      %add3A_393 = arith.constant 1 : i32
      %add3A_394 = arith.addi %mul3A_318, %add3A_393 : i32
      %add3A_395 = arith.constant 4 : i32
      %add3A_396 = arith.addi %add3A_394, %add3A_395 : i32
      %lt3A_397 = arith.constant 250 : i32
      %lt3A_398 = arith.cmpi slt, %add3A_396, %lt3A_397 : i32
      %add3A_399 = arith.constant 1 : i32
      %add3A_400 = arith.addi %mul3A_318, %add3A_399 : i32
      %convert_element_type3A_401 = arith.extui %lt3A_398 : i1 to i32
      %cond3A_402 = arith.constant 0 : i32
      %cond3A_403 = arith.cmpi ne, %convert_element_type3A_401, %cond3A_402 : i32
      scf.if %cond3A_403 {
        %dma_wait3A_427 = arith.constant 0 : i32
        %dma_wait3A_428 = tpu.memref_slice %arg6[%add3A_400, %dma_wait3A_427] : memref<250x80xi32, #tpu.memory_space<vmem>> -> memref<1x80xi32, #tpu.memory_space<vmem>>
        %dma_wait3A_429 = tpu.memref_squeeze %dma_wait3A_428 : memref<1x80xi32, #tpu.memory_space<vmem>> -> memref<80xi32, #tpu.memory_space<vmem>>
        %dma_wait3A_430 = arith.constant 0 : i32
        %dma_wait3A_431 = arith.constant 0 : i32
        %dma_wait3A_432 = tpu.memref_slice %arg7[%dma_wait3A_430, %dma_wait3A_431] : memref<10008x64xf32, #tpu.memory_space<vmem_shared>> -> memref<10008x64xf32, #tpu.memory_space<vmem_shared>>
        tpu.wait_indirect_dma semaphore(%arg17 : memref<!tpu.dma_semaphore, #tpu.memory_space<semaphore_mem>>) src(%arg9 : memref<80x64xf32, #tpu.memory_space<vmem>>) dst(%dma_wait3A_432 : memref<10008x64xf32, #tpu.memory_space<vmem_shared>>)
        %dma_start3A_433 = arith.constant 0 : i32
        %dma_start3A_434 = tpu.memref_slice %arg5[%add3A_396, %dma_start3A_433] : memref<250x80xi32, #tpu.memory_space<vmem>> -> memref<1x80xi32, #tpu.memory_space<vmem>>
        %dma_start3A_435 = tpu.memref_squeeze %dma_start3A_434 : memref<1x80xi32, #tpu.memory_space<vmem>> -> memref<80xi32, #tpu.memory_space<vmem>>
        %dma_start3A_436 = arith.constant 0 : i32
        %dma_start3A_437 = arith.constant 0 : i32
        %dma_start3A_438 = tpu.memref_slice %arg2[%dma_start3A_436, %dma_start3A_437] : memref<20000x64xf32, #tpu.memory_space<hbm>> -> memref<20000x64xf32, #tpu.memory_space<hbm>>
        tpu.enqueue_indirect_dma source(%dma_start3A_438 : memref<20000x64xf32, #tpu.memory_space<hbm>>) target(%arg9 : memref<80x64xf32, #tpu.memory_space<vmem>>) offsets(%dma_start3A_435 : memref<80xi32, #tpu.memory_space<vmem>>) semaphore(%arg13 : memref<!tpu.dma_semaphore, #tpu.memory_space<semaphore_mem>>)
      } else {
      }
      %add3A_404 = arith.constant 2 : i32
      %add3A_405 = arith.addi %mul3A_318, %add3A_404 : i32
      %add3A_406 = arith.constant 4 : i32
      %add3A_407 = arith.addi %add3A_405, %add3A_406 : i32
      %lt3A_408 = arith.constant 250 : i32
      %lt3A_409 = arith.cmpi slt, %add3A_407, %lt3A_408 : i32
      %add3A_410 = arith.constant 2 : i32
      %add3A_411 = arith.addi %mul3A_318, %add3A_410 : i32
      %convert_element_type3A_412 = arith.extui %lt3A_409 : i1 to i32
      %cond3A_413 = arith.constant 0 : i32
      %cond3A_414 = arith.cmpi ne, %convert_element_type3A_412, %cond3A_413 : i32
      scf.if %cond3A_414 {
        %dma_wait3A_427 = arith.constant 0 : i32
        %dma_wait3A_428 = tpu.memref_slice %arg6[%add3A_411, %dma_wait3A_427] : memref<250x80xi32, #tpu.memory_space<vmem>> -> memref<1x80xi32, #tpu.memory_space<vmem>>
        %dma_wait3A_429 = tpu.memref_squeeze %dma_wait3A_428 : memref<1x80xi32, #tpu.memory_space<vmem>> -> memref<80xi32, #tpu.memory_space<vmem>>
        %dma_wait3A_430 = arith.constant 0 : i32
        %dma_wait3A_431 = arith.constant 0 : i32
        %dma_wait3A_432 = tpu.memref_slice %arg7[%dma_wait3A_430, %dma_wait3A_431] : memref<10008x64xf32, #tpu.memory_space<vmem_shared>> -> memref<10008x64xf32, #tpu.memory_space<vmem_shared>>
        tpu.wait_indirect_dma semaphore(%arg18 : memref<!tpu.dma_semaphore, #tpu.memory_space<semaphore_mem>>) src(%arg10 : memref<80x64xf32, #tpu.memory_space<vmem>>) dst(%dma_wait3A_432 : memref<10008x64xf32, #tpu.memory_space<vmem_shared>>)
        %dma_start3A_433 = arith.constant 0 : i32
        %dma_start3A_434 = tpu.memref_slice %arg5[%add3A_407, %dma_start3A_433] : memref<250x80xi32, #tpu.memory_space<vmem>> -> memref<1x80xi32, #tpu.memory_space<vmem>>
        %dma_start3A_435 = tpu.memref_squeeze %dma_start3A_434 : memref<1x80xi32, #tpu.memory_space<vmem>> -> memref<80xi32, #tpu.memory_space<vmem>>
        %dma_start3A_436 = arith.constant 0 : i32
        %dma_start3A_437 = arith.constant 0 : i32
        %dma_start3A_438 = tpu.memref_slice %arg2[%dma_start3A_436, %dma_start3A_437] : memref<20000x64xf32, #tpu.memory_space<hbm>> -> memref<20000x64xf32, #tpu.memory_space<hbm>>
        tpu.enqueue_indirect_dma source(%dma_start3A_438 : memref<20000x64xf32, #tpu.memory_space<hbm>>) target(%arg10 : memref<80x64xf32, #tpu.memory_space<vmem>>) offsets(%dma_start3A_435 : memref<80xi32, #tpu.memory_space<vmem>>) semaphore(%arg14 : memref<!tpu.dma_semaphore, #tpu.memory_space<semaphore_mem>>)
      } else {
      }
      %add3A_415 = arith.constant 3 : i32
      %add3A_416 = arith.addi %mul3A_318, %add3A_415 : i32
      %add3A_417 = arith.constant 4 : i32
      %add3A_418 = arith.addi %add3A_416, %add3A_417 : i32
      %lt3A_419 = arith.constant 250 : i32
      %lt3A_420 = arith.cmpi slt, %add3A_418, %lt3A_419 : i32
      %add3A_421 = arith.constant 3 : i32
      %add3A_422 = arith.addi %mul3A_318, %add3A_421 : i32
      %convert_element_type3A_423 = arith.extui %lt3A_420 : i1 to i32
      %cond3A_424 = arith.constant 0 : i32
      %cond3A_425 = arith.cmpi ne, %convert_element_type3A_423, %cond3A_424 : i32
      scf.if %cond3A_425 {
        %dma_wait3A_427 = arith.constant 0 : i32
        %dma_wait3A_428 = tpu.memref_slice %arg6[%add3A_422, %dma_wait3A_427] : memref<250x80xi32, #tpu.memory_space<vmem>> -> memref<1x80xi32, #tpu.memory_space<vmem>>
        %dma_wait3A_429 = tpu.memref_squeeze %dma_wait3A_428 : memref<1x80xi32, #tpu.memory_space<vmem>> -> memref<80xi32, #tpu.memory_space<vmem>>
        %dma_wait3A_430 = arith.constant 0 : i32
        %dma_wait3A_431 = arith.constant 0 : i32
        %dma_wait3A_432 = tpu.memref_slice %arg7[%dma_wait3A_430, %dma_wait3A_431] : memref<10008x64xf32, #tpu.memory_space<vmem_shared>> -> memref<10008x64xf32, #tpu.memory_space<vmem_shared>>
        tpu.wait_indirect_dma semaphore(%arg19 : memref<!tpu.dma_semaphore, #tpu.memory_space<semaphore_mem>>) src(%arg11 : memref<80x64xf32, #tpu.memory_space<vmem>>) dst(%dma_wait3A_432 : memref<10008x64xf32, #tpu.memory_space<vmem_shared>>)
        %dma_start3A_433 = arith.constant 0 : i32
        %dma_start3A_434 = tpu.memref_slice %arg5[%add3A_418, %dma_start3A_433] : memref<250x80xi32, #tpu.memory_space<vmem>> -> memref<1x80xi32, #tpu.memory_space<vmem>>
        %dma_start3A_435 = tpu.memref_squeeze %dma_start3A_434 : memref<1x80xi32, #tpu.memory_space<vmem>> -> memref<80xi32, #tpu.memory_space<vmem>>
        %dma_start3A_436 = arith.constant 0 : i32
        %dma_start3A_437 = arith.constant 0 : i32
        %dma_start3A_438 = tpu.memref_slice %arg2[%dma_start3A_436, %dma_start3A_437] : memref<20000x64xf32, #tpu.memory_space<hbm>> -> memref<20000x64xf32, #tpu.memory_space<hbm>>
        tpu.enqueue_indirect_dma source(%dma_start3A_438 : memref<20000x64xf32, #tpu.memory_space<hbm>>) target(%arg11 : memref<80x64xf32, #tpu.memory_space<vmem>>) offsets(%dma_start3A_435 : memref<80xi32, #tpu.memory_space<vmem>>) semaphore(%arg15 : memref<!tpu.dma_semaphore, #tpu.memory_space<semaphore_mem>>)
      } else {
      }
      %scan3A_426 = arith.constant 0 : i32
      scf.yield %scan3A_426 : i32
    }
    %scan3A_252 = arith.constant 62 : i32
    %dma_wait3A_253 = arith.constant 248 : i32
    %dma_wait3A_254 = arith.constant 0 : i32
    %dma_wait3A_255 = tpu.memref_slice %arg5[%dma_wait3A_253, %dma_wait3A_254] : memref<250x80xi32, #tpu.memory_space<vmem>> -> memref<1x80xi32, #tpu.memory_space<vmem>>
    %dma_wait3A_256 = tpu.memref_squeeze %dma_wait3A_255 : memref<1x80xi32, #tpu.memory_space<vmem>> -> memref<80xi32, #tpu.memory_space<vmem>>
    %dma_wait3A_257 = arith.constant 0 : i32
    %dma_wait3A_258 = arith.constant 0 : i32
    %dma_wait3A_259 = tpu.memref_slice %arg2[%dma_wait3A_257, %dma_wait3A_258] : memref<20000x64xf32, #tpu.memory_space<hbm>> -> memref<20000x64xf32, #tpu.memory_space<hbm>>
    tpu.wait_indirect_dma semaphore(%arg12 : memref<!tpu.dma_semaphore, #tpu.memory_space<semaphore_mem>>) src(%dma_wait3A_259 : memref<20000x64xf32, #tpu.memory_space<hbm>>) dst(%arg8 : memref<80x64xf32, #tpu.memory_space<vmem>>)
    %dma_start3A_260 = arith.constant 248 : i32
    %dma_start3A_261 = arith.constant 0 : i32
    %dma_start3A_262 = tpu.memref_slice %arg6[%dma_start3A_260, %dma_start3A_261] : memref<250x80xi32, #tpu.memory_space<vmem>> -> memref<1x80xi32, #tpu.memory_space<vmem>>
    %dma_start3A_263 = tpu.memref_squeeze %dma_start3A_262 : memref<1x80xi32, #tpu.memory_space<vmem>> -> memref<80xi32, #tpu.memory_space<vmem>>
    %dma_start3A_264 = arith.constant 0 : i32
    %dma_start3A_265 = arith.constant 0 : i32
    %dma_start3A_266 = tpu.memref_slice %arg7[%dma_start3A_264, %dma_start3A_265] : memref<10008x64xf32, #tpu.memory_space<vmem_shared>> -> memref<10008x64xf32, #tpu.memory_space<vmem_shared>>
    tpu.enqueue_indirect_dma source(%arg8 : memref<80x64xf32, #tpu.memory_space<vmem>>) target(%dma_start3A_266 : memref<10008x64xf32, #tpu.memory_space<vmem_shared>>) offsets(%dma_start3A_263 : memref<80xi32, #tpu.memory_space<vmem>>) semaphore(%arg16 : memref<!tpu.dma_semaphore, #tpu.memory_space<semaphore_mem>>) {add = true}
    %dma_wait3A_267 = arith.constant 249 : i32
    %dma_wait3A_268 = arith.constant 0 : i32
    %dma_wait3A_269 = tpu.memref_slice %arg5[%dma_wait3A_267, %dma_wait3A_268] : memref<250x80xi32, #tpu.memory_space<vmem>> -> memref<1x80xi32, #tpu.memory_space<vmem>>
    %dma_wait3A_270 = tpu.memref_squeeze %dma_wait3A_269 : memref<1x80xi32, #tpu.memory_space<vmem>> -> memref<80xi32, #tpu.memory_space<vmem>>
    %dma_wait3A_271 = arith.constant 0 : i32
    %dma_wait3A_272 = arith.constant 0 : i32
    %dma_wait3A_273 = tpu.memref_slice %arg2[%dma_wait3A_271, %dma_wait3A_272] : memref<20000x64xf32, #tpu.memory_space<hbm>> -> memref<20000x64xf32, #tpu.memory_space<hbm>>
    tpu.wait_indirect_dma semaphore(%arg13 : memref<!tpu.dma_semaphore, #tpu.memory_space<semaphore_mem>>) src(%dma_wait3A_273 : memref<20000x64xf32, #tpu.memory_space<hbm>>) dst(%arg9 : memref<80x64xf32, #tpu.memory_space<vmem>>)
    %dma_start3A_274 = arith.constant 249 : i32
    %dma_start3A_275 = arith.constant 0 : i32
    %dma_start3A_276 = tpu.memref_slice %arg6[%dma_start3A_274, %dma_start3A_275] : memref<250x80xi32, #tpu.memory_space<vmem>> -> memref<1x80xi32, #tpu.memory_space<vmem>>
    %dma_start3A_277 = tpu.memref_squeeze %dma_start3A_276 : memref<1x80xi32, #tpu.memory_space<vmem>> -> memref<80xi32, #tpu.memory_space<vmem>>
    %dma_start3A_278 = arith.constant 0 : i32
    %dma_start3A_279 = arith.constant 0 : i32
    %dma_start3A_280 = tpu.memref_slice %arg7[%dma_start3A_278, %dma_start3A_279] : memref<10008x64xf32, #tpu.memory_space<vmem_shared>> -> memref<10008x64xf32, #tpu.memory_space<vmem_shared>>
    tpu.enqueue_indirect_dma source(%arg9 : memref<80x64xf32, #tpu.memory_space<vmem>>) target(%dma_start3A_280 : memref<10008x64xf32, #tpu.memory_space<vmem_shared>>) offsets(%dma_start3A_277 : memref<80xi32, #tpu.memory_space<vmem>>) semaphore(%arg17 : memref<!tpu.dma_semaphore, #tpu.memory_space<semaphore_mem>>) {add = true}
    %dma_wait3A_281 = arith.constant 246 : i32
    %dma_wait3A_282 = arith.constant 0 : i32
    %dma_wait3A_283 = tpu.memref_slice %arg6[%dma_wait3A_281, %dma_wait3A_282] : memref<250x80xi32, #tpu.memory_space<vmem>> -> memref<1x80xi32, #tpu.memory_space<vmem>>
    %dma_wait3A_284 = tpu.memref_squeeze %dma_wait3A_283 : memref<1x80xi32, #tpu.memory_space<vmem>> -> memref<80xi32, #tpu.memory_space<vmem>>
    %dma_wait3A_285 = arith.constant 0 : i32
    %dma_wait3A_286 = arith.constant 0 : i32
    %dma_wait3A_287 = tpu.memref_slice %arg7[%dma_wait3A_285, %dma_wait3A_286] : memref<10008x64xf32, #tpu.memory_space<vmem_shared>> -> memref<10008x64xf32, #tpu.memory_space<vmem_shared>>
    tpu.wait_indirect_dma semaphore(%arg18 : memref<!tpu.dma_semaphore, #tpu.memory_space<semaphore_mem>>) src(%arg10 : memref<80x64xf32, #tpu.memory_space<vmem>>) dst(%dma_wait3A_287 : memref<10008x64xf32, #tpu.memory_space<vmem_shared>>)
    %dma_wait3A_288 = arith.constant 247 : i32
    %dma_wait3A_289 = arith.constant 0 : i32
    %dma_wait3A_290 = tpu.memref_slice %arg6[%dma_wait3A_288, %dma_wait3A_289] : memref<250x80xi32, #tpu.memory_space<vmem>> -> memref<1x80xi32, #tpu.memory_space<vmem>>
    %dma_wait3A_291 = tpu.memref_squeeze %dma_wait3A_290 : memref<1x80xi32, #tpu.memory_space<vmem>> -> memref<80xi32, #tpu.memory_space<vmem>>
    %dma_wait3A_292 = arith.constant 0 : i32
    %dma_wait3A_293 = arith.constant 0 : i32
    %dma_wait3A_294 = tpu.memref_slice %arg7[%dma_wait3A_292, %dma_wait3A_293] : memref<10008x64xf32, #tpu.memory_space<vmem_shared>> -> memref<10008x64xf32, #tpu.memory_space<vmem_shared>>
    tpu.wait_indirect_dma semaphore(%arg19 : memref<!tpu.dma_semaphore, #tpu.memory_space<semaphore_mem>>) src(%arg11 : memref<80x64xf32, #tpu.memory_space<vmem>>) dst(%dma_wait3A_294 : memref<10008x64xf32, #tpu.memory_space<vmem_shared>>)
    %dma_wait3A_295 = arith.constant 248 : i32
    %dma_wait3A_296 = arith.constant 0 : i32
    %dma_wait3A_297 = tpu.memref_slice %arg6[%dma_wait3A_295, %dma_wait3A_296] : memref<250x80xi32, #tpu.memory_space<vmem>> -> memref<1x80xi32, #tpu.memory_space<vmem>>
    %dma_wait3A_298 = tpu.memref_squeeze %dma_wait3A_297 : memref<1x80xi32, #tpu.memory_space<vmem>> -> memref<80xi32, #tpu.memory_space<vmem>>
    %dma_wait3A_299 = arith.constant 0 : i32
    %dma_wait3A_300 = arith.constant 0 : i32
    %dma_wait3A_301 = tpu.memref_slice %arg7[%dma_wait3A_299, %dma_wait3A_300] : memref<10008x64xf32, #tpu.memory_space<vmem_shared>> -> memref<10008x64xf32, #tpu.memory_space<vmem_shared>>
    tpu.wait_indirect_dma semaphore(%arg16 : memref<!tpu.dma_semaphore, #tpu.memory_space<semaphore_mem>>) src(%arg8 : memref<80x64xf32, #tpu.memory_space<vmem>>) dst(%dma_wait3A_301 : memref<10008x64xf32, #tpu.memory_space<vmem_shared>>)
    %dma_wait3A_302 = arith.constant 249 : i32
    %dma_wait3A_303 = arith.constant 0 : i32
    %dma_wait3A_304 = tpu.memref_slice %arg6[%dma_wait3A_302, %dma_wait3A_303] : memref<250x80xi32, #tpu.memory_space<vmem>> -> memref<1x80xi32, #tpu.memory_space<vmem>>
    %dma_wait3A_305 = tpu.memref_squeeze %dma_wait3A_304 : memref<1x80xi32, #tpu.memory_space<vmem>> -> memref<80xi32, #tpu.memory_space<vmem>>
    %dma_wait3A_306 = arith.constant 0 : i32
    %dma_wait3A_307 = arith.constant 0 : i32
    %dma_wait3A_308 = tpu.memref_slice %arg7[%dma_wait3A_306, %dma_wait3A_307] : memref<10008x64xf32, #tpu.memory_space<vmem_shared>> -> memref<10008x64xf32, #tpu.memory_space<vmem_shared>>
    tpu.wait_indirect_dma semaphore(%arg17 : memref<!tpu.dma_semaphore, #tpu.memory_space<semaphore_mem>>) src(%arg9 : memref<80x64xf32, #tpu.memory_space<vmem>>) dst(%dma_wait3A_308 : memref<10008x64xf32, #tpu.memory_space<vmem_shared>>)
    %barrier3A_309 = arith.constant 0 : index
    tpu.barrier barrier_id(%barrier3A_309)
    "tpu.region"() ({
      %run_scoped3A_315 = tpu.sem_alloc : memref<!tpu.dma_semaphore, #tpu.memory_space<semaphore_mem>>
      %dma_start3A_316 = arith.constant 0 : i32
      %dma_start3A_317 = arith.constant 0 : i32
      %dma_start3A_318 = tpu.memref_slice %arg4[%arg0, %dma_start3A_316, %dma_start3A_317] : memref<2x10008x64xf32, #tpu.memory_space<hbm>> -> memref<1x10008x64xf32, #tpu.memory_space<hbm>>
      %dma_start3A_319 = tpu.memref_squeeze %dma_start3A_318 : memref<1x10008x64xf32, #tpu.memory_space<hbm>> -> memref<10008x64xf32, #tpu.memory_space<hbm>>
      %dma_start3A_320 = arith.constant 0 : i32
      %dma_start3A_321 = tpu.memref_slice %dma_start3A_319[%mul3A_7, %dma_start3A_320] : memref<10008x64xf32, #tpu.memory_space<hbm>> -> memref<624x64xf32, #tpu.memory_space<hbm>>
      %dma_start3A_322 = arith.constant 0 : i32
      %dma_start3A_323 = tpu.memref_slice %arg7[%mul3A_7, %dma_start3A_322] : memref<10008x64xf32, #tpu.memory_space<vmem_shared>> -> memref<624x64xf32, #tpu.memory_space<vmem_shared>>
      tpu.enqueue_dma source(%dma_start3A_323 : memref<624x64xf32, #tpu.memory_space<vmem_shared>>) target(%dma_start3A_321 : memref<624x64xf32, #tpu.memory_space<hbm>>) target_semaphore(%run_scoped3A_315 : memref<!tpu.dma_semaphore, #tpu.memory_space<semaphore_mem>>)
      %dma_wait3A_324 = arith.constant 0 : i32
      %dma_wait3A_325 = arith.constant 0 : i32
      %dma_wait3A_326 = tpu.memref_slice %arg4[%arg0, %dma_wait3A_324, %dma_wait3A_325] : memref<2x10008x64xf32, #tpu.memory_space<hbm>> -> memref<1x10008x64xf32, #tpu.memory_space<hbm>>
      %dma_wait3A_327 = tpu.memref_squeeze %dma_wait3A_326 : memref<1x10008x64xf32, #tpu.memory_space<hbm>> -> memref<10008x64xf32, #tpu.memory_space<hbm>>
      %dma_wait3A_328 = arith.constant 0 : i32
      %dma_wait3A_329 = tpu.memref_slice %dma_wait3A_327[%mul3A_7, %dma_wait3A_328] : memref<10008x64xf32, #tpu.memory_space<hbm>> -> memref<624x64xf32, #tpu.memory_space<hbm>>
      %dma_wait3A_330 = arith.constant 0 : i32
      %dma_wait3A_331 = tpu.memref_slice %arg7[%mul3A_7, %dma_wait3A_330] : memref<10008x64xf32, #tpu.memory_space<vmem_shared>> -> memref<624x64xf32, #tpu.memory_space<vmem_shared>>
      tpu.wait_dma2 semaphore(%run_scoped3A_315 : memref<!tpu.dma_semaphore, #tpu.memory_space<semaphore_mem>>) src(%dma_wait3A_331 : memref<624x64xf32, #tpu.memory_space<vmem_shared>>) dst(%dma_wait3A_329 : memref<624x64xf32, #tpu.memory_space<hbm>>)
      tpu.yield
    }) : () -> ()
    %eq3A_310 = arith.constant 15 : i32
    %eq3A_311 = arith.cmpi eq, %arg1, %eq3A_310 : i32
    %convert_element_type3A_312 = arith.extui %eq3A_311 : i1 to i32
    %cond3A_313 = arith.constant 0 : i32
    %cond3A_314 = arith.cmpi ne, %convert_element_type3A_312, %cond3A_313 : i32
    scf.if %cond3A_314 {
      "tpu.region"() ({
        %run_scoped3A_315 = tpu.sem_alloc : memref<!tpu.dma_semaphore, #tpu.memory_space<semaphore_mem>>
        %dma_start3A_316 = arith.constant 0 : i32
        %dma_start3A_317 = arith.constant 0 : i32
        %dma_start3A_318 = tpu.memref_slice %arg4[%arg0, %dma_start3A_316, %dma_start3A_317] : memref<2x10008x64xf32, #tpu.memory_space<hbm>> -> memref<1x10008x64xf32, #tpu.memory_space<hbm>>
        %dma_start3A_319 = tpu.memref_squeeze %dma_start3A_318 : memref<1x10008x64xf32, #tpu.memory_space<hbm>> -> memref<10008x64xf32, #tpu.memory_space<hbm>>
        %dma_start3A_320 = arith.constant 9984 : i32
        %dma_start3A_321 = arith.constant 0 : i32
        %dma_start3A_322 = tpu.memref_slice %dma_start3A_319[%dma_start3A_320, %dma_start3A_321] : memref<10008x64xf32, #tpu.memory_space<hbm>> -> memref<24x64xf32, #tpu.memory_space<hbm>>
        %dma_start3A_323 = arith.constant 9984 : i32
        %dma_start3A_324 = arith.constant 0 : i32
        %dma_start3A_325 = tpu.memref_slice %arg7[%dma_start3A_323, %dma_start3A_324] : memref<10008x64xf32, #tpu.memory_space<vmem_shared>> -> memref<24x64xf32, #tpu.memory_space<vmem_shared>>
        tpu.enqueue_dma source(%dma_start3A_325 : memref<24x64xf32, #tpu.memory_space<vmem_shared>>) target(%dma_start3A_322 : memref<24x64xf32, #tpu.memory_space<hbm>>) target_semaphore(%run_scoped3A_315 : memref<!tpu.dma_semaphore, #tpu.memory_space<semaphore_mem>>)
        %dma_wait3A_326 = arith.constant 0 : i32
        %dma_wait3A_327 = arith.constant 0 : i32
        %dma_wait3A_328 = tpu.memref_slice %arg4[%arg0, %dma_wait3A_326, %dma_wait3A_327] : memref<2x10008x64xf32, #tpu.memory_space<hbm>> -> memref<1x10008x64xf32, #tpu.memory_space<hbm>>
        %dma_wait3A_329 = tpu.memref_squeeze %dma_wait3A_328 : memref<1x10008x64xf32, #tpu.memory_space<hbm>> -> memref<10008x64xf32, #tpu.memory_space<hbm>>
        %dma_wait3A_330 = arith.constant 9984 : i32
        %dma_wait3A_331 = arith.constant 0 : i32
        %dma_wait3A_332 = tpu.memref_slice %dma_wait3A_329[%dma_wait3A_330, %dma_wait3A_331] : memref<10008x64xf32, #tpu.memory_space<hbm>> -> memref<24x64xf32, #tpu.memory_space<hbm>>
        %dma_wait3A_333 = arith.constant 9984 : i32
        %dma_wait3A_334 = arith.constant 0 : i32
        %dma_wait3A_335 = tpu.memref_slice %arg7[%dma_wait3A_333, %dma_wait3A_334] : memref<10008x64xf32, #tpu.memory_space<vmem_shared>> -> memref<24x64xf32, #tpu.memory_space<vmem_shared>>
        tpu.wait_dma2 semaphore(%run_scoped3A_315 : memref<!tpu.dma_semaphore, #tpu.memory_space<semaphore_mem>>) src(%dma_wait3A_335 : memref<24x64xf32, #tpu.memory_space<vmem_shared>>) dst(%dma_wait3A_332 : memref<24x64xf32, #tpu.memory_space<hbm>>)
        tpu.yield
      }) : () -> ()
    } else {
    }
    return
  }
}

#map = affine_map<(d0, d1) -> (0, 0)>
#map1 = affine_map<(d0, d1) -> (0, 0, 0)>
module attributes {stable_mosaic.version = 14 : i64} {
  func.func @body(%arg0: i32, %arg1: i32, %arg2: memref<20000x64xf32, #tpu.memory_space<hbm>>, %arg3: memref<2x4000x80xi32, #tpu.memory_space<hbm>>, %arg4: memref<80x16xf32, #tpu.memory_space<hbm>>, %arg5: memref<80x16xf32, #tpu.memory_space<hbm>>, %arg6: memref<2x10008x64xf32, #tpu.memory_space<hbm>>, %arg7: memref<10008x16xf32, #tpu.memory_space<hbm>>, %arg8: memref<250x80xi32, #tpu.memory_space<vmem>>, %arg9: memref<250x80xi32, #tpu.memory_space<vmem>>, %arg10: memref<10008x64xf32, #tpu.memory_space<vmem_shared>>, %arg11: memref<80x64xf32, #tpu.memory_space<vmem>>, %arg12: memref<80x64xf32, #tpu.memory_space<vmem>>, %arg13: memref<80x64xf32, #tpu.memory_space<vmem>>, %arg14: memref<80x64xf32, #tpu.memory_space<vmem>>, %arg15: memref<!tpu.dma_semaphore, #tpu.memory_space<semaphore_mem>>, %arg16: memref<!tpu.dma_semaphore, #tpu.memory_space<semaphore_mem>>, %arg17: memref<!tpu.dma_semaphore, #tpu.memory_space<semaphore_mem>>, %arg18: memref<!tpu.dma_semaphore, #tpu.memory_space<semaphore_mem>>, %arg19: memref<!tpu.dma_semaphore, #tpu.memory_space<semaphore_mem>>, %arg20: memref<!tpu.dma_semaphore, #tpu.memory_space<semaphore_mem>>, %arg21: memref<!tpu.dma_semaphore, #tpu.memory_space<semaphore_mem>>, %arg22: memref<!tpu.dma_semaphore, #tpu.memory_space<semaphore_mem>>, %arg23: memref<!tpu.dma_semaphore, #tpu.memory_space<semaphore_mem>>, %arg24: memref<80x16xf32, #tpu.memory_space<vmem>>, %arg25: memref<80x16xf32, #tpu.memory_space<vmem>>, %arg26: memref<10008x16xf32, #tpu.memory_space<vmem_shared>>, %arg27: memref<!tpu.dma_semaphore, #tpu.memory_space<semaphore_mem>>) attributes {dimension_semantics = [#tpu.dimension_semantics<core_parallel>, #tpu.dimension_semantics<subcore_parallel>], iteration_bounds = array<i64: 2, 16>, scalar_prefetch = 0 : i64, scratch_operands = 20 : i64, tpu.core_type = #tpu.core_type<sc_vector_subcore>, window_params = [{transform_indices = #map}, {transform_indices = #map1}, {transform_indices = #map}, {transform_indices = #map}, {transform_indices = #map1}, {transform_indices = #map}]} {
    %broadcast_in_dim3A = arith.constant 0.000000e+00 : f32
    %broadcast_in_dim3A_0 = vector.broadcast %broadcast_in_dim3A : f32 to vector<16xf32>
    %scan3A = arith.constant 0 : i32
    %scan3A_1 = arith.constant 0 : i32
    %scan3A_2 = arith.constant 80 : i32
    %scan3A_3 = arith.addi %scan3A_1, %scan3A_2 : i32
    %scan3A_4 = arith.constant 1 : i32
    %scan3A_5 = scf.for %scan3A_345 = %scan3A_1 to %scan3A_3 step %scan3A_4 iter_args(%scan3A_346 = %scan3A) -> (i32)  : i32 {
      %swap3A = arith.index_cast %scan3A_345 : i32 to index
      %swap3A_347 = arith.constant 0 : index
      %swap3A_348 = tpu.vector_load %arg11[%swap3A, %swap3A_347] {strides = array<i32>} : memref<80x64xf32, #tpu.memory_space<vmem>>, vector<1x16xf32>,
      %swap3A_349 = vector.shape_cast %swap3A_348 : vector<1x16xf32> to vector<16xf32>
      %swap3A_350 = vector.shape_cast %broadcast_in_dim3A_0 : vector<16xf32> to vector<1x16xf32>
      tpu.vector_store %arg11[%swap3A, %swap3A_347], %swap3A_350 {strides = array<i32>} : memref<80x64xf32, #tpu.memory_space<vmem>>, vector<1x16xf32>,
      %swap3A_351 = arith.index_cast %scan3A_345 : i32 to index
      %swap3A_352 = arith.constant 16 : index
      %swap3A_353 = tpu.vector_load %arg11[%swap3A_351, %swap3A_352] {strides = array<i32>} : memref<80x64xf32, #tpu.memory_space<vmem>>, vector<1x16xf32>,
      %swap3A_354 = vector.shape_cast %swap3A_353 : vector<1x16xf32> to vector<16xf32>
      %swap3A_355 = vector.shape_cast %broadcast_in_dim3A_0 : vector<16xf32> to vector<1x16xf32>
      tpu.vector_store %arg11[%swap3A_351, %swap3A_352], %swap3A_355 {strides = array<i32>} : memref<80x64xf32, #tpu.memory_space<vmem>>, vector<1x16xf32>,
      %swap3A_356 = arith.index_cast %scan3A_345 : i32 to index
      %swap3A_357 = arith.constant 32 : index
      %swap3A_358 = tpu.vector_load %arg11[%swap3A_356, %swap3A_357] {strides = array<i32>} : memref<80x64xf32, #tpu.memory_space<vmem>>, vector<1x16xf32>,
      %swap3A_359 = vector.shape_cast %swap3A_358 : vector<1x16xf32> to vector<16xf32>
      %swap3A_360 = vector.shape_cast %broadcast_in_dim3A_0 : vector<16xf32> to vector<1x16xf32>
      tpu.vector_store %arg11[%swap3A_356, %swap3A_357], %swap3A_360 {strides = array<i32>} : memref<80x64xf32, #tpu.memory_space<vmem>>, vector<1x16xf32>,
      %swap3A_361 = arith.index_cast %scan3A_345 : i32 to index
      %swap3A_362 = arith.constant 48 : index
      %swap3A_363 = tpu.vector_load %arg11[%swap3A_361, %swap3A_362] {strides = array<i32>} : memref<80x64xf32, #tpu.memory_space<vmem>>, vector<1x16xf32>,
      %swap3A_364 = vector.shape_cast %swap3A_363 : vector<1x16xf32> to vector<16xf32>
      %swap3A_365 = vector.shape_cast %broadcast_in_dim3A_0 : vector<16xf32> to vector<1x16xf32>
      tpu.vector_store %arg11[%swap3A_361, %swap3A_362], %swap3A_365 {strides = array<i32>} : memref<80x64xf32, #tpu.memory_space<vmem>>, vector<1x16xf32>,
      %scan3A_366 = arith.constant 0 : i32
      scf.yield %scan3A_366 : i32
    }
    %scan3A_6 = arith.constant 80 : i32
    %mul3A = arith.constant 624 : i32
    %mul3A_7 = arith.muli %arg1, %mul3A : i32
    "tpu.region"() ({
      %run_scoped3A_345 = tpu.sem_alloc : memref<!tpu.dma_semaphore, #tpu.memory_space<semaphore_mem>>
      tpu.enqueue_dma source(%arg4 : memref<80x16xf32, #tpu.memory_space<hbm>>) target(%arg24 : memref<80x16xf32, #tpu.memory_space<vmem>>) target_semaphore(%run_scoped3A_345 : memref<!tpu.dma_semaphore, #tpu.memory_space<semaphore_mem>>)
      tpu.wait_dma2 semaphore(%run_scoped3A_345 : memref<!tpu.dma_semaphore, #tpu.memory_space<semaphore_mem>>) src(%arg4 : memref<80x16xf32, #tpu.memory_space<hbm>>) dst(%arg24 : memref<80x16xf32, #tpu.memory_space<vmem>>)
      tpu.yield
    }) : () -> ()
    "tpu.region"() ({
      %run_scoped3A_345 = tpu.sem_alloc : memref<!tpu.dma_semaphore, #tpu.memory_space<semaphore_mem>>
      tpu.enqueue_dma source(%arg5 : memref<80x16xf32, #tpu.memory_space<hbm>>) target(%arg25 : memref<80x16xf32, #tpu.memory_space<vmem>>) target_semaphore(%run_scoped3A_345 : memref<!tpu.dma_semaphore, #tpu.memory_space<semaphore_mem>>)
      tpu.wait_dma2 semaphore(%run_scoped3A_345 : memref<!tpu.dma_semaphore, #tpu.memory_space<semaphore_mem>>) src(%arg5 : memref<80x16xf32, #tpu.memory_space<hbm>>) dst(%arg25 : memref<80x16xf32, #tpu.memory_space<vmem>>)
      tpu.yield
    }) : () -> ()
    %add3A = arith.constant 0 : i32
    %add3A_8 = arith.addi %mul3A_7, %add3A : i32
    %dma_start3A = arith.constant 0 : i32
    %dma_start3A_9 = arith.constant 0 : i32
    %dma_start3A_10 = tpu.memref_slice %arg11[%dma_start3A, %dma_start3A_9] : memref<80x64xf32, #tpu.memory_space<vmem>> -> memref<80x64xf32, #tpu.memory_space<vmem>>
    %dma_start3A_11 = arith.constant 0 : i32
    %dma_start3A_12 = tpu.memref_slice %arg10[%add3A_8, %dma_start3A_11] : memref<10008x64xf32, #tpu.memory_space<vmem_shared>> -> memref<80x64xf32, #tpu.memory_space<vmem_shared>>
    %dma_start3A_13 = arith.constant 0 : i32
    %dma_start3A_14 = tpu.memref_slice %arg10[%add3A_8, %dma_start3A_13] : memref<10008x64xf32, #tpu.memory_space<vmem_shared>> -> memref<80x64xf32, #tpu.memory_space<vmem_shared>>
    %dma_start3A_15 = arith.constant 0 : i32
    %dma_start3A_16 = arith.constant 0 : i32
    %dma_start3A_17 = tpu.memref_slice %arg11[%dma_start3A_15, %dma_start3A_16] : memref<80x64xf32, #tpu.memory_space<vmem>> -> memref<80x64xf32, #tpu.memory_space<vmem>>
    tpu.enqueue_dma source(%dma_start3A_17 : memref<80x64xf32, #tpu.memory_space<vmem>>) target(%dma_start3A_14 : memref<80x64xf32, #tpu.memory_space<vmem_shared>>) target_semaphore(%arg23 : memref<!tpu.dma_semaphore, #tpu.memory_space<semaphore_mem>>)
    %add3A_18 = arith.constant 80 : i32
    %add3A_19 = arith.addi %mul3A_7, %add3A_18 : i32
    %dma_start3A_20 = arith.constant 0 : i32
    %dma_start3A_21 = arith.constant 0 : i32
    %dma_start3A_22 = tpu.memref_slice %arg11[%dma_start3A_20, %dma_start3A_21] : memref<80x64xf32, #tpu.memory_space<vmem>> -> memref<80x64xf32, #tpu.memory_space<vmem>>
    %dma_start3A_23 = arith.constant 0 : i32
    %dma_start3A_24 = tpu.memref_slice %arg10[%add3A_19, %dma_start3A_23] : memref<10008x64xf32, #tpu.memory_space<vmem_shared>> -> memref<80x64xf32, #tpu.memory_space<vmem_shared>>
    %dma_start3A_25 = arith.constant 0 : i32
    %dma_start3A_26 = tpu.memref_slice %arg10[%add3A_19, %dma_start3A_25] : memref<10008x64xf32, #tpu.memory_space<vmem_shared>> -> memref<80x64xf32, #tpu.memory_space<vmem_shared>>
    %dma_start3A_27 = arith.constant 0 : i32
    %dma_start3A_28 = arith.constant 0 : i32
    %dma_start3A_29 = tpu.memref_slice %arg11[%dma_start3A_27, %dma_start3A_28] : memref<80x64xf32, #tpu.memory_space<vmem>> -> memref<80x64xf32, #tpu.memory_space<vmem>>
    tpu.enqueue_dma source(%dma_start3A_29 : memref<80x64xf32, #tpu.memory_space<vmem>>) target(%dma_start3A_26 : memref<80x64xf32, #tpu.memory_space<vmem_shared>>) target_semaphore(%arg23 : memref<!tpu.dma_semaphore, #tpu.memory_space<semaphore_mem>>)
    %add3A_30 = arith.constant 160 : i32
    %add3A_31 = arith.addi %mul3A_7, %add3A_30 : i32
    %dma_start3A_32 = arith.constant 0 : i32
    %dma_start3A_33 = arith.constant 0 : i32
    %dma_start3A_34 = tpu.memref_slice %arg11[%dma_start3A_32, %dma_start3A_33] : memref<80x64xf32, #tpu.memory_space<vmem>> -> memref<80x64xf32, #tpu.memory_space<vmem>>
    %dma_start3A_35 = arith.constant 0 : i32
    %dma_start3A_36 = tpu.memref_slice %arg10[%add3A_31, %dma_start3A_35] : memref<10008x64xf32, #tpu.memory_space<vmem_shared>> -> memref<80x64xf32, #tpu.memory_space<vmem_shared>>
    %dma_start3A_37 = arith.constant 0 : i32
    %dma_start3A_38 = tpu.memref_slice %arg10[%add3A_31, %dma_start3A_37] : memref<10008x64xf32, #tpu.memory_space<vmem_shared>> -> memref<80x64xf32, #tpu.memory_space<vmem_shared>>
    %dma_start3A_39 = arith.constant 0 : i32
    %dma_start3A_40 = arith.constant 0 : i32
    %dma_start3A_41 = tpu.memref_slice %arg11[%dma_start3A_39, %dma_start3A_40] : memref<80x64xf32, #tpu.memory_space<vmem>> -> memref<80x64xf32, #tpu.memory_space<vmem>>
    tpu.enqueue_dma source(%dma_start3A_41 : memref<80x64xf32, #tpu.memory_space<vmem>>) target(%dma_start3A_38 : memref<80x64xf32, #tpu.memory_space<vmem_shared>>) target_semaphore(%arg23 : memref<!tpu.dma_semaphore, #tpu.memory_space<semaphore_mem>>)
    %add3A_42 = arith.constant 240 : i32
    %add3A_43 = arith.addi %mul3A_7, %add3A_42 : i32
    %dma_start3A_44 = arith.constant 0 : i32
    %dma_start3A_45 = arith.constant 0 : i32
    %dma_start3A_46 = tpu.memref_slice %arg11[%dma_start3A_44, %dma_start3A_45] : memref<80x64xf32, #tpu.memory_space<vmem>> -> memref<80x64xf32, #tpu.memory_space<vmem>>
    %dma_start3A_47 = arith.constant 0 : i32
    %dma_start3A_48 = tpu.memref_slice %arg10[%add3A_43, %dma_start3A_47] : memref<10008x64xf32, #tpu.memory_space<vmem_shared>> -> memref<80x64xf32, #tpu.memory_space<vmem_shared>>
    %dma_start3A_49 = arith.constant 0 : i32
    %dma_start3A_50 = tpu.memref_slice %arg10[%add3A_43, %dma_start3A_49] : memref<10008x64xf32, #tpu.memory_space<vmem_shared>> -> memref<80x64xf32, #tpu.memory_space<vmem_shared>>
    %dma_start3A_51 = arith.constant 0 : i32
    %dma_start3A_52 = arith.constant 0 : i32
    %dma_start3A_53 = tpu.memref_slice %arg11[%dma_start3A_51, %dma_start3A_52] : memref<80x64xf32, #tpu.memory_space<vmem>> -> memref<80x64xf32, #tpu.memory_space<vmem>>
    tpu.enqueue_dma source(%dma_start3A_53 : memref<80x64xf32, #tpu.memory_space<vmem>>) target(%dma_start3A_50 : memref<80x64xf32, #tpu.memory_space<vmem_shared>>) target_semaphore(%arg23 : memref<!tpu.dma_semaphore, #tpu.memory_space<semaphore_mem>>)
    %add3A_54 = arith.constant 320 : i32
    %add3A_55 = arith.addi %mul3A_7, %add3A_54 : i32
    %dma_start3A_56 = arith.constant 0 : i32
    %dma_start3A_57 = arith.constant 0 : i32
    %dma_start3A_58 = tpu.memref_slice %arg11[%dma_start3A_56, %dma_start3A_57] : memref<80x64xf32, #tpu.memory_space<vmem>> -> memref<80x64xf32, #tpu.memory_space<vmem>>
    %dma_start3A_59 = arith.constant 0 : i32
    %dma_start3A_60 = tpu.memref_slice %arg10[%add3A_55, %dma_start3A_59] : memref<10008x64xf32, #tpu.memory_space<vmem_shared>> -> memref<80x64xf32, #tpu.memory_space<vmem_shared>>
    %dma_start3A_61 = arith.constant 0 : i32
    %dma_start3A_62 = tpu.memref_slice %arg10[%add3A_55, %dma_start3A_61] : memref<10008x64xf32, #tpu.memory_space<vmem_shared>> -> memref<80x64xf32, #tpu.memory_space<vmem_shared>>
    %dma_start3A_63 = arith.constant 0 : i32
    %dma_start3A_64 = arith.constant 0 : i32
    %dma_start3A_65 = tpu.memref_slice %arg11[%dma_start3A_63, %dma_start3A_64] : memref<80x64xf32, #tpu.memory_space<vmem>> -> memref<80x64xf32, #tpu.memory_space<vmem>>
    tpu.enqueue_dma source(%dma_start3A_65 : memref<80x64xf32, #tpu.memory_space<vmem>>) target(%dma_start3A_62 : memref<80x64xf32, #tpu.memory_space<vmem_shared>>) target_semaphore(%arg23 : memref<!tpu.dma_semaphore, #tpu.memory_space<semaphore_mem>>)
    %add3A_66 = arith.constant 400 : i32
    %add3A_67 = arith.addi %mul3A_7, %add3A_66 : i32
    %dma_start3A_68 = arith.constant 0 : i32
    %dma_start3A_69 = arith.constant 0 : i32
    %dma_start3A_70 = tpu.memref_slice %arg11[%dma_start3A_68, %dma_start3A_69] : memref<80x64xf32, #tpu.memory_space<vmem>> -> memref<80x64xf32, #tpu.memory_space<vmem>>
    %dma_start3A_71 = arith.constant 0 : i32
    %dma_start3A_72 = tpu.memref_slice %arg10[%add3A_67, %dma_start3A_71] : memref<10008x64xf32, #tpu.memory_space<vmem_shared>> -> memref<80x64xf32, #tpu.memory_space<vmem_shared>>
    %dma_start3A_73 = arith.constant 0 : i32
    %dma_start3A_74 = tpu.memref_slice %arg10[%add3A_67, %dma_start3A_73] : memref<10008x64xf32, #tpu.memory_space<vmem_shared>> -> memref<80x64xf32, #tpu.memory_space<vmem_shared>>
    %dma_start3A_75 = arith.constant 0 : i32
    %dma_start3A_76 = arith.constant 0 : i32
    %dma_start3A_77 = tpu.memref_slice %arg11[%dma_start3A_75, %dma_start3A_76] : memref<80x64xf32, #tpu.memory_space<vmem>> -> memref<80x64xf32, #tpu.memory_space<vmem>>
    tpu.enqueue_dma source(%dma_start3A_77 : memref<80x64xf32, #tpu.memory_space<vmem>>) target(%dma_start3A_74 : memref<80x64xf32, #tpu.memory_space<vmem_shared>>) target_semaphore(%arg23 : memref<!tpu.dma_semaphore, #tpu.memory_space<semaphore_mem>>)
    %add3A_78 = arith.constant 480 : i32
    %add3A_79 = arith.addi %mul3A_7, %add3A_78 : i32
    %dma_start3A_80 = arith.constant 0 : i32
    %dma_start3A_81 = arith.constant 0 : i32
    %dma_start3A_82 = tpu.memref_slice %arg11[%dma_start3A_80, %dma_start3A_81] : memref<80x64xf32, #tpu.memory_space<vmem>> -> memref<80x64xf32, #tpu.memory_space<vmem>>
    %dma_start3A_83 = arith.constant 0 : i32
    %dma_start3A_84 = tpu.memref_slice %arg10[%add3A_79, %dma_start3A_83] : memref<10008x64xf32, #tpu.memory_space<vmem_shared>> -> memref<80x64xf32, #tpu.memory_space<vmem_shared>>
    %dma_start3A_85 = arith.constant 0 : i32
    %dma_start3A_86 = tpu.memref_slice %arg10[%add3A_79, %dma_start3A_85] : memref<10008x64xf32, #tpu.memory_space<vmem_shared>> -> memref<80x64xf32, #tpu.memory_space<vmem_shared>>
    %dma_start3A_87 = arith.constant 0 : i32
    %dma_start3A_88 = arith.constant 0 : i32
    %dma_start3A_89 = tpu.memref_slice %arg11[%dma_start3A_87, %dma_start3A_88] : memref<80x64xf32, #tpu.memory_space<vmem>> -> memref<80x64xf32, #tpu.memory_space<vmem>>
    tpu.enqueue_dma source(%dma_start3A_89 : memref<80x64xf32, #tpu.memory_space<vmem>>) target(%dma_start3A_86 : memref<80x64xf32, #tpu.memory_space<vmem_shared>>) target_semaphore(%arg23 : memref<!tpu.dma_semaphore, #tpu.memory_space<semaphore_mem>>)
    %add3A_90 = arith.constant 560 : i32
    %add3A_91 = arith.addi %mul3A_7, %add3A_90 : i32
    %dma_start3A_92 = arith.constant 0 : i32
    %dma_start3A_93 = arith.constant 0 : i32
    %dma_start3A_94 = tpu.memref_slice %arg11[%dma_start3A_92, %dma_start3A_93] : memref<80x64xf32, #tpu.memory_space<vmem>> -> memref<64x64xf32, #tpu.memory_space<vmem>>
    %dma_start3A_95 = arith.constant 0 : i32
    %dma_start3A_96 = tpu.memref_slice %arg10[%add3A_91, %dma_start3A_95] : memref<10008x64xf32, #tpu.memory_space<vmem_shared>> -> memref<64x64xf32, #tpu.memory_space<vmem_shared>>
    %dma_start3A_97 = arith.constant 0 : i32
    %dma_start3A_98 = tpu.memref_slice %arg10[%add3A_91, %dma_start3A_97] : memref<10008x64xf32, #tpu.memory_space<vmem_shared>> -> memref<64x64xf32, #tpu.memory_space<vmem_shared>>
    %dma_start3A_99 = arith.constant 0 : i32
    %dma_start3A_100 = arith.constant 0 : i32
    %dma_start3A_101 = tpu.memref_slice %arg11[%dma_start3A_99, %dma_start3A_100] : memref<80x64xf32, #tpu.memory_space<vmem>> -> memref<64x64xf32, #tpu.memory_space<vmem>>
    tpu.enqueue_dma source(%dma_start3A_101 : memref<64x64xf32, #tpu.memory_space<vmem>>) target(%dma_start3A_98 : memref<64x64xf32, #tpu.memory_space<vmem_shared>>) target_semaphore(%arg23 : memref<!tpu.dma_semaphore, #tpu.memory_space<semaphore_mem>>)
    %eq3A = arith.constant 15 : i32
    %eq3A_102 = arith.cmpi eq, %arg1, %eq3A : i32
    %convert_element_type3A = arith.extui %eq3A_102 : i1 to i32
    %cond3A = arith.constant 0 : i32
    %cond3A_103 = arith.cmpi ne, %convert_element_type3A, %cond3A : i32
    scf.if %cond3A_103 {
      %dma_start3A_345 = arith.constant 0 : i32
      %dma_start3A_346 = arith.constant 0 : i32
      %dma_start3A_347 = tpu.memref_slice %arg11[%dma_start3A_345, %dma_start3A_346] : memref<80x64xf32, #tpu.memory_space<vmem>> -> memref<24x64xf32, #tpu.memory_space<vmem>>
      %dma_start3A_348 = arith.constant 9984 : i32
      %dma_start3A_349 = arith.constant 0 : i32
      %dma_start3A_350 = tpu.memref_slice %arg10[%dma_start3A_348, %dma_start3A_349] : memref<10008x64xf32, #tpu.memory_space<vmem_shared>> -> memref<24x64xf32, #tpu.memory_space<vmem_shared>>
      %dma_start3A_351 = arith.constant 9984 : i32
      %dma_start3A_352 = arith.constant 0 : i32
      %dma_start3A_353 = tpu.memref_slice %arg10[%dma_start3A_351, %dma_start3A_352] : memref<10008x64xf32, #tpu.memory_space<vmem_shared>> -> memref<24x64xf32, #tpu.memory_space<vmem_shared>>
      %dma_start3A_354 = arith.constant 0 : i32
      %dma_start3A_355 = arith.constant 0 : i32
      %dma_start3A_356 = tpu.memref_slice %arg11[%dma_start3A_354, %dma_start3A_355] : memref<80x64xf32, #tpu.memory_space<vmem>> -> memref<24x64xf32, #tpu.memory_space<vmem>>
      tpu.enqueue_dma source(%dma_start3A_356 : memref<24x64xf32, #tpu.memory_space<vmem>>) target(%dma_start3A_353 : memref<24x64xf32, #tpu.memory_space<vmem_shared>>) target_semaphore(%arg23 : memref<!tpu.dma_semaphore, #tpu.memory_space<semaphore_mem>>)
    } else {
    }
    %eq3A_104 = arith.constant 0 : i32
    %eq3A_105 = arith.cmpi eq, %arg0, %eq3A_104 : i32
    %convert_element_type3A_106 = arith.extui %eq3A_105 : i1 to i32
    %cond3A_107 = arith.constant 0 : i32
    %cond3A_108 = arith.cmpi ne, %convert_element_type3A_106, %cond3A_107 : i32
    scf.if %cond3A_108 {
      %add3A_345 = arith.constant 0 : i32
      %add3A_346 = arith.addi %mul3A_7, %add3A_345 : i32
      %dma_start3A_347 = arith.constant 0 : i32
      %dma_start3A_348 = arith.constant 0 : i32
      %dma_start3A_349 = tpu.memref_slice %arg25[%dma_start3A_347, %dma_start3A_348] : memref<80x16xf32, #tpu.memory_space<vmem>> -> memref<80x16xf32, #tpu.memory_space<vmem>>
      %dma_start3A_350 = arith.constant 0 : i32
      %dma_start3A_351 = tpu.memref_slice %arg26[%add3A_346, %dma_start3A_350] : memref<10008x16xf32, #tpu.memory_space<vmem_shared>> -> memref<80x16xf32, #tpu.memory_space<vmem_shared>>
      %dma_start3A_352 = arith.constant 0 : i32
      %dma_start3A_353 = tpu.memref_slice %arg26[%add3A_346, %dma_start3A_352] : memref<10008x16xf32, #tpu.memory_space<vmem_shared>> -> memref<80x16xf32, #tpu.memory_space<vmem_shared>>
      %dma_start3A_354 = arith.constant 0 : i32
      %dma_start3A_355 = arith.constant 0 : i32
      %dma_start3A_356 = tpu.memref_slice %arg25[%dma_start3A_354, %dma_start3A_355] : memref<80x16xf32, #tpu.memory_space<vmem>> -> memref<80x16xf32, #tpu.memory_space<vmem>>
      tpu.enqueue_dma source(%dma_start3A_356 : memref<80x16xf32, #tpu.memory_space<vmem>>) target(%dma_start3A_353 : memref<80x16xf32, #tpu.memory_space<vmem_shared>>) target_semaphore(%arg23 : memref<!tpu.dma_semaphore, #tpu.memory_space<semaphore_mem>>)
      %add3A_357 = arith.constant 80 : i32
      %add3A_358 = arith.addi %mul3A_7, %add3A_357 : i32
      %dma_start3A_359 = arith.constant 0 : i32
      %dma_start3A_360 = arith.constant 0 : i32
      %dma_start3A_361 = tpu.memref_slice %arg25[%dma_start3A_359, %dma_start3A_360] : memref<80x16xf32, #tpu.memory_space<vmem>> -> memref<80x16xf32, #tpu.memory_space<vmem>>
      %dma_start3A_362 = arith.constant 0 : i32
      %dma_start3A_363 = tpu.memref_slice %arg26[%add3A_358, %dma_start3A_362] : memref<10008x16xf32, #tpu.memory_space<vmem_shared>> -> memref<80x16xf32, #tpu.memory_space<vmem_shared>>
      %dma_start3A_364 = arith.constant 0 : i32
      %dma_start3A_365 = tpu.memref_slice %arg26[%add3A_358, %dma_start3A_364] : memref<10008x16xf32, #tpu.memory_space<vmem_shared>> -> memref<80x16xf32, #tpu.memory_space<vmem_shared>>
      %dma_start3A_366 = arith.constant 0 : i32
      %dma_start3A_367 = arith.constant 0 : i32
      %dma_start3A_368 = tpu.memref_slice %arg25[%dma_start3A_366, %dma_start3A_367] : memref<80x16xf32, #tpu.memory_space<vmem>> -> memref<80x16xf32, #tpu.memory_space<vmem>>
      tpu.enqueue_dma source(%dma_start3A_368 : memref<80x16xf32, #tpu.memory_space<vmem>>) target(%dma_start3A_365 : memref<80x16xf32, #tpu.memory_space<vmem_shared>>) target_semaphore(%arg23 : memref<!tpu.dma_semaphore, #tpu.memory_space<semaphore_mem>>)
      %add3A_369 = arith.constant 160 : i32
      %add3A_370 = arith.addi %mul3A_7, %add3A_369 : i32
      %dma_start3A_371 = arith.constant 0 : i32
      %dma_start3A_372 = arith.constant 0 : i32
      %dma_start3A_373 = tpu.memref_slice %arg25[%dma_start3A_371, %dma_start3A_372] : memref<80x16xf32, #tpu.memory_space<vmem>> -> memref<80x16xf32, #tpu.memory_space<vmem>>
      %dma_start3A_374 = arith.constant 0 : i32
      %dma_start3A_375 = tpu.memref_slice %arg26[%add3A_370, %dma_start3A_374] : memref<10008x16xf32, #tpu.memory_space<vmem_shared>> -> memref<80x16xf32, #tpu.memory_space<vmem_shared>>
      %dma_start3A_376 = arith.constant 0 : i32
      %dma_start3A_377 = tpu.memref_slice %arg26[%add3A_370, %dma_start3A_376] : memref<10008x16xf32, #tpu.memory_space<vmem_shared>> -> memref<80x16xf32, #tpu.memory_space<vmem_shared>>
      %dma_start3A_378 = arith.constant 0 : i32
      %dma_start3A_379 = arith.constant 0 : i32
      %dma_start3A_380 = tpu.memref_slice %arg25[%dma_start3A_378, %dma_start3A_379] : memref<80x16xf32, #tpu.memory_space<vmem>> -> memref<80x16xf32, #tpu.memory_space<vmem>>
      tpu.enqueue_dma source(%dma_start3A_380 : memref<80x16xf32, #tpu.memory_space<vmem>>) target(%dma_start3A_377 : memref<80x16xf32, #tpu.memory_space<vmem_shared>>) target_semaphore(%arg23 : memref<!tpu.dma_semaphore, #tpu.memory_space<semaphore_mem>>)
      %add3A_381 = arith.constant 240 : i32
      %add3A_382 = arith.addi %mul3A_7, %add3A_381 : i32
      %dma_start3A_383 = arith.constant 0 : i32
      %dma_start3A_384 = arith.constant 0 : i32
      %dma_start3A_385 = tpu.memref_slice %arg25[%dma_start3A_383, %dma_start3A_384] : memref<80x16xf32, #tpu.memory_space<vmem>> -> memref<80x16xf32, #tpu.memory_space<vmem>>
      %dma_start3A_386 = arith.constant 0 : i32
      %dma_start3A_387 = tpu.memref_slice %arg26[%add3A_382, %dma_start3A_386] : memref<10008x16xf32, #tpu.memory_space<vmem_shared>> -> memref<80x16xf32, #tpu.memory_space<vmem_shared>>
      %dma_start3A_388 = arith.constant 0 : i32
      %dma_start3A_389 = tpu.memref_slice %arg26[%add3A_382, %dma_start3A_388] : memref<10008x16xf32, #tpu.memory_space<vmem_shared>> -> memref<80x16xf32, #tpu.memory_space<vmem_shared>>
      %dma_start3A_390 = arith.constant 0 : i32
      %dma_start3A_391 = arith.constant 0 : i32
      %dma_start3A_392 = tpu.memref_slice %arg25[%dma_start3A_390, %dma_start3A_391] : memref<80x16xf32, #tpu.memory_space<vmem>> -> memref<80x16xf32, #tpu.memory_space<vmem>>
      tpu.enqueue_dma source(%dma_start3A_392 : memref<80x16xf32, #tpu.memory_space<vmem>>) target(%dma_start3A_389 : memref<80x16xf32, #tpu.memory_space<vmem_shared>>) target_semaphore(%arg23 : memref<!tpu.dma_semaphore, #tpu.memory_space<semaphore_mem>>)
      %add3A_393 = arith.constant 320 : i32
      %add3A_394 = arith.addi %mul3A_7, %add3A_393 : i32
      %dma_start3A_395 = arith.constant 0 : i32
      %dma_start3A_396 = arith.constant 0 : i32
      %dma_start3A_397 = tpu.memref_slice %arg25[%dma_start3A_395, %dma_start3A_396] : memref<80x16xf32, #tpu.memory_space<vmem>> -> memref<80x16xf32, #tpu.memory_space<vmem>>
      %dma_start3A_398 = arith.constant 0 : i32
      %dma_start3A_399 = tpu.memref_slice %arg26[%add3A_394, %dma_start3A_398] : memref<10008x16xf32, #tpu.memory_space<vmem_shared>> -> memref<80x16xf32, #tpu.memory_space<vmem_shared>>
      %dma_start3A_400 = arith.constant 0 : i32
      %dma_start3A_401 = tpu.memref_slice %arg26[%add3A_394, %dma_start3A_400] : memref<10008x16xf32, #tpu.memory_space<vmem_shared>> -> memref<80x16xf32, #tpu.memory_space<vmem_shared>>
      %dma_start3A_402 = arith.constant 0 : i32
      %dma_start3A_403 = arith.constant 0 : i32
      %dma_start3A_404 = tpu.memref_slice %arg25[%dma_start3A_402, %dma_start3A_403] : memref<80x16xf32, #tpu.memory_space<vmem>> -> memref<80x16xf32, #tpu.memory_space<vmem>>
      tpu.enqueue_dma source(%dma_start3A_404 : memref<80x16xf32, #tpu.memory_space<vmem>>) target(%dma_start3A_401 : memref<80x16xf32, #tpu.memory_space<vmem_shared>>) target_semaphore(%arg23 : memref<!tpu.dma_semaphore, #tpu.memory_space<semaphore_mem>>)
      %add3A_405 = arith.constant 400 : i32
      %add3A_406 = arith.addi %mul3A_7, %add3A_405 : i32
      %dma_start3A_407 = arith.constant 0 : i32
      %dma_start3A_408 = arith.constant 0 : i32
      %dma_start3A_409 = tpu.memref_slice %arg25[%dma_start3A_407, %dma_start3A_408] : memref<80x16xf32, #tpu.memory_space<vmem>> -> memref<80x16xf32, #tpu.memory_space<vmem>>
      %dma_start3A_410 = arith.constant 0 : i32
      %dma_start3A_411 = tpu.memref_slice %arg26[%add3A_406, %dma_start3A_410] : memref<10008x16xf32, #tpu.memory_space<vmem_shared>> -> memref<80x16xf32, #tpu.memory_space<vmem_shared>>
      %dma_start3A_412 = arith.constant 0 : i32
      %dma_start3A_413 = tpu.memref_slice %arg26[%add3A_406, %dma_start3A_412] : memref<10008x16xf32, #tpu.memory_space<vmem_shared>> -> memref<80x16xf32, #tpu.memory_space<vmem_shared>>
      %dma_start3A_414 = arith.constant 0 : i32
      %dma_start3A_415 = arith.constant 0 : i32
      %dma_start3A_416 = tpu.memref_slice %arg25[%dma_start3A_414, %dma_start3A_415] : memref<80x16xf32, #tpu.memory_space<vmem>> -> memref<80x16xf32, #tpu.memory_space<vmem>>
      tpu.enqueue_dma source(%dma_start3A_416 : memref<80x16xf32, #tpu.memory_space<vmem>>) target(%dma_start3A_413 : memref<80x16xf32, #tpu.memory_space<vmem_shared>>) target_semaphore(%arg23 : memref<!tpu.dma_semaphore, #tpu.memory_space<semaphore_mem>>)
      %add3A_417 = arith.constant 480 : i32
      %add3A_418 = arith.addi %mul3A_7, %add3A_417 : i32
      %dma_start3A_419 = arith.constant 0 : i32
      %dma_start3A_420 = arith.constant 0 : i32
      %dma_start3A_421 = tpu.memref_slice %arg25[%dma_start3A_419, %dma_start3A_420] : memref<80x16xf32, #tpu.memory_space<vmem>> -> memref<80x16xf32, #tpu.memory_space<vmem>>
      %dma_start3A_422 = arith.constant 0 : i32
      %dma_start3A_423 = tpu.memref_slice %arg26[%add3A_418, %dma_start3A_422] : memref<10008x16xf32, #tpu.memory_space<vmem_shared>> -> memref<80x16xf32, #tpu.memory_space<vmem_shared>>
      %dma_start3A_424 = arith.constant 0 : i32
      %dma_start3A_425 = tpu.memref_slice %arg26[%add3A_418, %dma_start3A_424] : memref<10008x16xf32, #tpu.memory_space<vmem_shared>> -> memref<80x16xf32, #tpu.memory_space<vmem_shared>>
      %dma_start3A_426 = arith.constant 0 : i32
      %dma_start3A_427 = arith.constant 0 : i32
      %dma_start3A_428 = tpu.memref_slice %arg25[%dma_start3A_426, %dma_start3A_427] : memref<80x16xf32, #tpu.memory_space<vmem>> -> memref<80x16xf32, #tpu.memory_space<vmem>>
      tpu.enqueue_dma source(%dma_start3A_428 : memref<80x16xf32, #tpu.memory_space<vmem>>) target(%dma_start3A_425 : memref<80x16xf32, #tpu.memory_space<vmem_shared>>) target_semaphore(%arg23 : memref<!tpu.dma_semaphore, #tpu.memory_space<semaphore_mem>>)
      %add3A_429 = arith.constant 560 : i32
      %add3A_430 = arith.addi %mul3A_7, %add3A_429 : i32
      %dma_start3A_431 = arith.constant 0 : i32
      %dma_start3A_432 = arith.constant 0 : i32
      %dma_start3A_433 = tpu.memref_slice %arg25[%dma_start3A_431, %dma_start3A_432] : memref<80x16xf32, #tpu.memory_space<vmem>> -> memref<64x16xf32, #tpu.memory_space<vmem>>
      %dma_start3A_434 = arith.constant 0 : i32
      %dma_start3A_435 = tpu.memref_slice %arg26[%add3A_430, %dma_start3A_434] : memref<10008x16xf32, #tpu.memory_space<vmem_shared>> -> memref<64x16xf32, #tpu.memory_space<vmem_shared>>
      %dma_start3A_436 = arith.constant 0 : i32
      %dma_start3A_437 = tpu.memref_slice %arg26[%add3A_430, %dma_start3A_436] : memref<10008x16xf32, #tpu.memory_space<vmem_shared>> -> memref<64x16xf32, #tpu.memory_space<vmem_shared>>
      %dma_start3A_438 = arith.constant 0 : i32
      %dma_start3A_439 = arith.constant 0 : i32
      %dma_start3A_440 = tpu.memref_slice %arg25[%dma_start3A_438, %dma_start3A_439] : memref<80x16xf32, #tpu.memory_space<vmem>> -> memref<64x16xf32, #tpu.memory_space<vmem>>
      tpu.enqueue_dma source(%dma_start3A_440 : memref<64x16xf32, #tpu.memory_space<vmem>>) target(%dma_start3A_437 : memref<64x16xf32, #tpu.memory_space<vmem_shared>>) target_semaphore(%arg23 : memref<!tpu.dma_semaphore, #tpu.memory_space<semaphore_mem>>)
      %eq3A_441 = arith.constant 15 : i32
      %eq3A_442 = arith.cmpi eq, %arg1, %eq3A_441 : i32
      %convert_element_type3A_443 = arith.extui %eq3A_442 : i1 to i32
      %cond3A_444 = arith.constant 0 : i32
      %cond3A_445 = arith.cmpi ne, %convert_element_type3A_443, %cond3A_444 : i32
      scf.if %cond3A_445 {
        %dma_start3A_446 = arith.constant 0 : i32
        %dma_start3A_447 = arith.constant 0 : i32
        %dma_start3A_448 = tpu.memref_slice %arg25[%dma_start3A_446, %dma_start3A_447] : memref<80x16xf32, #tpu.memory_space<vmem>> -> memref<24x16xf32, #tpu.memory_space<vmem>>
        %dma_start3A_449 = arith.constant 9984 : i32
        %dma_start3A_450 = arith.constant 0 : i32
        %dma_start3A_451 = tpu.memref_slice %arg26[%dma_start3A_449, %dma_start3A_450] : memref<10008x16xf32, #tpu.memory_space<vmem_shared>> -> memref<24x16xf32, #tpu.memory_space<vmem_shared>>
        %dma_start3A_452 = arith.constant 9984 : i32
        %dma_start3A_453 = arith.constant 0 : i32
        %dma_start3A_454 = tpu.memref_slice %arg26[%dma_start3A_452, %dma_start3A_453] : memref<10008x16xf32, #tpu.memory_space<vmem_shared>> -> memref<24x16xf32, #tpu.memory_space<vmem_shared>>
        %dma_start3A_455 = arith.constant 0 : i32
        %dma_start3A_456 = arith.constant 0 : i32
        %dma_start3A_457 = tpu.memref_slice %arg25[%dma_start3A_455, %dma_start3A_456] : memref<80x16xf32, #tpu.memory_space<vmem>> -> memref<24x16xf32, #tpu.memory_space<vmem>>
        tpu.enqueue_dma source(%dma_start3A_457 : memref<24x16xf32, #tpu.memory_space<vmem>>) target(%dma_start3A_454 : memref<24x16xf32, #tpu.memory_space<vmem_shared>>) target_semaphore(%arg23 : memref<!tpu.dma_semaphore, #tpu.memory_space<semaphore_mem>>)
      } else {
      }
    } else {
    }
    %mul3A_109 = arith.constant 10000 : i32
    %mul3A_110 = arith.muli %arg0, %mul3A_109 : i32
    %mul3A_111 = arith.constant 250 : i32
    %mul3A_112 = arith.muli %arg1, %mul3A_111 : i32
    %run_scoped3A = arith.constant 0 : i32
    "tpu.region"() ({
      %run_scoped3A_345 = tpu.sem_alloc : memref<!tpu.dma_semaphore, #tpu.memory_space<semaphore_mem>>
      %dma_start3A_346 = arith.constant 0 : i32
      %dma_start3A_347 = tpu.memref_slice %arg3[%run_scoped3A, %mul3A_112, %dma_start3A_346] : memref<2x4000x80xi32, #tpu.memory_space<hbm>> -> memref<1x250x80xi32, #tpu.memory_space<hbm>>
      %dma_start3A_348 = tpu.memref_squeeze %dma_start3A_347 : memref<1x250x80xi32, #tpu.memory_space<hbm>> -> memref<250x80xi32, #tpu.memory_space<hbm>>
      %dma_start3A_349 = arith.constant 0 : i32
      %dma_start3A_350 = tpu.memref_slice %arg3[%run_scoped3A, %mul3A_112, %dma_start3A_349] : memref<2x4000x80xi32, #tpu.memory_space<hbm>> -> memref<1x250x80xi32, #tpu.memory_space<hbm>>
      %dma_start3A_351 = tpu.memref_squeeze %dma_start3A_350 : memref<1x250x80xi32, #tpu.memory_space<hbm>> -> memref<250x80xi32, #tpu.memory_space<hbm>>
      tpu.enqueue_dma source(%dma_start3A_351 : memref<250x80xi32, #tpu.memory_space<hbm>>) target(%arg8 : memref<250x80xi32, #tpu.memory_space<vmem>>) target_semaphore(%run_scoped3A_345 : memref<!tpu.dma_semaphore, #tpu.memory_space<semaphore_mem>>)
      %dma_wait3A_352 = arith.constant 0 : i32
      %dma_wait3A_353 = tpu.memref_slice %arg3[%run_scoped3A, %mul3A_112, %dma_wait3A_352] : memref<2x4000x80xi32, #tpu.memory_space<hbm>> -> memref<1x250x80xi32, #tpu.memory_space<hbm>>
      %dma_wait3A_354 = tpu.memref_squeeze %dma_wait3A_353 : memref<1x250x80xi32, #tpu.memory_space<hbm>> -> memref<250x80xi32, #tpu.memory_space<hbm>>
      %dma_wait3A_355 = arith.constant 0 : i32
      %dma_wait3A_356 = tpu.memref_slice %arg3[%run_scoped3A, %mul3A_112, %dma_wait3A_355] : memref<2x4000x80xi32, #tpu.memory_space<hbm>> -> memref<1x250x80xi32, #tpu.memory_space<hbm>>
      %dma_wait3A_357 = tpu.memref_squeeze %dma_wait3A_356 : memref<1x250x80xi32, #tpu.memory_space<hbm>> -> memref<250x80xi32, #tpu.memory_space<hbm>>
      tpu.wait_dma2 semaphore(%run_scoped3A_345 : memref<!tpu.dma_semaphore, #tpu.memory_space<semaphore_mem>>) src(%dma_wait3A_357 : memref<250x80xi32, #tpu.memory_space<hbm>>) dst(%arg8 : memref<250x80xi32, #tpu.memory_space<vmem>>)
      tpu.yield
    }) : () -> ()
    %mul3A_113 = arith.constant 250 : i32
    %mul3A_114 = arith.muli %arg1, %mul3A_113 : i32
    %run_scoped3A_115 = arith.constant 1 : i32
    "tpu.region"() ({
      %run_scoped3A_345 = tpu.sem_alloc : memref<!tpu.dma_semaphore, #tpu.memory_space<semaphore_mem>>
      %dma_start3A_346 = arith.constant 0 : i32
      %dma_start3A_347 = tpu.memref_slice %arg3[%run_scoped3A_115, %mul3A_114, %dma_start3A_346] : memref<2x4000x80xi32, #tpu.memory_space<hbm>> -> memref<1x250x80xi32, #tpu.memory_space<hbm>>
      %dma_start3A_348 = tpu.memref_squeeze %dma_start3A_347 : memref<1x250x80xi32, #tpu.memory_space<hbm>> -> memref<250x80xi32, #tpu.memory_space<hbm>>
      %dma_start3A_349 = arith.constant 0 : i32
      %dma_start3A_350 = tpu.memref_slice %arg3[%run_scoped3A_115, %mul3A_114, %dma_start3A_349] : memref<2x4000x80xi32, #tpu.memory_space<hbm>> -> memref<1x250x80xi32, #tpu.memory_space<hbm>>
      %dma_start3A_351 = tpu.memref_squeeze %dma_start3A_350 : memref<1x250x80xi32, #tpu.memory_space<hbm>> -> memref<250x80xi32, #tpu.memory_space<hbm>>
      tpu.enqueue_dma source(%dma_start3A_351 : memref<250x80xi32, #tpu.memory_space<hbm>>) target(%arg9 : memref<250x80xi32, #tpu.memory_space<vmem>>) target_semaphore(%run_scoped3A_345 : memref<!tpu.dma_semaphore, #tpu.memory_space<semaphore_mem>>)
      %dma_wait3A_352 = arith.constant 0 : i32
      %dma_wait3A_353 = tpu.memref_slice %arg3[%run_scoped3A_115, %mul3A_114, %dma_wait3A_352] : memref<2x4000x80xi32, #tpu.memory_space<hbm>> -> memref<1x250x80xi32, #tpu.memory_space<hbm>>
      %dma_wait3A_354 = tpu.memref_squeeze %dma_wait3A_353 : memref<1x250x80xi32, #tpu.memory_space<hbm>> -> memref<250x80xi32, #tpu.memory_space<hbm>>
      %dma_wait3A_355 = arith.constant 0 : i32
      %dma_wait3A_356 = tpu.memref_slice %arg3[%run_scoped3A_115, %mul3A_114, %dma_wait3A_355] : memref<2x4000x80xi32, #tpu.memory_space<hbm>> -> memref<1x250x80xi32, #tpu.memory_space<hbm>>
      %dma_wait3A_357 = tpu.memref_squeeze %dma_wait3A_356 : memref<1x250x80xi32, #tpu.memory_space<hbm>> -> memref<250x80xi32, #tpu.memory_space<hbm>>
      tpu.wait_dma2 semaphore(%run_scoped3A_345 : memref<!tpu.dma_semaphore, #tpu.memory_space<semaphore_mem>>) src(%dma_wait3A_357 : memref<250x80xi32, #tpu.memory_space<hbm>>) dst(%arg9 : memref<250x80xi32, #tpu.memory_space<vmem>>)
      tpu.yield
    }) : () -> ()
    %scan3A_116 = arith.constant 0 : i32
    %scan3A_117 = arith.constant 0 : i32
    %scan3A_118 = arith.constant 250 : i32
    %scan3A_119 = arith.addi %scan3A_117, %scan3A_118 : i32
    %scan3A_120 = arith.constant 1 : i32
    %scan3A_121 = scf.for %scan3A_345 = %scan3A_117 to %scan3A_119 step %scan3A_120 iter_args(%scan3A_346 = %scan3A_116) -> (i32)  : i32 {
      %get3A = arith.index_cast %scan3A_345 : i32 to index
      %get3A_347 = arith.constant 0 : index
      %get3A_348 = tpu.vector_load %arg8[%get3A, %get3A_347] {strides = array<i32>} : memref<250x80xi32, #tpu.memory_space<vmem>>, vector<1x16xi32>,
      %get3A_349 = vector.shape_cast %get3A_348 : vector<1x16xi32> to vector<16xi32>
      %add3A_350 = vector.broadcast %mul3A_110 : i32 to vector<16xi32>
      %add3A_351 = arith.addi %get3A_349, %add3A_350 : vector<16xi32>
      %swap3A = arith.index_cast %scan3A_345 : i32 to index
      %swap3A_352 = arith.constant 0 : index
      %swap3A_353 = tpu.vector_load %arg8[%swap3A, %swap3A_352] {strides = array<i32>} : memref<250x80xi32, #tpu.memory_space<vmem>>, vector<1x16xi32>,
      %swap3A_354 = vector.shape_cast %swap3A_353 : vector<1x16xi32> to vector<16xi32>
      %swap3A_355 = vector.shape_cast %add3A_351 : vector<16xi32> to vector<1x16xi32>
      tpu.vector_store %arg8[%swap3A, %swap3A_352], %swap3A_355 {strides = array<i32>} : memref<250x80xi32, #tpu.memory_space<vmem>>, vector<1x16xi32>,
      %get3A_356 = arith.index_cast %scan3A_345 : i32 to index
      %get3A_357 = arith.constant 16 : index
      %get3A_358 = tpu.vector_load %arg8[%get3A_356, %get3A_357] {strides = array<i32>} : memref<250x80xi32, #tpu.memory_space<vmem>>, vector<1x16xi32>,
      %get3A_359 = vector.shape_cast %get3A_358 : vector<1x16xi32> to vector<16xi32>
      %add3A_360 = vector.broadcast %mul3A_110 : i32 to vector<16xi32>
      %add3A_361 = arith.addi %get3A_359, %add3A_360 : vector<16xi32>
      %swap3A_362 = arith.index_cast %scan3A_345 : i32 to index
      %swap3A_363 = arith.constant 16 : index
      %swap3A_364 = tpu.vector_load %arg8[%swap3A_362, %swap3A_363] {strides = array<i32>} : memref<250x80xi32, #tpu.memory_space<vmem>>, vector<1x16xi32>,
      %swap3A_365 = vector.shape_cast %swap3A_364 : vector<1x16xi32> to vector<16xi32>
      %swap3A_366 = vector.shape_cast %add3A_361 : vector<16xi32> to vector<1x16xi32>
      tpu.vector_store %arg8[%swap3A_362, %swap3A_363], %swap3A_366 {strides = array<i32>} : memref<250x80xi32, #tpu.memory_space<vmem>>, vector<1x16xi32>,
      %get3A_367 = arith.index_cast %scan3A_345 : i32 to index
      %get3A_368 = arith.constant 32 : index
      %get3A_369 = tpu.vector_load %arg8[%get3A_367, %get3A_368] {strides = array<i32>} : memref<250x80xi32, #tpu.memory_space<vmem>>, vector<1x16xi32>,
      %get3A_370 = vector.shape_cast %get3A_369 : vector<1x16xi32> to vector<16xi32>
      %add3A_371 = vector.broadcast %mul3A_110 : i32 to vector<16xi32>
      %add3A_372 = arith.addi %get3A_370, %add3A_371 : vector<16xi32>
      %swap3A_373 = arith.index_cast %scan3A_345 : i32 to index
      %swap3A_374 = arith.constant 32 : index
      %swap3A_375 = tpu.vector_load %arg8[%swap3A_373, %swap3A_374] {strides = array<i32>} : memref<250x80xi32, #tpu.memory_space<vmem>>, vector<1x16xi32>,
      %swap3A_376 = vector.shape_cast %swap3A_375 : vector<1x16xi32> to vector<16xi32>
      %swap3A_377 = vector.shape_cast %add3A_372 : vector<16xi32> to vector<1x16xi32>
      tpu.vector_store %arg8[%swap3A_373, %swap3A_374], %swap3A_377 {strides = array<i32>} : memref<250x80xi32, #tpu.memory_space<vmem>>, vector<1x16xi32>,
      %get3A_378 = arith.index_cast %scan3A_345 : i32 to index
      %get3A_379 = arith.constant 48 : index
      %get3A_380 = tpu.vector_load %arg8[%get3A_378, %get3A_379] {strides = array<i32>} : memref<250x80xi32, #tpu.memory_space<vmem>>, vector<1x16xi32>,
      %get3A_381 = vector.shape_cast %get3A_380 : vector<1x16xi32> to vector<16xi32>
      %add3A_382 = vector.broadcast %mul3A_110 : i32 to vector<16xi32>
      %add3A_383 = arith.addi %get3A_381, %add3A_382 : vector<16xi32>
      %swap3A_384 = arith.index_cast %scan3A_345 : i32 to index
      %swap3A_385 = arith.constant 48 : index
      %swap3A_386 = tpu.vector_load %arg8[%swap3A_384, %swap3A_385] {strides = array<i32>} : memref<250x80xi32, #tpu.memory_space<vmem>>, vector<1x16xi32>,
      %swap3A_387 = vector.shape_cast %swap3A_386 : vector<1x16xi32> to vector<16xi32>
      %swap3A_388 = vector.shape_cast %add3A_383 : vector<16xi32> to vector<1x16xi32>
      tpu.vector_store %arg8[%swap3A_384, %swap3A_385], %swap3A_388 {strides = array<i32>} : memref<250x80xi32, #tpu.memory_space<vmem>>, vector<1x16xi32>,
      %get3A_389 = arith.index_cast %scan3A_345 : i32 to index
      %get3A_390 = arith.constant 64 : index
      %get3A_391 = tpu.vector_load %arg8[%get3A_389, %get3A_390] {strides = array<i32>} : memref<250x80xi32, #tpu.memory_space<vmem>>, vector<1x16xi32>,
      %get3A_392 = vector.shape_cast %get3A_391 : vector<1x16xi32> to vector<16xi32>
      %add3A_393 = vector.broadcast %mul3A_110 : i32 to vector<16xi32>
      %add3A_394 = arith.addi %get3A_392, %add3A_393 : vector<16xi32>
      %swap3A_395 = arith.index_cast %scan3A_345 : i32 to index
      %swap3A_396 = arith.constant 64 : index
      %swap3A_397 = tpu.vector_load %arg8[%swap3A_395, %swap3A_396] {strides = array<i32>} : memref<250x80xi32, #tpu.memory_space<vmem>>, vector<1x16xi32>,
      %swap3A_398 = vector.shape_cast %swap3A_397 : vector<1x16xi32> to vector<16xi32>
      %swap3A_399 = vector.shape_cast %add3A_394 : vector<16xi32> to vector<1x16xi32>
      tpu.vector_store %arg8[%swap3A_395, %swap3A_396], %swap3A_399 {strides = array<i32>} : memref<250x80xi32, #tpu.memory_space<vmem>>, vector<1x16xi32>,
      %scan3A_400 = arith.constant 0 : i32
      scf.yield %scan3A_400 : i32
    }
    %scan3A_122 = arith.constant 250 : i32
    %add3A_123 = arith.constant 0 : i32
    %add3A_124 = arith.addi %mul3A_7, %add3A_123 : i32
    %dma_wait3A = arith.constant 0 : i32
    %dma_wait3A_125 = arith.constant 0 : i32
    %dma_wait3A_126 = tpu.memref_slice %arg11[%dma_wait3A, %dma_wait3A_125] : memref<80x64xf32, #tpu.memory_space<vmem>> -> memref<80x64xf32, #tpu.memory_space<vmem>>
    %dma_wait3A_127 = arith.constant 0 : i32
    %dma_wait3A_128 = tpu.memref_slice %arg10[%add3A_124, %dma_wait3A_127] : memref<10008x64xf32, #tpu.memory_space<vmem_shared>> -> memref<80x64xf32, #tpu.memory_space<vmem_shared>>
    %dma_wait3A_129 = arith.constant 0 : i32
    %dma_wait3A_130 = tpu.memref_slice %arg10[%add3A_124, %dma_wait3A_129] : memref<10008x64xf32, #tpu.memory_space<vmem_shared>> -> memref<80x64xf32, #tpu.memory_space<vmem_shared>>
    %dma_wait3A_131 = arith.constant 0 : i32
    %dma_wait3A_132 = arith.constant 0 : i32
    %dma_wait3A_133 = tpu.memref_slice %arg11[%dma_wait3A_131, %dma_wait3A_132] : memref<80x64xf32, #tpu.memory_space<vmem>> -> memref<80x64xf32, #tpu.memory_space<vmem>>
    tpu.wait_dma2 semaphore(%arg23 : memref<!tpu.dma_semaphore, #tpu.memory_space<semaphore_mem>>) src(%dma_wait3A_133 : memref<80x64xf32, #tpu.memory_space<vmem>>) dst(%dma_wait3A_130 : memref<80x64xf32, #tpu.memory_space<vmem_shared>>)
    %add3A_134 = arith.constant 80 : i32
    %add3A_135 = arith.addi %mul3A_7, %add3A_134 : i32
    %dma_wait3A_136 = arith.constant 0 : i32
    %dma_wait3A_137 = arith.constant 0 : i32
    %dma_wait3A_138 = tpu.memref_slice %arg11[%dma_wait3A_136, %dma_wait3A_137] : memref<80x64xf32, #tpu.memory_space<vmem>> -> memref<80x64xf32, #tpu.memory_space<vmem>>
    %dma_wait3A_139 = arith.constant 0 : i32
    %dma_wait3A_140 = tpu.memref_slice %arg10[%add3A_135, %dma_wait3A_139] : memref<10008x64xf32, #tpu.memory_space<vmem_shared>> -> memref<80x64xf32, #tpu.memory_space<vmem_shared>>
    %dma_wait3A_141 = arith.constant 0 : i32
    %dma_wait3A_142 = tpu.memref_slice %arg10[%add3A_135, %dma_wait3A_141] : memref<10008x64xf32, #tpu.memory_space<vmem_shared>> -> memref<80x64xf32, #tpu.memory_space<vmem_shared>>
    %dma_wait3A_143 = arith.constant 0 : i32
    %dma_wait3A_144 = arith.constant 0 : i32
    %dma_wait3A_145 = tpu.memref_slice %arg11[%dma_wait3A_143, %dma_wait3A_144] : memref<80x64xf32, #tpu.memory_space<vmem>> -> memref<80x64xf32, #tpu.memory_space<vmem>>
    tpu.wait_dma2 semaphore(%arg23 : memref<!tpu.dma_semaphore, #tpu.memory_space<semaphore_mem>>) src(%dma_wait3A_145 : memref<80x64xf32, #tpu.memory_space<vmem>>) dst(%dma_wait3A_142 : memref<80x64xf32, #tpu.memory_space<vmem_shared>>)
    %add3A_146 = arith.constant 160 : i32
    %add3A_147 = arith.addi %mul3A_7, %add3A_146 : i32
    %dma_wait3A_148 = arith.constant 0 : i32
    %dma_wait3A_149 = arith.constant 0 : i32
    %dma_wait3A_150 = tpu.memref_slice %arg11[%dma_wait3A_148, %dma_wait3A_149] : memref<80x64xf32, #tpu.memory_space<vmem>> -> memref<80x64xf32, #tpu.memory_space<vmem>>
    %dma_wait3A_151 = arith.constant 0 : i32
    %dma_wait3A_152 = tpu.memref_slice %arg10[%add3A_147, %dma_wait3A_151] : memref<10008x64xf32, #tpu.memory_space<vmem_shared>> -> memref<80x64xf32, #tpu.memory_space<vmem_shared>>
    %dma_wait3A_153 = arith.constant 0 : i32
    %dma_wait3A_154 = tpu.memref_slice %arg10[%add3A_147, %dma_wait3A_153] : memref<10008x64xf32, #tpu.memory_space<vmem_shared>> -> memref<80x64xf32, #tpu.memory_space<vmem_shared>>
    %dma_wait3A_155 = arith.constant 0 : i32
    %dma_wait3A_156 = arith.constant 0 : i32
    %dma_wait3A_157 = tpu.memref_slice %arg11[%dma_wait3A_155, %dma_wait3A_156] : memref<80x64xf32, #tpu.memory_space<vmem>> -> memref<80x64xf32, #tpu.memory_space<vmem>>
    tpu.wait_dma2 semaphore(%arg23 : memref<!tpu.dma_semaphore, #tpu.memory_space<semaphore_mem>>) src(%dma_wait3A_157 : memref<80x64xf32, #tpu.memory_space<vmem>>) dst(%dma_wait3A_154 : memref<80x64xf32, #tpu.memory_space<vmem_shared>>)
    %add3A_158 = arith.constant 240 : i32
    %add3A_159 = arith.addi %mul3A_7, %add3A_158 : i32
    %dma_wait3A_160 = arith.constant 0 : i32
    %dma_wait3A_161 = arith.constant 0 : i32
    %dma_wait3A_162 = tpu.memref_slice %arg11[%dma_wait3A_160, %dma_wait3A_161] : memref<80x64xf32, #tpu.memory_space<vmem>> -> memref<80x64xf32, #tpu.memory_space<vmem>>
    %dma_wait3A_163 = arith.constant 0 : i32
    %dma_wait3A_164 = tpu.memref_slice %arg10[%add3A_159, %dma_wait3A_163] : memref<10008x64xf32, #tpu.memory_space<vmem_shared>> -> memref<80x64xf32, #tpu.memory_space<vmem_shared>>
    %dma_wait3A_165 = arith.constant 0 : i32
    %dma_wait3A_166 = tpu.memref_slice %arg10[%add3A_159, %dma_wait3A_165] : memref<10008x64xf32, #tpu.memory_space<vmem_shared>> -> memref<80x64xf32, #tpu.memory_space<vmem_shared>>
    %dma_wait3A_167 = arith.constant 0 : i32
    %dma_wait3A_168 = arith.constant 0 : i32
    %dma_wait3A_169 = tpu.memref_slice %arg11[%dma_wait3A_167, %dma_wait3A_168] : memref<80x64xf32, #tpu.memory_space<vmem>> -> memref<80x64xf32, #tpu.memory_space<vmem>>
    tpu.wait_dma2 semaphore(%arg23 : memref<!tpu.dma_semaphore, #tpu.memory_space<semaphore_mem>>) src(%dma_wait3A_169 : memref<80x64xf32, #tpu.memory_space<vmem>>) dst(%dma_wait3A_166 : memref<80x64xf32, #tpu.memory_space<vmem_shared>>)
    %add3A_170 = arith.constant 320 : i32
    %add3A_171 = arith.addi %mul3A_7, %add3A_170 : i32
    %dma_wait3A_172 = arith.constant 0 : i32
    %dma_wait3A_173 = arith.constant 0 : i32
    %dma_wait3A_174 = tpu.memref_slice %arg11[%dma_wait3A_172, %dma_wait3A_173] : memref<80x64xf32, #tpu.memory_space<vmem>> -> memref<80x64xf32, #tpu.memory_space<vmem>>
    %dma_wait3A_175 = arith.constant 0 : i32
    %dma_wait3A_176 = tpu.memref_slice %arg10[%add3A_171, %dma_wait3A_175] : memref<10008x64xf32, #tpu.memory_space<vmem_shared>> -> memref<80x64xf32, #tpu.memory_space<vmem_shared>>
    %dma_wait3A_177 = arith.constant 0 : i32
    %dma_wait3A_178 = tpu.memref_slice %arg10[%add3A_171, %dma_wait3A_177] : memref<10008x64xf32, #tpu.memory_space<vmem_shared>> -> memref<80x64xf32, #tpu.memory_space<vmem_shared>>
    %dma_wait3A_179 = arith.constant 0 : i32
    %dma_wait3A_180 = arith.constant 0 : i32
    %dma_wait3A_181 = tpu.memref_slice %arg11[%dma_wait3A_179, %dma_wait3A_180] : memref<80x64xf32, #tpu.memory_space<vmem>> -> memref<80x64xf32, #tpu.memory_space<vmem>>
    tpu.wait_dma2 semaphore(%arg23 : memref<!tpu.dma_semaphore, #tpu.memory_space<semaphore_mem>>) src(%dma_wait3A_181 : memref<80x64xf32, #tpu.memory_space<vmem>>) dst(%dma_wait3A_178 : memref<80x64xf32, #tpu.memory_space<vmem_shared>>)
    %add3A_182 = arith.constant 400 : i32
    %add3A_183 = arith.addi %mul3A_7, %add3A_182 : i32
    %dma_wait3A_184 = arith.constant 0 : i32
    %dma_wait3A_185 = arith.constant 0 : i32
    %dma_wait3A_186 = tpu.memref_slice %arg11[%dma_wait3A_184, %dma_wait3A_185] : memref<80x64xf32, #tpu.memory_space<vmem>> -> memref<80x64xf32, #tpu.memory_space<vmem>>
    %dma_wait3A_187 = arith.constant 0 : i32
    %dma_wait3A_188 = tpu.memref_slice %arg10[%add3A_183, %dma_wait3A_187] : memref<10008x64xf32, #tpu.memory_space<vmem_shared>> -> memref<80x64xf32, #tpu.memory_space<vmem_shared>>
    %dma_wait3A_189 = arith.constant 0 : i32
    %dma_wait3A_190 = tpu.memref_slice %arg10[%add3A_183, %dma_wait3A_189] : memref<10008x64xf32, #tpu.memory_space<vmem_shared>> -> memref<80x64xf32, #tpu.memory_space<vmem_shared>>
    %dma_wait3A_191 = arith.constant 0 : i32
    %dma_wait3A_192 = arith.constant 0 : i32
    %dma_wait3A_193 = tpu.memref_slice %arg11[%dma_wait3A_191, %dma_wait3A_192] : memref<80x64xf32, #tpu.memory_space<vmem>> -> memref<80x64xf32, #tpu.memory_space<vmem>>
    tpu.wait_dma2 semaphore(%arg23 : memref<!tpu.dma_semaphore, #tpu.memory_space<semaphore_mem>>) src(%dma_wait3A_193 : memref<80x64xf32, #tpu.memory_space<vmem>>) dst(%dma_wait3A_190 : memref<80x64xf32, #tpu.memory_space<vmem_shared>>)
    %add3A_194 = arith.constant 480 : i32
    %add3A_195 = arith.addi %mul3A_7, %add3A_194 : i32
    %dma_wait3A_196 = arith.constant 0 : i32
    %dma_wait3A_197 = arith.constant 0 : i32
    %dma_wait3A_198 = tpu.memref_slice %arg11[%dma_wait3A_196, %dma_wait3A_197] : memref<80x64xf32, #tpu.memory_space<vmem>> -> memref<80x64xf32, #tpu.memory_space<vmem>>
    %dma_wait3A_199 = arith.constant 0 : i32
    %dma_wait3A_200 = tpu.memref_slice %arg10[%add3A_195, %dma_wait3A_199] : memref<10008x64xf32, #tpu.memory_space<vmem_shared>> -> memref<80x64xf32, #tpu.memory_space<vmem_shared>>
    %dma_wait3A_201 = arith.constant 0 : i32
    %dma_wait3A_202 = tpu.memref_slice %arg10[%add3A_195, %dma_wait3A_201] : memref<10008x64xf32, #tpu.memory_space<vmem_shared>> -> memref<80x64xf32, #tpu.memory_space<vmem_shared>>
    %dma_wait3A_203 = arith.constant 0 : i32
    %dma_wait3A_204 = arith.constant 0 : i32
    %dma_wait3A_205 = tpu.memref_slice %arg11[%dma_wait3A_203, %dma_wait3A_204] : memref<80x64xf32, #tpu.memory_space<vmem>> -> memref<80x64xf32, #tpu.memory_space<vmem>>
    tpu.wait_dma2 semaphore(%arg23 : memref<!tpu.dma_semaphore, #tpu.memory_space<semaphore_mem>>) src(%dma_wait3A_205 : memref<80x64xf32, #tpu.memory_space<vmem>>) dst(%dma_wait3A_202 : memref<80x64xf32, #tpu.memory_space<vmem_shared>>)
    %add3A_206 = arith.constant 560 : i32
    %add3A_207 = arith.addi %mul3A_7, %add3A_206 : i32
    %dma_wait3A_208 = arith.constant 0 : i32
    %dma_wait3A_209 = arith.constant 0 : i32
    %dma_wait3A_210 = tpu.memref_slice %arg11[%dma_wait3A_208, %dma_wait3A_209] : memref<80x64xf32, #tpu.memory_space<vmem>> -> memref<64x64xf32, #tpu.memory_space<vmem>>
    %dma_wait3A_211 = arith.constant 0 : i32
    %dma_wait3A_212 = tpu.memref_slice %arg10[%add3A_207, %dma_wait3A_211] : memref<10008x64xf32, #tpu.memory_space<vmem_shared>> -> memref<64x64xf32, #tpu.memory_space<vmem_shared>>
    %dma_wait3A_213 = arith.constant 0 : i32
    %dma_wait3A_214 = tpu.memref_slice %arg10[%add3A_207, %dma_wait3A_213] : memref<10008x64xf32, #tpu.memory_space<vmem_shared>> -> memref<64x64xf32, #tpu.memory_space<vmem_shared>>
    %dma_wait3A_215 = arith.constant 0 : i32
    %dma_wait3A_216 = arith.constant 0 : i32
    %dma_wait3A_217 = tpu.memref_slice %arg11[%dma_wait3A_215, %dma_wait3A_216] : memref<80x64xf32, #tpu.memory_space<vmem>> -> memref<64x64xf32, #tpu.memory_space<vmem>>
    tpu.wait_dma2 semaphore(%arg23 : memref<!tpu.dma_semaphore, #tpu.memory_space<semaphore_mem>>) src(%dma_wait3A_217 : memref<64x64xf32, #tpu.memory_space<vmem>>) dst(%dma_wait3A_214 : memref<64x64xf32, #tpu.memory_space<vmem_shared>>)
    %eq3A_218 = arith.constant 15 : i32
    %eq3A_219 = arith.cmpi eq, %arg1, %eq3A_218 : i32
    %convert_element_type3A_220 = arith.extui %eq3A_219 : i1 to i32
    %cond3A_221 = arith.constant 0 : i32
    %cond3A_222 = arith.cmpi ne, %convert_element_type3A_220, %cond3A_221 : i32
    scf.if %cond3A_222 {
      %dma_wait3A_345 = arith.constant 0 : i32
      %dma_wait3A_346 = arith.constant 0 : i32
      %dma_wait3A_347 = tpu.memref_slice %arg11[%dma_wait3A_345, %dma_wait3A_346] : memref<80x64xf32, #tpu.memory_space<vmem>> -> memref<24x64xf32, #tpu.memory_space<vmem>>
      %dma_wait3A_348 = arith.constant 9984 : i32
      %dma_wait3A_349 = arith.constant 0 : i32
      %dma_wait3A_350 = tpu.memref_slice %arg10[%dma_wait3A_348, %dma_wait3A_349] : memref<10008x64xf32, #tpu.memory_space<vmem_shared>> -> memref<24x64xf32, #tpu.memory_space<vmem_shared>>
      %dma_wait3A_351 = arith.constant 9984 : i32
      %dma_wait3A_352 = arith.constant 0 : i32
      %dma_wait3A_353 = tpu.memref_slice %arg10[%dma_wait3A_351, %dma_wait3A_352] : memref<10008x64xf32, #tpu.memory_space<vmem_shared>> -> memref<24x64xf32, #tpu.memory_space<vmem_shared>>
      %dma_wait3A_354 = arith.constant 0 : i32
      %dma_wait3A_355 = arith.constant 0 : i32
      %dma_wait3A_356 = tpu.memref_slice %arg11[%dma_wait3A_354, %dma_wait3A_355] : memref<80x64xf32, #tpu.memory_space<vmem>> -> memref<24x64xf32, #tpu.memory_space<vmem>>
      tpu.wait_dma2 semaphore(%arg23 : memref<!tpu.dma_semaphore, #tpu.memory_space<semaphore_mem>>) src(%dma_wait3A_356 : memref<24x64xf32, #tpu.memory_space<vmem>>) dst(%dma_wait3A_353 : memref<24x64xf32, #tpu.memory_space<vmem_shared>>)
    } else {
    }
    %eq3A_223 = arith.constant 0 : i32
    %eq3A_224 = arith.cmpi eq, %arg0, %eq3A_223 : i32
    %convert_element_type3A_225 = arith.extui %eq3A_224 : i1 to i32
    %cond3A_226 = arith.constant 0 : i32
    %cond3A_227 = arith.cmpi ne, %convert_element_type3A_225, %cond3A_226 : i32
    scf.if %cond3A_227 {
      %add3A_345 = arith.constant 0 : i32
      %add3A_346 = arith.addi %mul3A_7, %add3A_345 : i32
      %dma_wait3A_347 = arith.constant 0 : i32
      %dma_wait3A_348 = arith.constant 0 : i32
      %dma_wait3A_349 = tpu.memref_slice %arg25[%dma_wait3A_347, %dma_wait3A_348] : memref<80x16xf32, #tpu.memory_space<vmem>> -> memref<80x16xf32, #tpu.memory_space<vmem>>
      %dma_wait3A_350 = arith.constant 0 : i32
      %dma_wait3A_351 = tpu.memref_slice %arg26[%add3A_346, %dma_wait3A_350] : memref<10008x16xf32, #tpu.memory_space<vmem_shared>> -> memref<80x16xf32, #tpu.memory_space<vmem_shared>>
      %dma_wait3A_352 = arith.constant 0 : i32
      %dma_wait3A_353 = tpu.memref_slice %arg26[%add3A_346, %dma_wait3A_352] : memref<10008x16xf32, #tpu.memory_space<vmem_shared>> -> memref<80x16xf32, #tpu.memory_space<vmem_shared>>
      %dma_wait3A_354 = arith.constant 0 : i32
      %dma_wait3A_355 = arith.constant 0 : i32
      %dma_wait3A_356 = tpu.memref_slice %arg25[%dma_wait3A_354, %dma_wait3A_355] : memref<80x16xf32, #tpu.memory_space<vmem>> -> memref<80x16xf32, #tpu.memory_space<vmem>>
      tpu.wait_dma2 semaphore(%arg23 : memref<!tpu.dma_semaphore, #tpu.memory_space<semaphore_mem>>) src(%dma_wait3A_356 : memref<80x16xf32, #tpu.memory_space<vmem>>) dst(%dma_wait3A_353 : memref<80x16xf32, #tpu.memory_space<vmem_shared>>)
      %add3A_357 = arith.constant 80 : i32
      %add3A_358 = arith.addi %mul3A_7, %add3A_357 : i32
      %dma_wait3A_359 = arith.constant 0 : i32
      %dma_wait3A_360 = arith.constant 0 : i32
      %dma_wait3A_361 = tpu.memref_slice %arg25[%dma_wait3A_359, %dma_wait3A_360] : memref<80x16xf32, #tpu.memory_space<vmem>> -> memref<80x16xf32, #tpu.memory_space<vmem>>
      %dma_wait3A_362 = arith.constant 0 : i32
      %dma_wait3A_363 = tpu.memref_slice %arg26[%add3A_358, %dma_wait3A_362] : memref<10008x16xf32, #tpu.memory_space<vmem_shared>> -> memref<80x16xf32, #tpu.memory_space<vmem_shared>>
      %dma_wait3A_364 = arith.constant 0 : i32
      %dma_wait3A_365 = tpu.memref_slice %arg26[%add3A_358, %dma_wait3A_364] : memref<10008x16xf32, #tpu.memory_space<vmem_shared>> -> memref<80x16xf32, #tpu.memory_space<vmem_shared>>
      %dma_wait3A_366 = arith.constant 0 : i32
      %dma_wait3A_367 = arith.constant 0 : i32
      %dma_wait3A_368 = tpu.memref_slice %arg25[%dma_wait3A_366, %dma_wait3A_367] : memref<80x16xf32, #tpu.memory_space<vmem>> -> memref<80x16xf32, #tpu.memory_space<vmem>>
      tpu.wait_dma2 semaphore(%arg23 : memref<!tpu.dma_semaphore, #tpu.memory_space<semaphore_mem>>) src(%dma_wait3A_368 : memref<80x16xf32, #tpu.memory_space<vmem>>) dst(%dma_wait3A_365 : memref<80x16xf32, #tpu.memory_space<vmem_shared>>)
      %add3A_369 = arith.constant 160 : i32
      %add3A_370 = arith.addi %mul3A_7, %add3A_369 : i32
      %dma_wait3A_371 = arith.constant 0 : i32
      %dma_wait3A_372 = arith.constant 0 : i32
      %dma_wait3A_373 = tpu.memref_slice %arg25[%dma_wait3A_371, %dma_wait3A_372] : memref<80x16xf32, #tpu.memory_space<vmem>> -> memref<80x16xf32, #tpu.memory_space<vmem>>
      %dma_wait3A_374 = arith.constant 0 : i32
      %dma_wait3A_375 = tpu.memref_slice %arg26[%add3A_370, %dma_wait3A_374] : memref<10008x16xf32, #tpu.memory_space<vmem_shared>> -> memref<80x16xf32, #tpu.memory_space<vmem_shared>>
      %dma_wait3A_376 = arith.constant 0 : i32
      %dma_wait3A_377 = tpu.memref_slice %arg26[%add3A_370, %dma_wait3A_376] : memref<10008x16xf32, #tpu.memory_space<vmem_shared>> -> memref<80x16xf32, #tpu.memory_space<vmem_shared>>
      %dma_wait3A_378 = arith.constant 0 : i32
      %dma_wait3A_379 = arith.constant 0 : i32
      %dma_wait3A_380 = tpu.memref_slice %arg25[%dma_wait3A_378, %dma_wait3A_379] : memref<80x16xf32, #tpu.memory_space<vmem>> -> memref<80x16xf32, #tpu.memory_space<vmem>>
      tpu.wait_dma2 semaphore(%arg23 : memref<!tpu.dma_semaphore, #tpu.memory_space<semaphore_mem>>) src(%dma_wait3A_380 : memref<80x16xf32, #tpu.memory_space<vmem>>) dst(%dma_wait3A_377 : memref<80x16xf32, #tpu.memory_space<vmem_shared>>)
      %add3A_381 = arith.constant 240 : i32
      %add3A_382 = arith.addi %mul3A_7, %add3A_381 : i32
      %dma_wait3A_383 = arith.constant 0 : i32
      %dma_wait3A_384 = arith.constant 0 : i32
      %dma_wait3A_385 = tpu.memref_slice %arg25[%dma_wait3A_383, %dma_wait3A_384] : memref<80x16xf32, #tpu.memory_space<vmem>> -> memref<80x16xf32, #tpu.memory_space<vmem>>
      %dma_wait3A_386 = arith.constant 0 : i32
      %dma_wait3A_387 = tpu.memref_slice %arg26[%add3A_382, %dma_wait3A_386] : memref<10008x16xf32, #tpu.memory_space<vmem_shared>> -> memref<80x16xf32, #tpu.memory_space<vmem_shared>>
      %dma_wait3A_388 = arith.constant 0 : i32
      %dma_wait3A_389 = tpu.memref_slice %arg26[%add3A_382, %dma_wait3A_388] : memref<10008x16xf32, #tpu.memory_space<vmem_shared>> -> memref<80x16xf32, #tpu.memory_space<vmem_shared>>
      %dma_wait3A_390 = arith.constant 0 : i32
      %dma_wait3A_391 = arith.constant 0 : i32
      %dma_wait3A_392 = tpu.memref_slice %arg25[%dma_wait3A_390, %dma_wait3A_391] : memref<80x16xf32, #tpu.memory_space<vmem>> -> memref<80x16xf32, #tpu.memory_space<vmem>>
      tpu.wait_dma2 semaphore(%arg23 : memref<!tpu.dma_semaphore, #tpu.memory_space<semaphore_mem>>) src(%dma_wait3A_392 : memref<80x16xf32, #tpu.memory_space<vmem>>) dst(%dma_wait3A_389 : memref<80x16xf32, #tpu.memory_space<vmem_shared>>)
      %add3A_393 = arith.constant 320 : i32
      %add3A_394 = arith.addi %mul3A_7, %add3A_393 : i32
      %dma_wait3A_395 = arith.constant 0 : i32
      %dma_wait3A_396 = arith.constant 0 : i32
      %dma_wait3A_397 = tpu.memref_slice %arg25[%dma_wait3A_395, %dma_wait3A_396] : memref<80x16xf32, #tpu.memory_space<vmem>> -> memref<80x16xf32, #tpu.memory_space<vmem>>
      %dma_wait3A_398 = arith.constant 0 : i32
      %dma_wait3A_399 = tpu.memref_slice %arg26[%add3A_394, %dma_wait3A_398] : memref<10008x16xf32, #tpu.memory_space<vmem_shared>> -> memref<80x16xf32, #tpu.memory_space<vmem_shared>>
      %dma_wait3A_400 = arith.constant 0 : i32
      %dma_wait3A_401 = tpu.memref_slice %arg26[%add3A_394, %dma_wait3A_400] : memref<10008x16xf32, #tpu.memory_space<vmem_shared>> -> memref<80x16xf32, #tpu.memory_space<vmem_shared>>
      %dma_wait3A_402 = arith.constant 0 : i32
      %dma_wait3A_403 = arith.constant 0 : i32
      %dma_wait3A_404 = tpu.memref_slice %arg25[%dma_wait3A_402, %dma_wait3A_403] : memref<80x16xf32, #tpu.memory_space<vmem>> -> memref<80x16xf32, #tpu.memory_space<vmem>>
      tpu.wait_dma2 semaphore(%arg23 : memref<!tpu.dma_semaphore, #tpu.memory_space<semaphore_mem>>) src(%dma_wait3A_404 : memref<80x16xf32, #tpu.memory_space<vmem>>) dst(%dma_wait3A_401 : memref<80x16xf32, #tpu.memory_space<vmem_shared>>)
      %add3A_405 = arith.constant 400 : i32
      %add3A_406 = arith.addi %mul3A_7, %add3A_405 : i32
      %dma_wait3A_407 = arith.constant 0 : i32
      %dma_wait3A_408 = arith.constant 0 : i32
      %dma_wait3A_409 = tpu.memref_slice %arg25[%dma_wait3A_407, %dma_wait3A_408] : memref<80x16xf32, #tpu.memory_space<vmem>> -> memref<80x16xf32, #tpu.memory_space<vmem>>
      %dma_wait3A_410 = arith.constant 0 : i32
      %dma_wait3A_411 = tpu.memref_slice %arg26[%add3A_406, %dma_wait3A_410] : memref<10008x16xf32, #tpu.memory_space<vmem_shared>> -> memref<80x16xf32, #tpu.memory_space<vmem_shared>>
      %dma_wait3A_412 = arith.constant 0 : i32
      %dma_wait3A_413 = tpu.memref_slice %arg26[%add3A_406, %dma_wait3A_412] : memref<10008x16xf32, #tpu.memory_space<vmem_shared>> -> memref<80x16xf32, #tpu.memory_space<vmem_shared>>
      %dma_wait3A_414 = arith.constant 0 : i32
      %dma_wait3A_415 = arith.constant 0 : i32
      %dma_wait3A_416 = tpu.memref_slice %arg25[%dma_wait3A_414, %dma_wait3A_415] : memref<80x16xf32, #tpu.memory_space<vmem>> -> memref<80x16xf32, #tpu.memory_space<vmem>>
      tpu.wait_dma2 semaphore(%arg23 : memref<!tpu.dma_semaphore, #tpu.memory_space<semaphore_mem>>) src(%dma_wait3A_416 : memref<80x16xf32, #tpu.memory_space<vmem>>) dst(%dma_wait3A_413 : memref<80x16xf32, #tpu.memory_space<vmem_shared>>)
      %add3A_417 = arith.constant 480 : i32
      %add3A_418 = arith.addi %mul3A_7, %add3A_417 : i32
      %dma_wait3A_419 = arith.constant 0 : i32
      %dma_wait3A_420 = arith.constant 0 : i32
      %dma_wait3A_421 = tpu.memref_slice %arg25[%dma_wait3A_419, %dma_wait3A_420] : memref<80x16xf32, #tpu.memory_space<vmem>> -> memref<80x16xf32, #tpu.memory_space<vmem>>
      %dma_wait3A_422 = arith.constant 0 : i32
      %dma_wait3A_423 = tpu.memref_slice %arg26[%add3A_418, %dma_wait3A_422] : memref<10008x16xf32, #tpu.memory_space<vmem_shared>> -> memref<80x16xf32, #tpu.memory_space<vmem_shared>>
      %dma_wait3A_424 = arith.constant 0 : i32
      %dma_wait3A_425 = tpu.memref_slice %arg26[%add3A_418, %dma_wait3A_424] : memref<10008x16xf32, #tpu.memory_space<vmem_shared>> -> memref<80x16xf32, #tpu.memory_space<vmem_shared>>
      %dma_wait3A_426 = arith.constant 0 : i32
      %dma_wait3A_427 = arith.constant 0 : i32
      %dma_wait3A_428 = tpu.memref_slice %arg25[%dma_wait3A_426, %dma_wait3A_427] : memref<80x16xf32, #tpu.memory_space<vmem>> -> memref<80x16xf32, #tpu.memory_space<vmem>>
      tpu.wait_dma2 semaphore(%arg23 : memref<!tpu.dma_semaphore, #tpu.memory_space<semaphore_mem>>) src(%dma_wait3A_428 : memref<80x16xf32, #tpu.memory_space<vmem>>) dst(%dma_wait3A_425 : memref<80x16xf32, #tpu.memory_space<vmem_shared>>)
      %add3A_429 = arith.constant 560 : i32
      %add3A_430 = arith.addi %mul3A_7, %add3A_429 : i32
      %dma_wait3A_431 = arith.constant 0 : i32
      %dma_wait3A_432 = arith.constant 0 : i32
      %dma_wait3A_433 = tpu.memref_slice %arg25[%dma_wait3A_431, %dma_wait3A_432] : memref<80x16xf32, #tpu.memory_space<vmem>> -> memref<64x16xf32, #tpu.memory_space<vmem>>
      %dma_wait3A_434 = arith.constant 0 : i32
      %dma_wait3A_435 = tpu.memref_slice %arg26[%add3A_430, %dma_wait3A_434] : memref<10008x16xf32, #tpu.memory_space<vmem_shared>> -> memref<64x16xf32, #tpu.memory_space<vmem_shared>>
      %dma_wait3A_436 = arith.constant 0 : i32
      %dma_wait3A_437 = tpu.memref_slice %arg26[%add3A_430, %dma_wait3A_436] : memref<10008x16xf32, #tpu.memory_space<vmem_shared>> -> memref<64x16xf32, #tpu.memory_space<vmem_shared>>
      %dma_wait3A_438 = arith.constant 0 : i32
      %dma_wait3A_439 = arith.constant 0 : i32
      %dma_wait3A_440 = tpu.memref_slice %arg25[%dma_wait3A_438, %dma_wait3A_439] : memref<80x16xf32, #tpu.memory_space<vmem>> -> memref<64x16xf32, #tpu.memory_space<vmem>>
      tpu.wait_dma2 semaphore(%arg23 : memref<!tpu.dma_semaphore, #tpu.memory_space<semaphore_mem>>) src(%dma_wait3A_440 : memref<64x16xf32, #tpu.memory_space<vmem>>) dst(%dma_wait3A_437 : memref<64x16xf32, #tpu.memory_space<vmem_shared>>)
      %eq3A_441 = arith.constant 15 : i32
      %eq3A_442 = arith.cmpi eq, %arg1, %eq3A_441 : i32
      %convert_element_type3A_443 = arith.extui %eq3A_442 : i1 to i32
      %cond3A_444 = arith.constant 0 : i32
      %cond3A_445 = arith.cmpi ne, %convert_element_type3A_443, %cond3A_444 : i32
      scf.if %cond3A_445 {
        %dma_wait3A_446 = arith.constant 0 : i32
        %dma_wait3A_447 = arith.constant 0 : i32
        %dma_wait3A_448 = tpu.memref_slice %arg25[%dma_wait3A_446, %dma_wait3A_447] : memref<80x16xf32, #tpu.memory_space<vmem>> -> memref<24x16xf32, #tpu.memory_space<vmem>>
        %dma_wait3A_449 = arith.constant 9984 : i32
        %dma_wait3A_450 = arith.constant 0 : i32
        %dma_wait3A_451 = tpu.memref_slice %arg26[%dma_wait3A_449, %dma_wait3A_450] : memref<10008x16xf32, #tpu.memory_space<vmem_shared>> -> memref<24x16xf32, #tpu.memory_space<vmem_shared>>
        %dma_wait3A_452 = arith.constant 9984 : i32
        %dma_wait3A_453 = arith.constant 0 : i32
        %dma_wait3A_454 = tpu.memref_slice %arg26[%dma_wait3A_452, %dma_wait3A_453] : memref<10008x16xf32, #tpu.memory_space<vmem_shared>> -> memref<24x16xf32, #tpu.memory_space<vmem_shared>>
        %dma_wait3A_455 = arith.constant 0 : i32
        %dma_wait3A_456 = arith.constant 0 : i32
        %dma_wait3A_457 = tpu.memref_slice %arg25[%dma_wait3A_455, %dma_wait3A_456] : memref<80x16xf32, #tpu.memory_space<vmem>> -> memref<24x16xf32, #tpu.memory_space<vmem>>
        tpu.wait_dma2 semaphore(%arg23 : memref<!tpu.dma_semaphore, #tpu.memory_space<semaphore_mem>>) src(%dma_wait3A_457 : memref<24x16xf32, #tpu.memory_space<vmem>>) dst(%dma_wait3A_454 : memref<24x16xf32, #tpu.memory_space<vmem_shared>>)
      } else {
      }
    } else {
    }
    %dma_start3A_228 = arith.constant 0 : i32
    %dma_start3A_229 = arith.constant 0 : i32
    %dma_start3A_230 = tpu.memref_slice %arg8[%dma_start3A_228, %dma_start3A_229] : memref<250x80xi32, #tpu.memory_space<vmem>> -> memref<1x80xi32, #tpu.memory_space<vmem>>
    %dma_start3A_231 = tpu.memref_squeeze %dma_start3A_230 : memref<1x80xi32, #tpu.memory_space<vmem>> -> memref<80xi32, #tpu.memory_space<vmem>>
    %dma_start3A_232 = arith.constant 0 : i32
    %dma_start3A_233 = arith.constant 0 : i32
    %dma_start3A_234 = tpu.memref_slice %arg2[%dma_start3A_232, %dma_start3A_233] : memref<20000x64xf32, #tpu.memory_space<hbm>> -> memref<20000x64xf32, #tpu.memory_space<hbm>>
    tpu.enqueue_indirect_dma source(%dma_start3A_234 : memref<20000x64xf32, #tpu.memory_space<hbm>>) target(%arg11 : memref<80x64xf32, #tpu.memory_space<vmem>>) offsets(%dma_start3A_231 : memref<80xi32, #tpu.memory_space<vmem>>) semaphore(%arg15 : memref<!tpu.dma_semaphore, #tpu.memory_space<semaphore_mem>>)
    %dma_start3A_235 = arith.constant 1 : i32
    %dma_start3A_236 = arith.constant 0 : i32
    %dma_start3A_237 = tpu.memref_slice %arg8[%dma_start3A_235, %dma_start3A_236] : memref<250x80xi32, #tpu.memory_space<vmem>> -> memref<1x80xi32, #tpu.memory_space<vmem>>
    %dma_start3A_238 = tpu.memref_squeeze %dma_start3A_237 : memref<1x80xi32, #tpu.memory_space<vmem>> -> memref<80xi32, #tpu.memory_space<vmem>>
    %dma_start3A_239 = arith.constant 0 : i32
    %dma_start3A_240 = arith.constant 0 : i32
    %dma_start3A_241 = tpu.memref_slice %arg2[%dma_start3A_239, %dma_start3A_240] : memref<20000x64xf32, #tpu.memory_space<hbm>> -> memref<20000x64xf32, #tpu.memory_space<hbm>>
    tpu.enqueue_indirect_dma source(%dma_start3A_241 : memref<20000x64xf32, #tpu.memory_space<hbm>>) target(%arg12 : memref<80x64xf32, #tpu.memory_space<vmem>>) offsets(%dma_start3A_238 : memref<80xi32, #tpu.memory_space<vmem>>) semaphore(%arg16 : memref<!tpu.dma_semaphore, #tpu.memory_space<semaphore_mem>>)
    %dma_start3A_242 = arith.constant 2 : i32
    %dma_start3A_243 = arith.constant 0 : i32
    %dma_start3A_244 = tpu.memref_slice %arg8[%dma_start3A_242, %dma_start3A_243] : memref<250x80xi32, #tpu.memory_space<vmem>> -> memref<1x80xi32, #tpu.memory_space<vmem>>
    %dma_start3A_245 = tpu.memref_squeeze %dma_start3A_244 : memref<1x80xi32, #tpu.memory_space<vmem>> -> memref<80xi32, #tpu.memory_space<vmem>>
    %dma_start3A_246 = arith.constant 0 : i32
    %dma_start3A_247 = arith.constant 0 : i32
    %dma_start3A_248 = tpu.memref_slice %arg2[%dma_start3A_246, %dma_start3A_247] : memref<20000x64xf32, #tpu.memory_space<hbm>> -> memref<20000x64xf32, #tpu.memory_space<hbm>>
    tpu.enqueue_indirect_dma source(%dma_start3A_248 : memref<20000x64xf32, #tpu.memory_space<hbm>>) target(%arg13 : memref<80x64xf32, #tpu.memory_space<vmem>>) offsets(%dma_start3A_245 : memref<80xi32, #tpu.memory_space<vmem>>) semaphore(%arg17 : memref<!tpu.dma_semaphore, #tpu.memory_space<semaphore_mem>>)
    %dma_start3A_249 = arith.constant 3 : i32
    %dma_start3A_250 = arith.constant 0 : i32
    %dma_start3A_251 = tpu.memref_slice %arg8[%dma_start3A_249, %dma_start3A_250] : memref<250x80xi32, #tpu.memory_space<vmem>> -> memref<1x80xi32, #tpu.memory_space<vmem>>
    %dma_start3A_252 = tpu.memref_squeeze %dma_start3A_251 : memref<1x80xi32, #tpu.memory_space<vmem>> -> memref<80xi32, #tpu.memory_space<vmem>>
    %dma_start3A_253 = arith.constant 0 : i32
    %dma_start3A_254 = arith.constant 0 : i32
    %dma_start3A_255 = tpu.memref_slice %arg2[%dma_start3A_253, %dma_start3A_254] : memref<20000x64xf32, #tpu.memory_space<hbm>> -> memref<20000x64xf32, #tpu.memory_space<hbm>>
    tpu.enqueue_indirect_dma source(%dma_start3A_255 : memref<20000x64xf32, #tpu.memory_space<hbm>>) target(%arg14 : memref<80x64xf32, #tpu.memory_space<vmem>>) offsets(%dma_start3A_252 : memref<80xi32, #tpu.memory_space<vmem>>) semaphore(%arg18 : memref<!tpu.dma_semaphore, #tpu.memory_space<semaphore_mem>>)
    %barrier3A = arith.constant 0 : index
    tpu.barrier barrier_id(%barrier3A)
    %scan3A_256 = arith.constant 0 : i32
    %scan3A_257 = arith.constant 0 : i32
    %scan3A_258 = arith.constant 62 : i32
    %scan3A_259 = arith.addi %scan3A_257, %scan3A_258 : i32
    %scan3A_260 = arith.constant 1 : i32
    %scan3A_261 = scf.for %scan3A_345 = %scan3A_257 to %scan3A_259 step %scan3A_260 iter_args(%scan3A_346 = %scan3A_256) -> (i32)  : i32 {
      %mul3A_347 = arith.constant 4 : i32
      %mul3A_348 = arith.muli %mul3A_347, %scan3A_345 : i32
      %add3A_349 = arith.constant 0 : i32
      %add3A_350 = arith.addi %mul3A_348, %add3A_349 : i32
      %dma_wait3A_351 = arith.constant 0 : i32
      %dma_wait3A_352 = tpu.memref_slice %arg8[%add3A_350, %dma_wait3A_351] : memref<250x80xi32, #tpu.memory_space<vmem>> -> memref<1x80xi32, #tpu.memory_space<vmem>>
      %dma_wait3A_353 = tpu.memref_squeeze %dma_wait3A_352 : memref<1x80xi32, #tpu.memory_space<vmem>> -> memref<80xi32, #tpu.memory_space<vmem>>
      %dma_wait3A_354 = arith.constant 0 : i32
      %dma_wait3A_355 = arith.constant 0 : i32
      %dma_wait3A_356 = tpu.memref_slice %arg2[%dma_wait3A_354, %dma_wait3A_355] : memref<20000x64xf32, #tpu.memory_space<hbm>> -> memref<20000x64xf32, #tpu.memory_space<hbm>>
      tpu.wait_indirect_dma semaphore(%arg15 : memref<!tpu.dma_semaphore, #tpu.memory_space<semaphore_mem>>) src(%dma_wait3A_356 : memref<20000x64xf32, #tpu.memory_space<hbm>>) dst(%arg11 : memref<80x64xf32, #tpu.memory_space<vmem>>)
      %add3A_357 = arith.constant 0 : i32
      %add3A_358 = arith.addi %mul3A_348, %add3A_357 : i32
      %dma_start3A_359 = arith.constant 0 : i32
      %dma_start3A_360 = tpu.memref_slice %arg9[%add3A_358, %dma_start3A_359] : memref<250x80xi32, #tpu.memory_space<vmem>> -> memref<1x80xi32, #tpu.memory_space<vmem>>
      %dma_start3A_361 = tpu.memref_squeeze %dma_start3A_360 : memref<1x80xi32, #tpu.memory_space<vmem>> -> memref<80xi32, #tpu.memory_space<vmem>>
      %dma_start3A_362 = arith.constant 0 : i32
      %dma_start3A_363 = arith.constant 0 : i32
      %dma_start3A_364 = tpu.memref_slice %arg10[%dma_start3A_362, %dma_start3A_363] : memref<10008x64xf32, #tpu.memory_space<vmem_shared>> -> memref<10008x64xf32, #tpu.memory_space<vmem_shared>>
      tpu.enqueue_indirect_dma source(%arg11 : memref<80x64xf32, #tpu.memory_space<vmem>>) target(%dma_start3A_364 : memref<10008x64xf32, #tpu.memory_space<vmem_shared>>) offsets(%dma_start3A_361 : memref<80xi32, #tpu.memory_space<vmem>>) semaphore(%arg19 : memref<!tpu.dma_semaphore, #tpu.memory_space<semaphore_mem>>) {add = true}
      %eq3A_365 = arith.constant 0 : i32
      %eq3A_366 = arith.cmpi eq, %arg0, %eq3A_365 : i32
      %convert_element_type3A_367 = arith.extui %eq3A_366 : i1 to i32
      %cond3A_368 = arith.constant 0 : i32
      %cond3A_369 = arith.cmpi ne, %convert_element_type3A_367, %cond3A_368 : i32
      scf.if %cond3A_369 {
        %dma_start3A_477 = arith.constant 0 : i32
        %dma_start3A_478 = tpu.memref_slice %arg9[%add3A_358, %dma_start3A_477] : memref<250x80xi32, #tpu.memory_space<vmem>> -> memref<1x80xi32, #tpu.memory_space<vmem>>
        %dma_start3A_479 = tpu.memref_squeeze %dma_start3A_478 : memref<1x80xi32, #tpu.memory_space<vmem>> -> memref<80xi32, #tpu.memory_space<vmem>>
        %dma_start3A_480 = arith.constant 0 : i32
        %dma_start3A_481 = arith.constant 0 : i32
        %dma_start3A_482 = tpu.memref_slice %arg26[%dma_start3A_480, %dma_start3A_481] : memref<10008x16xf32, #tpu.memory_space<vmem_shared>> -> memref<10008x16xf32, #tpu.memory_space<vmem_shared>>
        tpu.enqueue_indirect_dma source(%arg24 : memref<80x16xf32, #tpu.memory_space<vmem>>) target(%dma_start3A_482 : memref<10008x16xf32, #tpu.memory_space<vmem_shared>>) offsets(%dma_start3A_479 : memref<80xi32, #tpu.memory_space<vmem>>) semaphore(%arg27 : memref<!tpu.dma_semaphore, #tpu.memory_space<semaphore_mem>>) {add = true}
      } else {
      }
      %add3A_370 = arith.constant 1 : i32
      %add3A_371 = arith.addi %mul3A_348, %add3A_370 : i32
      %dma_wait3A_372 = arith.constant 0 : i32
      %dma_wait3A_373 = tpu.memref_slice %arg8[%add3A_371, %dma_wait3A_372] : memref<250x80xi32, #tpu.memory_space<vmem>> -> memref<1x80xi32, #tpu.memory_space<vmem>>
      %dma_wait3A_374 = tpu.memref_squeeze %dma_wait3A_373 : memref<1x80xi32, #tpu.memory_space<vmem>> -> memref<80xi32, #tpu.memory_space<vmem>>
      %dma_wait3A_375 = arith.constant 0 : i32
      %dma_wait3A_376 = arith.constant 0 : i32
      %dma_wait3A_377 = tpu.memref_slice %arg2[%dma_wait3A_375, %dma_wait3A_376] : memref<20000x64xf32, #tpu.memory_space<hbm>> -> memref<20000x64xf32, #tpu.memory_space<hbm>>
      tpu.wait_indirect_dma semaphore(%arg16 : memref<!tpu.dma_semaphore, #tpu.memory_space<semaphore_mem>>) src(%dma_wait3A_377 : memref<20000x64xf32, #tpu.memory_space<hbm>>) dst(%arg12 : memref<80x64xf32, #tpu.memory_space<vmem>>)
      %add3A_378 = arith.constant 1 : i32
      %add3A_379 = arith.addi %mul3A_348, %add3A_378 : i32
      %dma_start3A_380 = arith.constant 0 : i32
      %dma_start3A_381 = tpu.memref_slice %arg9[%add3A_379, %dma_start3A_380] : memref<250x80xi32, #tpu.memory_space<vmem>> -> memref<1x80xi32, #tpu.memory_space<vmem>>
      %dma_start3A_382 = tpu.memref_squeeze %dma_start3A_381 : memref<1x80xi32, #tpu.memory_space<vmem>> -> memref<80xi32, #tpu.memory_space<vmem>>
      %dma_start3A_383 = arith.constant 0 : i32
      %dma_start3A_384 = arith.constant 0 : i32
      %dma_start3A_385 = tpu.memref_slice %arg10[%dma_start3A_383, %dma_start3A_384] : memref<10008x64xf32, #tpu.memory_space<vmem_shared>> -> memref<10008x64xf32, #tpu.memory_space<vmem_shared>>
      tpu.enqueue_indirect_dma source(%arg12 : memref<80x64xf32, #tpu.memory_space<vmem>>) target(%dma_start3A_385 : memref<10008x64xf32, #tpu.memory_space<vmem_shared>>) offsets(%dma_start3A_382 : memref<80xi32, #tpu.memory_space<vmem>>) semaphore(%arg20 : memref<!tpu.dma_semaphore, #tpu.memory_space<semaphore_mem>>) {add = true}
      %eq3A_386 = arith.constant 0 : i32
      %eq3A_387 = arith.cmpi eq, %arg0, %eq3A_386 : i32
      %convert_element_type3A_388 = arith.extui %eq3A_387 : i1 to i32
      %cond3A_389 = arith.constant 0 : i32
      %cond3A_390 = arith.cmpi ne, %convert_element_type3A_388, %cond3A_389 : i32
      scf.if %cond3A_390 {
        %dma_start3A_477 = arith.constant 0 : i32
        %dma_start3A_478 = tpu.memref_slice %arg9[%add3A_379, %dma_start3A_477] : memref<250x80xi32, #tpu.memory_space<vmem>> -> memref<1x80xi32, #tpu.memory_space<vmem>>
        %dma_start3A_479 = tpu.memref_squeeze %dma_start3A_478 : memref<1x80xi32, #tpu.memory_space<vmem>> -> memref<80xi32, #tpu.memory_space<vmem>>
        %dma_start3A_480 = arith.constant 0 : i32
        %dma_start3A_481 = arith.constant 0 : i32
        %dma_start3A_482 = tpu.memref_slice %arg26[%dma_start3A_480, %dma_start3A_481] : memref<10008x16xf32, #tpu.memory_space<vmem_shared>> -> memref<10008x16xf32, #tpu.memory_space<vmem_shared>>
        tpu.enqueue_indirect_dma source(%arg24 : memref<80x16xf32, #tpu.memory_space<vmem>>) target(%dma_start3A_482 : memref<10008x16xf32, #tpu.memory_space<vmem_shared>>) offsets(%dma_start3A_479 : memref<80xi32, #tpu.memory_space<vmem>>) semaphore(%arg27 : memref<!tpu.dma_semaphore, #tpu.memory_space<semaphore_mem>>) {add = true}
      } else {
      }
      %add3A_391 = arith.constant 2 : i32
      %add3A_392 = arith.addi %mul3A_348, %add3A_391 : i32
      %dma_wait3A_393 = arith.constant 0 : i32
      %dma_wait3A_394 = tpu.memref_slice %arg8[%add3A_392, %dma_wait3A_393] : memref<250x80xi32, #tpu.memory_space<vmem>> -> memref<1x80xi32, #tpu.memory_space<vmem>>
      %dma_wait3A_395 = tpu.memref_squeeze %dma_wait3A_394 : memref<1x80xi32, #tpu.memory_space<vmem>> -> memref<80xi32, #tpu.memory_space<vmem>>
      %dma_wait3A_396 = arith.constant 0 : i32
      %dma_wait3A_397 = arith.constant 0 : i32
      %dma_wait3A_398 = tpu.memref_slice %arg2[%dma_wait3A_396, %dma_wait3A_397] : memref<20000x64xf32, #tpu.memory_space<hbm>> -> memref<20000x64xf32, #tpu.memory_space<hbm>>
      tpu.wait_indirect_dma semaphore(%arg17 : memref<!tpu.dma_semaphore, #tpu.memory_space<semaphore_mem>>) src(%dma_wait3A_398 : memref<20000x64xf32, #tpu.memory_space<hbm>>) dst(%arg13 : memref<80x64xf32, #tpu.memory_space<vmem>>)
      %add3A_399 = arith.constant 2 : i32
      %add3A_400 = arith.addi %mul3A_348, %add3A_399 : i32
      %dma_start3A_401 = arith.constant 0 : i32
      %dma_start3A_402 = tpu.memref_slice %arg9[%add3A_400, %dma_start3A_401] : memref<250x80xi32, #tpu.memory_space<vmem>> -> memref<1x80xi32, #tpu.memory_space<vmem>>
      %dma_start3A_403 = tpu.memref_squeeze %dma_start3A_402 : memref<1x80xi32, #tpu.memory_space<vmem>> -> memref<80xi32, #tpu.memory_space<vmem>>
      %dma_start3A_404 = arith.constant 0 : i32
      %dma_start3A_405 = arith.constant 0 : i32
      %dma_start3A_406 = tpu.memref_slice %arg10[%dma_start3A_404, %dma_start3A_405] : memref<10008x64xf32, #tpu.memory_space<vmem_shared>> -> memref<10008x64xf32, #tpu.memory_space<vmem_shared>>
      tpu.enqueue_indirect_dma source(%arg13 : memref<80x64xf32, #tpu.memory_space<vmem>>) target(%dma_start3A_406 : memref<10008x64xf32, #tpu.memory_space<vmem_shared>>) offsets(%dma_start3A_403 : memref<80xi32, #tpu.memory_space<vmem>>) semaphore(%arg21 : memref<!tpu.dma_semaphore, #tpu.memory_space<semaphore_mem>>) {add = true}
      %eq3A_407 = arith.constant 0 : i32
      %eq3A_408 = arith.cmpi eq, %arg0, %eq3A_407 : i32
      %convert_element_type3A_409 = arith.extui %eq3A_408 : i1 to i32
      %cond3A_410 = arith.constant 0 : i32
      %cond3A_411 = arith.cmpi ne, %convert_element_type3A_409, %cond3A_410 : i32
      scf.if %cond3A_411 {
        %dma_start3A_477 = arith.constant 0 : i32
        %dma_start3A_478 = tpu.memref_slice %arg9[%add3A_400, %dma_start3A_477] : memref<250x80xi32, #tpu.memory_space<vmem>> -> memref<1x80xi32, #tpu.memory_space<vmem>>
        %dma_start3A_479 = tpu.memref_squeeze %dma_start3A_478 : memref<1x80xi32, #tpu.memory_space<vmem>> -> memref<80xi32, #tpu.memory_space<vmem>>
        %dma_start3A_480 = arith.constant 0 : i32
        %dma_start3A_481 = arith.constant 0 : i32
        %dma_start3A_482 = tpu.memref_slice %arg26[%dma_start3A_480, %dma_start3A_481] : memref<10008x16xf32, #tpu.memory_space<vmem_shared>> -> memref<10008x16xf32, #tpu.memory_space<vmem_shared>>
        tpu.enqueue_indirect_dma source(%arg24 : memref<80x16xf32, #tpu.memory_space<vmem>>) target(%dma_start3A_482 : memref<10008x16xf32, #tpu.memory_space<vmem_shared>>) offsets(%dma_start3A_479 : memref<80xi32, #tpu.memory_space<vmem>>) semaphore(%arg27 : memref<!tpu.dma_semaphore, #tpu.memory_space<semaphore_mem>>) {add = true}
      } else {
      }
      %add3A_412 = arith.constant 3 : i32
      %add3A_413 = arith.addi %mul3A_348, %add3A_412 : i32
      %dma_wait3A_414 = arith.constant 0 : i32
      %dma_wait3A_415 = tpu.memref_slice %arg8[%add3A_413, %dma_wait3A_414] : memref<250x80xi32, #tpu.memory_space<vmem>> -> memref<1x80xi32, #tpu.memory_space<vmem>>
      %dma_wait3A_416 = tpu.memref_squeeze %dma_wait3A_415 : memref<1x80xi32, #tpu.memory_space<vmem>> -> memref<80xi32, #tpu.memory_space<vmem>>
      %dma_wait3A_417 = arith.constant 0 : i32
      %dma_wait3A_418 = arith.constant 0 : i32
      %dma_wait3A_419 = tpu.memref_slice %arg2[%dma_wait3A_417, %dma_wait3A_418] : memref<20000x64xf32, #tpu.memory_space<hbm>> -> memref<20000x64xf32, #tpu.memory_space<hbm>>
      tpu.wait_indirect_dma semaphore(%arg18 : memref<!tpu.dma_semaphore, #tpu.memory_space<semaphore_mem>>) src(%dma_wait3A_419 : memref<20000x64xf32, #tpu.memory_space<hbm>>) dst(%arg14 : memref<80x64xf32, #tpu.memory_space<vmem>>)
      %add3A_420 = arith.constant 3 : i32
      %add3A_421 = arith.addi %mul3A_348, %add3A_420 : i32
      %dma_start3A_422 = arith.constant 0 : i32
      %dma_start3A_423 = tpu.memref_slice %arg9[%add3A_421, %dma_start3A_422] : memref<250x80xi32, #tpu.memory_space<vmem>> -> memref<1x80xi32, #tpu.memory_space<vmem>>
      %dma_start3A_424 = tpu.memref_squeeze %dma_start3A_423 : memref<1x80xi32, #tpu.memory_space<vmem>> -> memref<80xi32, #tpu.memory_space<vmem>>
      %dma_start3A_425 = arith.constant 0 : i32
      %dma_start3A_426 = arith.constant 0 : i32
      %dma_start3A_427 = tpu.memref_slice %arg10[%dma_start3A_425, %dma_start3A_426] : memref<10008x64xf32, #tpu.memory_space<vmem_shared>> -> memref<10008x64xf32, #tpu.memory_space<vmem_shared>>
      tpu.enqueue_indirect_dma source(%arg14 : memref<80x64xf32, #tpu.memory_space<vmem>>) target(%dma_start3A_427 : memref<10008x64xf32, #tpu.memory_space<vmem_shared>>) offsets(%dma_start3A_424 : memref<80xi32, #tpu.memory_space<vmem>>) semaphore(%arg22 : memref<!tpu.dma_semaphore, #tpu.memory_space<semaphore_mem>>) {add = true}
      %eq3A_428 = arith.constant 0 : i32
      %eq3A_429 = arith.cmpi eq, %arg0, %eq3A_428 : i32
      %convert_element_type3A_430 = arith.extui %eq3A_429 : i1 to i32
      %cond3A_431 = arith.constant 0 : i32
      %cond3A_432 = arith.cmpi ne, %convert_element_type3A_430, %cond3A_431 : i32
      scf.if %cond3A_432 {
        %dma_start3A_477 = arith.constant 0 : i32
        %dma_start3A_478 = tpu.memref_slice %arg9[%add3A_421, %dma_start3A_477] : memref<250x80xi32, #tpu.memory_space<vmem>> -> memref<1x80xi32, #tpu.memory_space<vmem>>
        %dma_start3A_479 = tpu.memref_squeeze %dma_start3A_478 : memref<1x80xi32, #tpu.memory_space<vmem>> -> memref<80xi32, #tpu.memory_space<vmem>>
        %dma_start3A_480 = arith.constant 0 : i32
        %dma_start3A_481 = arith.constant 0 : i32
        %dma_start3A_482 = tpu.memref_slice %arg26[%dma_start3A_480, %dma_start3A_481] : memref<10008x16xf32, #tpu.memory_space<vmem_shared>> -> memref<10008x16xf32, #tpu.memory_space<vmem_shared>>
        tpu.enqueue_indirect_dma source(%arg24 : memref<80x16xf32, #tpu.memory_space<vmem>>) target(%dma_start3A_482 : memref<10008x16xf32, #tpu.memory_space<vmem_shared>>) offsets(%dma_start3A_479 : memref<80xi32, #tpu.memory_space<vmem>>) semaphore(%arg27 : memref<!tpu.dma_semaphore, #tpu.memory_space<semaphore_mem>>) {add = true}
      } else {
      }
      %add3A_433 = arith.constant 0 : i32
      %add3A_434 = arith.addi %mul3A_348, %add3A_433 : i32
      %add3A_435 = arith.constant 4 : i32
      %add3A_436 = arith.addi %add3A_434, %add3A_435 : i32
      %lt3A = arith.constant 250 : i32
      %lt3A_437 = arith.cmpi slt, %add3A_436, %lt3A : i32
      %add3A_438 = arith.constant 0 : i32
      %add3A_439 = arith.addi %mul3A_348, %add3A_438 : i32
      %convert_element_type3A_440 = arith.extui %lt3A_437 : i1 to i32
      %cond3A_441 = arith.constant 0 : i32
      %cond3A_442 = arith.cmpi ne, %convert_element_type3A_440, %cond3A_441 : i32
      scf.if %cond3A_442 {
        %dma_wait3A_477 = arith.constant 0 : i32
        %dma_wait3A_478 = tpu.memref_slice %arg9[%add3A_439, %dma_wait3A_477] : memref<250x80xi32, #tpu.memory_space<vmem>> -> memref<1x80xi32, #tpu.memory_space<vmem>>
        %dma_wait3A_479 = tpu.memref_squeeze %dma_wait3A_478 : memref<1x80xi32, #tpu.memory_space<vmem>> -> memref<80xi32, #tpu.memory_space<vmem>>
        %dma_wait3A_480 = arith.constant 0 : i32
        %dma_wait3A_481 = arith.constant 0 : i32
        %dma_wait3A_482 = tpu.memref_slice %arg10[%dma_wait3A_480, %dma_wait3A_481] : memref<10008x64xf32, #tpu.memory_space<vmem_shared>> -> memref<10008x64xf32, #tpu.memory_space<vmem_shared>>
        tpu.wait_indirect_dma semaphore(%arg19 : memref<!tpu.dma_semaphore, #tpu.memory_space<semaphore_mem>>) src(%arg11 : memref<80x64xf32, #tpu.memory_space<vmem>>) dst(%dma_wait3A_482 : memref<10008x64xf32, #tpu.memory_space<vmem_shared>>)
        %dma_start3A_483 = arith.constant 0 : i32
        %dma_start3A_484 = tpu.memref_slice %arg8[%add3A_436, %dma_start3A_483] : memref<250x80xi32, #tpu.memory_space<vmem>> -> memref<1x80xi32, #tpu.memory_space<vmem>>
        %dma_start3A_485 = tpu.memref_squeeze %dma_start3A_484 : memref<1x80xi32, #tpu.memory_space<vmem>> -> memref<80xi32, #tpu.memory_space<vmem>>
        %dma_start3A_486 = arith.constant 0 : i32
        %dma_start3A_487 = arith.constant 0 : i32
        %dma_start3A_488 = tpu.memref_slice %arg2[%dma_start3A_486, %dma_start3A_487] : memref<20000x64xf32, #tpu.memory_space<hbm>> -> memref<20000x64xf32, #tpu.memory_space<hbm>>
        tpu.enqueue_indirect_dma source(%dma_start3A_488 : memref<20000x64xf32, #tpu.memory_space<hbm>>) target(%arg11 : memref<80x64xf32, #tpu.memory_space<vmem>>) offsets(%dma_start3A_485 : memref<80xi32, #tpu.memory_space<vmem>>) semaphore(%arg15 : memref<!tpu.dma_semaphore, #tpu.memory_space<semaphore_mem>>)
      } else {
      }
      %add3A_443 = arith.constant 1 : i32
      %add3A_444 = arith.addi %mul3A_348, %add3A_443 : i32
      %add3A_445 = arith.constant 4 : i32
      %add3A_446 = arith.addi %add3A_444, %add3A_445 : i32
      %lt3A_447 = arith.constant 250 : i32
      %lt3A_448 = arith.cmpi slt, %add3A_446, %lt3A_447 : i32
      %add3A_449 = arith.constant 1 : i32
      %add3A_450 = arith.addi %mul3A_348, %add3A_449 : i32
      %convert_element_type3A_451 = arith.extui %lt3A_448 : i1 to i32
      %cond3A_452 = arith.constant 0 : i32
      %cond3A_453 = arith.cmpi ne, %convert_element_type3A_451, %cond3A_452 : i32
      scf.if %cond3A_453 {
        %dma_wait3A_477 = arith.constant 0 : i32
        %dma_wait3A_478 = tpu.memref_slice %arg9[%add3A_450, %dma_wait3A_477] : memref<250x80xi32, #tpu.memory_space<vmem>> -> memref<1x80xi32, #tpu.memory_space<vmem>>
        %dma_wait3A_479 = tpu.memref_squeeze %dma_wait3A_478 : memref<1x80xi32, #tpu.memory_space<vmem>> -> memref<80xi32, #tpu.memory_space<vmem>>
        %dma_wait3A_480 = arith.constant 0 : i32
        %dma_wait3A_481 = arith.constant 0 : i32
        %dma_wait3A_482 = tpu.memref_slice %arg10[%dma_wait3A_480, %dma_wait3A_481] : memref<10008x64xf32, #tpu.memory_space<vmem_shared>> -> memref<10008x64xf32, #tpu.memory_space<vmem_shared>>
        tpu.wait_indirect_dma semaphore(%arg20 : memref<!tpu.dma_semaphore, #tpu.memory_space<semaphore_mem>>) src(%arg12 : memref<80x64xf32, #tpu.memory_space<vmem>>) dst(%dma_wait3A_482 : memref<10008x64xf32, #tpu.memory_space<vmem_shared>>)
        %dma_start3A_483 = arith.constant 0 : i32
        %dma_start3A_484 = tpu.memref_slice %arg8[%add3A_446, %dma_start3A_483] : memref<250x80xi32, #tpu.memory_space<vmem>> -> memref<1x80xi32, #tpu.memory_space<vmem>>
        %dma_start3A_485 = tpu.memref_squeeze %dma_start3A_484 : memref<1x80xi32, #tpu.memory_space<vmem>> -> memref<80xi32, #tpu.memory_space<vmem>>
        %dma_start3A_486 = arith.constant 0 : i32
        %dma_start3A_487 = arith.constant 0 : i32
        %dma_start3A_488 = tpu.memref_slice %arg2[%dma_start3A_486, %dma_start3A_487] : memref<20000x64xf32, #tpu.memory_space<hbm>> -> memref<20000x64xf32, #tpu.memory_space<hbm>>
        tpu.enqueue_indirect_dma source(%dma_start3A_488 : memref<20000x64xf32, #tpu.memory_space<hbm>>) target(%arg12 : memref<80x64xf32, #tpu.memory_space<vmem>>) offsets(%dma_start3A_485 : memref<80xi32, #tpu.memory_space<vmem>>) semaphore(%arg16 : memref<!tpu.dma_semaphore, #tpu.memory_space<semaphore_mem>>)
      } else {
      }
      %add3A_454 = arith.constant 2 : i32
      %add3A_455 = arith.addi %mul3A_348, %add3A_454 : i32
      %add3A_456 = arith.constant 4 : i32
      %add3A_457 = arith.addi %add3A_455, %add3A_456 : i32
      %lt3A_458 = arith.constant 250 : i32
      %lt3A_459 = arith.cmpi slt, %add3A_457, %lt3A_458 : i32
      %add3A_460 = arith.constant 2 : i32
      %add3A_461 = arith.addi %mul3A_348, %add3A_460 : i32
      %convert_element_type3A_462 = arith.extui %lt3A_459 : i1 to i32
      %cond3A_463 = arith.constant 0 : i32
      %cond3A_464 = arith.cmpi ne, %convert_element_type3A_462, %cond3A_463 : i32
      scf.if %cond3A_464 {
        %dma_wait3A_477 = arith.constant 0 : i32
        %dma_wait3A_478 = tpu.memref_slice %arg9[%add3A_461, %dma_wait3A_477] : memref<250x80xi32, #tpu.memory_space<vmem>> -> memref<1x80xi32, #tpu.memory_space<vmem>>
        %dma_wait3A_479 = tpu.memref_squeeze %dma_wait3A_478 : memref<1x80xi32, #tpu.memory_space<vmem>> -> memref<80xi32, #tpu.memory_space<vmem>>
        %dma_wait3A_480 = arith.constant 0 : i32
        %dma_wait3A_481 = arith.constant 0 : i32
        %dma_wait3A_482 = tpu.memref_slice %arg10[%dma_wait3A_480, %dma_wait3A_481] : memref<10008x64xf32, #tpu.memory_space<vmem_shared>> -> memref<10008x64xf32, #tpu.memory_space<vmem_shared>>
        tpu.wait_indirect_dma semaphore(%arg21 : memref<!tpu.dma_semaphore, #tpu.memory_space<semaphore_mem>>) src(%arg13 : memref<80x64xf32, #tpu.memory_space<vmem>>) dst(%dma_wait3A_482 : memref<10008x64xf32, #tpu.memory_space<vmem_shared>>)
        %dma_start3A_483 = arith.constant 0 : i32
        %dma_start3A_484 = tpu.memref_slice %arg8[%add3A_457, %dma_start3A_483] : memref<250x80xi32, #tpu.memory_space<vmem>> -> memref<1x80xi32, #tpu.memory_space<vmem>>
        %dma_start3A_485 = tpu.memref_squeeze %dma_start3A_484 : memref<1x80xi32, #tpu.memory_space<vmem>> -> memref<80xi32, #tpu.memory_space<vmem>>
        %dma_start3A_486 = arith.constant 0 : i32
        %dma_start3A_487 = arith.constant 0 : i32
        %dma_start3A_488 = tpu.memref_slice %arg2[%dma_start3A_486, %dma_start3A_487] : memref<20000x64xf32, #tpu.memory_space<hbm>> -> memref<20000x64xf32, #tpu.memory_space<hbm>>
        tpu.enqueue_indirect_dma source(%dma_start3A_488 : memref<20000x64xf32, #tpu.memory_space<hbm>>) target(%arg13 : memref<80x64xf32, #tpu.memory_space<vmem>>) offsets(%dma_start3A_485 : memref<80xi32, #tpu.memory_space<vmem>>) semaphore(%arg17 : memref<!tpu.dma_semaphore, #tpu.memory_space<semaphore_mem>>)
      } else {
      }
      %add3A_465 = arith.constant 3 : i32
      %add3A_466 = arith.addi %mul3A_348, %add3A_465 : i32
      %add3A_467 = arith.constant 4 : i32
      %add3A_468 = arith.addi %add3A_466, %add3A_467 : i32
      %lt3A_469 = arith.constant 250 : i32
      %lt3A_470 = arith.cmpi slt, %add3A_468, %lt3A_469 : i32
      %add3A_471 = arith.constant 3 : i32
      %add3A_472 = arith.addi %mul3A_348, %add3A_471 : i32
      %convert_element_type3A_473 = arith.extui %lt3A_470 : i1 to i32
      %cond3A_474 = arith.constant 0 : i32
      %cond3A_475 = arith.cmpi ne, %convert_element_type3A_473, %cond3A_474 : i32
      scf.if %cond3A_475 {
        %dma_wait3A_477 = arith.constant 0 : i32
        %dma_wait3A_478 = tpu.memref_slice %arg9[%add3A_472, %dma_wait3A_477] : memref<250x80xi32, #tpu.memory_space<vmem>> -> memref<1x80xi32, #tpu.memory_space<vmem>>
        %dma_wait3A_479 = tpu.memref_squeeze %dma_wait3A_478 : memref<1x80xi32, #tpu.memory_space<vmem>> -> memref<80xi32, #tpu.memory_space<vmem>>
        %dma_wait3A_480 = arith.constant 0 : i32
        %dma_wait3A_481 = arith.constant 0 : i32
        %dma_wait3A_482 = tpu.memref_slice %arg10[%dma_wait3A_480, %dma_wait3A_481] : memref<10008x64xf32, #tpu.memory_space<vmem_shared>> -> memref<10008x64xf32, #tpu.memory_space<vmem_shared>>
        tpu.wait_indirect_dma semaphore(%arg22 : memref<!tpu.dma_semaphore, #tpu.memory_space<semaphore_mem>>) src(%arg14 : memref<80x64xf32, #tpu.memory_space<vmem>>) dst(%dma_wait3A_482 : memref<10008x64xf32, #tpu.memory_space<vmem_shared>>)
        %dma_start3A_483 = arith.constant 0 : i32
        %dma_start3A_484 = tpu.memref_slice %arg8[%add3A_468, %dma_start3A_483] : memref<250x80xi32, #tpu.memory_space<vmem>> -> memref<1x80xi32, #tpu.memory_space<vmem>>
        %dma_start3A_485 = tpu.memref_squeeze %dma_start3A_484 : memref<1x80xi32, #tpu.memory_space<vmem>> -> memref<80xi32, #tpu.memory_space<vmem>>
        %dma_start3A_486 = arith.constant 0 : i32
        %dma_start3A_487 = arith.constant 0 : i32
        %dma_start3A_488 = tpu.memref_slice %arg2[%dma_start3A_486, %dma_start3A_487] : memref<20000x64xf32, #tpu.memory_space<hbm>> -> memref<20000x64xf32, #tpu.memory_space<hbm>>
        tpu.enqueue_indirect_dma source(%dma_start3A_488 : memref<20000x64xf32, #tpu.memory_space<hbm>>) target(%arg14 : memref<80x64xf32, #tpu.memory_space<vmem>>) offsets(%dma_start3A_485 : memref<80xi32, #tpu.memory_space<vmem>>) semaphore(%arg18 : memref<!tpu.dma_semaphore, #tpu.memory_space<semaphore_mem>>)
      } else {
      }
      %scan3A_476 = arith.constant 0 : i32
      scf.yield %scan3A_476 : i32
    }
    %scan3A_262 = arith.constant 62 : i32
    %dma_wait3A_263 = arith.constant 248 : i32
    %dma_wait3A_264 = arith.constant 0 : i32
    %dma_wait3A_265 = tpu.memref_slice %arg8[%dma_wait3A_263, %dma_wait3A_264] : memref<250x80xi32, #tpu.memory_space<vmem>> -> memref<1x80xi32, #tpu.memory_space<vmem>>
    %dma_wait3A_266 = tpu.memref_squeeze %dma_wait3A_265 : memref<1x80xi32, #tpu.memory_space<vmem>> -> memref<80xi32, #tpu.memory_space<vmem>>
    %dma_wait3A_267 = arith.constant 0 : i32
    %dma_wait3A_268 = arith.constant 0 : i32
    %dma_wait3A_269 = tpu.memref_slice %arg2[%dma_wait3A_267, %dma_wait3A_268] : memref<20000x64xf32, #tpu.memory_space<hbm>> -> memref<20000x64xf32, #tpu.memory_space<hbm>>
    tpu.wait_indirect_dma semaphore(%arg15 : memref<!tpu.dma_semaphore, #tpu.memory_space<semaphore_mem>>) src(%dma_wait3A_269 : memref<20000x64xf32, #tpu.memory_space<hbm>>) dst(%arg11 : memref<80x64xf32, #tpu.memory_space<vmem>>)
    %dma_start3A_270 = arith.constant 248 : i32
    %dma_start3A_271 = arith.constant 0 : i32
    %dma_start3A_272 = tpu.memref_slice %arg9[%dma_start3A_270, %dma_start3A_271] : memref<250x80xi32, #tpu.memory_space<vmem>> -> memref<1x80xi32, #tpu.memory_space<vmem>>
    %dma_start3A_273 = tpu.memref_squeeze %dma_start3A_272 : memref<1x80xi32, #tpu.memory_space<vmem>> -> memref<80xi32, #tpu.memory_space<vmem>>
    %dma_start3A_274 = arith.constant 0 : i32
    %dma_start3A_275 = arith.constant 0 : i32
    %dma_start3A_276 = tpu.memref_slice %arg10[%dma_start3A_274, %dma_start3A_275] : memref<10008x64xf32, #tpu.memory_space<vmem_shared>> -> memref<10008x64xf32, #tpu.memory_space<vmem_shared>>
    tpu.enqueue_indirect_dma source(%arg11 : memref<80x64xf32, #tpu.memory_space<vmem>>) target(%dma_start3A_276 : memref<10008x64xf32, #tpu.memory_space<vmem_shared>>) offsets(%dma_start3A_273 : memref<80xi32, #tpu.memory_space<vmem>>) semaphore(%arg19 : memref<!tpu.dma_semaphore, #tpu.memory_space<semaphore_mem>>) {add = true}
    %eq3A_277 = arith.constant 0 : i32
    %eq3A_278 = arith.cmpi eq, %arg0, %eq3A_277 : i32
    %convert_element_type3A_279 = arith.extui %eq3A_278 : i1 to i32
    %cond3A_280 = arith.constant 0 : i32
    %cond3A_281 = arith.cmpi ne, %convert_element_type3A_279, %cond3A_280 : i32
    scf.if %cond3A_281 {
      %dma_start3A_345 = arith.constant 248 : i32
      %dma_start3A_346 = arith.constant 0 : i32
      %dma_start3A_347 = tpu.memref_slice %arg9[%dma_start3A_345, %dma_start3A_346] : memref<250x80xi32, #tpu.memory_space<vmem>> -> memref<1x80xi32, #tpu.memory_space<vmem>>
      %dma_start3A_348 = tpu.memref_squeeze %dma_start3A_347 : memref<1x80xi32, #tpu.memory_space<vmem>> -> memref<80xi32, #tpu.memory_space<vmem>>
      %dma_start3A_349 = arith.constant 0 : i32
      %dma_start3A_350 = arith.constant 0 : i32
      %dma_start3A_351 = tpu.memref_slice %arg26[%dma_start3A_349, %dma_start3A_350] : memref<10008x16xf32, #tpu.memory_space<vmem_shared>> -> memref<10008x16xf32, #tpu.memory_space<vmem_shared>>
      tpu.enqueue_indirect_dma source(%arg24 : memref<80x16xf32, #tpu.memory_space<vmem>>) target(%dma_start3A_351 : memref<10008x16xf32, #tpu.memory_space<vmem_shared>>) offsets(%dma_start3A_348 : memref<80xi32, #tpu.memory_space<vmem>>) semaphore(%arg27 : memref<!tpu.dma_semaphore, #tpu.memory_space<semaphore_mem>>) {add = true}
    } else {
    }
    %dma_wait3A_282 = arith.constant 249 : i32
    %dma_wait3A_283 = arith.constant 0 : i32
    %dma_wait3A_284 = tpu.memref_slice %arg8[%dma_wait3A_282, %dma_wait3A_283] : memref<250x80xi32, #tpu.memory_space<vmem>> -> memref<1x80xi32, #tpu.memory_space<vmem>>
    %dma_wait3A_285 = tpu.memref_squeeze %dma_wait3A_284 : memref<1x80xi32, #tpu.memory_space<vmem>> -> memref<80xi32, #tpu.memory_space<vmem>>
    %dma_wait3A_286 = arith.constant 0 : i32
    %dma_wait3A_287 = arith.constant 0 : i32
    %dma_wait3A_288 = tpu.memref_slice %arg2[%dma_wait3A_286, %dma_wait3A_287] : memref<20000x64xf32, #tpu.memory_space<hbm>> -> memref<20000x64xf32, #tpu.memory_space<hbm>>
    tpu.wait_indirect_dma semaphore(%arg16 : memref<!tpu.dma_semaphore, #tpu.memory_space<semaphore_mem>>) src(%dma_wait3A_288 : memref<20000x64xf32, #tpu.memory_space<hbm>>) dst(%arg12 : memref<80x64xf32, #tpu.memory_space<vmem>>)
    %dma_start3A_289 = arith.constant 249 : i32
    %dma_start3A_290 = arith.constant 0 : i32
    %dma_start3A_291 = tpu.memref_slice %arg9[%dma_start3A_289, %dma_start3A_290] : memref<250x80xi32, #tpu.memory_space<vmem>> -> memref<1x80xi32, #tpu.memory_space<vmem>>
    %dma_start3A_292 = tpu.memref_squeeze %dma_start3A_291 : memref<1x80xi32, #tpu.memory_space<vmem>> -> memref<80xi32, #tpu.memory_space<vmem>>
    %dma_start3A_293 = arith.constant 0 : i32
    %dma_start3A_294 = arith.constant 0 : i32
    %dma_start3A_295 = tpu.memref_slice %arg10[%dma_start3A_293, %dma_start3A_294] : memref<10008x64xf32, #tpu.memory_space<vmem_shared>> -> memref<10008x64xf32, #tpu.memory_space<vmem_shared>>
    tpu.enqueue_indirect_dma source(%arg12 : memref<80x64xf32, #tpu.memory_space<vmem>>) target(%dma_start3A_295 : memref<10008x64xf32, #tpu.memory_space<vmem_shared>>) offsets(%dma_start3A_292 : memref<80xi32, #tpu.memory_space<vmem>>) semaphore(%arg20 : memref<!tpu.dma_semaphore, #tpu.memory_space<semaphore_mem>>) {add = true}
    %eq3A_296 = arith.constant 0 : i32
    %eq3A_297 = arith.cmpi eq, %arg0, %eq3A_296 : i32
    %convert_element_type3A_298 = arith.extui %eq3A_297 : i1 to i32
    %cond3A_299 = arith.constant 0 : i32
    %cond3A_300 = arith.cmpi ne, %convert_element_type3A_298, %cond3A_299 : i32
    scf.if %cond3A_300 {
      %dma_start3A_345 = arith.constant 249 : i32
      %dma_start3A_346 = arith.constant 0 : i32
      %dma_start3A_347 = tpu.memref_slice %arg9[%dma_start3A_345, %dma_start3A_346] : memref<250x80xi32, #tpu.memory_space<vmem>> -> memref<1x80xi32, #tpu.memory_space<vmem>>
      %dma_start3A_348 = tpu.memref_squeeze %dma_start3A_347 : memref<1x80xi32, #tpu.memory_space<vmem>> -> memref<80xi32, #tpu.memory_space<vmem>>
      %dma_start3A_349 = arith.constant 0 : i32
      %dma_start3A_350 = arith.constant 0 : i32
      %dma_start3A_351 = tpu.memref_slice %arg26[%dma_start3A_349, %dma_start3A_350] : memref<10008x16xf32, #tpu.memory_space<vmem_shared>> -> memref<10008x16xf32, #tpu.memory_space<vmem_shared>>
      tpu.enqueue_indirect_dma source(%arg24 : memref<80x16xf32, #tpu.memory_space<vmem>>) target(%dma_start3A_351 : memref<10008x16xf32, #tpu.memory_space<vmem_shared>>) offsets(%dma_start3A_348 : memref<80xi32, #tpu.memory_space<vmem>>) semaphore(%arg27 : memref<!tpu.dma_semaphore, #tpu.memory_space<semaphore_mem>>) {add = true}
    } else {
    }
    %dma_wait3A_301 = arith.constant 246 : i32
    %dma_wait3A_302 = arith.constant 0 : i32
    %dma_wait3A_303 = tpu.memref_slice %arg9[%dma_wait3A_301, %dma_wait3A_302] : memref<250x80xi32, #tpu.memory_space<vmem>> -> memref<1x80xi32, #tpu.memory_space<vmem>>
    %dma_wait3A_304 = tpu.memref_squeeze %dma_wait3A_303 : memref<1x80xi32, #tpu.memory_space<vmem>> -> memref<80xi32, #tpu.memory_space<vmem>>
    %dma_wait3A_305 = arith.constant 0 : i32
    %dma_wait3A_306 = arith.constant 0 : i32
    %dma_wait3A_307 = tpu.memref_slice %arg10[%dma_wait3A_305, %dma_wait3A_306] : memref<10008x64xf32, #tpu.memory_space<vmem_shared>> -> memref<10008x64xf32, #tpu.memory_space<vmem_shared>>
    tpu.wait_indirect_dma semaphore(%arg21 : memref<!tpu.dma_semaphore, #tpu.memory_space<semaphore_mem>>) src(%arg13 : memref<80x64xf32, #tpu.memory_space<vmem>>) dst(%dma_wait3A_307 : memref<10008x64xf32, #tpu.memory_space<vmem_shared>>)
    %dma_wait3A_308 = arith.constant 247 : i32
    %dma_wait3A_309 = arith.constant 0 : i32
    %dma_wait3A_310 = tpu.memref_slice %arg9[%dma_wait3A_308, %dma_wait3A_309] : memref<250x80xi32, #tpu.memory_space<vmem>> -> memref<1x80xi32, #tpu.memory_space<vmem>>
    %dma_wait3A_311 = tpu.memref_squeeze %dma_wait3A_310 : memref<1x80xi32, #tpu.memory_space<vmem>> -> memref<80xi32, #tpu.memory_space<vmem>>
    %dma_wait3A_312 = arith.constant 0 : i32
    %dma_wait3A_313 = arith.constant 0 : i32
    %dma_wait3A_314 = tpu.memref_slice %arg10[%dma_wait3A_312, %dma_wait3A_313] : memref<10008x64xf32, #tpu.memory_space<vmem_shared>> -> memref<10008x64xf32, #tpu.memory_space<vmem_shared>>
    tpu.wait_indirect_dma semaphore(%arg22 : memref<!tpu.dma_semaphore, #tpu.memory_space<semaphore_mem>>) src(%arg14 : memref<80x64xf32, #tpu.memory_space<vmem>>) dst(%dma_wait3A_314 : memref<10008x64xf32, #tpu.memory_space<vmem_shared>>)
    %dma_wait3A_315 = arith.constant 248 : i32
    %dma_wait3A_316 = arith.constant 0 : i32
    %dma_wait3A_317 = tpu.memref_slice %arg9[%dma_wait3A_315, %dma_wait3A_316] : memref<250x80xi32, #tpu.memory_space<vmem>> -> memref<1x80xi32, #tpu.memory_space<vmem>>
    %dma_wait3A_318 = tpu.memref_squeeze %dma_wait3A_317 : memref<1x80xi32, #tpu.memory_space<vmem>> -> memref<80xi32, #tpu.memory_space<vmem>>
    %dma_wait3A_319 = arith.constant 0 : i32
    %dma_wait3A_320 = arith.constant 0 : i32
    %dma_wait3A_321 = tpu.memref_slice %arg10[%dma_wait3A_319, %dma_wait3A_320] : memref<10008x64xf32, #tpu.memory_space<vmem_shared>> -> memref<10008x64xf32, #tpu.memory_space<vmem_shared>>
    tpu.wait_indirect_dma semaphore(%arg19 : memref<!tpu.dma_semaphore, #tpu.memory_space<semaphore_mem>>) src(%arg11 : memref<80x64xf32, #tpu.memory_space<vmem>>) dst(%dma_wait3A_321 : memref<10008x64xf32, #tpu.memory_space<vmem_shared>>)
    %dma_wait3A_322 = arith.constant 249 : i32
    %dma_wait3A_323 = arith.constant 0 : i32
    %dma_wait3A_324 = tpu.memref_slice %arg9[%dma_wait3A_322, %dma_wait3A_323] : memref<250x80xi32, #tpu.memory_space<vmem>> -> memref<1x80xi32, #tpu.memory_space<vmem>>
    %dma_wait3A_325 = tpu.memref_squeeze %dma_wait3A_324 : memref<1x80xi32, #tpu.memory_space<vmem>> -> memref<80xi32, #tpu.memory_space<vmem>>
    %dma_wait3A_326 = arith.constant 0 : i32
    %dma_wait3A_327 = arith.constant 0 : i32
    %dma_wait3A_328 = tpu.memref_slice %arg10[%dma_wait3A_326, %dma_wait3A_327] : memref<10008x64xf32, #tpu.memory_space<vmem_shared>> -> memref<10008x64xf32, #tpu.memory_space<vmem_shared>>
    tpu.wait_indirect_dma semaphore(%arg20 : memref<!tpu.dma_semaphore, #tpu.memory_space<semaphore_mem>>) src(%arg12 : memref<80x64xf32, #tpu.memory_space<vmem>>) dst(%dma_wait3A_328 : memref<10008x64xf32, #tpu.memory_space<vmem_shared>>)
    %eq3A_329 = arith.constant 0 : i32
    %eq3A_330 = arith.cmpi eq, %arg0, %eq3A_329 : i32
    %convert_element_type3A_331 = arith.extui %eq3A_330 : i1 to i32
    %cond3A_332 = arith.constant 0 : i32
    %cond3A_333 = arith.cmpi ne, %convert_element_type3A_331, %cond3A_332 : i32
    scf.if %cond3A_333 {
      %scan3A_345 = arith.constant 0 : i32
      %scan3A_346 = arith.constant 0 : i32
      %scan3A_347 = arith.constant 250 : i32
      %scan3A_348 = arith.addi %scan3A_346, %scan3A_347 : i32
      %scan3A_349 = arith.constant 1 : i32
      %scan3A_350 = scf.for %scan3A_352 = %scan3A_346 to %scan3A_348 step %scan3A_349 iter_args(%scan3A_353 = %scan3A_345) -> (i32)  : i32 {
        %dma_wait3A_354 = arith.constant 0 : i32
        %dma_wait3A_355 = arith.constant 0 : i32
        %dma_wait3A_356 = tpu.memref_slice %arg9[%dma_wait3A_354, %dma_wait3A_355] : memref<250x80xi32, #tpu.memory_space<vmem>> -> memref<1x80xi32, #tpu.memory_space<vmem>>
        %dma_wait3A_357 = tpu.memref_squeeze %dma_wait3A_356 : memref<1x80xi32, #tpu.memory_space<vmem>> -> memref<80xi32, #tpu.memory_space<vmem>>
        %dma_wait3A_358 = arith.constant 0 : i32
        %dma_wait3A_359 = arith.constant 0 : i32
        %dma_wait3A_360 = tpu.memref_slice %arg26[%dma_wait3A_358, %dma_wait3A_359] : memref<10008x16xf32, #tpu.memory_space<vmem_shared>> -> memref<10008x16xf32, #tpu.memory_space<vmem_shared>>
        tpu.wait_indirect_dma semaphore(%arg27 : memref<!tpu.dma_semaphore, #tpu.memory_space<semaphore_mem>>) src(%arg24 : memref<80x16xf32, #tpu.memory_space<vmem>>) dst(%dma_wait3A_360 : memref<10008x16xf32, #tpu.memory_space<vmem_shared>>)
        %scan3A_361 = arith.constant 0 : i32
        scf.yield %scan3A_361 : i32
      }
      %scan3A_351 = arith.constant 250 : i32
    } else {
    }
    %barrier3A_334 = arith.constant 0 : index
    tpu.barrier barrier_id(%barrier3A_334)
    "tpu.region"() ({
      %run_scoped3A_345 = tpu.sem_alloc : memref<!tpu.dma_semaphore, #tpu.memory_space<semaphore_mem>>
      %dma_start3A_346 = arith.constant 0 : i32
      %dma_start3A_347 = arith.constant 0 : i32
      %dma_start3A_348 = tpu.memref_slice %arg6[%arg0, %dma_start3A_346, %dma_start3A_347] : memref<2x10008x64xf32, #tpu.memory_space<hbm>> -> memref<1x10008x64xf32, #tpu.memory_space<hbm>>
      %dma_start3A_349 = tpu.memref_squeeze %dma_start3A_348 : memref<1x10008x64xf32, #tpu.memory_space<hbm>> -> memref<10008x64xf32, #tpu.memory_space<hbm>>
      %dma_start3A_350 = arith.constant 0 : i32
      %dma_start3A_351 = tpu.memref_slice %dma_start3A_349[%mul3A_7, %dma_start3A_350] : memref<10008x64xf32, #tpu.memory_space<hbm>> -> memref<624x64xf32, #tpu.memory_space<hbm>>
      %dma_start3A_352 = arith.constant 0 : i32
      %dma_start3A_353 = tpu.memref_slice %arg10[%mul3A_7, %dma_start3A_352] : memref<10008x64xf32, #tpu.memory_space<vmem_shared>> -> memref<624x64xf32, #tpu.memory_space<vmem_shared>>
      tpu.enqueue_dma source(%dma_start3A_353 : memref<624x64xf32, #tpu.memory_space<vmem_shared>>) target(%dma_start3A_351 : memref<624x64xf32, #tpu.memory_space<hbm>>) target_semaphore(%run_scoped3A_345 : memref<!tpu.dma_semaphore, #tpu.memory_space<semaphore_mem>>)
      %dma_wait3A_354 = arith.constant 0 : i32
      %dma_wait3A_355 = arith.constant 0 : i32
      %dma_wait3A_356 = tpu.memref_slice %arg6[%arg0, %dma_wait3A_354, %dma_wait3A_355] : memref<2x10008x64xf32, #tpu.memory_space<hbm>> -> memref<1x10008x64xf32, #tpu.memory_space<hbm>>
      %dma_wait3A_357 = tpu.memref_squeeze %dma_wait3A_356 : memref<1x10008x64xf32, #tpu.memory_space<hbm>> -> memref<10008x64xf32, #tpu.memory_space<hbm>>
      %dma_wait3A_358 = arith.constant 0 : i32
      %dma_wait3A_359 = tpu.memref_slice %dma_wait3A_357[%mul3A_7, %dma_wait3A_358] : memref<10008x64xf32, #tpu.memory_space<hbm>> -> memref<624x64xf32, #tpu.memory_space<hbm>>
      %dma_wait3A_360 = arith.constant 0 : i32
      %dma_wait3A_361 = tpu.memref_slice %arg10[%mul3A_7, %dma_wait3A_360] : memref<10008x64xf32, #tpu.memory_space<vmem_shared>> -> memref<624x64xf32, #tpu.memory_space<vmem_shared>>
      tpu.wait_dma2 semaphore(%run_scoped3A_345 : memref<!tpu.dma_semaphore, #tpu.memory_space<semaphore_mem>>) src(%dma_wait3A_361 : memref<624x64xf32, #tpu.memory_space<vmem_shared>>) dst(%dma_wait3A_359 : memref<624x64xf32, #tpu.memory_space<hbm>>)
      tpu.yield
    }) : () -> ()
    %eq3A_335 = arith.constant 15 : i32
    %eq3A_336 = arith.cmpi eq, %arg1, %eq3A_335 : i32
    %convert_element_type3A_337 = arith.extui %eq3A_336 : i1 to i32
    %cond3A_338 = arith.constant 0 : i32
    %cond3A_339 = arith.cmpi ne, %convert_element_type3A_337, %cond3A_338 : i32
    scf.if %cond3A_339 {
      "tpu.region"() ({
        %run_scoped3A_345 = tpu.sem_alloc : memref<!tpu.dma_semaphore, #tpu.memory_space<semaphore_mem>>
        %dma_start3A_346 = arith.constant 0 : i32
        %dma_start3A_347 = arith.constant 0 : i32
        %dma_start3A_348 = tpu.memref_slice %arg6[%arg0, %dma_start3A_346, %dma_start3A_347] : memref<2x10008x64xf32, #tpu.memory_space<hbm>> -> memref<1x10008x64xf32, #tpu.memory_space<hbm>>
        %dma_start3A_349 = tpu.memref_squeeze %dma_start3A_348 : memref<1x10008x64xf32, #tpu.memory_space<hbm>> -> memref<10008x64xf32, #tpu.memory_space<hbm>>
        %dma_start3A_350 = arith.constant 9984 : i32
        %dma_start3A_351 = arith.constant 0 : i32
        %dma_start3A_352 = tpu.memref_slice %dma_start3A_349[%dma_start3A_350, %dma_start3A_351] : memref<10008x64xf32, #tpu.memory_space<hbm>> -> memref<24x64xf32, #tpu.memory_space<hbm>>
        %dma_start3A_353 = arith.constant 9984 : i32
        %dma_start3A_354 = arith.constant 0 : i32
        %dma_start3A_355 = tpu.memref_slice %arg10[%dma_start3A_353, %dma_start3A_354] : memref<10008x64xf32, #tpu.memory_space<vmem_shared>> -> memref<24x64xf32, #tpu.memory_space<vmem_shared>>
        tpu.enqueue_dma source(%dma_start3A_355 : memref<24x64xf32, #tpu.memory_space<vmem_shared>>) target(%dma_start3A_352 : memref<24x64xf32, #tpu.memory_space<hbm>>) target_semaphore(%run_scoped3A_345 : memref<!tpu.dma_semaphore, #tpu.memory_space<semaphore_mem>>)
        %dma_wait3A_356 = arith.constant 0 : i32
        %dma_wait3A_357 = arith.constant 0 : i32
        %dma_wait3A_358 = tpu.memref_slice %arg6[%arg0, %dma_wait3A_356, %dma_wait3A_357] : memref<2x10008x64xf32, #tpu.memory_space<hbm>> -> memref<1x10008x64xf32, #tpu.memory_space<hbm>>
        %dma_wait3A_359 = tpu.memref_squeeze %dma_wait3A_358 : memref<1x10008x64xf32, #tpu.memory_space<hbm>> -> memref<10008x64xf32, #tpu.memory_space<hbm>>
        %dma_wait3A_360 = arith.constant 9984 : i32
        %dma_wait3A_361 = arith.constant 0 : i32
        %dma_wait3A_362 = tpu.memref_slice %dma_wait3A_359[%dma_wait3A_360, %dma_wait3A_361] : memref<10008x64xf32, #tpu.memory_space<hbm>> -> memref<24x64xf32, #tpu.memory_space<hbm>>
        %dma_wait3A_363 = arith.constant 9984 : i32
        %dma_wait3A_364 = arith.constant 0 : i32
        %dma_wait3A_365 = tpu.memref_slice %arg10[%dma_wait3A_363, %dma_wait3A_364] : memref<10008x64xf32, #tpu.memory_space<vmem_shared>> -> memref<24x64xf32, #tpu.memory_space<vmem_shared>>
        tpu.wait_dma2 semaphore(%run_scoped3A_345 : memref<!tpu.dma_semaphore, #tpu.memory_space<semaphore_mem>>) src(%dma_wait3A_365 : memref<24x64xf32, #tpu.memory_space<vmem_shared>>) dst(%dma_wait3A_362 : memref<24x64xf32, #tpu.memory_space<hbm>>)
        tpu.yield
      }) : () -> ()
    } else {
    }
    %eq3A_340 = arith.constant 0 : i32
    %eq3A_341 = arith.cmpi eq, %arg0, %eq3A_340 : i32
    %convert_element_type3A_342 = arith.extui %eq3A_341 : i1 to i32
    %cond3A_343 = arith.constant 0 : i32
    %cond3A_344 = arith.cmpi ne, %convert_element_type3A_342, %cond3A_343 : i32
    scf.if %cond3A_344 {
      "tpu.region"() ({
        %run_scoped3A_350 = tpu.sem_alloc : memref<!tpu.dma_semaphore, #tpu.memory_space<semaphore_mem>>
        %dma_start3A_351 = arith.constant 0 : i32
        %dma_start3A_352 = tpu.memref_slice %arg7[%mul3A_7, %dma_start3A_351] : memref<10008x16xf32, #tpu.memory_space<hbm>> -> memref<624x16xf32, #tpu.memory_space<hbm>>
        %dma_start3A_353 = arith.constant 0 : i32
        %dma_start3A_354 = tpu.memref_slice %arg26[%mul3A_7, %dma_start3A_353] : memref<10008x16xf32, #tpu.memory_space<vmem_shared>> -> memref<624x16xf32, #tpu.memory_space<vmem_shared>>
        tpu.enqueue_dma source(%dma_start3A_354 : memref<624x16xf32, #tpu.memory_space<vmem_shared>>) target(%dma_start3A_352 : memref<624x16xf32, #tpu.memory_space<hbm>>) target_semaphore(%run_scoped3A_350 : memref<!tpu.dma_semaphore, #tpu.memory_space<semaphore_mem>>)
        %dma_wait3A_355 = arith.constant 0 : i32
        %dma_wait3A_356 = tpu.memref_slice %arg7[%mul3A_7, %dma_wait3A_355] : memref<10008x16xf32, #tpu.memory_space<hbm>> -> memref<624x16xf32, #tpu.memory_space<hbm>>
        %dma_wait3A_357 = arith.constant 0 : i32
        %dma_wait3A_358 = tpu.memref_slice %arg26[%mul3A_7, %dma_wait3A_357] : memref<10008x16xf32, #tpu.memory_space<vmem_shared>> -> memref<624x16xf32, #tpu.memory_space<vmem_shared>>
        tpu.wait_dma2 semaphore(%run_scoped3A_350 : memref<!tpu.dma_semaphore, #tpu.memory_space<semaphore_mem>>) src(%dma_wait3A_358 : memref<624x16xf32, #tpu.memory_space<vmem_shared>>) dst(%dma_wait3A_356 : memref<624x16xf32, #tpu.memory_space<hbm>>)
        tpu.yield
      }) : () -> ()
      %eq3A_345 = arith.constant 15 : i32
      %eq3A_346 = arith.cmpi eq, %arg1, %eq3A_345 : i32
      %convert_element_type3A_347 = arith.extui %eq3A_346 : i1 to i32
      %cond3A_348 = arith.constant 0 : i32
      %cond3A_349 = arith.cmpi ne, %convert_element_type3A_347, %cond3A_348 : i32
      scf.if %cond3A_349 {
        "tpu.region"() ({
          %run_scoped3A_350 = tpu.sem_alloc : memref<!tpu.dma_semaphore, #tpu.memory_space<semaphore_mem>>
          %dma_start3A_351 = arith.constant 9984 : i32
          %dma_start3A_352 = arith.constant 0 : i32
          %dma_start3A_353 = tpu.memref_slice %arg7[%dma_start3A_351, %dma_start3A_352] : memref<10008x16xf32, #tpu.memory_space<hbm>> -> memref<24x16xf32, #tpu.memory_space<hbm>>
          %dma_start3A_354 = arith.constant 9984 : i32
          %dma_start3A_355 = arith.constant 0 : i32
          %dma_start3A_356 = tpu.memref_slice %arg26[%dma_start3A_354, %dma_start3A_355] : memref<10008x16xf32, #tpu.memory_space<vmem_shared>> -> memref<24x16xf32, #tpu.memory_space<vmem_shared>>
          tpu.enqueue_dma source(%dma_start3A_356 : memref<24x16xf32, #tpu.memory_space<vmem_shared>>) target(%dma_start3A_353 : memref<24x16xf32, #tpu.memory_space<hbm>>) target_semaphore(%run_scoped3A_350 : memref<!tpu.dma_semaphore, #tpu.memory_space<semaphore_mem>>)
          %dma_wait3A_357 = arith.constant 9984 : i32
          %dma_wait3A_358 = arith.constant 0 : i32
          %dma_wait3A_359 = tpu.memref_slice %arg7[%dma_wait3A_357, %dma_wait3A_358] : memref<10008x16xf32, #tpu.memory_space<hbm>> -> memref<24x16xf32, #tpu.memory_space<hbm>>
          %dma_wait3A_360 = arith.constant 9984 : i32
          %dma_wait3A_361 = arith.constant 0 : i32
          %dma_wait3A_362 = tpu.memref_slice %arg26[%dma_wait3A_360, %dma_wait3A_361] : memref<10008x16xf32, #tpu.memory_space<vmem_shared>> -> memref<24x16xf32, #tpu.memory_space<vmem_shared>>
          tpu.wait_dma2 semaphore(%run_scoped3A_350 : memref<!tpu.dma_semaphore, #tpu.memory_space<semaphore_mem>>) src(%dma_wait3A_362 : memref<24x16xf32, #tpu.memory_space<vmem_shared>>) dst(%dma_wait3A_359 : memref<24x16xf32, #tpu.memory_space<hbm>>)
          tpu.yield
        }) : () -> ()
      } else {
      }
    } else {
    }
    return
  }
}

#map = affine_map<(d0, d1) -> (0, 0)>
#map1 = affine_map<(d0, d1) -> (0, 0, 0)>
module attributes {stable_mosaic.version = 14 : i64} {
  func.func @body(%arg0: i32, %arg1: i32, %arg2: memref<20000x32xf32, #tpu.memory_space<hbm>>, %arg3: memref<2x4000x80xi32, #tpu.memory_space<hbm>>, %arg4: memref<2x10008x32xf32, #tpu.memory_space<hbm>>, %arg5: memref<250x80xi32, #tpu.memory_space<vmem>>, %arg6: memref<250x80xi32, #tpu.memory_space<vmem>>, %arg7: memref<10008x32xf32, #tpu.memory_space<vmem_shared>>, %arg8: memref<80x32xf32, #tpu.memory_space<vmem>>, %arg9: memref<80x32xf32, #tpu.memory_space<vmem>>, %arg10: memref<80x32xf32, #tpu.memory_space<vmem>>, %arg11: memref<80x32xf32, #tpu.memory_space<vmem>>, %arg12: memref<!tpu.dma_semaphore, #tpu.memory_space<semaphore_mem>>, %arg13: memref<!tpu.dma_semaphore, #tpu.memory_space<semaphore_mem>>, %arg14: memref<!tpu.dma_semaphore, #tpu.memory_space<semaphore_mem>>, %arg15: memref<!tpu.dma_semaphore, #tpu.memory_space<semaphore_mem>>, %arg16: memref<!tpu.dma_semaphore, #tpu.memory_space<semaphore_mem>>, %arg17: memref<!tpu.dma_semaphore, #tpu.memory_space<semaphore_mem>>, %arg18: memref<!tpu.dma_semaphore, #tpu.memory_space<semaphore_mem>>, %arg19: memref<!tpu.dma_semaphore, #tpu.memory_space<semaphore_mem>>, %arg20: memref<!tpu.dma_semaphore, #tpu.memory_space<semaphore_mem>>) attributes {dimension_semantics = [#tpu.dimension_semantics<core_parallel>, #tpu.dimension_semantics<subcore_parallel>], iteration_bounds = array<i64: 2, 16>, scalar_prefetch = 0 : i64, scratch_operands = 16 : i64, tpu.core_type = #tpu.core_type<sc_vector_subcore>, window_params = [{transform_indices = #map}, {transform_indices = #map1}, {transform_indices = #map1}]} {
    %broadcast_in_dim3A = arith.constant 0.000000e+00 : f32
    %broadcast_in_dim3A_0 = vector.broadcast %broadcast_in_dim3A : f32 to vector<16xf32>
    %scan3A = arith.constant 0 : i32
    %scan3A_1 = arith.constant 0 : i32
    %scan3A_2 = arith.constant 80 : i32
    %scan3A_3 = arith.addi %scan3A_1, %scan3A_2 : i32
    %scan3A_4 = arith.constant 1 : i32
    %scan3A_5 = scf.for %scan3A_315 = %scan3A_1 to %scan3A_3 step %scan3A_4 iter_args(%scan3A_316 = %scan3A) -> (i32)  : i32 {
      %swap3A = arith.index_cast %scan3A_315 : i32 to index
      %swap3A_317 = arith.constant 0 : index
      %swap3A_318 = tpu.vector_load %arg8[%swap3A, %swap3A_317] {strides = array<i32>} : memref<80x32xf32, #tpu.memory_space<vmem>>, vector<1x16xf32>,
      %swap3A_319 = vector.shape_cast %swap3A_318 : vector<1x16xf32> to vector<16xf32>
      %swap3A_320 = vector.shape_cast %broadcast_in_dim3A_0 : vector<16xf32> to vector<1x16xf32>
      tpu.vector_store %arg8[%swap3A, %swap3A_317], %swap3A_320 {strides = array<i32>} : memref<80x32xf32, #tpu.memory_space<vmem>>, vector<1x16xf32>,
      %swap3A_321 = arith.index_cast %scan3A_315 : i32 to index
      %swap3A_322 = arith.constant 16 : index
      %swap3A_323 = tpu.vector_load %arg8[%swap3A_321, %swap3A_322] {strides = array<i32>} : memref<80x32xf32, #tpu.memory_space<vmem>>, vector<1x16xf32>,
      %swap3A_324 = vector.shape_cast %swap3A_323 : vector<1x16xf32> to vector<16xf32>
      %swap3A_325 = vector.shape_cast %broadcast_in_dim3A_0 : vector<16xf32> to vector<1x16xf32>
      tpu.vector_store %arg8[%swap3A_321, %swap3A_322], %swap3A_325 {strides = array<i32>} : memref<80x32xf32, #tpu.memory_space<vmem>>, vector<1x16xf32>,
      %scan3A_326 = arith.constant 0 : i32
      scf.yield %scan3A_326 : i32
    }
    %scan3A_6 = arith.constant 80 : i32
    %mul3A = arith.constant 624 : i32
    %mul3A_7 = arith.muli %arg1, %mul3A : i32
    %add3A = arith.constant 0 : i32
    %add3A_8 = arith.addi %mul3A_7, %add3A : i32
    %dma_start3A = arith.constant 0 : i32
    %dma_start3A_9 = arith.constant 0 : i32
    %dma_start3A_10 = tpu.memref_slice %arg8[%dma_start3A, %dma_start3A_9] : memref<80x32xf32, #tpu.memory_space<vmem>> -> memref<80x32xf32, #tpu.memory_space<vmem>>
    %dma_start3A_11 = arith.constant 0 : i32
    %dma_start3A_12 = tpu.memref_slice %arg7[%add3A_8, %dma_start3A_11] : memref<10008x32xf32, #tpu.memory_space<vmem_shared>> -> memref<80x32xf32, #tpu.memory_space<vmem_shared>>
    %dma_start3A_13 = arith.constant 0 : i32
    %dma_start3A_14 = tpu.memref_slice %arg7[%add3A_8, %dma_start3A_13] : memref<10008x32xf32, #tpu.memory_space<vmem_shared>> -> memref<80x32xf32, #tpu.memory_space<vmem_shared>>
    %dma_start3A_15 = arith.constant 0 : i32
    %dma_start3A_16 = arith.constant 0 : i32
    %dma_start3A_17 = tpu.memref_slice %arg8[%dma_start3A_15, %dma_start3A_16] : memref<80x32xf32, #tpu.memory_space<vmem>> -> memref<80x32xf32, #tpu.memory_space<vmem>>
    tpu.enqueue_dma source(%dma_start3A_17 : memref<80x32xf32, #tpu.memory_space<vmem>>) target(%dma_start3A_14 : memref<80x32xf32, #tpu.memory_space<vmem_shared>>) target_semaphore(%arg20 : memref<!tpu.dma_semaphore, #tpu.memory_space<semaphore_mem>>)
    %add3A_18 = arith.constant 80 : i32
    %add3A_19 = arith.addi %mul3A_7, %add3A_18 : i32
    %dma_start3A_20 = arith.constant 0 : i32
    %dma_start3A_21 = arith.constant 0 : i32
    %dma_start3A_22 = tpu.memref_slice %arg8[%dma_start3A_20, %dma_start3A_21] : memref<80x32xf32, #tpu.memory_space<vmem>> -> memref<80x32xf32, #tpu.memory_space<vmem>>
    %dma_start3A_23 = arith.constant 0 : i32
    %dma_start3A_24 = tpu.memref_slice %arg7[%add3A_19, %dma_start3A_23] : memref<10008x32xf32, #tpu.memory_space<vmem_shared>> -> memref<80x32xf32, #tpu.memory_space<vmem_shared>>
    %dma_start3A_25 = arith.constant 0 : i32
    %dma_start3A_26 = tpu.memref_slice %arg7[%add3A_19, %dma_start3A_25] : memref<10008x32xf32, #tpu.memory_space<vmem_shared>> -> memref<80x32xf32, #tpu.memory_space<vmem_shared>>
    %dma_start3A_27 = arith.constant 0 : i32
    %dma_start3A_28 = arith.constant 0 : i32
    %dma_start3A_29 = tpu.memref_slice %arg8[%dma_start3A_27, %dma_start3A_28] : memref<80x32xf32, #tpu.memory_space<vmem>> -> memref<80x32xf32, #tpu.memory_space<vmem>>
    tpu.enqueue_dma source(%dma_start3A_29 : memref<80x32xf32, #tpu.memory_space<vmem>>) target(%dma_start3A_26 : memref<80x32xf32, #tpu.memory_space<vmem_shared>>) target_semaphore(%arg20 : memref<!tpu.dma_semaphore, #tpu.memory_space<semaphore_mem>>)
    %add3A_30 = arith.constant 160 : i32
    %add3A_31 = arith.addi %mul3A_7, %add3A_30 : i32
    %dma_start3A_32 = arith.constant 0 : i32
    %dma_start3A_33 = arith.constant 0 : i32
    %dma_start3A_34 = tpu.memref_slice %arg8[%dma_start3A_32, %dma_start3A_33] : memref<80x32xf32, #tpu.memory_space<vmem>> -> memref<80x32xf32, #tpu.memory_space<vmem>>
    %dma_start3A_35 = arith.constant 0 : i32
    %dma_start3A_36 = tpu.memref_slice %arg7[%add3A_31, %dma_start3A_35] : memref<10008x32xf32, #tpu.memory_space<vmem_shared>> -> memref<80x32xf32, #tpu.memory_space<vmem_shared>>
    %dma_start3A_37 = arith.constant 0 : i32
    %dma_start3A_38 = tpu.memref_slice %arg7[%add3A_31, %dma_start3A_37] : memref<10008x32xf32, #tpu.memory_space<vmem_shared>> -> memref<80x32xf32, #tpu.memory_space<vmem_shared>>
    %dma_start3A_39 = arith.constant 0 : i32
    %dma_start3A_40 = arith.constant 0 : i32
    %dma_start3A_41 = tpu.memref_slice %arg8[%dma_start3A_39, %dma_start3A_40] : memref<80x32xf32, #tpu.memory_space<vmem>> -> memref<80x32xf32, #tpu.memory_space<vmem>>
    tpu.enqueue_dma source(%dma_start3A_41 : memref<80x32xf32, #tpu.memory_space<vmem>>) target(%dma_start3A_38 : memref<80x32xf32, #tpu.memory_space<vmem_shared>>) target_semaphore(%arg20 : memref<!tpu.dma_semaphore, #tpu.memory_space<semaphore_mem>>)
    %add3A_42 = arith.constant 240 : i32
    %add3A_43 = arith.addi %mul3A_7, %add3A_42 : i32
    %dma_start3A_44 = arith.constant 0 : i32
    %dma_start3A_45 = arith.constant 0 : i32
    %dma_start3A_46 = tpu.memref_slice %arg8[%dma_start3A_44, %dma_start3A_45] : memref<80x32xf32, #tpu.memory_space<vmem>> -> memref<80x32xf32, #tpu.memory_space<vmem>>
    %dma_start3A_47 = arith.constant 0 : i32
    %dma_start3A_48 = tpu.memref_slice %arg7[%add3A_43, %dma_start3A_47] : memref<10008x32xf32, #tpu.memory_space<vmem_shared>> -> memref<80x32xf32, #tpu.memory_space<vmem_shared>>
    %dma_start3A_49 = arith.constant 0 : i32
    %dma_start3A_50 = tpu.memref_slice %arg7[%add3A_43, %dma_start3A_49] : memref<10008x32xf32, #tpu.memory_space<vmem_shared>> -> memref<80x32xf32, #tpu.memory_space<vmem_shared>>
    %dma_start3A_51 = arith.constant 0 : i32
    %dma_start3A_52 = arith.constant 0 : i32
    %dma_start3A_53 = tpu.memref_slice %arg8[%dma_start3A_51, %dma_start3A_52] : memref<80x32xf32, #tpu.memory_space<vmem>> -> memref<80x32xf32, #tpu.memory_space<vmem>>
    tpu.enqueue_dma source(%dma_start3A_53 : memref<80x32xf32, #tpu.memory_space<vmem>>) target(%dma_start3A_50 : memref<80x32xf32, #tpu.memory_space<vmem_shared>>) target_semaphore(%arg20 : memref<!tpu.dma_semaphore, #tpu.memory_space<semaphore_mem>>)
    %add3A_54 = arith.constant 320 : i32
    %add3A_55 = arith.addi %mul3A_7, %add3A_54 : i32
    %dma_start3A_56 = arith.constant 0 : i32
    %dma_start3A_57 = arith.constant 0 : i32
    %dma_start3A_58 = tpu.memref_slice %arg8[%dma_start3A_56, %dma_start3A_57] : memref<80x32xf32, #tpu.memory_space<vmem>> -> memref<80x32xf32, #tpu.memory_space<vmem>>
    %dma_start3A_59 = arith.constant 0 : i32
    %dma_start3A_60 = tpu.memref_slice %arg7[%add3A_55, %dma_start3A_59] : memref<10008x32xf32, #tpu.memory_space<vmem_shared>> -> memref<80x32xf32, #tpu.memory_space<vmem_shared>>
    %dma_start3A_61 = arith.constant 0 : i32
    %dma_start3A_62 = tpu.memref_slice %arg7[%add3A_55, %dma_start3A_61] : memref<10008x32xf32, #tpu.memory_space<vmem_shared>> -> memref<80x32xf32, #tpu.memory_space<vmem_shared>>
    %dma_start3A_63 = arith.constant 0 : i32
    %dma_start3A_64 = arith.constant 0 : i32
    %dma_start3A_65 = tpu.memref_slice %arg8[%dma_start3A_63, %dma_start3A_64] : memref<80x32xf32, #tpu.memory_space<vmem>> -> memref<80x32xf32, #tpu.memory_space<vmem>>
    tpu.enqueue_dma source(%dma_start3A_65 : memref<80x32xf32, #tpu.memory_space<vmem>>) target(%dma_start3A_62 : memref<80x32xf32, #tpu.memory_space<vmem_shared>>) target_semaphore(%arg20 : memref<!tpu.dma_semaphore, #tpu.memory_space<semaphore_mem>>)
    %add3A_66 = arith.constant 400 : i32
    %add3A_67 = arith.addi %mul3A_7, %add3A_66 : i32
    %dma_start3A_68 = arith.constant 0 : i32
    %dma_start3A_69 = arith.constant 0 : i32
    %dma_start3A_70 = tpu.memref_slice %arg8[%dma_start3A_68, %dma_start3A_69] : memref<80x32xf32, #tpu.memory_space<vmem>> -> memref<80x32xf32, #tpu.memory_space<vmem>>
    %dma_start3A_71 = arith.constant 0 : i32
    %dma_start3A_72 = tpu.memref_slice %arg7[%add3A_67, %dma_start3A_71] : memref<10008x32xf32, #tpu.memory_space<vmem_shared>> -> memref<80x32xf32, #tpu.memory_space<vmem_shared>>
    %dma_start3A_73 = arith.constant 0 : i32
    %dma_start3A_74 = tpu.memref_slice %arg7[%add3A_67, %dma_start3A_73] : memref<10008x32xf32, #tpu.memory_space<vmem_shared>> -> memref<80x32xf32, #tpu.memory_space<vmem_shared>>
    %dma_start3A_75 = arith.constant 0 : i32
    %dma_start3A_76 = arith.constant 0 : i32
    %dma_start3A_77 = tpu.memref_slice %arg8[%dma_start3A_75, %dma_start3A_76] : memref<80x32xf32, #tpu.memory_space<vmem>> -> memref<80x32xf32, #tpu.memory_space<vmem>>
    tpu.enqueue_dma source(%dma_start3A_77 : memref<80x32xf32, #tpu.memory_space<vmem>>) target(%dma_start3A_74 : memref<80x32xf32, #tpu.memory_space<vmem_shared>>) target_semaphore(%arg20 : memref<!tpu.dma_semaphore, #tpu.memory_space<semaphore_mem>>)
    %add3A_78 = arith.constant 480 : i32
    %add3A_79 = arith.addi %mul3A_7, %add3A_78 : i32
    %dma_start3A_80 = arith.constant 0 : i32
    %dma_start3A_81 = arith.constant 0 : i32
    %dma_start3A_82 = tpu.memref_slice %arg8[%dma_start3A_80, %dma_start3A_81] : memref<80x32xf32, #tpu.memory_space<vmem>> -> memref<80x32xf32, #tpu.memory_space<vmem>>
    %dma_start3A_83 = arith.constant 0 : i32
    %dma_start3A_84 = tpu.memref_slice %arg7[%add3A_79, %dma_start3A_83] : memref<10008x32xf32, #tpu.memory_space<vmem_shared>> -> memref<80x32xf32, #tpu.memory_space<vmem_shared>>
    %dma_start3A_85 = arith.constant 0 : i32
    %dma_start3A_86 = tpu.memref_slice %arg7[%add3A_79, %dma_start3A_85] : memref<10008x32xf32, #tpu.memory_space<vmem_shared>> -> memref<80x32xf32, #tpu.memory_space<vmem_shared>>
    %dma_start3A_87 = arith.constant 0 : i32
    %dma_start3A_88 = arith.constant 0 : i32
    %dma_start3A_89 = tpu.memref_slice %arg8[%dma_start3A_87, %dma_start3A_88] : memref<80x32xf32, #tpu.memory_space<vmem>> -> memref<80x32xf32, #tpu.memory_space<vmem>>
    tpu.enqueue_dma source(%dma_start3A_89 : memref<80x32xf32, #tpu.memory_space<vmem>>) target(%dma_start3A_86 : memref<80x32xf32, #tpu.memory_space<vmem_shared>>) target_semaphore(%arg20 : memref<!tpu.dma_semaphore, #tpu.memory_space<semaphore_mem>>)
    %add3A_90 = arith.constant 560 : i32
    %add3A_91 = arith.addi %mul3A_7, %add3A_90 : i32
    %dma_start3A_92 = arith.constant 0 : i32
    %dma_start3A_93 = arith.constant 0 : i32
    %dma_start3A_94 = tpu.memref_slice %arg8[%dma_start3A_92, %dma_start3A_93] : memref<80x32xf32, #tpu.memory_space<vmem>> -> memref<64x32xf32, #tpu.memory_space<vmem>>
    %dma_start3A_95 = arith.constant 0 : i32
    %dma_start3A_96 = tpu.memref_slice %arg7[%add3A_91, %dma_start3A_95] : memref<10008x32xf32, #tpu.memory_space<vmem_shared>> -> memref<64x32xf32, #tpu.memory_space<vmem_shared>>
    %dma_start3A_97 = arith.constant 0 : i32
    %dma_start3A_98 = tpu.memref_slice %arg7[%add3A_91, %dma_start3A_97] : memref<10008x32xf32, #tpu.memory_space<vmem_shared>> -> memref<64x32xf32, #tpu.memory_space<vmem_shared>>
    %dma_start3A_99 = arith.constant 0 : i32
    %dma_start3A_100 = arith.constant 0 : i32
    %dma_start3A_101 = tpu.memref_slice %arg8[%dma_start3A_99, %dma_start3A_100] : memref<80x32xf32, #tpu.memory_space<vmem>> -> memref<64x32xf32, #tpu.memory_space<vmem>>
    tpu.enqueue_dma source(%dma_start3A_101 : memref<64x32xf32, #tpu.memory_space<vmem>>) target(%dma_start3A_98 : memref<64x32xf32, #tpu.memory_space<vmem_shared>>) target_semaphore(%arg20 : memref<!tpu.dma_semaphore, #tpu.memory_space<semaphore_mem>>)
    %eq3A = arith.constant 15 : i32
    %eq3A_102 = arith.cmpi eq, %arg1, %eq3A : i32
    %convert_element_type3A = arith.extui %eq3A_102 : i1 to i32
    %cond3A = arith.constant 0 : i32
    %cond3A_103 = arith.cmpi ne, %convert_element_type3A, %cond3A : i32
    scf.if %cond3A_103 {
      %dma_start3A_315 = arith.constant 0 : i32
      %dma_start3A_316 = arith.constant 0 : i32
      %dma_start3A_317 = tpu.memref_slice %arg8[%dma_start3A_315, %dma_start3A_316] : memref<80x32xf32, #tpu.memory_space<vmem>> -> memref<24x32xf32, #tpu.memory_space<vmem>>
      %dma_start3A_318 = arith.constant 9984 : i32
      %dma_start3A_319 = arith.constant 0 : i32
      %dma_start3A_320 = tpu.memref_slice %arg7[%dma_start3A_318, %dma_start3A_319] : memref<10008x32xf32, #tpu.memory_space<vmem_shared>> -> memref<24x32xf32, #tpu.memory_space<vmem_shared>>
      %dma_start3A_321 = arith.constant 9984 : i32
      %dma_start3A_322 = arith.constant 0 : i32
      %dma_start3A_323 = tpu.memref_slice %arg7[%dma_start3A_321, %dma_start3A_322] : memref<10008x32xf32, #tpu.memory_space<vmem_shared>> -> memref<24x32xf32, #tpu.memory_space<vmem_shared>>
      %dma_start3A_324 = arith.constant 0 : i32
      %dma_start3A_325 = arith.constant 0 : i32
      %dma_start3A_326 = tpu.memref_slice %arg8[%dma_start3A_324, %dma_start3A_325] : memref<80x32xf32, #tpu.memory_space<vmem>> -> memref<24x32xf32, #tpu.memory_space<vmem>>
      tpu.enqueue_dma source(%dma_start3A_326 : memref<24x32xf32, #tpu.memory_space<vmem>>) target(%dma_start3A_323 : memref<24x32xf32, #tpu.memory_space<vmem_shared>>) target_semaphore(%arg20 : memref<!tpu.dma_semaphore, #tpu.memory_space<semaphore_mem>>)
    } else {
    }
    %mul3A_104 = arith.constant 10000 : i32
    %mul3A_105 = arith.muli %arg0, %mul3A_104 : i32
    %mul3A_106 = arith.constant 250 : i32
    %mul3A_107 = arith.muli %arg1, %mul3A_106 : i32
    %run_scoped3A = arith.constant 0 : i32
    "tpu.region"() ({
      %run_scoped3A_315 = tpu.sem_alloc : memref<!tpu.dma_semaphore, #tpu.memory_space<semaphore_mem>>
      %dma_start3A_316 = arith.constant 0 : i32
      %dma_start3A_317 = tpu.memref_slice %arg3[%run_scoped3A, %mul3A_107, %dma_start3A_316] : memref<2x4000x80xi32, #tpu.memory_space<hbm>> -> memref<1x250x80xi32, #tpu.memory_space<hbm>>
      %dma_start3A_318 = tpu.memref_squeeze %dma_start3A_317 : memref<1x250x80xi32, #tpu.memory_space<hbm>> -> memref<250x80xi32, #tpu.memory_space<hbm>>
      %dma_start3A_319 = arith.constant 0 : i32
      %dma_start3A_320 = tpu.memref_slice %arg3[%run_scoped3A, %mul3A_107, %dma_start3A_319] : memref<2x4000x80xi32, #tpu.memory_space<hbm>> -> memref<1x250x80xi32, #tpu.memory_space<hbm>>
      %dma_start3A_321 = tpu.memref_squeeze %dma_start3A_320 : memref<1x250x80xi32, #tpu.memory_space<hbm>> -> memref<250x80xi32, #tpu.memory_space<hbm>>
      tpu.enqueue_dma source(%dma_start3A_321 : memref<250x80xi32, #tpu.memory_space<hbm>>) target(%arg5 : memref<250x80xi32, #tpu.memory_space<vmem>>) target_semaphore(%run_scoped3A_315 : memref<!tpu.dma_semaphore, #tpu.memory_space<semaphore_mem>>)
      %dma_wait3A_322 = arith.constant 0 : i32
      %dma_wait3A_323 = tpu.memref_slice %arg3[%run_scoped3A, %mul3A_107, %dma_wait3A_322] : memref<2x4000x80xi32, #tpu.memory_space<hbm>> -> memref<1x250x80xi32, #tpu.memory_space<hbm>>
      %dma_wait3A_324 = tpu.memref_squeeze %dma_wait3A_323 : memref<1x250x80xi32, #tpu.memory_space<hbm>> -> memref<250x80xi32, #tpu.memory_space<hbm>>
      %dma_wait3A_325 = arith.constant 0 : i32
      %dma_wait3A_326 = tpu.memref_slice %arg3[%run_scoped3A, %mul3A_107, %dma_wait3A_325] : memref<2x4000x80xi32, #tpu.memory_space<hbm>> -> memref<1x250x80xi32, #tpu.memory_space<hbm>>
      %dma_wait3A_327 = tpu.memref_squeeze %dma_wait3A_326 : memref<1x250x80xi32, #tpu.memory_space<hbm>> -> memref<250x80xi32, #tpu.memory_space<hbm>>
      tpu.wait_dma2 semaphore(%run_scoped3A_315 : memref<!tpu.dma_semaphore, #tpu.memory_space<semaphore_mem>>) src(%dma_wait3A_327 : memref<250x80xi32, #tpu.memory_space<hbm>>) dst(%arg5 : memref<250x80xi32, #tpu.memory_space<vmem>>)
      tpu.yield
    }) : () -> ()
    %mul3A_108 = arith.constant 250 : i32
    %mul3A_109 = arith.muli %arg1, %mul3A_108 : i32
    %run_scoped3A_110 = arith.constant 1 : i32
    "tpu.region"() ({
      %run_scoped3A_315 = tpu.sem_alloc : memref<!tpu.dma_semaphore, #tpu.memory_space<semaphore_mem>>
      %dma_start3A_316 = arith.constant 0 : i32
      %dma_start3A_317 = tpu.memref_slice %arg3[%run_scoped3A_110, %mul3A_109, %dma_start3A_316] : memref<2x4000x80xi32, #tpu.memory_space<hbm>> -> memref<1x250x80xi32, #tpu.memory_space<hbm>>
      %dma_start3A_318 = tpu.memref_squeeze %dma_start3A_317 : memref<1x250x80xi32, #tpu.memory_space<hbm>> -> memref<250x80xi32, #tpu.memory_space<hbm>>
      %dma_start3A_319 = arith.constant 0 : i32
      %dma_start3A_320 = tpu.memref_slice %arg3[%run_scoped3A_110, %mul3A_109, %dma_start3A_319] : memref<2x4000x80xi32, #tpu.memory_space<hbm>> -> memref<1x250x80xi32, #tpu.memory_space<hbm>>
      %dma_start3A_321 = tpu.memref_squeeze %dma_start3A_320 : memref<1x250x80xi32, #tpu.memory_space<hbm>> -> memref<250x80xi32, #tpu.memory_space<hbm>>
      tpu.enqueue_dma source(%dma_start3A_321 : memref<250x80xi32, #tpu.memory_space<hbm>>) target(%arg6 : memref<250x80xi32, #tpu.memory_space<vmem>>) target_semaphore(%run_scoped3A_315 : memref<!tpu.dma_semaphore, #tpu.memory_space<semaphore_mem>>)
      %dma_wait3A_322 = arith.constant 0 : i32
      %dma_wait3A_323 = tpu.memref_slice %arg3[%run_scoped3A_110, %mul3A_109, %dma_wait3A_322] : memref<2x4000x80xi32, #tpu.memory_space<hbm>> -> memref<1x250x80xi32, #tpu.memory_space<hbm>>
      %dma_wait3A_324 = tpu.memref_squeeze %dma_wait3A_323 : memref<1x250x80xi32, #tpu.memory_space<hbm>> -> memref<250x80xi32, #tpu.memory_space<hbm>>
      %dma_wait3A_325 = arith.constant 0 : i32
      %dma_wait3A_326 = tpu.memref_slice %arg3[%run_scoped3A_110, %mul3A_109, %dma_wait3A_325] : memref<2x4000x80xi32, #tpu.memory_space<hbm>> -> memref<1x250x80xi32, #tpu.memory_space<hbm>>
      %dma_wait3A_327 = tpu.memref_squeeze %dma_wait3A_326 : memref<1x250x80xi32, #tpu.memory_space<hbm>> -> memref<250x80xi32, #tpu.memory_space<hbm>>
      tpu.wait_dma2 semaphore(%run_scoped3A_315 : memref<!tpu.dma_semaphore, #tpu.memory_space<semaphore_mem>>) src(%dma_wait3A_327 : memref<250x80xi32, #tpu.memory_space<hbm>>) dst(%arg6 : memref<250x80xi32, #tpu.memory_space<vmem>>)
      tpu.yield
    }) : () -> ()
    %scan3A_111 = arith.constant 0 : i32
    %scan3A_112 = arith.constant 0 : i32
    %scan3A_113 = arith.constant 250 : i32
    %scan3A_114 = arith.addi %scan3A_112, %scan3A_113 : i32
    %scan3A_115 = arith.constant 1 : i32
    %scan3A_116 = scf.for %scan3A_315 = %scan3A_112 to %scan3A_114 step %scan3A_115 iter_args(%scan3A_316 = %scan3A_111) -> (i32)  : i32 {
      %get3A = arith.index_cast %scan3A_315 : i32 to index
      %get3A_317 = arith.constant 0 : index
      %get3A_318 = tpu.vector_load %arg5[%get3A, %get3A_317] {strides = array<i32>} : memref<250x80xi32, #tpu.memory_space<vmem>>, vector<1x16xi32>,
      %get3A_319 = vector.shape_cast %get3A_318 : vector<1x16xi32> to vector<16xi32>
      %add3A_320 = vector.broadcast %mul3A_105 : i32 to vector<16xi32>
      %add3A_321 = arith.addi %get3A_319, %add3A_320 : vector<16xi32>
      %swap3A = arith.index_cast %scan3A_315 : i32 to index
      %swap3A_322 = arith.constant 0 : index
      %swap3A_323 = tpu.vector_load %arg5[%swap3A, %swap3A_322] {strides = array<i32>} : memref<250x80xi32, #tpu.memory_space<vmem>>, vector<1x16xi32>,
      %swap3A_324 = vector.shape_cast %swap3A_323 : vector<1x16xi32> to vector<16xi32>
      %swap3A_325 = vector.shape_cast %add3A_321 : vector<16xi32> to vector<1x16xi32>
      tpu.vector_store %arg5[%swap3A, %swap3A_322], %swap3A_325 {strides = array<i32>} : memref<250x80xi32, #tpu.memory_space<vmem>>, vector<1x16xi32>,
      %get3A_326 = arith.index_cast %scan3A_315 : i32 to index
      %get3A_327 = arith.constant 16 : index
      %get3A_328 = tpu.vector_load %arg5[%get3A_326, %get3A_327] {strides = array<i32>} : memref<250x80xi32, #tpu.memory_space<vmem>>, vector<1x16xi32>,
      %get3A_329 = vector.shape_cast %get3A_328 : vector<1x16xi32> to vector<16xi32>
      %add3A_330 = vector.broadcast %mul3A_105 : i32 to vector<16xi32>
      %add3A_331 = arith.addi %get3A_329, %add3A_330 : vector<16xi32>
      %swap3A_332 = arith.index_cast %scan3A_315 : i32 to index
      %swap3A_333 = arith.constant 16 : index
      %swap3A_334 = tpu.vector_load %arg5[%swap3A_332, %swap3A_333] {strides = array<i32>} : memref<250x80xi32, #tpu.memory_space<vmem>>, vector<1x16xi32>,
      %swap3A_335 = vector.shape_cast %swap3A_334 : vector<1x16xi32> to vector<16xi32>
      %swap3A_336 = vector.shape_cast %add3A_331 : vector<16xi32> to vector<1x16xi32>
      tpu.vector_store %arg5[%swap3A_332, %swap3A_333], %swap3A_336 {strides = array<i32>} : memref<250x80xi32, #tpu.memory_space<vmem>>, vector<1x16xi32>,
      %get3A_337 = arith.index_cast %scan3A_315 : i32 to index
      %get3A_338 = arith.constant 32 : index
      %get3A_339 = tpu.vector_load %arg5[%get3A_337, %get3A_338] {strides = array<i32>} : memref<250x80xi32, #tpu.memory_space<vmem>>, vector<1x16xi32>,
      %get3A_340 = vector.shape_cast %get3A_339 : vector<1x16xi32> to vector<16xi32>
      %add3A_341 = vector.broadcast %mul3A_105 : i32 to vector<16xi32>
      %add3A_342 = arith.addi %get3A_340, %add3A_341 : vector<16xi32>
      %swap3A_343 = arith.index_cast %scan3A_315 : i32 to index
      %swap3A_344 = arith.constant 32 : index
      %swap3A_345 = tpu.vector_load %arg5[%swap3A_343, %swap3A_344] {strides = array<i32>} : memref<250x80xi32, #tpu.memory_space<vmem>>, vector<1x16xi32>,
      %swap3A_346 = vector.shape_cast %swap3A_345 : vector<1x16xi32> to vector<16xi32>
      %swap3A_347 = vector.shape_cast %add3A_342 : vector<16xi32> to vector<1x16xi32>
      tpu.vector_store %arg5[%swap3A_343, %swap3A_344], %swap3A_347 {strides = array<i32>} : memref<250x80xi32, #tpu.memory_space<vmem>>, vector<1x16xi32>,
      %get3A_348 = arith.index_cast %scan3A_315 : i32 to index
      %get3A_349 = arith.constant 48 : index
      %get3A_350 = tpu.vector_load %arg5[%get3A_348, %get3A_349] {strides = array<i32>} : memref<250x80xi32, #tpu.memory_space<vmem>>, vector<1x16xi32>,
      %get3A_351 = vector.shape_cast %get3A_350 : vector<1x16xi32> to vector<16xi32>
      %add3A_352 = vector.broadcast %mul3A_105 : i32 to vector<16xi32>
      %add3A_353 = arith.addi %get3A_351, %add3A_352 : vector<16xi32>
      %swap3A_354 = arith.index_cast %scan3A_315 : i32 to index
      %swap3A_355 = arith.constant 48 : index
      %swap3A_356 = tpu.vector_load %arg5[%swap3A_354, %swap3A_355] {strides = array<i32>} : memref<250x80xi32, #tpu.memory_space<vmem>>, vector<1x16xi32>,
      %swap3A_357 = vector.shape_cast %swap3A_356 : vector<1x16xi32> to vector<16xi32>
      %swap3A_358 = vector.shape_cast %add3A_353 : vector<16xi32> to vector<1x16xi32>
      tpu.vector_store %arg5[%swap3A_354, %swap3A_355], %swap3A_358 {strides = array<i32>} : memref<250x80xi32, #tpu.memory_space<vmem>>, vector<1x16xi32>,
      %get3A_359 = arith.index_cast %scan3A_315 : i32 to index
      %get3A_360 = arith.constant 64 : index
      %get3A_361 = tpu.vector_load %arg5[%get3A_359, %get3A_360] {strides = array<i32>} : memref<250x80xi32, #tpu.memory_space<vmem>>, vector<1x16xi32>,
      %get3A_362 = vector.shape_cast %get3A_361 : vector<1x16xi32> to vector<16xi32>
      %add3A_363 = vector.broadcast %mul3A_105 : i32 to vector<16xi32>
      %add3A_364 = arith.addi %get3A_362, %add3A_363 : vector<16xi32>
      %swap3A_365 = arith.index_cast %scan3A_315 : i32 to index
      %swap3A_366 = arith.constant 64 : index
      %swap3A_367 = tpu.vector_load %arg5[%swap3A_365, %swap3A_366] {strides = array<i32>} : memref<250x80xi32, #tpu.memory_space<vmem>>, vector<1x16xi32>,
      %swap3A_368 = vector.shape_cast %swap3A_367 : vector<1x16xi32> to vector<16xi32>
      %swap3A_369 = vector.shape_cast %add3A_364 : vector<16xi32> to vector<1x16xi32>
      tpu.vector_store %arg5[%swap3A_365, %swap3A_366], %swap3A_369 {strides = array<i32>} : memref<250x80xi32, #tpu.memory_space<vmem>>, vector<1x16xi32>,
      %scan3A_370 = arith.constant 0 : i32
      scf.yield %scan3A_370 : i32
    }
    %scan3A_117 = arith.constant 250 : i32
    %add3A_118 = arith.constant 0 : i32
    %add3A_119 = arith.addi %mul3A_7, %add3A_118 : i32
    %dma_wait3A = arith.constant 0 : i32
    %dma_wait3A_120 = arith.constant 0 : i32
    %dma_wait3A_121 = tpu.memref_slice %arg8[%dma_wait3A, %dma_wait3A_120] : memref<80x32xf32, #tpu.memory_space<vmem>> -> memref<80x32xf32, #tpu.memory_space<vmem>>
    %dma_wait3A_122 = arith.constant 0 : i32
    %dma_wait3A_123 = tpu.memref_slice %arg7[%add3A_119, %dma_wait3A_122] : memref<10008x32xf32, #tpu.memory_space<vmem_shared>> -> memref<80x32xf32, #tpu.memory_space<vmem_shared>>
    %dma_wait3A_124 = arith.constant 0 : i32
    %dma_wait3A_125 = tpu.memref_slice %arg7[%add3A_119, %dma_wait3A_124] : memref<10008x32xf32, #tpu.memory_space<vmem_shared>> -> memref<80x32xf32, #tpu.memory_space<vmem_shared>>
    %dma_wait3A_126 = arith.constant 0 : i32
    %dma_wait3A_127 = arith.constant 0 : i32
    %dma_wait3A_128 = tpu.memref_slice %arg8[%dma_wait3A_126, %dma_wait3A_127] : memref<80x32xf32, #tpu.memory_space<vmem>> -> memref<80x32xf32, #tpu.memory_space<vmem>>
    tpu.wait_dma2 semaphore(%arg20 : memref<!tpu.dma_semaphore, #tpu.memory_space<semaphore_mem>>) src(%dma_wait3A_128 : memref<80x32xf32, #tpu.memory_space<vmem>>) dst(%dma_wait3A_125 : memref<80x32xf32, #tpu.memory_space<vmem_shared>>)
    %add3A_129 = arith.constant 80 : i32
    %add3A_130 = arith.addi %mul3A_7, %add3A_129 : i32
    %dma_wait3A_131 = arith.constant 0 : i32
    %dma_wait3A_132 = arith.constant 0 : i32
    %dma_wait3A_133 = tpu.memref_slice %arg8[%dma_wait3A_131, %dma_wait3A_132] : memref<80x32xf32, #tpu.memory_space<vmem>> -> memref<80x32xf32, #tpu.memory_space<vmem>>
    %dma_wait3A_134 = arith.constant 0 : i32
    %dma_wait3A_135 = tpu.memref_slice %arg7[%add3A_130, %dma_wait3A_134] : memref<10008x32xf32, #tpu.memory_space<vmem_shared>> -> memref<80x32xf32, #tpu.memory_space<vmem_shared>>
    %dma_wait3A_136 = arith.constant 0 : i32
    %dma_wait3A_137 = tpu.memref_slice %arg7[%add3A_130, %dma_wait3A_136] : memref<10008x32xf32, #tpu.memory_space<vmem_shared>> -> memref<80x32xf32, #tpu.memory_space<vmem_shared>>
    %dma_wait3A_138 = arith.constant 0 : i32
    %dma_wait3A_139 = arith.constant 0 : i32
    %dma_wait3A_140 = tpu.memref_slice %arg8[%dma_wait3A_138, %dma_wait3A_139] : memref<80x32xf32, #tpu.memory_space<vmem>> -> memref<80x32xf32, #tpu.memory_space<vmem>>
    tpu.wait_dma2 semaphore(%arg20 : memref<!tpu.dma_semaphore, #tpu.memory_space<semaphore_mem>>) src(%dma_wait3A_140 : memref<80x32xf32, #tpu.memory_space<vmem>>) dst(%dma_wait3A_137 : memref<80x32xf32, #tpu.memory_space<vmem_shared>>)
    %add3A_141 = arith.constant 160 : i32
    %add3A_142 = arith.addi %mul3A_7, %add3A_141 : i32
    %dma_wait3A_143 = arith.constant 0 : i32
    %dma_wait3A_144 = arith.constant 0 : i32
    %dma_wait3A_145 = tpu.memref_slice %arg8[%dma_wait3A_143, %dma_wait3A_144] : memref<80x32xf32, #tpu.memory_space<vmem>> -> memref<80x32xf32, #tpu.memory_space<vmem>>
    %dma_wait3A_146 = arith.constant 0 : i32
    %dma_wait3A_147 = tpu.memref_slice %arg7[%add3A_142, %dma_wait3A_146] : memref<10008x32xf32, #tpu.memory_space<vmem_shared>> -> memref<80x32xf32, #tpu.memory_space<vmem_shared>>
    %dma_wait3A_148 = arith.constant 0 : i32
    %dma_wait3A_149 = tpu.memref_slice %arg7[%add3A_142, %dma_wait3A_148] : memref<10008x32xf32, #tpu.memory_space<vmem_shared>> -> memref<80x32xf32, #tpu.memory_space<vmem_shared>>
    %dma_wait3A_150 = arith.constant 0 : i32
    %dma_wait3A_151 = arith.constant 0 : i32
    %dma_wait3A_152 = tpu.memref_slice %arg8[%dma_wait3A_150, %dma_wait3A_151] : memref<80x32xf32, #tpu.memory_space<vmem>> -> memref<80x32xf32, #tpu.memory_space<vmem>>
    tpu.wait_dma2 semaphore(%arg20 : memref<!tpu.dma_semaphore, #tpu.memory_space<semaphore_mem>>) src(%dma_wait3A_152 : memref<80x32xf32, #tpu.memory_space<vmem>>) dst(%dma_wait3A_149 : memref<80x32xf32, #tpu.memory_space<vmem_shared>>)
    %add3A_153 = arith.constant 240 : i32
    %add3A_154 = arith.addi %mul3A_7, %add3A_153 : i32
    %dma_wait3A_155 = arith.constant 0 : i32
    %dma_wait3A_156 = arith.constant 0 : i32
    %dma_wait3A_157 = tpu.memref_slice %arg8[%dma_wait3A_155, %dma_wait3A_156] : memref<80x32xf32, #tpu.memory_space<vmem>> -> memref<80x32xf32, #tpu.memory_space<vmem>>
    %dma_wait3A_158 = arith.constant 0 : i32
    %dma_wait3A_159 = tpu.memref_slice %arg7[%add3A_154, %dma_wait3A_158] : memref<10008x32xf32, #tpu.memory_space<vmem_shared>> -> memref<80x32xf32, #tpu.memory_space<vmem_shared>>
    %dma_wait3A_160 = arith.constant 0 : i32
    %dma_wait3A_161 = tpu.memref_slice %arg7[%add3A_154, %dma_wait3A_160] : memref<10008x32xf32, #tpu.memory_space<vmem_shared>> -> memref<80x32xf32, #tpu.memory_space<vmem_shared>>
    %dma_wait3A_162 = arith.constant 0 : i32
    %dma_wait3A_163 = arith.constant 0 : i32
    %dma_wait3A_164 = tpu.memref_slice %arg8[%dma_wait3A_162, %dma_wait3A_163] : memref<80x32xf32, #tpu.memory_space<vmem>> -> memref<80x32xf32, #tpu.memory_space<vmem>>
    tpu.wait_dma2 semaphore(%arg20 : memref<!tpu.dma_semaphore, #tpu.memory_space<semaphore_mem>>) src(%dma_wait3A_164 : memref<80x32xf32, #tpu.memory_space<vmem>>) dst(%dma_wait3A_161 : memref<80x32xf32, #tpu.memory_space<vmem_shared>>)
    %add3A_165 = arith.constant 320 : i32
    %add3A_166 = arith.addi %mul3A_7, %add3A_165 : i32
    %dma_wait3A_167 = arith.constant 0 : i32
    %dma_wait3A_168 = arith.constant 0 : i32
    %dma_wait3A_169 = tpu.memref_slice %arg8[%dma_wait3A_167, %dma_wait3A_168] : memref<80x32xf32, #tpu.memory_space<vmem>> -> memref<80x32xf32, #tpu.memory_space<vmem>>
    %dma_wait3A_170 = arith.constant 0 : i32
    %dma_wait3A_171 = tpu.memref_slice %arg7[%add3A_166, %dma_wait3A_170] : memref<10008x32xf32, #tpu.memory_space<vmem_shared>> -> memref<80x32xf32, #tpu.memory_space<vmem_shared>>
    %dma_wait3A_172 = arith.constant 0 : i32
    %dma_wait3A_173 = tpu.memref_slice %arg7[%add3A_166, %dma_wait3A_172] : memref<10008x32xf32, #tpu.memory_space<vmem_shared>> -> memref<80x32xf32, #tpu.memory_space<vmem_shared>>
    %dma_wait3A_174 = arith.constant 0 : i32
    %dma_wait3A_175 = arith.constant 0 : i32
    %dma_wait3A_176 = tpu.memref_slice %arg8[%dma_wait3A_174, %dma_wait3A_175] : memref<80x32xf32, #tpu.memory_space<vmem>> -> memref<80x32xf32, #tpu.memory_space<vmem>>
    tpu.wait_dma2 semaphore(%arg20 : memref<!tpu.dma_semaphore, #tpu.memory_space<semaphore_mem>>) src(%dma_wait3A_176 : memref<80x32xf32, #tpu.memory_space<vmem>>) dst(%dma_wait3A_173 : memref<80x32xf32, #tpu.memory_space<vmem_shared>>)
    %add3A_177 = arith.constant 400 : i32
    %add3A_178 = arith.addi %mul3A_7, %add3A_177 : i32
    %dma_wait3A_179 = arith.constant 0 : i32
    %dma_wait3A_180 = arith.constant 0 : i32
    %dma_wait3A_181 = tpu.memref_slice %arg8[%dma_wait3A_179, %dma_wait3A_180] : memref<80x32xf32, #tpu.memory_space<vmem>> -> memref<80x32xf32, #tpu.memory_space<vmem>>
    %dma_wait3A_182 = arith.constant 0 : i32
    %dma_wait3A_183 = tpu.memref_slice %arg7[%add3A_178, %dma_wait3A_182] : memref<10008x32xf32, #tpu.memory_space<vmem_shared>> -> memref<80x32xf32, #tpu.memory_space<vmem_shared>>
    %dma_wait3A_184 = arith.constant 0 : i32
    %dma_wait3A_185 = tpu.memref_slice %arg7[%add3A_178, %dma_wait3A_184] : memref<10008x32xf32, #tpu.memory_space<vmem_shared>> -> memref<80x32xf32, #tpu.memory_space<vmem_shared>>
    %dma_wait3A_186 = arith.constant 0 : i32
    %dma_wait3A_187 = arith.constant 0 : i32
    %dma_wait3A_188 = tpu.memref_slice %arg8[%dma_wait3A_186, %dma_wait3A_187] : memref<80x32xf32, #tpu.memory_space<vmem>> -> memref<80x32xf32, #tpu.memory_space<vmem>>
    tpu.wait_dma2 semaphore(%arg20 : memref<!tpu.dma_semaphore, #tpu.memory_space<semaphore_mem>>) src(%dma_wait3A_188 : memref<80x32xf32, #tpu.memory_space<vmem>>) dst(%dma_wait3A_185 : memref<80x32xf32, #tpu.memory_space<vmem_shared>>)
    %add3A_189 = arith.constant 480 : i32
    %add3A_190 = arith.addi %mul3A_7, %add3A_189 : i32
    %dma_wait3A_191 = arith.constant 0 : i32
    %dma_wait3A_192 = arith.constant 0 : i32
    %dma_wait3A_193 = tpu.memref_slice %arg8[%dma_wait3A_191, %dma_wait3A_192] : memref<80x32xf32, #tpu.memory_space<vmem>> -> memref<80x32xf32, #tpu.memory_space<vmem>>
    %dma_wait3A_194 = arith.constant 0 : i32
    %dma_wait3A_195 = tpu.memref_slice %arg7[%add3A_190, %dma_wait3A_194] : memref<10008x32xf32, #tpu.memory_space<vmem_shared>> -> memref<80x32xf32, #tpu.memory_space<vmem_shared>>
    %dma_wait3A_196 = arith.constant 0 : i32
    %dma_wait3A_197 = tpu.memref_slice %arg7[%add3A_190, %dma_wait3A_196] : memref<10008x32xf32, #tpu.memory_space<vmem_shared>> -> memref<80x32xf32, #tpu.memory_space<vmem_shared>>
    %dma_wait3A_198 = arith.constant 0 : i32
    %dma_wait3A_199 = arith.constant 0 : i32
    %dma_wait3A_200 = tpu.memref_slice %arg8[%dma_wait3A_198, %dma_wait3A_199] : memref<80x32xf32, #tpu.memory_space<vmem>> -> memref<80x32xf32, #tpu.memory_space<vmem>>
    tpu.wait_dma2 semaphore(%arg20 : memref<!tpu.dma_semaphore, #tpu.memory_space<semaphore_mem>>) src(%dma_wait3A_200 : memref<80x32xf32, #tpu.memory_space<vmem>>) dst(%dma_wait3A_197 : memref<80x32xf32, #tpu.memory_space<vmem_shared>>)
    %add3A_201 = arith.constant 560 : i32
    %add3A_202 = arith.addi %mul3A_7, %add3A_201 : i32
    %dma_wait3A_203 = arith.constant 0 : i32
    %dma_wait3A_204 = arith.constant 0 : i32
    %dma_wait3A_205 = tpu.memref_slice %arg8[%dma_wait3A_203, %dma_wait3A_204] : memref<80x32xf32, #tpu.memory_space<vmem>> -> memref<64x32xf32, #tpu.memory_space<vmem>>
    %dma_wait3A_206 = arith.constant 0 : i32
    %dma_wait3A_207 = tpu.memref_slice %arg7[%add3A_202, %dma_wait3A_206] : memref<10008x32xf32, #tpu.memory_space<vmem_shared>> -> memref<64x32xf32, #tpu.memory_space<vmem_shared>>
    %dma_wait3A_208 = arith.constant 0 : i32
    %dma_wait3A_209 = tpu.memref_slice %arg7[%add3A_202, %dma_wait3A_208] : memref<10008x32xf32, #tpu.memory_space<vmem_shared>> -> memref<64x32xf32, #tpu.memory_space<vmem_shared>>
    %dma_wait3A_210 = arith.constant 0 : i32
    %dma_wait3A_211 = arith.constant 0 : i32
    %dma_wait3A_212 = tpu.memref_slice %arg8[%dma_wait3A_210, %dma_wait3A_211] : memref<80x32xf32, #tpu.memory_space<vmem>> -> memref<64x32xf32, #tpu.memory_space<vmem>>
    tpu.wait_dma2 semaphore(%arg20 : memref<!tpu.dma_semaphore, #tpu.memory_space<semaphore_mem>>) src(%dma_wait3A_212 : memref<64x32xf32, #tpu.memory_space<vmem>>) dst(%dma_wait3A_209 : memref<64x32xf32, #tpu.memory_space<vmem_shared>>)
    %eq3A_213 = arith.constant 15 : i32
    %eq3A_214 = arith.cmpi eq, %arg1, %eq3A_213 : i32
    %convert_element_type3A_215 = arith.extui %eq3A_214 : i1 to i32
    %cond3A_216 = arith.constant 0 : i32
    %cond3A_217 = arith.cmpi ne, %convert_element_type3A_215, %cond3A_216 : i32
    scf.if %cond3A_217 {
      %dma_wait3A_315 = arith.constant 0 : i32
      %dma_wait3A_316 = arith.constant 0 : i32
      %dma_wait3A_317 = tpu.memref_slice %arg8[%dma_wait3A_315, %dma_wait3A_316] : memref<80x32xf32, #tpu.memory_space<vmem>> -> memref<24x32xf32, #tpu.memory_space<vmem>>
      %dma_wait3A_318 = arith.constant 9984 : i32
      %dma_wait3A_319 = arith.constant 0 : i32
      %dma_wait3A_320 = tpu.memref_slice %arg7[%dma_wait3A_318, %dma_wait3A_319] : memref<10008x32xf32, #tpu.memory_space<vmem_shared>> -> memref<24x32xf32, #tpu.memory_space<vmem_shared>>
      %dma_wait3A_321 = arith.constant 9984 : i32
      %dma_wait3A_322 = arith.constant 0 : i32
      %dma_wait3A_323 = tpu.memref_slice %arg7[%dma_wait3A_321, %dma_wait3A_322] : memref<10008x32xf32, #tpu.memory_space<vmem_shared>> -> memref<24x32xf32, #tpu.memory_space<vmem_shared>>
      %dma_wait3A_324 = arith.constant 0 : i32
      %dma_wait3A_325 = arith.constant 0 : i32
      %dma_wait3A_326 = tpu.memref_slice %arg8[%dma_wait3A_324, %dma_wait3A_325] : memref<80x32xf32, #tpu.memory_space<vmem>> -> memref<24x32xf32, #tpu.memory_space<vmem>>
      tpu.wait_dma2 semaphore(%arg20 : memref<!tpu.dma_semaphore, #tpu.memory_space<semaphore_mem>>) src(%dma_wait3A_326 : memref<24x32xf32, #tpu.memory_space<vmem>>) dst(%dma_wait3A_323 : memref<24x32xf32, #tpu.memory_space<vmem_shared>>)
    } else {
    }
    %dma_start3A_218 = arith.constant 0 : i32
    %dma_start3A_219 = arith.constant 0 : i32
    %dma_start3A_220 = tpu.memref_slice %arg5[%dma_start3A_218, %dma_start3A_219] : memref<250x80xi32, #tpu.memory_space<vmem>> -> memref<1x80xi32, #tpu.memory_space<vmem>>
    %dma_start3A_221 = tpu.memref_squeeze %dma_start3A_220 : memref<1x80xi32, #tpu.memory_space<vmem>> -> memref<80xi32, #tpu.memory_space<vmem>>
    %dma_start3A_222 = arith.constant 0 : i32
    %dma_start3A_223 = arith.constant 0 : i32
    %dma_start3A_224 = tpu.memref_slice %arg2[%dma_start3A_222, %dma_start3A_223] : memref<20000x32xf32, #tpu.memory_space<hbm>> -> memref<20000x32xf32, #tpu.memory_space<hbm>>
    tpu.enqueue_indirect_dma source(%dma_start3A_224 : memref<20000x32xf32, #tpu.memory_space<hbm>>) target(%arg8 : memref<80x32xf32, #tpu.memory_space<vmem>>) offsets(%dma_start3A_221 : memref<80xi32, #tpu.memory_space<vmem>>) semaphore(%arg12 : memref<!tpu.dma_semaphore, #tpu.memory_space<semaphore_mem>>)
    %dma_start3A_225 = arith.constant 1 : i32
    %dma_start3A_226 = arith.constant 0 : i32
    %dma_start3A_227 = tpu.memref_slice %arg5[%dma_start3A_225, %dma_start3A_226] : memref<250x80xi32, #tpu.memory_space<vmem>> -> memref<1x80xi32, #tpu.memory_space<vmem>>
    %dma_start3A_228 = tpu.memref_squeeze %dma_start3A_227 : memref<1x80xi32, #tpu.memory_space<vmem>> -> memref<80xi32, #tpu.memory_space<vmem>>
    %dma_start3A_229 = arith.constant 0 : i32
    %dma_start3A_230 = arith.constant 0 : i32
    %dma_start3A_231 = tpu.memref_slice %arg2[%dma_start3A_229, %dma_start3A_230] : memref<20000x32xf32, #tpu.memory_space<hbm>> -> memref<20000x32xf32, #tpu.memory_space<hbm>>
    tpu.enqueue_indirect_dma source(%dma_start3A_231 : memref<20000x32xf32, #tpu.memory_space<hbm>>) target(%arg9 : memref<80x32xf32, #tpu.memory_space<vmem>>) offsets(%dma_start3A_228 : memref<80xi32, #tpu.memory_space<vmem>>) semaphore(%arg13 : memref<!tpu.dma_semaphore, #tpu.memory_space<semaphore_mem>>)
    %dma_start3A_232 = arith.constant 2 : i32
    %dma_start3A_233 = arith.constant 0 : i32
    %dma_start3A_234 = tpu.memref_slice %arg5[%dma_start3A_232, %dma_start3A_233] : memref<250x80xi32, #tpu.memory_space<vmem>> -> memref<1x80xi32, #tpu.memory_space<vmem>>
    %dma_start3A_235 = tpu.memref_squeeze %dma_start3A_234 : memref<1x80xi32, #tpu.memory_space<vmem>> -> memref<80xi32, #tpu.memory_space<vmem>>
    %dma_start3A_236 = arith.constant 0 : i32
    %dma_start3A_237 = arith.constant 0 : i32
    %dma_start3A_238 = tpu.memref_slice %arg2[%dma_start3A_236, %dma_start3A_237] : memref<20000x32xf32, #tpu.memory_space<hbm>> -> memref<20000x32xf32, #tpu.memory_space<hbm>>
    tpu.enqueue_indirect_dma source(%dma_start3A_238 : memref<20000x32xf32, #tpu.memory_space<hbm>>) target(%arg10 : memref<80x32xf32, #tpu.memory_space<vmem>>) offsets(%dma_start3A_235 : memref<80xi32, #tpu.memory_space<vmem>>) semaphore(%arg14 : memref<!tpu.dma_semaphore, #tpu.memory_space<semaphore_mem>>)
    %dma_start3A_239 = arith.constant 3 : i32
    %dma_start3A_240 = arith.constant 0 : i32
    %dma_start3A_241 = tpu.memref_slice %arg5[%dma_start3A_239, %dma_start3A_240] : memref<250x80xi32, #tpu.memory_space<vmem>> -> memref<1x80xi32, #tpu.memory_space<vmem>>
    %dma_start3A_242 = tpu.memref_squeeze %dma_start3A_241 : memref<1x80xi32, #tpu.memory_space<vmem>> -> memref<80xi32, #tpu.memory_space<vmem>>
    %dma_start3A_243 = arith.constant 0 : i32
    %dma_start3A_244 = arith.constant 0 : i32
    %dma_start3A_245 = tpu.memref_slice %arg2[%dma_start3A_243, %dma_start3A_244] : memref<20000x32xf32, #tpu.memory_space<hbm>> -> memref<20000x32xf32, #tpu.memory_space<hbm>>
    tpu.enqueue_indirect_dma source(%dma_start3A_245 : memref<20000x32xf32, #tpu.memory_space<hbm>>) target(%arg11 : memref<80x32xf32, #tpu.memory_space<vmem>>) offsets(%dma_start3A_242 : memref<80xi32, #tpu.memory_space<vmem>>) semaphore(%arg15 : memref<!tpu.dma_semaphore, #tpu.memory_space<semaphore_mem>>)
    %barrier3A = arith.constant 0 : index
    tpu.barrier barrier_id(%barrier3A)
    %scan3A_246 = arith.constant 0 : i32
    %scan3A_247 = arith.constant 0 : i32
    %scan3A_248 = arith.constant 62 : i32
    %scan3A_249 = arith.addi %scan3A_247, %scan3A_248 : i32
    %scan3A_250 = arith.constant 1 : i32
    %scan3A_251 = scf.for %scan3A_315 = %scan3A_247 to %scan3A_249 step %scan3A_250 iter_args(%scan3A_316 = %scan3A_246) -> (i32)  : i32 {
      %mul3A_317 = arith.constant 4 : i32
      %mul3A_318 = arith.muli %mul3A_317, %scan3A_315 : i32
      %add3A_319 = arith.constant 0 : i32
      %add3A_320 = arith.addi %mul3A_318, %add3A_319 : i32
      %dma_wait3A_321 = arith.constant 0 : i32
      %dma_wait3A_322 = tpu.memref_slice %arg5[%add3A_320, %dma_wait3A_321] : memref<250x80xi32, #tpu.memory_space<vmem>> -> memref<1x80xi32, #tpu.memory_space<vmem>>
      %dma_wait3A_323 = tpu.memref_squeeze %dma_wait3A_322 : memref<1x80xi32, #tpu.memory_space<vmem>> -> memref<80xi32, #tpu.memory_space<vmem>>
      %dma_wait3A_324 = arith.constant 0 : i32
      %dma_wait3A_325 = arith.constant 0 : i32
      %dma_wait3A_326 = tpu.memref_slice %arg2[%dma_wait3A_324, %dma_wait3A_325] : memref<20000x32xf32, #tpu.memory_space<hbm>> -> memref<20000x32xf32, #tpu.memory_space<hbm>>
      tpu.wait_indirect_dma semaphore(%arg12 : memref<!tpu.dma_semaphore, #tpu.memory_space<semaphore_mem>>) src(%dma_wait3A_326 : memref<20000x32xf32, #tpu.memory_space<hbm>>) dst(%arg8 : memref<80x32xf32, #tpu.memory_space<vmem>>)
      %add3A_327 = arith.constant 0 : i32
      %add3A_328 = arith.addi %mul3A_318, %add3A_327 : i32
      %dma_start3A_329 = arith.constant 0 : i32
      %dma_start3A_330 = tpu.memref_slice %arg6[%add3A_328, %dma_start3A_329] : memref<250x80xi32, #tpu.memory_space<vmem>> -> memref<1x80xi32, #tpu.memory_space<vmem>>
      %dma_start3A_331 = tpu.memref_squeeze %dma_start3A_330 : memref<1x80xi32, #tpu.memory_space<vmem>> -> memref<80xi32, #tpu.memory_space<vmem>>
      %dma_start3A_332 = arith.constant 0 : i32
      %dma_start3A_333 = arith.constant 0 : i32
      %dma_start3A_334 = tpu.memref_slice %arg7[%dma_start3A_332, %dma_start3A_333] : memref<10008x32xf32, #tpu.memory_space<vmem_shared>> -> memref<10008x32xf32, #tpu.memory_space<vmem_shared>>
      tpu.enqueue_indirect_dma source(%arg8 : memref<80x32xf32, #tpu.memory_space<vmem>>) target(%dma_start3A_334 : memref<10008x32xf32, #tpu.memory_space<vmem_shared>>) offsets(%dma_start3A_331 : memref<80xi32, #tpu.memory_space<vmem>>) semaphore(%arg16 : memref<!tpu.dma_semaphore, #tpu.memory_space<semaphore_mem>>) {add = true}
      %add3A_335 = arith.constant 1 : i32
      %add3A_336 = arith.addi %mul3A_318, %add3A_335 : i32
      %dma_wait3A_337 = arith.constant 0 : i32
      %dma_wait3A_338 = tpu.memref_slice %arg5[%add3A_336, %dma_wait3A_337] : memref<250x80xi32, #tpu.memory_space<vmem>> -> memref<1x80xi32, #tpu.memory_space<vmem>>
      %dma_wait3A_339 = tpu.memref_squeeze %dma_wait3A_338 : memref<1x80xi32, #tpu.memory_space<vmem>> -> memref<80xi32, #tpu.memory_space<vmem>>
      %dma_wait3A_340 = arith.constant 0 : i32
      %dma_wait3A_341 = arith.constant 0 : i32
      %dma_wait3A_342 = tpu.memref_slice %arg2[%dma_wait3A_340, %dma_wait3A_341] : memref<20000x32xf32, #tpu.memory_space<hbm>> -> memref<20000x32xf32, #tpu.memory_space<hbm>>
      tpu.wait_indirect_dma semaphore(%arg13 : memref<!tpu.dma_semaphore, #tpu.memory_space<semaphore_mem>>) src(%dma_wait3A_342 : memref<20000x32xf32, #tpu.memory_space<hbm>>) dst(%arg9 : memref<80x32xf32, #tpu.memory_space<vmem>>)
      %add3A_343 = arith.constant 1 : i32
      %add3A_344 = arith.addi %mul3A_318, %add3A_343 : i32
      %dma_start3A_345 = arith.constant 0 : i32
      %dma_start3A_346 = tpu.memref_slice %arg6[%add3A_344, %dma_start3A_345] : memref<250x80xi32, #tpu.memory_space<vmem>> -> memref<1x80xi32, #tpu.memory_space<vmem>>
      %dma_start3A_347 = tpu.memref_squeeze %dma_start3A_346 : memref<1x80xi32, #tpu.memory_space<vmem>> -> memref<80xi32, #tpu.memory_space<vmem>>
      %dma_start3A_348 = arith.constant 0 : i32
      %dma_start3A_349 = arith.constant 0 : i32
      %dma_start3A_350 = tpu.memref_slice %arg7[%dma_start3A_348, %dma_start3A_349] : memref<10008x32xf32, #tpu.memory_space<vmem_shared>> -> memref<10008x32xf32, #tpu.memory_space<vmem_shared>>
      tpu.enqueue_indirect_dma source(%arg9 : memref<80x32xf32, #tpu.memory_space<vmem>>) target(%dma_start3A_350 : memref<10008x32xf32, #tpu.memory_space<vmem_shared>>) offsets(%dma_start3A_347 : memref<80xi32, #tpu.memory_space<vmem>>) semaphore(%arg17 : memref<!tpu.dma_semaphore, #tpu.memory_space<semaphore_mem>>) {add = true}
      %add3A_351 = arith.constant 2 : i32
      %add3A_352 = arith.addi %mul3A_318, %add3A_351 : i32
      %dma_wait3A_353 = arith.constant 0 : i32
      %dma_wait3A_354 = tpu.memref_slice %arg5[%add3A_352, %dma_wait3A_353] : memref<250x80xi32, #tpu.memory_space<vmem>> -> memref<1x80xi32, #tpu.memory_space<vmem>>
      %dma_wait3A_355 = tpu.memref_squeeze %dma_wait3A_354 : memref<1x80xi32, #tpu.memory_space<vmem>> -> memref<80xi32, #tpu.memory_space<vmem>>
      %dma_wait3A_356 = arith.constant 0 : i32
      %dma_wait3A_357 = arith.constant 0 : i32
      %dma_wait3A_358 = tpu.memref_slice %arg2[%dma_wait3A_356, %dma_wait3A_357] : memref<20000x32xf32, #tpu.memory_space<hbm>> -> memref<20000x32xf32, #tpu.memory_space<hbm>>
      tpu.wait_indirect_dma semaphore(%arg14 : memref<!tpu.dma_semaphore, #tpu.memory_space<semaphore_mem>>) src(%dma_wait3A_358 : memref<20000x32xf32, #tpu.memory_space<hbm>>) dst(%arg10 : memref<80x32xf32, #tpu.memory_space<vmem>>)
      %add3A_359 = arith.constant 2 : i32
      %add3A_360 = arith.addi %mul3A_318, %add3A_359 : i32
      %dma_start3A_361 = arith.constant 0 : i32
      %dma_start3A_362 = tpu.memref_slice %arg6[%add3A_360, %dma_start3A_361] : memref<250x80xi32, #tpu.memory_space<vmem>> -> memref<1x80xi32, #tpu.memory_space<vmem>>
      %dma_start3A_363 = tpu.memref_squeeze %dma_start3A_362 : memref<1x80xi32, #tpu.memory_space<vmem>> -> memref<80xi32, #tpu.memory_space<vmem>>
      %dma_start3A_364 = arith.constant 0 : i32
      %dma_start3A_365 = arith.constant 0 : i32
      %dma_start3A_366 = tpu.memref_slice %arg7[%dma_start3A_364, %dma_start3A_365] : memref<10008x32xf32, #tpu.memory_space<vmem_shared>> -> memref<10008x32xf32, #tpu.memory_space<vmem_shared>>
      tpu.enqueue_indirect_dma source(%arg10 : memref<80x32xf32, #tpu.memory_space<vmem>>) target(%dma_start3A_366 : memref<10008x32xf32, #tpu.memory_space<vmem_shared>>) offsets(%dma_start3A_363 : memref<80xi32, #tpu.memory_space<vmem>>) semaphore(%arg18 : memref<!tpu.dma_semaphore, #tpu.memory_space<semaphore_mem>>) {add = true}
      %add3A_367 = arith.constant 3 : i32
      %add3A_368 = arith.addi %mul3A_318, %add3A_367 : i32
      %dma_wait3A_369 = arith.constant 0 : i32
      %dma_wait3A_370 = tpu.memref_slice %arg5[%add3A_368, %dma_wait3A_369] : memref<250x80xi32, #tpu.memory_space<vmem>> -> memref<1x80xi32, #tpu.memory_space<vmem>>
      %dma_wait3A_371 = tpu.memref_squeeze %dma_wait3A_370 : memref<1x80xi32, #tpu.memory_space<vmem>> -> memref<80xi32, #tpu.memory_space<vmem>>
      %dma_wait3A_372 = arith.constant 0 : i32
      %dma_wait3A_373 = arith.constant 0 : i32
      %dma_wait3A_374 = tpu.memref_slice %arg2[%dma_wait3A_372, %dma_wait3A_373] : memref<20000x32xf32, #tpu.memory_space<hbm>> -> memref<20000x32xf32, #tpu.memory_space<hbm>>
      tpu.wait_indirect_dma semaphore(%arg15 : memref<!tpu.dma_semaphore, #tpu.memory_space<semaphore_mem>>) src(%dma_wait3A_374 : memref<20000x32xf32, #tpu.memory_space<hbm>>) dst(%arg11 : memref<80x32xf32, #tpu.memory_space<vmem>>)
      %add3A_375 = arith.constant 3 : i32
      %add3A_376 = arith.addi %mul3A_318, %add3A_375 : i32
      %dma_start3A_377 = arith.constant 0 : i32
      %dma_start3A_378 = tpu.memref_slice %arg6[%add3A_376, %dma_start3A_377] : memref<250x80xi32, #tpu.memory_space<vmem>> -> memref<1x80xi32, #tpu.memory_space<vmem>>
      %dma_start3A_379 = tpu.memref_squeeze %dma_start3A_378 : memref<1x80xi32, #tpu.memory_space<vmem>> -> memref<80xi32, #tpu.memory_space<vmem>>
      %dma_start3A_380 = arith.constant 0 : i32
      %dma_start3A_381 = arith.constant 0 : i32
      %dma_start3A_382 = tpu.memref_slice %arg7[%dma_start3A_380, %dma_start3A_381] : memref<10008x32xf32, #tpu.memory_space<vmem_shared>> -> memref<10008x32xf32, #tpu.memory_space<vmem_shared>>
      tpu.enqueue_indirect_dma source(%arg11 : memref<80x32xf32, #tpu.memory_space<vmem>>) target(%dma_start3A_382 : memref<10008x32xf32, #tpu.memory_space<vmem_shared>>) offsets(%dma_start3A_379 : memref<80xi32, #tpu.memory_space<vmem>>) semaphore(%arg19 : memref<!tpu.dma_semaphore, #tpu.memory_space<semaphore_mem>>) {add = true}
      %add3A_383 = arith.constant 0 : i32
      %add3A_384 = arith.addi %mul3A_318, %add3A_383 : i32
      %add3A_385 = arith.constant 4 : i32
      %add3A_386 = arith.addi %add3A_384, %add3A_385 : i32
      %lt3A = arith.constant 250 : i32
      %lt3A_387 = arith.cmpi slt, %add3A_386, %lt3A : i32
      %add3A_388 = arith.constant 0 : i32
      %add3A_389 = arith.addi %mul3A_318, %add3A_388 : i32
      %convert_element_type3A_390 = arith.extui %lt3A_387 : i1 to i32
      %cond3A_391 = arith.constant 0 : i32
      %cond3A_392 = arith.cmpi ne, %convert_element_type3A_390, %cond3A_391 : i32
      scf.if %cond3A_392 {
        %dma_wait3A_427 = arith.constant 0 : i32
        %dma_wait3A_428 = tpu.memref_slice %arg6[%add3A_389, %dma_wait3A_427] : memref<250x80xi32, #tpu.memory_space<vmem>> -> memref<1x80xi32, #tpu.memory_space<vmem>>
        %dma_wait3A_429 = tpu.memref_squeeze %dma_wait3A_428 : memref<1x80xi32, #tpu.memory_space<vmem>> -> memref<80xi32, #tpu.memory_space<vmem>>
        %dma_wait3A_430 = arith.constant 0 : i32
        %dma_wait3A_431 = arith.constant 0 : i32
        %dma_wait3A_432 = tpu.memref_slice %arg7[%dma_wait3A_430, %dma_wait3A_431] : memref<10008x32xf32, #tpu.memory_space<vmem_shared>> -> memref<10008x32xf32, #tpu.memory_space<vmem_shared>>
        tpu.wait_indirect_dma semaphore(%arg16 : memref<!tpu.dma_semaphore, #tpu.memory_space<semaphore_mem>>) src(%arg8 : memref<80x32xf32, #tpu.memory_space<vmem>>) dst(%dma_wait3A_432 : memref<10008x32xf32, #tpu.memory_space<vmem_shared>>)
        %dma_start3A_433 = arith.constant 0 : i32
        %dma_start3A_434 = tpu.memref_slice %arg5[%add3A_386, %dma_start3A_433] : memref<250x80xi32, #tpu.memory_space<vmem>> -> memref<1x80xi32, #tpu.memory_space<vmem>>
        %dma_start3A_435 = tpu.memref_squeeze %dma_start3A_434 : memref<1x80xi32, #tpu.memory_space<vmem>> -> memref<80xi32, #tpu.memory_space<vmem>>
        %dma_start3A_436 = arith.constant 0 : i32
        %dma_start3A_437 = arith.constant 0 : i32
        %dma_start3A_438 = tpu.memref_slice %arg2[%dma_start3A_436, %dma_start3A_437] : memref<20000x32xf32, #tpu.memory_space<hbm>> -> memref<20000x32xf32, #tpu.memory_space<hbm>>
        tpu.enqueue_indirect_dma source(%dma_start3A_438 : memref<20000x32xf32, #tpu.memory_space<hbm>>) target(%arg8 : memref<80x32xf32, #tpu.memory_space<vmem>>) offsets(%dma_start3A_435 : memref<80xi32, #tpu.memory_space<vmem>>) semaphore(%arg12 : memref<!tpu.dma_semaphore, #tpu.memory_space<semaphore_mem>>)
      } else {
      }
      %add3A_393 = arith.constant 1 : i32
      %add3A_394 = arith.addi %mul3A_318, %add3A_393 : i32
      %add3A_395 = arith.constant 4 : i32
      %add3A_396 = arith.addi %add3A_394, %add3A_395 : i32
      %lt3A_397 = arith.constant 250 : i32
      %lt3A_398 = arith.cmpi slt, %add3A_396, %lt3A_397 : i32
      %add3A_399 = arith.constant 1 : i32
      %add3A_400 = arith.addi %mul3A_318, %add3A_399 : i32
      %convert_element_type3A_401 = arith.extui %lt3A_398 : i1 to i32
      %cond3A_402 = arith.constant 0 : i32
      %cond3A_403 = arith.cmpi ne, %convert_element_type3A_401, %cond3A_402 : i32
      scf.if %cond3A_403 {
        %dma_wait3A_427 = arith.constant 0 : i32
        %dma_wait3A_428 = tpu.memref_slice %arg6[%add3A_400, %dma_wait3A_427] : memref<250x80xi32, #tpu.memory_space<vmem>> -> memref<1x80xi32, #tpu.memory_space<vmem>>
        %dma_wait3A_429 = tpu.memref_squeeze %dma_wait3A_428 : memref<1x80xi32, #tpu.memory_space<vmem>> -> memref<80xi32, #tpu.memory_space<vmem>>
        %dma_wait3A_430 = arith.constant 0 : i32
        %dma_wait3A_431 = arith.constant 0 : i32
        %dma_wait3A_432 = tpu.memref_slice %arg7[%dma_wait3A_430, %dma_wait3A_431] : memref<10008x32xf32, #tpu.memory_space<vmem_shared>> -> memref<10008x32xf32, #tpu.memory_space<vmem_shared>>
        tpu.wait_indirect_dma semaphore(%arg17 : memref<!tpu.dma_semaphore, #tpu.memory_space<semaphore_mem>>) src(%arg9 : memref<80x32xf32, #tpu.memory_space<vmem>>) dst(%dma_wait3A_432 : memref<10008x32xf32, #tpu.memory_space<vmem_shared>>)
        %dma_start3A_433 = arith.constant 0 : i32
        %dma_start3A_434 = tpu.memref_slice %arg5[%add3A_396, %dma_start3A_433] : memref<250x80xi32, #tpu.memory_space<vmem>> -> memref<1x80xi32, #tpu.memory_space<vmem>>
        %dma_start3A_435 = tpu.memref_squeeze %dma_start3A_434 : memref<1x80xi32, #tpu.memory_space<vmem>> -> memref<80xi32, #tpu.memory_space<vmem>>
        %dma_start3A_436 = arith.constant 0 : i32
        %dma_start3A_437 = arith.constant 0 : i32
        %dma_start3A_438 = tpu.memref_slice %arg2[%dma_start3A_436, %dma_start3A_437] : memref<20000x32xf32, #tpu.memory_space<hbm>> -> memref<20000x32xf32, #tpu.memory_space<hbm>>
        tpu.enqueue_indirect_dma source(%dma_start3A_438 : memref<20000x32xf32, #tpu.memory_space<hbm>>) target(%arg9 : memref<80x32xf32, #tpu.memory_space<vmem>>) offsets(%dma_start3A_435 : memref<80xi32, #tpu.memory_space<vmem>>) semaphore(%arg13 : memref<!tpu.dma_semaphore, #tpu.memory_space<semaphore_mem>>)
      } else {
      }
      %add3A_404 = arith.constant 2 : i32
      %add3A_405 = arith.addi %mul3A_318, %add3A_404 : i32
      %add3A_406 = arith.constant 4 : i32
      %add3A_407 = arith.addi %add3A_405, %add3A_406 : i32
      %lt3A_408 = arith.constant 250 : i32
      %lt3A_409 = arith.cmpi slt, %add3A_407, %lt3A_408 : i32
      %add3A_410 = arith.constant 2 : i32
      %add3A_411 = arith.addi %mul3A_318, %add3A_410 : i32
      %convert_element_type3A_412 = arith.extui %lt3A_409 : i1 to i32
      %cond3A_413 = arith.constant 0 : i32
      %cond3A_414 = arith.cmpi ne, %convert_element_type3A_412, %cond3A_413 : i32
      scf.if %cond3A_414 {
        %dma_wait3A_427 = arith.constant 0 : i32
        %dma_wait3A_428 = tpu.memref_slice %arg6[%add3A_411, %dma_wait3A_427] : memref<250x80xi32, #tpu.memory_space<vmem>> -> memref<1x80xi32, #tpu.memory_space<vmem>>
        %dma_wait3A_429 = tpu.memref_squeeze %dma_wait3A_428 : memref<1x80xi32, #tpu.memory_space<vmem>> -> memref<80xi32, #tpu.memory_space<vmem>>
        %dma_wait3A_430 = arith.constant 0 : i32
        %dma_wait3A_431 = arith.constant 0 : i32
        %dma_wait3A_432 = tpu.memref_slice %arg7[%dma_wait3A_430, %dma_wait3A_431] : memref<10008x32xf32, #tpu.memory_space<vmem_shared>> -> memref<10008x32xf32, #tpu.memory_space<vmem_shared>>
        tpu.wait_indirect_dma semaphore(%arg18 : memref<!tpu.dma_semaphore, #tpu.memory_space<semaphore_mem>>) src(%arg10 : memref<80x32xf32, #tpu.memory_space<vmem>>) dst(%dma_wait3A_432 : memref<10008x32xf32, #tpu.memory_space<vmem_shared>>)
        %dma_start3A_433 = arith.constant 0 : i32
        %dma_start3A_434 = tpu.memref_slice %arg5[%add3A_407, %dma_start3A_433] : memref<250x80xi32, #tpu.memory_space<vmem>> -> memref<1x80xi32, #tpu.memory_space<vmem>>
        %dma_start3A_435 = tpu.memref_squeeze %dma_start3A_434 : memref<1x80xi32, #tpu.memory_space<vmem>> -> memref<80xi32, #tpu.memory_space<vmem>>
        %dma_start3A_436 = arith.constant 0 : i32
        %dma_start3A_437 = arith.constant 0 : i32
        %dma_start3A_438 = tpu.memref_slice %arg2[%dma_start3A_436, %dma_start3A_437] : memref<20000x32xf32, #tpu.memory_space<hbm>> -> memref<20000x32xf32, #tpu.memory_space<hbm>>
        tpu.enqueue_indirect_dma source(%dma_start3A_438 : memref<20000x32xf32, #tpu.memory_space<hbm>>) target(%arg10 : memref<80x32xf32, #tpu.memory_space<vmem>>) offsets(%dma_start3A_435 : memref<80xi32, #tpu.memory_space<vmem>>) semaphore(%arg14 : memref<!tpu.dma_semaphore, #tpu.memory_space<semaphore_mem>>)
      } else {
      }
      %add3A_415 = arith.constant 3 : i32
      %add3A_416 = arith.addi %mul3A_318, %add3A_415 : i32
      %add3A_417 = arith.constant 4 : i32
      %add3A_418 = arith.addi %add3A_416, %add3A_417 : i32
      %lt3A_419 = arith.constant 250 : i32
      %lt3A_420 = arith.cmpi slt, %add3A_418, %lt3A_419 : i32
      %add3A_421 = arith.constant 3 : i32
      %add3A_422 = arith.addi %mul3A_318, %add3A_421 : i32
      %convert_element_type3A_423 = arith.extui %lt3A_420 : i1 to i32
      %cond3A_424 = arith.constant 0 : i32
      %cond3A_425 = arith.cmpi ne, %convert_element_type3A_423, %cond3A_424 : i32
      scf.if %cond3A_425 {
        %dma_wait3A_427 = arith.constant 0 : i32
        %dma_wait3A_428 = tpu.memref_slice %arg6[%add3A_422, %dma_wait3A_427] : memref<250x80xi32, #tpu.memory_space<vmem>> -> memref<1x80xi32, #tpu.memory_space<vmem>>
        %dma_wait3A_429 = tpu.memref_squeeze %dma_wait3A_428 : memref<1x80xi32, #tpu.memory_space<vmem>> -> memref<80xi32, #tpu.memory_space<vmem>>
        %dma_wait3A_430 = arith.constant 0 : i32
        %dma_wait3A_431 = arith.constant 0 : i32
        %dma_wait3A_432 = tpu.memref_slice %arg7[%dma_wait3A_430, %dma_wait3A_431] : memref<10008x32xf32, #tpu.memory_space<vmem_shared>> -> memref<10008x32xf32, #tpu.memory_space<vmem_shared>>
        tpu.wait_indirect_dma semaphore(%arg19 : memref<!tpu.dma_semaphore, #tpu.memory_space<semaphore_mem>>) src(%arg11 : memref<80x32xf32, #tpu.memory_space<vmem>>) dst(%dma_wait3A_432 : memref<10008x32xf32, #tpu.memory_space<vmem_shared>>)
        %dma_start3A_433 = arith.constant 0 : i32
        %dma_start3A_434 = tpu.memref_slice %arg5[%add3A_418, %dma_start3A_433] : memref<250x80xi32, #tpu.memory_space<vmem>> -> memref<1x80xi32, #tpu.memory_space<vmem>>
        %dma_start3A_435 = tpu.memref_squeeze %dma_start3A_434 : memref<1x80xi32, #tpu.memory_space<vmem>> -> memref<80xi32, #tpu.memory_space<vmem>>
        %dma_start3A_436 = arith.constant 0 : i32
        %dma_start3A_437 = arith.constant 0 : i32
        %dma_start3A_438 = tpu.memref_slice %arg2[%dma_start3A_436, %dma_start3A_437] : memref<20000x32xf32, #tpu.memory_space<hbm>> -> memref<20000x32xf32, #tpu.memory_space<hbm>>
        tpu.enqueue_indirect_dma source(%dma_start3A_438 : memref<20000x32xf32, #tpu.memory_space<hbm>>) target(%arg11 : memref<80x32xf32, #tpu.memory_space<vmem>>) offsets(%dma_start3A_435 : memref<80xi32, #tpu.memory_space<vmem>>) semaphore(%arg15 : memref<!tpu.dma_semaphore, #tpu.memory_space<semaphore_mem>>)
      } else {
      }
      %scan3A_426 = arith.constant 0 : i32
      scf.yield %scan3A_426 : i32
    }
    %scan3A_252 = arith.constant 62 : i32
    %dma_wait3A_253 = arith.constant 248 : i32
    %dma_wait3A_254 = arith.constant 0 : i32
    %dma_wait3A_255 = tpu.memref_slice %arg5[%dma_wait3A_253, %dma_wait3A_254] : memref<250x80xi32, #tpu.memory_space<vmem>> -> memref<1x80xi32, #tpu.memory_space<vmem>>
    %dma_wait3A_256 = tpu.memref_squeeze %dma_wait3A_255 : memref<1x80xi32, #tpu.memory_space<vmem>> -> memref<80xi32, #tpu.memory_space<vmem>>
    %dma_wait3A_257 = arith.constant 0 : i32
    %dma_wait3A_258 = arith.constant 0 : i32
    %dma_wait3A_259 = tpu.memref_slice %arg2[%dma_wait3A_257, %dma_wait3A_258] : memref<20000x32xf32, #tpu.memory_space<hbm>> -> memref<20000x32xf32, #tpu.memory_space<hbm>>
    tpu.wait_indirect_dma semaphore(%arg12 : memref<!tpu.dma_semaphore, #tpu.memory_space<semaphore_mem>>) src(%dma_wait3A_259 : memref<20000x32xf32, #tpu.memory_space<hbm>>) dst(%arg8 : memref<80x32xf32, #tpu.memory_space<vmem>>)
    %dma_start3A_260 = arith.constant 248 : i32
    %dma_start3A_261 = arith.constant 0 : i32
    %dma_start3A_262 = tpu.memref_slice %arg6[%dma_start3A_260, %dma_start3A_261] : memref<250x80xi32, #tpu.memory_space<vmem>> -> memref<1x80xi32, #tpu.memory_space<vmem>>
    %dma_start3A_263 = tpu.memref_squeeze %dma_start3A_262 : memref<1x80xi32, #tpu.memory_space<vmem>> -> memref<80xi32, #tpu.memory_space<vmem>>
    %dma_start3A_264 = arith.constant 0 : i32
    %dma_start3A_265 = arith.constant 0 : i32
    %dma_start3A_266 = tpu.memref_slice %arg7[%dma_start3A_264, %dma_start3A_265] : memref<10008x32xf32, #tpu.memory_space<vmem_shared>> -> memref<10008x32xf32, #tpu.memory_space<vmem_shared>>
    tpu.enqueue_indirect_dma source(%arg8 : memref<80x32xf32, #tpu.memory_space<vmem>>) target(%dma_start3A_266 : memref<10008x32xf32, #tpu.memory_space<vmem_shared>>) offsets(%dma_start3A_263 : memref<80xi32, #tpu.memory_space<vmem>>) semaphore(%arg16 : memref<!tpu.dma_semaphore, #tpu.memory_space<semaphore_mem>>) {add = true}
    %dma_wait3A_267 = arith.constant 249 : i32
    %dma_wait3A_268 = arith.constant 0 : i32
    %dma_wait3A_269 = tpu.memref_slice %arg5[%dma_wait3A_267, %dma_wait3A_268] : memref<250x80xi32, #tpu.memory_space<vmem>> -> memref<1x80xi32, #tpu.memory_space<vmem>>
    %dma_wait3A_270 = tpu.memref_squeeze %dma_wait3A_269 : memref<1x80xi32, #tpu.memory_space<vmem>> -> memref<80xi32, #tpu.memory_space<vmem>>
    %dma_wait3A_271 = arith.constant 0 : i32
    %dma_wait3A_272 = arith.constant 0 : i32
    %dma_wait3A_273 = tpu.memref_slice %arg2[%dma_wait3A_271, %dma_wait3A_272] : memref<20000x32xf32, #tpu.memory_space<hbm>> -> memref<20000x32xf32, #tpu.memory_space<hbm>>
    tpu.wait_indirect_dma semaphore(%arg13 : memref<!tpu.dma_semaphore, #tpu.memory_space<semaphore_mem>>) src(%dma_wait3A_273 : memref<20000x32xf32, #tpu.memory_space<hbm>>) dst(%arg9 : memref<80x32xf32, #tpu.memory_space<vmem>>)
    %dma_start3A_274 = arith.constant 249 : i32
    %dma_start3A_275 = arith.constant 0 : i32
    %dma_start3A_276 = tpu.memref_slice %arg6[%dma_start3A_274, %dma_start3A_275] : memref<250x80xi32, #tpu.memory_space<vmem>> -> memref<1x80xi32, #tpu.memory_space<vmem>>
    %dma_start3A_277 = tpu.memref_squeeze %dma_start3A_276 : memref<1x80xi32, #tpu.memory_space<vmem>> -> memref<80xi32, #tpu.memory_space<vmem>>
    %dma_start3A_278 = arith.constant 0 : i32
    %dma_start3A_279 = arith.constant 0 : i32
    %dma_start3A_280 = tpu.memref_slice %arg7[%dma_start3A_278, %dma_start3A_279] : memref<10008x32xf32, #tpu.memory_space<vmem_shared>> -> memref<10008x32xf32, #tpu.memory_space<vmem_shared>>
    tpu.enqueue_indirect_dma source(%arg9 : memref<80x32xf32, #tpu.memory_space<vmem>>) target(%dma_start3A_280 : memref<10008x32xf32, #tpu.memory_space<vmem_shared>>) offsets(%dma_start3A_277 : memref<80xi32, #tpu.memory_space<vmem>>) semaphore(%arg17 : memref<!tpu.dma_semaphore, #tpu.memory_space<semaphore_mem>>) {add = true}
    %dma_wait3A_281 = arith.constant 246 : i32
    %dma_wait3A_282 = arith.constant 0 : i32
    %dma_wait3A_283 = tpu.memref_slice %arg6[%dma_wait3A_281, %dma_wait3A_282] : memref<250x80xi32, #tpu.memory_space<vmem>> -> memref<1x80xi32, #tpu.memory_space<vmem>>
    %dma_wait3A_284 = tpu.memref_squeeze %dma_wait3A_283 : memref<1x80xi32, #tpu.memory_space<vmem>> -> memref<80xi32, #tpu.memory_space<vmem>>
    %dma_wait3A_285 = arith.constant 0 : i32
    %dma_wait3A_286 = arith.constant 0 : i32
    %dma_wait3A_287 = tpu.memref_slice %arg7[%dma_wait3A_285, %dma_wait3A_286] : memref<10008x32xf32, #tpu.memory_space<vmem_shared>> -> memref<10008x32xf32, #tpu.memory_space<vmem_shared>>
    tpu.wait_indirect_dma semaphore(%arg18 : memref<!tpu.dma_semaphore, #tpu.memory_space<semaphore_mem>>) src(%arg10 : memref<80x32xf32, #tpu.memory_space<vmem>>) dst(%dma_wait3A_287 : memref<10008x32xf32, #tpu.memory_space<vmem_shared>>)
    %dma_wait3A_288 = arith.constant 247 : i32
    %dma_wait3A_289 = arith.constant 0 : i32
    %dma_wait3A_290 = tpu.memref_slice %arg6[%dma_wait3A_288, %dma_wait3A_289] : memref<250x80xi32, #tpu.memory_space<vmem>> -> memref<1x80xi32, #tpu.memory_space<vmem>>
    %dma_wait3A_291 = tpu.memref_squeeze %dma_wait3A_290 : memref<1x80xi32, #tpu.memory_space<vmem>> -> memref<80xi32, #tpu.memory_space<vmem>>
    %dma_wait3A_292 = arith.constant 0 : i32
    %dma_wait3A_293 = arith.constant 0 : i32
    %dma_wait3A_294 = tpu.memref_slice %arg7[%dma_wait3A_292, %dma_wait3A_293] : memref<10008x32xf32, #tpu.memory_space<vmem_shared>> -> memref<10008x32xf32, #tpu.memory_space<vmem_shared>>
    tpu.wait_indirect_dma semaphore(%arg19 : memref<!tpu.dma_semaphore, #tpu.memory_space<semaphore_mem>>) src(%arg11 : memref<80x32xf32, #tpu.memory_space<vmem>>) dst(%dma_wait3A_294 : memref<10008x32xf32, #tpu.memory_space<vmem_shared>>)
    %dma_wait3A_295 = arith.constant 248 : i32
    %dma_wait3A_296 = arith.constant 0 : i32
    %dma_wait3A_297 = tpu.memref_slice %arg6[%dma_wait3A_295, %dma_wait3A_296] : memref<250x80xi32, #tpu.memory_space<vmem>> -> memref<1x80xi32, #tpu.memory_space<vmem>>
    %dma_wait3A_298 = tpu.memref_squeeze %dma_wait3A_297 : memref<1x80xi32, #tpu.memory_space<vmem>> -> memref<80xi32, #tpu.memory_space<vmem>>
    %dma_wait3A_299 = arith.constant 0 : i32
    %dma_wait3A_300 = arith.constant 0 : i32
    %dma_wait3A_301 = tpu.memref_slice %arg7[%dma_wait3A_299, %dma_wait3A_300] : memref<10008x32xf32, #tpu.memory_space<vmem_shared>> -> memref<10008x32xf32, #tpu.memory_space<vmem_shared>>
    tpu.wait_indirect_dma semaphore(%arg16 : memref<!tpu.dma_semaphore, #tpu.memory_space<semaphore_mem>>) src(%arg8 : memref<80x32xf32, #tpu.memory_space<vmem>>) dst(%dma_wait3A_301 : memref<10008x32xf32, #tpu.memory_space<vmem_shared>>)
    %dma_wait3A_302 = arith.constant 249 : i32
    %dma_wait3A_303 = arith.constant 0 : i32
    %dma_wait3A_304 = tpu.memref_slice %arg6[%dma_wait3A_302, %dma_wait3A_303] : memref<250x80xi32, #tpu.memory_space<vmem>> -> memref<1x80xi32, #tpu.memory_space<vmem>>
    %dma_wait3A_305 = tpu.memref_squeeze %dma_wait3A_304 : memref<1x80xi32, #tpu.memory_space<vmem>> -> memref<80xi32, #tpu.memory_space<vmem>>
    %dma_wait3A_306 = arith.constant 0 : i32
    %dma_wait3A_307 = arith.constant 0 : i32
    %dma_wait3A_308 = tpu.memref_slice %arg7[%dma_wait3A_306, %dma_wait3A_307] : memref<10008x32xf32, #tpu.memory_space<vmem_shared>> -> memref<10008x32xf32, #tpu.memory_space<vmem_shared>>
    tpu.wait_indirect_dma semaphore(%arg17 : memref<!tpu.dma_semaphore, #tpu.memory_space<semaphore_mem>>) src(%arg9 : memref<80x32xf32, #tpu.memory_space<vmem>>) dst(%dma_wait3A_308 : memref<10008x32xf32, #tpu.memory_space<vmem_shared>>)
    %barrier3A_309 = arith.constant 0 : index
    tpu.barrier barrier_id(%barrier3A_309)
    "tpu.region"() ({
      %run_scoped3A_315 = tpu.sem_alloc : memref<!tpu.dma_semaphore, #tpu.memory_space<semaphore_mem>>
      %dma_start3A_316 = arith.constant 0 : i32
      %dma_start3A_317 = arith.constant 0 : i32
      %dma_start3A_318 = tpu.memref_slice %arg4[%arg0, %dma_start3A_316, %dma_start3A_317] : memref<2x10008x32xf32, #tpu.memory_space<hbm>> -> memref<1x10008x32xf32, #tpu.memory_space<hbm>>
      %dma_start3A_319 = tpu.memref_squeeze %dma_start3A_318 : memref<1x10008x32xf32, #tpu.memory_space<hbm>> -> memref<10008x32xf32, #tpu.memory_space<hbm>>
      %dma_start3A_320 = arith.constant 0 : i32
      %dma_start3A_321 = tpu.memref_slice %dma_start3A_319[%mul3A_7, %dma_start3A_320] : memref<10008x32xf32, #tpu.memory_space<hbm>> -> memref<624x32xf32, #tpu.memory_space<hbm>>
      %dma_start3A_322 = arith.constant 0 : i32
      %dma_start3A_323 = tpu.memref_slice %arg7[%mul3A_7, %dma_start3A_322] : memref<10008x32xf32, #tpu.memory_space<vmem_shared>> -> memref<624x32xf32, #tpu.memory_space<vmem_shared>>
      tpu.enqueue_dma source(%dma_start3A_323 : memref<624x32xf32, #tpu.memory_space<vmem_shared>>) target(%dma_start3A_321 : memref<624x32xf32, #tpu.memory_space<hbm>>) target_semaphore(%run_scoped3A_315 : memref<!tpu.dma_semaphore, #tpu.memory_space<semaphore_mem>>)
      %dma_wait3A_324 = arith.constant 0 : i32
      %dma_wait3A_325 = arith.constant 0 : i32
      %dma_wait3A_326 = tpu.memref_slice %arg4[%arg0, %dma_wait3A_324, %dma_wait3A_325] : memref<2x10008x32xf32, #tpu.memory_space<hbm>> -> memref<1x10008x32xf32, #tpu.memory_space<hbm>>
      %dma_wait3A_327 = tpu.memref_squeeze %dma_wait3A_326 : memref<1x10008x32xf32, #tpu.memory_space<hbm>> -> memref<10008x32xf32, #tpu.memory_space<hbm>>
      %dma_wait3A_328 = arith.constant 0 : i32
      %dma_wait3A_329 = tpu.memref_slice %dma_wait3A_327[%mul3A_7, %dma_wait3A_328] : memref<10008x32xf32, #tpu.memory_space<hbm>> -> memref<624x32xf32, #tpu.memory_space<hbm>>
      %dma_wait3A_330 = arith.constant 0 : i32
      %dma_wait3A_331 = tpu.memref_slice %arg7[%mul3A_7, %dma_wait3A_330] : memref<10008x32xf32, #tpu.memory_space<vmem_shared>> -> memref<624x32xf32, #tpu.memory_space<vmem_shared>>
      tpu.wait_dma2 semaphore(%run_scoped3A_315 : memref<!tpu.dma_semaphore, #tpu.memory_space<semaphore_mem>>) src(%dma_wait3A_331 : memref<624x32xf32, #tpu.memory_space<vmem_shared>>) dst(%dma_wait3A_329 : memref<624x32xf32, #tpu.memory_space<hbm>>)
      tpu.yield
    }) : () -> ()
    %eq3A_310 = arith.constant 15 : i32
    %eq3A_311 = arith.cmpi eq, %arg1, %eq3A_310 : i32
    %convert_element_type3A_312 = arith.extui %eq3A_311 : i1 to i32
    %cond3A_313 = arith.constant 0 : i32
    %cond3A_314 = arith.cmpi ne, %convert_element_type3A_312, %cond3A_313 : i32
    scf.if %cond3A_314 {
      "tpu.region"() ({
        %run_scoped3A_315 = tpu.sem_alloc : memref<!tpu.dma_semaphore, #tpu.memory_space<semaphore_mem>>
        %dma_start3A_316 = arith.constant 0 : i32
        %dma_start3A_317 = arith.constant 0 : i32
        %dma_start3A_318 = tpu.memref_slice %arg4[%arg0, %dma_start3A_316, %dma_start3A_317] : memref<2x10008x32xf32, #tpu.memory_space<hbm>> -> memref<1x10008x32xf32, #tpu.memory_space<hbm>>
        %dma_start3A_319 = tpu.memref_squeeze %dma_start3A_318 : memref<1x10008x32xf32, #tpu.memory_space<hbm>> -> memref<10008x32xf32, #tpu.memory_space<hbm>>
        %dma_start3A_320 = arith.constant 9984 : i32
        %dma_start3A_321 = arith.constant 0 : i32
        %dma_start3A_322 = tpu.memref_slice %dma_start3A_319[%dma_start3A_320, %dma_start3A_321] : memref<10008x32xf32, #tpu.memory_space<hbm>> -> memref<24x32xf32, #tpu.memory_space<hbm>>
        %dma_start3A_323 = arith.constant 9984 : i32
        %dma_start3A_324 = arith.constant 0 : i32
        %dma_start3A_325 = tpu.memref_slice %arg7[%dma_start3A_323, %dma_start3A_324] : memref<10008x32xf32, #tpu.memory_space<vmem_shared>> -> memref<24x32xf32, #tpu.memory_space<vmem_shared>>
        tpu.enqueue_dma source(%dma_start3A_325 : memref<24x32xf32, #tpu.memory_space<vmem_shared>>) target(%dma_start3A_322 : memref<24x32xf32, #tpu.memory_space<hbm>>) target_semaphore(%run_scoped3A_315 : memref<!tpu.dma_semaphore, #tpu.memory_space<semaphore_mem>>)
        %dma_wait3A_326 = arith.constant 0 : i32
        %dma_wait3A_327 = arith.constant 0 : i32
        %dma_wait3A_328 = tpu.memref_slice %arg4[%arg0, %dma_wait3A_326, %dma_wait3A_327] : memref<2x10008x32xf32, #tpu.memory_space<hbm>> -> memref<1x10008x32xf32, #tpu.memory_space<hbm>>
        %dma_wait3A_329 = tpu.memref_squeeze %dma_wait3A_328 : memref<1x10008x32xf32, #tpu.memory_space<hbm>> -> memref<10008x32xf32, #tpu.memory_space<hbm>>
        %dma_wait3A_330 = arith.constant 9984 : i32
        %dma_wait3A_331 = arith.constant 0 : i32
        %dma_wait3A_332 = tpu.memref_slice %dma_wait3A_329[%dma_wait3A_330, %dma_wait3A_331] : memref<10008x32xf32, #tpu.memory_space<hbm>> -> memref<24x32xf32, #tpu.memory_space<hbm>>
        %dma_wait3A_333 = arith.constant 9984 : i32
        %dma_wait3A_334 = arith.constant 0 : i32
        %dma_wait3A_335 = tpu.memref_slice %arg7[%dma_wait3A_333, %dma_wait3A_334] : memref<10008x32xf32, #tpu.memory_space<vmem_shared>> -> memref<24x32xf32, #tpu.memory_space<vmem_shared>>
        tpu.wait_dma2 semaphore(%run_scoped3A_315 : memref<!tpu.dma_semaphore, #tpu.memory_space<semaphore_mem>>) src(%dma_wait3A_335 : memref<24x32xf32, #tpu.memory_space<vmem_shared>>) dst(%dma_wait3A_332 : memref<24x32xf32, #tpu.memory_space<hbm>>)
        tpu.yield
      }) : () -> ()
    } else {
    }
    return
  }
}

module attributes {stable_mosaic.version = 14 : i64} {
  func.func @_s1_body(%arg0: memref<2x10008x64xf32, #tpu.memory_space<vmem>>, %arg1: memref<10008x16xf32, #tpu.memory_space<vmem>>, %arg2: memref<10000x128xf32, #tpu.memory_space<vmem>>, %arg3: memref<128x128xf32, #tpu.memory_space<vmem>>, %arg4: memref<128x128xf32, #tpu.memory_space<vmem>>, %arg5: memref<1x128xf32, #tpu.memory_space<vmem>>, %arg6: memref<1x128xf32, #tpu.memory_space<vmem>>, %arg7: memref<1x128xf32, #tpu.memory_space<vmem>>, %arg8: memref<20000x64xf32, #tpu.memory_space<vmem>>) attributes {dimension_semantics = [], scalar_prefetch = 0 : i64, scratch_operands = 0 : i64, tpu.core_type = #tpu.core_type<tc>} {
    %get3A = arith.constant 0 : index
    %get3A_0 = arith.constant 0 : index
    %get3A_1 = vector.load %arg2[%get3A, %get3A_0] : memref<10000x128xf32, #tpu.memory_space<vmem>>, vector<10000x128xf32>
    %get3A_2 = arith.constant 0 : index
    %get3A_3 = arith.constant 0 : index
    %get3A_4 = vector.load %arg1[%get3A_2, %get3A_3] : memref<10008x16xf32, #tpu.memory_space<vmem>>, vector<10000x1xf32>
    %max3A = arith.constant 1.000000e+00 : f32
    %max3A_5 = vector.broadcast %max3A : f32 to vector<10000x1xf32>
    %max3A_6 = arith.maximumf %get3A_4, %max3A_5 : vector<10000x1xf32>
    %get3A_7 = arith.constant 0 : index
    %get3A_8 = arith.constant 0 : index
    %get3A_9 = arith.constant 0 : index
    %get3A_10 = vector.load %arg0[%get3A_7, %get3A_8, %get3A_9] : memref<2x10008x64xf32, #tpu.memory_space<vmem>>, vector<2x10008x64xf32>
    %slice3A = vector.extract_strided_slice %get3A_10 {offsets = [0, 0, 0], sizes = [1, 10000, 64], strides = [1, 1, 1]} : vector<2x10008x64xf32> to vector<1x10000x64xf32>
    %squeeze3A = vector.shape_cast %slice3A : vector<1x10000x64xf32> to vector<10000x64xf32>
    %slice3A_11 = vector.extract_strided_slice %get3A_10 {offsets = [1, 0, 0], sizes = [1, 10000, 64], strides = [1, 1, 1]} : vector<2x10008x64xf32> to vector<1x10000x64xf32>
    %squeeze3A_12 = vector.shape_cast %slice3A_11 : vector<1x10000x64xf32> to vector<10000x64xf32>
    %concatenate3A = tpu.concatenate %squeeze3A, %squeeze3A_12 in 1 : vector<10000x64xf32>, vector<10000x64xf32> -> vector<10000x128xf32>
    %div3A = vector.broadcast %max3A_6 : vector<10000x1xf32> to vector<10000x128xf32>
    %div3A_13 = arith.divf %concatenate3A, %div3A : vector<10000x128xf32>
    %get3A_14 = arith.constant 0 : index
    %get3A_15 = arith.constant 0 : index
    %get3A_16 = vector.load %arg3[%get3A_14, %get3A_15] : memref<128x128xf32, #tpu.memory_space<vmem>>, vector<128x128xf32>
    %dot_general3A = arith.constant dense<0.000000e+00> : vector<10000x128xf32>
    %dot_general3A_17 = tpu.matmul %div3A_13, %get3A_16, %dot_general3A {dimension_numbers = #tpu.dot_dimension_numbers<[1], [1], [0], [0], [0, 0, 1, 0], [], []>, transpose_lhs_hint = false} : vector<10000x128xf32>, vector<128x128xf32>, vector<10000x128xf32> -> vector<10000x128xf32>
    %get3A_18 = arith.constant 0 : index
    %get3A_19 = arith.constant 0 : index
    %get3A_20 = vector.load %arg5[%get3A_18, %get3A_19] : memref<1x128xf32, #tpu.memory_space<vmem>>, vector<1x128xf32>
    %add3A = vector.broadcast %get3A_20 : vector<1x128xf32> to vector<10000x128xf32>
    %add3A_21 = arith.addf %dot_general3A_17, %add3A : vector<10000x128xf32>
    %get3A_22 = arith.constant 0 : index
    %get3A_23 = arith.constant 0 : index
    %get3A_24 = vector.load %arg4[%get3A_22, %get3A_23] : memref<128x128xf32, #tpu.memory_space<vmem>>, vector<128x128xf32>
    %dot_general3A_25 = arith.constant dense<0.000000e+00> : vector<10000x128xf32>
    %dot_general3A_26 = tpu.matmul %get3A_1, %get3A_24, %dot_general3A_25 {dimension_numbers = #tpu.dot_dimension_numbers<[1], [1], [0], [0], [0, 0, 1, 0], [], []>, transpose_lhs_hint = false} : vector<10000x128xf32>, vector<128x128xf32>, vector<10000x128xf32> -> vector<10000x128xf32>
    %add3A_27 = arith.addf %add3A_21, %dot_general3A_26 : vector<10000x128xf32>
    %reduce_sum3A = arith.constant dense<0.000000e+00> : vector<128xf32>
    %reduce_sum3A_28 = vector.multi_reduction <add>, %add3A_27, %reduce_sum3A [0] : vector<10000x128xf32> to vector<128xf32>
    %broadcast_in_dim3A = vector.shape_cast %reduce_sum3A_28 : vector<128xf32> to vector<1x128xf32>
    %div3A_29 = arith.constant 1.000000e+04 : f32
    %div3A_30 = vector.broadcast %div3A_29 : f32 to vector<1x128xf32>
    %div3A_31 = arith.divf %broadcast_in_dim3A, %div3A_30 : vector<1x128xf32>
    %sub3A = vector.broadcast %div3A_31 : vector<1x128xf32> to vector<10000x128xf32>
    %sub3A_32 = arith.subf %add3A_27, %sub3A : vector<10000x128xf32>
    %mul3A = arith.mulf %sub3A_32, %sub3A_32 : vector<10000x128xf32>
    %reduce_sum3A_33 = arith.constant dense<0.000000e+00> : vector<128xf32>
    %reduce_sum3A_34 = vector.multi_reduction <add>, %mul3A, %reduce_sum3A_33 [0] : vector<10000x128xf32> to vector<128xf32>
    %broadcast_in_dim3A_35 = vector.shape_cast %reduce_sum3A_34 : vector<128xf32> to vector<1x128xf32>
    %div3A_36 = arith.constant 1.000000e+04 : f32
    %div3A_37 = vector.broadcast %div3A_36 : f32 to vector<1x128xf32>
    %div3A_38 = arith.divf %broadcast_in_dim3A_35, %div3A_37 : vector<1x128xf32>
    %add3A_39 = arith.constant 9.99999974E-6 : f32
    %add3A_40 = vector.broadcast %add3A_39 : f32 to vector<1x128xf32>
    %add3A_41 = arith.addf %div3A_38, %add3A_40 : vector<1x128xf32>
    %rsqrt3A = math.rsqrt %add3A_41 : vector<1x128xf32>
    %mul3A_42 = vector.broadcast %rsqrt3A : vector<1x128xf32> to vector<10000x128xf32>
    %mul3A_43 = arith.mulf %sub3A_32, %mul3A_42 : vector<10000x128xf32>
    %get3A_44 = arith.constant 0 : index
    %get3A_45 = arith.constant 0 : index
    %get3A_46 = vector.load %arg6[%get3A_44, %get3A_45] : memref<1x128xf32, #tpu.memory_space<vmem>>, vector<1x128xf32>
    %mul3A_47 = vector.broadcast %get3A_46 : vector<1x128xf32> to vector<10000x128xf32>
    %mul3A_48 = arith.mulf %mul3A_43, %mul3A_47 : vector<10000x128xf32>
    %get3A_49 = arith.constant 0 : index
    %get3A_50 = arith.constant 0 : index
    %get3A_51 = vector.load %arg7[%get3A_49, %get3A_50] : memref<1x128xf32, #tpu.memory_space<vmem>>, vector<1x128xf32>
    %add3A_52 = vector.broadcast %get3A_51 : vector<1x128xf32> to vector<10000x128xf32>
    %add3A_53 = arith.addf %mul3A_48, %add3A_52 : vector<10000x128xf32>
    %max3A_54 = arith.constant 0.000000e+00 : f32
    %max3A_55 = vector.broadcast %max3A_54 : f32 to vector<10000x128xf32>
    %max3A_56 = arith.maximumf %add3A_53, %max3A_55 : vector<10000x128xf32>
    %slice3A_57 = vector.extract_strided_slice %max3A_56 {offsets = [0, 0], sizes = [10000, 64], strides = [1, 1]} : vector<10000x128xf32> to vector<10000x64xf32>
    %swap3A = arith.constant 0 : index
    %swap3A_58 = arith.constant 0 : index
    %swap3A_59 = vector.load %arg8[%swap3A, %swap3A_58] : memref<20000x64xf32, #tpu.memory_space<vmem>>, vector<10000x64xf32>
    tpu.vector_store %arg8[%swap3A, %swap3A_58], %slice3A_57 {strides = array<i32>} : memref<20000x64xf32, #tpu.memory_space<vmem>>, vector<10000x64xf32>,
    %slice3A_60 = vector.extract_strided_slice %max3A_56 {offsets = [0, 64], sizes = [10000, 64], strides = [1, 1]} : vector<10000x128xf32> to vector<10000x64xf32>
    %swap3A_61 = arith.constant 10000 : index
    %swap3A_62 = arith.constant 0 : index
    %swap3A_63 = vector.load %arg8[%swap3A_61, %swap3A_62] : memref<20000x64xf32, #tpu.memory_space<vmem>>, vector<10000x64xf32>
    tpu.vector_store %arg8[%swap3A_61, %swap3A_62], %slice3A_60 {strides = array<i32>} : memref<20000x64xf32, #tpu.memory_space<vmem>>, vector<10000x64xf32>,
    return
  }
}

module attributes {stable_mosaic.version = 14 : i64} {
  func.func @_s2_body(%arg0: memref<2x10008x64xf32, #tpu.memory_space<vmem>>, %arg1: memref<10008x16xf32, #tpu.memory_space<vmem>>, %arg2: memref<20000x64xf32, #tpu.memory_space<vmem>>, %arg3: memref<128x128xf32, #tpu.memory_space<vmem>>, %arg4: memref<128x128xf32, #tpu.memory_space<vmem>>, %arg5: memref<1x128xf32, #tpu.memory_space<vmem>>, %arg6: memref<1x128xf32, #tpu.memory_space<vmem>>, %arg7: memref<1x128xf32, #tpu.memory_space<vmem>>, %arg8: memref<40x128xf32, #tpu.memory_space<vmem>>, %arg9: memref<40x128xf32, #tpu.memory_space<vmem>>, %arg10: memref<1x40xf32, #tpu.memory_space<vmem>>, %arg11: memref<20000x32xf32, #tpu.memory_space<vmem>>, %arg12: memref<10000x40xf32, #tpu.memory_space<vmem>>) attributes {dimension_semantics = [], scalar_prefetch = 0 : i64, scratch_operands = 0 : i64, tpu.core_type = #tpu.core_type<tc>} {
    %get3A = arith.constant 0 : index
    %get3A_0 = arith.constant 0 : index
    %get3A_1 = vector.load %arg2[%get3A, %get3A_0] : memref<20000x64xf32, #tpu.memory_space<vmem>>, vector<20000x64xf32>
    %slice3A = vector.extract_strided_slice %get3A_1 {offsets = [0, 0], sizes = [10000, 64], strides = [1, 1]} : vector<20000x64xf32> to vector<10000x64xf32>
    %slice3A_2 = vector.extract_strided_slice %get3A_1 {offsets = [10000, 0], sizes = [10000, 64], strides = [1, 1]} : vector<20000x64xf32> to vector<10000x64xf32>
    %concatenate3A = tpu.concatenate %slice3A, %slice3A_2 in 1 : vector<10000x64xf32>, vector<10000x64xf32> -> vector<10000x128xf32>
    %get3A_3 = arith.constant 0 : index
    %get3A_4 = arith.constant 0 : index
    %get3A_5 = vector.load %arg1[%get3A_3, %get3A_4] : memref<10008x16xf32, #tpu.memory_space<vmem>>, vector<10000x1xf32>
    %max3A = arith.constant 1.000000e+00 : f32
    %max3A_6 = vector.broadcast %max3A : f32 to vector<10000x1xf32>
    %max3A_7 = arith.maximumf %get3A_5, %max3A_6 : vector<10000x1xf32>
    %get3A_8 = arith.constant 0 : index
    %get3A_9 = arith.constant 0 : index
    %get3A_10 = arith.constant 0 : index
    %get3A_11 = vector.load %arg0[%get3A_8, %get3A_9, %get3A_10] : memref<2x10008x64xf32, #tpu.memory_space<vmem>>, vector<2x10008x64xf32>
    %slice3A_12 = vector.extract_strided_slice %get3A_11 {offsets = [0, 0, 0], sizes = [1, 10000, 64], strides = [1, 1, 1]} : vector<2x10008x64xf32> to vector<1x10000x64xf32>
    %squeeze3A = vector.shape_cast %slice3A_12 : vector<1x10000x64xf32> to vector<10000x64xf32>
    %slice3A_13 = vector.extract_strided_slice %get3A_11 {offsets = [1, 0, 0], sizes = [1, 10000, 64], strides = [1, 1, 1]} : vector<2x10008x64xf32> to vector<1x10000x64xf32>
    %squeeze3A_14 = vector.shape_cast %slice3A_13 : vector<1x10000x64xf32> to vector<10000x64xf32>
    %concatenate3A_15 = tpu.concatenate %squeeze3A, %squeeze3A_14 in 1 : vector<10000x64xf32>, vector<10000x64xf32> -> vector<10000x128xf32>
    %div3A = vector.broadcast %max3A_7 : vector<10000x1xf32> to vector<10000x128xf32>
    %div3A_16 = arith.divf %concatenate3A_15, %div3A : vector<10000x128xf32>
    %get3A_17 = arith.constant 0 : index
    %get3A_18 = arith.constant 0 : index
    %get3A_19 = vector.load %arg3[%get3A_17, %get3A_18] : memref<128x128xf32, #tpu.memory_space<vmem>>, vector<128x128xf32>
    %dot_general3A = arith.constant dense<0.000000e+00> : vector<10000x128xf32>
    %dot_general3A_20 = tpu.matmul %div3A_16, %get3A_19, %dot_general3A {dimension_numbers = #tpu.dot_dimension_numbers<[1], [1], [0], [0], [0, 0, 1, 0], [], []>, transpose_lhs_hint = false} : vector<10000x128xf32>, vector<128x128xf32>, vector<10000x128xf32> -> vector<10000x128xf32>
    %get3A_21 = arith.constant 0 : index
    %get3A_22 = arith.constant 0 : index
    %get3A_23 = vector.load %arg5[%get3A_21, %get3A_22] : memref<1x128xf32, #tpu.memory_space<vmem>>, vector<1x128xf32>
    %add3A = vector.broadcast %get3A_23 : vector<1x128xf32> to vector<10000x128xf32>
    %add3A_24 = arith.addf %dot_general3A_20, %add3A : vector<10000x128xf32>
    %get3A_25 = arith.constant 0 : index
    %get3A_26 = arith.constant 0 : index
    %get3A_27 = vector.load %arg4[%get3A_25, %get3A_26] : memref<128x128xf32, #tpu.memory_space<vmem>>, vector<128x128xf32>
    %dot_general3A_28 = arith.constant dense<0.000000e+00> : vector<10000x128xf32>
    %dot_general3A_29 = tpu.matmul %concatenate3A, %get3A_27, %dot_general3A_28 {dimension_numbers = #tpu.dot_dimension_numbers<[1], [1], [0], [0], [0, 0, 1, 0], [], []>, transpose_lhs_hint = false} : vector<10000x128xf32>, vector<128x128xf32>, vector<10000x128xf32> -> vector<10000x128xf32>
    %add3A_30 = arith.addf %add3A_24, %dot_general3A_29 : vector<10000x128xf32>
    %reduce_sum3A = arith.constant dense<0.000000e+00> : vector<128xf32>
    %reduce_sum3A_31 = vector.multi_reduction <add>, %add3A_30, %reduce_sum3A [0] : vector<10000x128xf32> to vector<128xf32>
    %broadcast_in_dim3A = vector.shape_cast %reduce_sum3A_31 : vector<128xf32> to vector<1x128xf32>
    %div3A_32 = arith.constant 1.000000e+04 : f32
    %div3A_33 = vector.broadcast %div3A_32 : f32 to vector<1x128xf32>
    %div3A_34 = arith.divf %broadcast_in_dim3A, %div3A_33 : vector<1x128xf32>
    %sub3A = vector.broadcast %div3A_34 : vector<1x128xf32> to vector<10000x128xf32>
    %sub3A_35 = arith.subf %add3A_30, %sub3A : vector<10000x128xf32>
    %mul3A = arith.mulf %sub3A_35, %sub3A_35 : vector<10000x128xf32>
    %reduce_sum3A_36 = arith.constant dense<0.000000e+00> : vector<128xf32>
    %reduce_sum3A_37 = vector.multi_reduction <add>, %mul3A, %reduce_sum3A_36 [0] : vector<10000x128xf32> to vector<128xf32>
    %broadcast_in_dim3A_38 = vector.shape_cast %reduce_sum3A_37 : vector<128xf32> to vector<1x128xf32>
    %div3A_39 = arith.constant 1.000000e+04 : f32
    %div3A_40 = vector.broadcast %div3A_39 : f32 to vector<1x128xf32>
    %div3A_41 = arith.divf %broadcast_in_dim3A_38, %div3A_40 : vector<1x128xf32>
    %add3A_42 = arith.constant 9.99999974E-6 : f32
    %add3A_43 = vector.broadcast %add3A_42 : f32 to vector<1x128xf32>
    %add3A_44 = arith.addf %div3A_41, %add3A_43 : vector<1x128xf32>
    %rsqrt3A = math.rsqrt %add3A_44 : vector<1x128xf32>
    %mul3A_45 = vector.broadcast %rsqrt3A : vector<1x128xf32> to vector<10000x128xf32>
    %mul3A_46 = arith.mulf %sub3A_35, %mul3A_45 : vector<10000x128xf32>
    %get3A_47 = arith.constant 0 : index
    %get3A_48 = arith.constant 0 : index
    %get3A_49 = vector.load %arg6[%get3A_47, %get3A_48] : memref<1x128xf32, #tpu.memory_space<vmem>>, vector<1x128xf32>
    %mul3A_50 = vector.broadcast %get3A_49 : vector<1x128xf32> to vector<10000x128xf32>
    %mul3A_51 = arith.mulf %mul3A_46, %mul3A_50 : vector<10000x128xf32>
    %get3A_52 = arith.constant 0 : index
    %get3A_53 = arith.constant 0 : index
    %get3A_54 = vector.load %arg7[%get3A_52, %get3A_53] : memref<1x128xf32, #tpu.memory_space<vmem>>, vector<1x128xf32>
    %add3A_55 = vector.broadcast %get3A_54 : vector<1x128xf32> to vector<10000x128xf32>
    %add3A_56 = arith.addf %mul3A_51, %add3A_55 : vector<10000x128xf32>
    %max3A_57 = arith.constant 0.000000e+00 : f32
    %max3A_58 = vector.broadcast %max3A_57 : f32 to vector<10000x128xf32>
    %max3A_59 = arith.maximumf %add3A_56, %max3A_58 : vector<10000x128xf32>
    %get3A_60 = arith.constant 0 : index
    %get3A_61 = arith.constant 0 : index
    %get3A_62 = vector.load %arg8[%get3A_60, %get3A_61] : memref<40x128xf32, #tpu.memory_space<vmem>>, vector<40x128xf32>
    %dot_general3A_63 = arith.constant dense<0.000000e+00> : vector<10000x40xf32>
    %dot_general3A_64 = tpu.matmul %max3A_59, %get3A_62, %dot_general3A_63 {dimension_numbers = #tpu.dot_dimension_numbers<[1], [1], [0], [0], [0, 0, 1, 0], [], []>, transpose_lhs_hint = false} : vector<10000x128xf32>, vector<40x128xf32>, vector<10000x40xf32> -> vector<10000x40xf32>
    %broadcast_in_dim3A_65 = arith.constant 0.000000e+00 : f32
    %broadcast_in_dim3A_66 = vector.broadcast %broadcast_in_dim3A_65 : f32 to vector<10000x24xf32>
    %concatenate3A_67 = tpu.concatenate %dot_general3A_64, %broadcast_in_dim3A_66 in 1 : vector<10000x40xf32>, vector<10000x24xf32> -> vector<10000x64xf32>
    %slice3A_68 = vector.extract_strided_slice %concatenate3A_67 {offsets = [0, 0], sizes = [10000, 32], strides = [1, 1]} : vector<10000x64xf32> to vector<10000x32xf32>
    %swap3A = arith.constant 0 : index
    %swap3A_69 = arith.constant 0 : index
    %swap3A_70 = vector.load %arg11[%swap3A, %swap3A_69] : memref<20000x32xf32, #tpu.memory_space<vmem>>, vector<10000x32xf32>
    tpu.vector_store %arg11[%swap3A, %swap3A_69], %slice3A_68 {strides = array<i32>} : memref<20000x32xf32, #tpu.memory_space<vmem>>, vector<10000x32xf32>,
    %slice3A_71 = vector.extract_strided_slice %concatenate3A_67 {offsets = [0, 32], sizes = [10000, 32], strides = [1, 1]} : vector<10000x64xf32> to vector<10000x32xf32>
    %swap3A_72 = arith.constant 10000 : index
    %swap3A_73 = arith.constant 0 : index
    %swap3A_74 = vector.load %arg11[%swap3A_72, %swap3A_73] : memref<20000x32xf32, #tpu.memory_space<vmem>>, vector<10000x32xf32>
    tpu.vector_store %arg11[%swap3A_72, %swap3A_73], %slice3A_71 {strides = array<i32>} : memref<20000x32xf32, #tpu.memory_space<vmem>>, vector<10000x32xf32>,
    %get3A_75 = arith.constant 0 : index
    %get3A_76 = arith.constant 0 : index
    %get3A_77 = vector.load %arg9[%get3A_75, %get3A_76] : memref<40x128xf32, #tpu.memory_space<vmem>>, vector<40x128xf32>
    %dot_general3A_78 = arith.constant dense<0.000000e+00> : vector<10000x40xf32>
    %dot_general3A_79 = tpu.matmul %max3A_59, %get3A_77, %dot_general3A_78 {dimension_numbers = #tpu.dot_dimension_numbers<[1], [1], [0], [0], [0, 0, 1, 0], [], []>, transpose_lhs_hint = false} : vector<10000x128xf32>, vector<40x128xf32>, vector<10000x40xf32> -> vector<10000x40xf32>
    %get3A_80 = arith.constant 0 : index
    %get3A_81 = arith.constant 0 : index
    %get3A_82 = vector.load %arg10[%get3A_80, %get3A_81] : memref<1x40xf32, #tpu.memory_space<vmem>>, vector<1x40xf32>
    %add3A_83 = vector.broadcast %get3A_82 : vector<1x40xf32> to vector<10000x40xf32>
    %add3A_84 = arith.addf %dot_general3A_79, %add3A_83 : vector<10000x40xf32>
    %swap3A_85 = arith.constant 0 : index
    %swap3A_86 = arith.constant 0 : index
    %swap3A_87 = vector.load %arg12[%swap3A_85, %swap3A_86] : memref<10000x40xf32, #tpu.memory_space<vmem>>, vector<10000x40xf32>
    tpu.vector_store %arg12[%swap3A_85, %swap3A_86], %add3A_84 {strides = array<i32>} : memref<10000x40xf32, #tpu.memory_space<vmem>>, vector<10000x40xf32>,
    return
  }
}

module attributes {stable_mosaic.version = 14 : i64} {
  func.func @_sfin_body(%arg0: memref<2x10008x32xf32, #tpu.memory_space<vmem>>, %arg1: memref<10008x16xf32, #tpu.memory_space<vmem>>, %arg2: memref<10000x40xf32, #tpu.memory_space<vmem>>, %arg3: memref<10000x40xf32, #tpu.memory_space<vmem>>) attributes {dimension_semantics = [], scalar_prefetch = 0 : i64, scratch_operands = 0 : i64, tpu.core_type = #tpu.core_type<tc>} {
    %get3A = arith.constant 0 : index
    %get3A_0 = arith.constant 0 : index
    %get3A_1 = vector.load %arg1[%get3A, %get3A_0] : memref<10008x16xf32, #tpu.memory_space<vmem>>, vector<10000x1xf32>
    %max3A = arith.constant 1.000000e+00 : f32
    %max3A_2 = vector.broadcast %max3A : f32 to vector<10000x1xf32>
    %max3A_3 = arith.maximumf %get3A_1, %max3A_2 : vector<10000x1xf32>
    %get3A_4 = arith.constant 0 : index
    %get3A_5 = arith.constant 0 : index
    %get3A_6 = arith.constant 0 : index
    %get3A_7 = vector.load %arg0[%get3A_4, %get3A_5, %get3A_6] : memref<2x10008x32xf32, #tpu.memory_space<vmem>>, vector<2x10008x32xf32>
    %slice3A = vector.extract_strided_slice %get3A_7 {offsets = [0, 0, 0], sizes = [1, 10000, 32], strides = [1, 1, 1]} : vector<2x10008x32xf32> to vector<1x10000x32xf32>
    %squeeze3A = vector.shape_cast %slice3A : vector<1x10000x32xf32> to vector<10000x32xf32>
    %slice3A_8 = vector.extract_strided_slice %get3A_7 {offsets = [1, 0, 0], sizes = [1, 10000, 32], strides = [1, 1, 1]} : vector<2x10008x32xf32> to vector<1x10000x32xf32>
    %squeeze3A_9 = vector.shape_cast %slice3A_8 : vector<1x10000x32xf32> to vector<10000x32xf32>
    %concatenate3A = tpu.concatenate %squeeze3A, %squeeze3A_9 in 1 : vector<10000x32xf32>, vector<10000x32xf32> -> vector<10000x64xf32>
    %slice3A_10 = vector.extract_strided_slice %concatenate3A {offsets = [0, 0], sizes = [10000, 40], strides = [1, 1]} : vector<10000x64xf32> to vector<10000x40xf32>
    %div3A = vector.broadcast %max3A_3 : vector<10000x1xf32> to vector<10000x40xf32>
    %div3A_11 = arith.divf %slice3A_10, %div3A : vector<10000x40xf32>
    %get3A_12 = arith.constant 0 : index
    %get3A_13 = arith.constant 0 : index
    %get3A_14 = vector.load %arg2[%get3A_12, %get3A_13] : memref<10000x40xf32, #tpu.memory_space<vmem>>, vector<10000x40xf32>
    %add3A = arith.addf %div3A_11, %get3A_14 : vector<10000x40xf32>
    %swap3A = arith.constant 0 : index
    %swap3A_15 = arith.constant 0 : index
    %swap3A_16 = vector.load %arg3[%swap3A, %swap3A_15] : memref<10000x40xf32, #tpu.memory_space<vmem>>, vector<10000x40xf32>
    tpu.vector_store %arg3[%swap3A, %swap3A_15], %add3A {strides = array<i32>} : memref<10000x40xf32, #tpu.memory_space<vmem>>, vector<10000x40xf32>,
    return
  }
}

</mosaic_0001>

<sc_bundles>
// kernel: kernel.11.cloned.1.call-start
scs
__scs_entry_jumppad:
0x0: {  	(pc) =	sbr.rel $0x88, $3  }
0x1: {  	(tag) =	ssettag $0x0;
	lr =	simm.s32 $0x1  }
0x2: {  	[smem:$0x3F92] =	sst lr;
	_ =	strace $0xD0000000  }
0x3: {  	_ = 	snop  }
0x4: {  	_ = 	snop  }
0x5: {  	_ = 	snop  }
0x6: {  	_ = 	snop  }
0x7: {  	_ = 	snop  }
__scs_overlays_trampoline_lowered:
0x8: {  	[smem:$0x3FA1] =	sst s0  }
0x9: {  	[smem:$0x3FA2] =	sst s1  }
0xa: {  	[smem:$0x3FA3] =	sst s2  }
0xb: {  	[smem:$0x3FA4] =	sst s3  }
0xc: {  	[smem:$0x3FA5] =	sst s4  }
0xd: {  	[smem:$0x3FA6] =	sst s5  }
0xe: {  	[smem:$0x3FA7] =	sst s6  }
0xf: {  	[smem:$0x3FA8] =	sst s7  }
0x10: {  	[smem:$0x3FA9] =	sst s8  }
0x11: {  	[smem:$0x3FAA] =	sst s9;
	s0 =	simm.s32 @!p0 $0x0  }
0x12: {  	s1 =	sld [smem:$0x3F90];
	s0 =	simm.s32 @p0 $0x1  }
0x13: {  	[smem:$0x3FAB] =	sst s0;
	s0 =	simm.s32 @!p1 $0x0  }
0x14: {  	s2 =	sld [smem:$0x3F8F];
	s0 =	simm.s32 @p1 $0x1  }
0x15: {  	[smem:$0x3FAC] =	sst s0;
	s0 =	simm.s32 @!p2 $0x0  }
0x16: {  	s3 =	sld [smem:$0x3FDB];
	s0 =	simm.s32 @p2 $0x1  }
0x17: {  	s4 =	simm.s32 $0x1BF5;
	[smem:$0x3FAE] =	sst s0  }
0x18: {  	s0 =	sld [smem:$0x3F91];
	_ =	swait.ge [sflag:s4], $0x0  }
0x19: {  	s7 =	sld [smem:$0x3F92]  }
0x1a: {  	s8 =	sadd.s32 $0xFFFFE003, lr  }
0x1b: {  	s9 =	sadd.s32 $0xFFFFFEF7, lr;
	s5 =	simm.s32 $0xFFFFFFFF;
	p2 =	slt.u32 s8, $0xFFFFF086  }
0x1c: {  	p1 =	slt.u32 s9, $0xF7A;
	s5 =	simm.s32 @!p2 $0x0  }
0x1d: {  	s5 =	simm.s32 @p1 $0x1;
	p0 =	seq.s32 s7, s2  }
0x1e: {  	s7 =	smul.u32 @!p0 $0xF7A, s2;
	p2 =	seq.s32 @!p0 s5, $0x0  }
0x1f: {  	s9 =	smul.u32 $0xF7A, s1;
	s8 =	simm.s32 @!p0 $0x1BF5;
	p2 =	por !p2, p0  }
0x20: {  	[sflag:s8] =	ssyncset.s32 @!p0 $0xFFFFF086;
	s6 =	sadd.s32 @!p0 s3, s7;
	s7 =	simm.s32 @!p0 $0x108  }
0x21: {  	s3 =	sadd.s32 s3, s9;
	s6 =	sadd.s32 @!p0 $0x88, s6;
	s7 =	simm.s32 @p2 $0x1082  }
0x22: {  	[simem:s7], [sflag:s8] =	dma.local @!p0 [hbm:s6], $0xF7A  }
0x23: {  	s9 =	sor.u32 $0xD0000000, s2;
	s6 =	simm.s32 $0x108;
	_ =	swait.ge @!p0 [sflag:s8], $0x0  }
0x24: {  	s3 =	sadd.s32 $0x88, s3;
	s6 =	simm.s32 @!p1 $0x1082;
	[sflag:s4] =	ssyncset.s32 $0xFFFFF086  }
0x25: {  	[simem:s6], [sflag:s4] =	dma.local [hbm:s3], $0xF7A  }
0x26: {  	[smem:$0x3F92] =	sst s1;
	(tag) =	ssettag s2;
	_ =	strace s9  }
0x27: {  	s1 =	sld [smem:$0x3FA2]  }
0x28: {  	s2 =	sld [smem:$0x3FA3]  }
0x29: {  	s4 =	sld [smem:$0x3FA5]  }
0x2a: {  	p0 =	seq.s32 s5, $0x0;
	s5 =	sld [smem:$0x3FA6]  }
0x2b: {  	s6 =	sld [smem:$0x3FA7]  }
0x2c: {  	s7 =	sld [smem:$0x3FA8]  }
0x2d: {  	s3 =	simm.s32 $0x108;
	s8 =	sld [smem:$0x3FA9]  }
0x2e: {  	s3 =	simm.s32 @!p0 $0x1082;
	s9 =	sld [smem:$0x3FAA]  }
0x2f: {  	lr =	sadd.s32 s0, s3;
	s0 =	sld [smem:$0x3FA1]  }
0x30: {  	s3 =	sld [smem:$0x3FA4]  }
0x31: {  	[smem:$0x3FAD] =	sst s10  }
0x32: {  	s10 =	sld [smem:$0x3FAB];
	_ =	sdelay $0x3  }
0x33: {  	p0 =	seq.s32 s10, $0x1;
	s10 =	sld [smem:$0x3FAD];
	_ =	sdelay $0x3  }
0x34: {  	[smem:$0x3FAD] =	sst s10  }
0x35: {  	s10 =	sld [smem:$0x3FAC];
	_ =	sdelay $0x3  }
0x36: {  	p1 =	seq.s32 s10, $0x1;
	s10 =	sld [smem:$0x3FAD];
	_ =	sdelay $0x3  }
0x37: {  	[smem:$0x3FAD] =	sst s10  }
0x38: {  	s10 =	sld [smem:$0x3FAE]  }
0x39: {  	_ = 	snop;
	(pc) =	sbr.ind lr, $3  }
0x3a: {  	_ = 	snop  }
0x3b: {  	_ = 	snop  }
0x3c: {  	p2 =	seq.s32 s10, $0x1;
	s10 =	sld [smem:$0x3FAD]  }
0x3d: {  	_ =	shalt  }
0x3e: {  	_ =	shalt  }
0x3f: {  	_ =	shalt  }
0x40: {  	_ =	shalt  }
0x41: {  	_ =	shalt  }
0x42: {  	_ =	shalt  }
0x43: {  	_ =	shalt  }
0x44: {  	_ =	shalt  }
0x45: {  	_ =	shalt  }
0x46: {  	_ =	shalt  }
0x47: {  	_ =	shalt  }
0x48: {  	_ =	shalt  }
0x49: {  	_ =	shalt  }
0x4a: {  	_ =	shalt  }
0x4b: {  	_ =	shalt  }
0x4c: {  	_ =	shalt  }
0x4d: {  	_ =	shalt  }
0x4e: {  	_ =	shalt  }
0x4f: {  	_ =	shalt  }
0x50: {  	_ =	shalt  }
0x51: {  	_ =	shalt  }
0x52: {  	_ =	shalt  }
0x53: {  	_ =	shalt  }
0x54: {  	_ =	shalt  }
0x55: {  	_ =	shalt  }
0x56: {  	_ =	shalt  }
0x57: {  	_ =	shalt  }
0x58: {  	_ =	shalt  }
0x59: {  	_ =	shalt  }
0x5a: {  	_ =	shalt  }
0x5b: {  	_ =	shalt  }
0x5c: {  	_ =	shalt  }
0x5d: {  	_ =	shalt  }
0x5e: {  	_ =	shalt  }
0x5f: {  	_ =	shalt  }
0x60: {  	_ =	shalt  }
0x61: {  	_ =	shalt  }
0x62: {  	_ =	shalt  }
0x63: {  	_ =	shalt  }
0x64: {  	_ =	shalt  }
0x65: {  	_ =	shalt  }
0x66: {  	_ =	shalt  }
0x67: {  	_ =	shalt  }
0x68: {  	_ =	shalt  }
0x69: {  	_ =	shalt  }
0x6a: {  	_ =	shalt  }
0x6b: {  	_ =	shalt  }
0x6c: {  	_ =	shalt  }
0x6d: {  	_ =	shalt  }
0x6e: {  	_ =	shalt  }
0x6f: {  	_ =	shalt  }
0x70: {  	_ =	shalt  }
0x71: {  	_ =	shalt  }
0x72: {  	_ =	shalt  }
0x73: {  	_ =	shalt  }
0x74: {  	_ =	shalt  }
0x75: {  	_ =	shalt  }
0x76: {  	_ =	shalt  }
0x77: {  	_ =	shalt  }
0x78: {  	_ =	shalt  }
0x79: {  	_ =	shalt  }
0x7a: {  	_ =	shalt  }
0x7b: {  	_ =	shalt  }
0x7c: {  	_ =	shalt  }
0x7d: {  	_ =	shalt  }
0x7e: {  	_ =	shalt  }
0x7f: {  	_ =	shalt  }
0x80: {  	_ =	shalt  }
0x81: {  	_ =	shalt  }
0x82: {  	_ =	shalt  }
0x83: {  	_ =	shalt  }
0x84: {  	_ =	shalt  }
0x85: {  	_ =	shalt  }
0x86: {  	_ =	shalt  }
0x87: {  	_ =	shalt  }
.Lfunc_end0:
.L_simem_size_0:
called_computation.1_lowered:
.L_overlay_start_0:
0x88: {  	s2 =	sld [smem:$0x3FD9]  }
0x89: {  	s3 =	sld [smem:$0x3FFE];
	_ =	sdelay $0x1  }
0x8a: {  	s1 =	srdreg.scid  }
0x8b: {  	s0 =	sand.u32 $0x1, s1  }
0x8c: {  	s16 =	sshll.u32 s0, $0xA;
	s2 =	sadd.s32 s3, s2  }
0x8d: {  	s2 =	sadd.s32 s2, s16  }
0x8e: {  	[smem:$0x3FB9] =	sst s2  }
0x8f: {  	_ = 	snop  }
0x90: {  	(tm) =	ssettm $0x1  }
0x91: {  	s17 =	sld [smem:$0x3FFB];
	_ =	sdelay $0x3  }
0x92: {  	_ =	strace s17  }
0x93: {  	s2 =	sld [smem:$0x3FFC];
	_ =	sdelay $0x3  }
0x94: {  	_ =	strace s2  }
0x95: {  	s2 =	sld [smem:$0x3FFD];
	_ =	sdelay $0x3  }
0x96: {  	_ =	strace s2  }
0x97: {  	_ =	strace $0x8FFFFFFF  }
0x98: {  	s18 =	sld [smem:$0x3FDB];
	_ =	sdelay $0x1  }
0x99: {  	s19 =	simm.s32 $_scs_section_size  }
0x9a: {  	s4 =	simm.s32 $_size__tile_overlayer_lowered;
	s5 =	simm.s32 $_tile_overlayer_lowered  }
0x9b: {  	s22 =	simm.s32 $0x1BFF;
	s21 =	sshll.u32 s5, $0x1;
	s2 =	sadd.s32 s19, s18  }
0x9c: {  	s6 =	simm.s32 $0x0;
	s20 =	sshll.u32 s4, $0x1;
	s4 =	sadd.s32 s21, s2  }
0x9d: {  	[timem:s6], [sflag:s22] =	dma.local [hbm:s4], s20  }
0x9e: {  	_ =	swait.ge [sflag:s22], s20  }
0x9f: {  	s3 =	ssub.s32 $0x0, s20;
	[sflag:s22] =	ssyncset.done $0x0  }
0xa0: {  	[sflag:s22] =	ssyncadd.s32 s3;
	_ =	sdelay $0x1  }
0xa1: {  	s23 =	simm.s32 $0x1B8B  }
0xa2: {  	_ =	swait.ge [sflag:s23], $0x1  }
0xa3: {  	[sflag:s23] =	ssyncset.done $0x0  }
0xa4: {  	s25 =	simm.s32 $0x1B8E;
	s24 =	sld [smem:$0x3FFE];
	[sflag:s23] =	ssyncadd.s32 $0xFFFFFFFF  }
0xa5: {  	s26 =	simm.s32 $execute0_lowered;
	[smem:$0x3FD2] =	sst s25  }
0xa6: {  	s4 =	sshll.u32 s26, $0x1;
	_ =	strace $0x80000049;
	[dreg:$0x1] =	wrdreg $0xFFFFFFFF  }
0xa7: {  	s28 =	simm.s32 $_size_execute0_lowered;
	s2 =	sadd.s32 s2, s4;
	[dreg:$0x0] =	wrdreg $0x0  }
0xa8: {  	s4 =	sshll.u32 s28, $0x1;
	[dreg:$0x2] =	wrdreg s2  }
0xa9: {  	[dreg:$0x3] =	wrdreg s4  }
0xaa: {  	[dreg:$0x4] =	wrdreg $0xC0  }
0xab: {  	_ =	task [dreg:s6], $0x5FFFF  }
0xac: {  	[dreg:$0x1] =	wrdreg $0xFFFFFFFF  }
0xad: {  	[dreg:$0x0] =	wrdreg $0x60  }
0xae: {  	[dreg:$0x2] =	wrdreg s24  }
0xaf: {  	[dreg:$0x3] =	wrdreg $0x9C400  }
0xb0: {  	[dreg:$0x4] =	wrdreg $0x9  }
0xb1: {  	_ =	task.clear_ibuf [dreg:s6], $0x5FFFF;
	_ =	strace $0x90000049  }
0xb2: {  	s29 =	simm.s32 $0x9;
	_ =	strace $0x8000004B  }
0xb3: {  	_ =	swait.ge [sflag:s29], $0x1  }
0xb4: {  	[sflag:s29] =	ssyncadd.s32 $0xFFFFFFFF  }
0xb5: {  	_ =	strace $0x9000004B  }
0xb6: {  	_ =	sfence  }
0xb7: {  	s30 =	sld [smem:$0x0];
	_ =	sdelay $0x2  }
0xb8: {  	s31 =	sshll.u32 s1, $0xD;
	s1 =	sshrl.u32 s1, $0x2  }
0xb9: {  	s3 =	sand.u32 $0x4000, s31;
	s1 =	sadd.s32 s1, s30  }
0xba: {  	s0 =	sor.u32 s3, s0;
	s1 =	sshll.u32 s1, $0x11  }
0xbb: {  	s0 =	sor.u32 s1, s0  }
0xbc: {  	s0 =	sadd.s32 $0x8F2B, s0  }
0xbd: {  	[sflag:s0] =	ssyncadd.remote.s32 $0x1  }
0xbe: {  	_ =	sfence.sel $0xFFFF  }
0xbf: {  	[dreg:$0x0] =	wrdreg $0xFFFFFFFF;
	(pc) =	sbr.abs _section_cstart, $3  }
0xc0: {  	[dreg:$0x1] =	wrdreg $0xFFFFFFFF  }
0xc1: {  	_ =	task.clear_ibuf [dreg:s6], $0x2FFFF;
	_ =	strace $0x9FFFFFFF  }
0xc2: {  	(tm) =	ssettm $0x7FFFFFFF  }
0xc3: {  	_ =	shalt  }
tec
execute0_lowered:
.L_overlay_start_1:
0x0: {  	(tag) =	ssettag $0x1  }
0x1: {  	s0 =	rddreg [dreg:$0x0]  }
0x2: {  	s2 =	rddreg [dreg:$0x1];
	s3 =	simm.s32 $0x0  }
0x3: {  	s9 =	stileid.u32;
	s1 =	srdreg.scid;
	s18 =	simm.s32 $0x138A0  }
0x4: {  	s19 =	simm.s32 $0xA;
	s29 =	simm.s32 $0x174A0;
	s30 =	simm.s32 $0x1  }
0x5: {  	s31 =	simm.s32 $0x2;
	s20 =	simm.s32 $0x4;
	s5 =	smul.u32 $0x4E20, s9  }
0x6: {  	s28 =	simm.s32 $0x6;
	[smem:$0x7FF] =	sst s3;
	s7 =	smul.u32 $0x27000, s9  }
0x7: {  	s1 =	sand.u32 $0x1, s1;
	s4 =	sadd.s32 $0x65000, s0;
	s17 =	smul.u32 $0x9C00, s9  }
0x8: {  	s13 =	sadd.s32 $0x9C000, s2;
	p0 =	sne.s32 s9, $0xF;
	_ =	strace $0x8000004A  }
0x9: {  	s6 =	smul.u32 $0x138C0, s1;
	s21 =	ssub.s32 $0x2, s1;
	s5 =	sshrl.u32 s5, $0x3  }
0xa: {  	s22 =	sshrl.u32 s21, $0x1;
	s7 =	sshrl.u32 s7, $0x2;
	s26 =	sshrl.u32 s17, $0x3  }
0xb: {  	s8 =	sadd.s32 s5, s0;
	s0 =	sadd.s32 s6, s0;
	s6 =	ssub.s32 s21, s22  }
0xc: {  	s5 =	sadd.s32 s17, s2;
	s7 =	sadd.s32 s7, s2;
	s21 =	simm.s32 $0x9  }
0xd: {  	s22 =	simm.s32 $0x50;
	s10 =	sadd.s32 $0x1400, s7;
	s23 =	sadd.s32 $0x2800, s7  }
0xe: {  	s24 =	sadd.s32 $0x3C00, s7;
	s25 =	sadd.s32 $0x5000, s7;
	s11 =	sadd.s32 $0x7800, s7  }
0xf: {  	s12 =	sadd.s32 $0x8C00, s7;
	s14 =	sadd.s32 $0x3400, s8;
	s15 =	sadd.s32 $0xD040, s8  }
0x10: {  	s16 =	sadd.s32 $0x8C200, s0;
	s17 =	smax.u32 s6, $0x1;
	[dreg:$0x3] =	wrdreg s10  }
0x11: {  	s0 =	simm.s32 $0x3;
	s6 =	simm.s32 $0x8;
	[dreg:$0x4] =	wrdreg s23  }
0x12: {  	[dreg:$0x5] =	wrdreg s24;
	s10 =	sadd.s32 $0x6400, s7;
	s7 =	smul.u32 $0x2710, s1  }
0x13: {  	[dreg:$0x6] =	wrdreg s25;
	s23 =	simm.s32 $0x14CA0;
	s24 =	sadd.s32 s26, s16  }
0x14: {  	v1 =	vimm.f32 $0.0e+00;
	s26 =	simm.s32 $0x160A0;
	s25 =	simm.s32 $0x5;
	s1 =	simm.s32 $0x7;
	v0 =	vmov s7  }
.LBB2_1:
0x15: {  	s8 =	simm.s32 $0x100;
	s7 =	simm.s32 $0x0  }
.LBB2_2:
0x16: {  	p1 =	sne.s32 s8, $0x4F00;
	[tilespmem:s7+$0x138D0] =	vst v1;
	s9 =	smov.u32 s8;
	s8 =	sadd.s32 $0x100, s8  }
.Ltmp0:
0x17: {  	[tilespmem:s7+$0x138C0] =	vst v1;
	(pc) =	sbr.rel @p1 .LBB2_2-.Ltmp0, $3  }
0x18: {  	[tilespmem:s7+$0x138A0] =	vst v1  }
0x19: {  	[tilespmem:s7+$0x138B0] =	vst v1;
	_ =	sdelay $0x1  }
0x1a: {  	s7 =	sshra.s32 s9, $0x2  }
0x1b: {  	[tilespmem:s7+$0x138D0] =	vst v1  }
0x1c: {  	[tilespmem:s7+$0x138C0] =	vst v1  }
0x1d: {  	[tilespmem:s7+$0x138A0] =	vst v1  }
0x1e: {  	[tilespmem:s7+$0x138B0] =	vst v1  }
0x1f: {  	[spmem:s5] =	stream.linear.scatter [tilespmem:s18], [sflag:$0x9], $0x1400, $0x38;
	[tilespmem:$0x188A0] =	vst v63  }
0x20: {  	s9 =	rddreg [dreg:$0x3]  }
0x21: {  	[spmem:s9] =	stream.linear.scatter [tilespmem:s18], [sflag:$0x9], $0x1400, $0x38;
	[tilespmem:$0x188A0] =	vst v63  }
0x22: {  	s8 =	rddreg [dreg:$0x4]  }
0x23: {  	[spmem:s8] =	stream.linear.scatter [tilespmem:s18], [sflag:$0x9], $0x1400, $0x38;
	[tilespmem:$0x188A0] =	vst v63  }
0x24: {  	s9 =	rddreg [dreg:$0x5]  }
0x25: {  	[spmem:s9] =	stream.linear.scatter [tilespmem:s18], [sflag:$0x9], $0x1400, $0x38;
	[tilespmem:$0x188A0] =	vst v63  }
0x26: {  	s8 =	rddreg [dreg:$0x6]  }
0x27: {  	[spmem:s8] =	stream.linear.scatter [tilespmem:s18], [sflag:$0x9], $0x1400, $0x38;
	[tilespmem:$0x188A0] =	vst v63  }
0x28: {  	_ = 	snop  }
0x29: {  	[spmem:s10] =	stream.linear.scatter [tilespmem:s18], [sflag:$0x9], $0x1400, $0x38;
	[tilespmem:$0x188A0] =	vst v63  }
0x2a: {  	_ = 	snop  }
0x2b: {  	[spmem:s11] =	stream.linear.scatter [tilespmem:s18], [sflag:$0x9], $0x1400, $0x38;
	[tilespmem:$0x188A0] =	vst v63  }
0x2c: {  	_ = 	snop  }
0x2d: {  	[spmem:s12] =	stream.linear.scatter [tilespmem:s18], [sflag:$0x9], $0x1000, $0x38;
	[tilespmem:$0x188A0] =	vst v63  }
0x2e: {  	s7 =	simm.s32 @!p0 $0x138A0  }
0x2f: {  	[spmem:s13] =	stream.linear.scatter @!p0 [tilespmem:s7], [sflag:$0x9], $0x600, $0x38;
	[tilespmem:$0x188A0] =	vst v63  }
0x30: {  	s9 =	simm.s32 $0x0  }
0x31: {  	[tilespmem:s9], [sflag:$0xA] =	stream.linear.gather [hbm4b:s14+s9], $0x4E20, $0x38;
	[tilespmem:$0x188A0] =	vst v63  }
0x32: {  	_ =	swait.ge [sflag:s19], $0x4E20  }
0x33: {  	[sflag:s19] =	ssyncset.done $0x0  }
0x34: {  	s8 =	simm.s32 $0x4E20;
	[sflag:s19] =	ssyncadd.s32 $0xFFFFB1E0  }
0x35: {  	[tilespmem:s8], [sflag:$0xA] =	stream.linear.gather [hbm4b:s15+s9], $0x4E20, $0x38;
	[tilespmem:$0x188A0] =	vst v63  }
0x36: {  	_ =	swait.ge [sflag:s19], $0x4E20  }
0x37: {  	[sflag:s19] =	ssyncset.done $0x0  }
0x38: {  	s7 =	simm.s32 $0x0;
	[sflag:s19] =	ssyncadd.s32 $0xFFFFB1E0  }
0x39: {  	v5 =	vld [tilespmem:s7+$0x0]  }
0x3a: {  	v4 =	vld [tilespmem:s7+$0x10]  }
0x3b: {  	v3 =	vld [tilespmem:s7+$0x20]  }
0x3c: {  	s8 =	simm.s32 $0x140;
	v2 =	vld [tilespmem:s7+$0x30]  }
.LBB2_4:
0x3d: {  	p1 =	sne.s32 s8, $0x13740;
	v6 =	vld [tilespmem:s7+$0x40]  }
0x3e: {  	v5 =	vadd.s32 v0, v5  }
.Ltmp1:
0x3f: {  	s9 =	sshra.s32 s8, $0x2;
	[tilespmem:s7+$0x0] =	vst v5;
	v4 =	vadd.s32 v0, v4;
	(pc) =	sbr.rel @p1 .LBB2_4-.Ltmp1, $4  }
0x40: {  	v5 =	vld [tilespmem:s9+$0x0];
	[tilespmem:s7+$0x10] =	vst v4;
	v3 =	vadd.s32 v0, v3  }
0x41: {  	v4 =	vld [tilespmem:s9+$0x10];
	[tilespmem:s7+$0x20] =	vst v3;
	v2 =	vadd.s32 v0, v2  }
0x42: {  	v3 =	vld [tilespmem:s9+$0x20];
	[tilespmem:s7+$0x30] =	vst v2;
	v6 =	vadd.s32 v0, v6  }
0x43: {  	s8 =	sadd.s32 $0x140, s8;
	v2 =	vld [tilespmem:s9+$0x30];
	[tilespmem:s7+$0x40] =	vst v6;
	s7 =	smov.u32 s9  }
0x44: {  	v6 =	vld [tilespmem:s7+$0x40]  }
0x45: {  	v5 =	vadd.s32 v0, v5  }
0x46: {  	[tilespmem:s7+$0x0] =	vst v5;
	v4 =	vadd.s32 v0, v4  }
0x47: {  	[tilespmem:s7+$0x10] =	vst v4;
	v3 =	vadd.s32 v0, v3  }
0x48: {  	[tilespmem:s7+$0x20] =	vst v3;
	v2 =	vadd.s32 v0, v2  }
0x49: {  	[tilespmem:s7+$0x30] =	vst v2;
	v2 =	vadd.s32 v0, v6  }
0x4a: {  	[tilespmem:s7+$0x40] =	vst v2  }
0x4b: {  	_ =	swait.ge [sflag:s21], $0x1400  }
0x4c: {  	[sflag:s21] =	ssyncset.done $0x0  }
0x4d: {  	[sflag:s21] =	ssyncadd.s32 $0xFFFFEC00  }
0x4e: {  	_ =	swait.ge [sflag:s21], $0x1400  }
0x4f: {  	[sflag:s21] =	ssyncset.done $0x0  }
0x50: {  	[sflag:s21] =	ssyncadd.s32 $0xFFFFEC00  }
0x51: {  	_ =	swait.ge [sflag:s21], $0x1400  }
0x52: {  	[sflag:s21] =	ssyncset.done $0x0  }
0x53: {  	[sflag:s21] =	ssyncadd.s32 $0xFFFFEC00  }
0x54: {  	_ =	swait.ge [sflag:s21], $0x1400  }
0x55: {  	[sflag:s21] =	ssyncset.done $0x0  }
0x56: {  	[sflag:s21] =	ssyncadd.s32 $0xFFFFEC00  }
0x57: {  	_ =	swait.ge [sflag:s21], $0x1400  }
0x58: {  	[sflag:s21] =	ssyncset.done $0x0  }
0x59: {  	[sflag:s21] =	ssyncadd.s32 $0xFFFFEC00  }
0x5a: {  	_ =	swait.ge [sflag:s21], $0x1400  }
0x5b: {  	[sflag:s21] =	ssyncset.done $0x0  }
0x5c: {  	[sflag:s21] =	ssyncadd.s32 $0xFFFFEC00  }
0x5d: {  	_ =	swait.ge [sflag:s21], $0x1400  }
0x5e: {  	[sflag:s21] =	ssyncset.done $0x0  }
0x5f: {  	[sflag:s21] =	ssyncadd.s32 $0xFFFFEC00  }
0x60: {  	_ =	swait.ge [sflag:s21], $0x1000  }
0x61: {  	[sflag:s21] =	ssyncset.done $0x0  }
0x62: {  	s7 =	simm.s32 @!p0 $0x9;
	[sflag:s21] =	ssyncadd.s32 $0xFFFFF000  }
0x63: {  	_ =	swait.ge @!p0 [sflag:s7], $0x600  }
0x64: {  	[sflag:s7] =	ssyncset.done @!p0 $0x0  }
0x65: {  	s8 =	simm.s32 $0x0;
	[sflag:s7] =	ssyncadd.s32 @!p0 $0xFFFFFA00  }
0x66: {  	[tilespmem:s18], [sflag:$0x1] =	stream.indirect.gather [hbm4b:s4+s22], $0x40, s8, s22, $0xb8;
	[tilespmem:$0x188A0] =	vst v63  }
0x67: {  	_ = 	snop  }
0x68: {  	[tilespmem:s23], [sflag:$0x2] =	stream.indirect.gather [hbm4b:s4+s22], $0x40, s22, s22, $0xb8;
	[tilespmem:$0x188A0] =	vst v63  }
0x69: {  	s9 =	simm.s32 $0xA0  }
0x6a: {  	[tilespmem:s26], [sflag:$0x3] =	stream.indirect.gather [hbm4b:s4+s22], $0x40, s9, s22, $0xb8;
	[tilespmem:$0x188A0] =	vst v63  }
0x6b: {  	s8 =	simm.s32 $0xF0  }
0x6c: {  	[tilespmem:s29], [sflag:$0x4] =	stream.indirect.gather [hbm4b:s4+s22], $0x40, s8, s22, $0xb8;
	[tilespmem:$0x188A0] =	vst v63  }
0x6d: {  	[bflag:$0x0] =	sbarrier.arrive $0xFFFF  }
0x6e: {  	_ =	swait.ge [sflag:s30], $0x1400  }
0x6f: {  	[sflag:s30] =	ssyncset.done $0x0  }
0x70: {  	s9 =	simm.s32 $0x4E20;
	[sflag:s30] =	ssyncadd.s32 $0xFFFFEC00  }
0x71: {  	[spmem:s2] =	stream.indirect.scatter.add.f32 [tilespmem:s18], [sflag:$0x5], $0x40, s9, s22, $0xb8;
	[tilespmem:$0x188A0] =	vst v63  }
0x72: {  	_ =	swait.ge [sflag:s31], $0x1400  }
0x73: {  	[sflag:s31] =	ssyncset.done $0x0  }
0x74: {  	s8 =	simm.s32 $0x4E70;
	[sflag:s31] =	ssyncadd.s32 $0xFFFFEC00  }
0x75: {  	[spmem:s2] =	stream.indirect.scatter.add.f32 [tilespmem:s23], [sflag:$0x6], $0x40, s8, s22, $0xb8;
	[tilespmem:$0x188A0] =	vst v63  }
0x76: {  	_ =	swait.ge [sflag:s0], $0x1400  }
0x77: {  	[sflag:s0] =	ssyncset.done $0x0  }
0x78: {  	s9 =	simm.s32 $0x4EC0;
	[sflag:s0] =	ssyncadd.s32 $0xFFFFEC00  }
0x79: {  	[spmem:s2] =	stream.indirect.scatter.add.f32 [tilespmem:s26], [sflag:$0x7], $0x40, s9, s22, $0xb8;
	[tilespmem:$0x188A0] =	vst v63  }
0x7a: {  	_ =	swait.ge [sflag:s20], $0x1400  }
0x7b: {  	[sflag:s20] =	ssyncset.done $0x0  }
0x7c: {  	s8 =	simm.s32 $0x4F10;
	[sflag:s20] =	ssyncadd.s32 $0xFFFFEC00  }
0x7d: {  	[spmem:s2] =	stream.indirect.scatter.add.f32 [tilespmem:s29], [sflag:$0x8], $0x40, s8, s22, $0xb8;
	[tilespmem:$0x188A0] =	vst v63  }
0x7e: {  	_ =	swait.ge [sflag:s25], $0x1400  }
0x7f: {  	[sflag:s25] =	ssyncset.done $0x0  }
0x80: {  	s9 =	simm.s32 $0x140;
	[sflag:s25] =	ssyncadd.s32 $0xFFFFEC00  }
0x81: {  	[tilespmem:s18], [sflag:$0x1] =	stream.indirect.gather [hbm4b:s4+s22], $0x40, s9, s22, $0xb8;
	[tilespmem:$0x188A0] =	vst v63  }
0x82: {  	_ =	swait.ge [sflag:s28], $0x1400  }
0x83: {  	[sflag:s28] =	ssyncset.done $0x0  }
0x84: {  	s8 =	simm.s32 $0x190;
	[sflag:s28] =	ssyncadd.s32 $0xFFFFEC00  }
0x85: {  	[tilespmem:s23], [sflag:$0x2] =	stream.indirect.gather [hbm4b:s4+s22], $0x40, s8, s22, $0xb8;
	[tilespmem:$0x188A0] =	vst v63  }
0x86: {  	_ =	swait.ge [sflag:s1], $0x1400  }
0x87: {  	[sflag:s1] =	ssyncset.done $0x0  }
0x88: {  	s9 =	simm.s32 $0x1E0;
	[sflag:s1] =	ssyncadd.s32 $0xFFFFEC00  }
0x89: {  	[tilespmem:s26], [sflag:$0x3] =	stream.indirect.gather [hbm4b:s4+s22], $0x40, s9, s22, $0xb8;
	[tilespmem:$0x188A0] =	vst v63  }
0x8a: {  	_ =	swait.ge [sflag:s6], $0x1400  }
0x8b: {  	[sflag:s6] =	ssyncset.done $0x0  }
0x8c: {  	s7 =	simm.s32 $0x500;
	s8 =	simm.s32 $0x230;
	[sflag:s6] =	ssyncadd.s32 $0xFFFFEC00  }
.LBB2_6:
0x8d: {  	[tilespmem:s29], [sflag:$0x4] =	stream.indirect.gather [hbm4b:s4+s22], $0x40, s8, s22, $0xb8;
	[tilespmem:$0x188A0] =	vst v63  }
0x8e: {  	s8 =	smov.u32 s7  }
0x8f: {  	p1 =	sne.s32 s7, $0x12C00;
	s7 =	sadd.s32 $0x500, s7;
	_ =	swait.ge [sflag:s30], $0x1400  }
0x90: {  	s8 =	sshra.s32 s8, $0x2;
	[sflag:s30] =	ssyncset.done $0x0  }
0x91: {  	s9 =	sadd.s32 $0x4E20, s8;
	[sflag:s30] =	ssyncadd.s32 $0xFFFFEC00  }
0x92: {  	[spmem:s2] =	stream.indirect.scatter.add.f32 [tilespmem:s18], [sflag:$0x5], $0x40, s9, s22, $0xb8;
	[tilespmem:$0x188A0] =	vst v63  }
0x93: {  	_ =	swait.ge [sflag:s31], $0x1400  }
0x94: {  	[sflag:s31] =	ssyncset.done $0x0  }
0x95: {  	s9 =	sadd.s32 $0x4E70, s8;
	[sflag:s31] =	ssyncadd.s32 $0xFFFFEC00  }
0x96: {  	[spmem:s2] =	stream.indirect.scatter.add.f32 [tilespmem:s23], [sflag:$0x6], $0x40, s9, s22, $0xb8;
	[tilespmem:$0x188A0] =	vst v63  }
0x97: {  	_ =	swait.ge [sflag:s0], $0x1400  }
0x98: {  	[sflag:s0] =	ssyncset.done $0x0  }
0x99: {  	s9 =	sadd.s32 $0x4EC0, s8;
	[sflag:s0] =	ssyncadd.s32 $0xFFFFEC00  }
0x9a: {  	[spmem:s2] =	stream.indirect.scatter.add.f32 [tilespmem:s26], [sflag:$0x7], $0x40, s9, s22, $0xb8;
	[tilespmem:$0x188A0] =	vst v63  }
0x9b: {  	_ =	swait.ge [sflag:s20], $0x1400  }
0x9c: {  	[sflag:s20] =	ssyncset.done $0x0  }
0x9d: {  	s9 =	sadd.s32 $0x4F10, s8;
	[sflag:s20] =	ssyncadd.s32 $0xFFFFEC00  }
0x9e: {  	[spmem:s2] =	stream.indirect.scatter.add.f32 [tilespmem:s29], [sflag:$0x8], $0x40, s9, s22, $0xb8;
	[tilespmem:$0x188A0] =	vst v63  }
0x9f: {  	_ =	swait.ge [sflag:s25], $0x1400  }
0xa0: {  	[sflag:s25] =	ssyncset.done $0x0  }
0xa1: {  	s9 =	sadd.s32 $0x140, s8;
	[sflag:s25] =	ssyncadd.s32 $0xFFFFEC00  }
0xa2: {  	[tilespmem:s18], [sflag:$0x1] =	stream.indirect.gather [hbm4b:s4+s22], $0x40, s9, s22, $0xb8;
	[tilespmem:$0x188A0] =	vst v63  }
0xa3: {  	_ =	swait.ge [sflag:s28], $0x1400  }
0xa4: {  	[sflag:s28] =	ssyncset.done $0x0  }
0xa5: {  	s9 =	sadd.s32 $0x190, s8;
	[sflag:s28] =	ssyncadd.s32 $0xFFFFEC00  }
0xa6: {  	[tilespmem:s23], [sflag:$0x2] =	stream.indirect.gather [hbm4b:s4+s22], $0x40, s9, s22, $0xb8;
	[tilespmem:$0x188A0] =	vst v63  }
0xa7: {  	_ =	swait.ge [sflag:s1], $0x1400  }
0xa8: {  	[sflag:s1] =	ssyncset.done $0x0  }
.Ltmp2:
0xa9: {  	s9 =	sadd.s32 $0x1E0, s8;
	[sflag:s1] =	ssyncadd.s32 $0xFFFFEC00;
	(pc) =	sbr.rel @p1 .LBB2_6-.Ltmp2, $4  }
0xaa: {  	[tilespmem:s26], [sflag:$0x3] =	stream.indirect.gather [hbm4b:s4+s22], $0x40, s9, s22, $0xb8;
	[tilespmem:$0x188A0] =	vst v63  }
0xab: {  	_ =	swait.ge [sflag:s6], $0x1400  }
0xac: {  	[sflag:s6] =	ssyncset.done $0x0  }
0xad: {  	s8 =	sadd.s32 $0x230, s8;
	[sflag:s6] =	ssyncadd.s32 $0xFFFFEC00  }
0xae: {  	[tilespmem:s29], [sflag:$0x4] =	stream.indirect.gather [hbm4b:s4+s22], $0x40, s8, s22, $0xb8;
	[tilespmem:$0x188A0] =	vst v63  }
0xaf: {  	_ =	swait.ge [sflag:s30], $0x1400  }
0xb0: {  	[sflag:s30] =	ssyncset.done $0x0  }
0xb1: {  	s7 =	simm.s32 $0x9A60;
	[sflag:s30] =	ssyncadd.s32 $0xFFFFEC00  }
0xb2: {  	[spmem:s2] =	stream.indirect.scatter.add.f32 [tilespmem:s18], [sflag:$0x5], $0x40, s7, s22, $0xb8;
	[tilespmem:$0x188A0] =	vst v63  }
0xb3: {  	_ =	swait.ge [sflag:s31], $0x1400  }
0xb4: {  	[sflag:s31] =	ssyncset.done $0x0  }
0xb5: {  	s9 =	simm.s32 $0x9AB0;
	[sflag:s31] =	ssyncadd.s32 $0xFFFFEC00  }
0xb6: {  	[spmem:s2] =	stream.indirect.scatter.add.f32 [tilespmem:s23], [sflag:$0x6], $0x40, s9, s22, $0xb8;
	[tilespmem:$0x188A0] =	vst v63  }
0xb7: {  	_ =	swait.ge [sflag:s0], $0x1400  }
0xb8: {  	[sflag:s0] =	ssyncset.done $0x0  }
0xb9: {  	s8 =	simm.s32 $0x9B00;
	[sflag:s0] =	ssyncadd.s32 $0xFFFFEC00  }
0xba: {  	[spmem:s2] =	stream.indirect.scatter.add.f32 [tilespmem:s26], [sflag:$0x7], $0x40, s8, s22, $0xb8;
	[tilespmem:$0x188A0] =	vst v63  }
0xbb: {  	_ =	swait.ge [sflag:s20], $0x1400  }
0xbc: {  	[sflag:s20] =	ssyncset.done $0x0  }
0xbd: {  	s9 =	simm.s32 $0x9B50;
	[sflag:s20] =	ssyncadd.s32 $0xFFFFEC00  }
0xbe: {  	[spmem:s2] =	stream.indirect.scatter.add.f32 [tilespmem:s29], [sflag:$0x8], $0x40, s9, s22, $0xb8;
	[tilespmem:$0x188A0] =	vst v63  }
0xbf: {  	_ =	swait.ge [sflag:s25], $0x1400  }
0xc0: {  	[sflag:s25] =	ssyncset.done $0x0  }
0xc1: {  	s8 =	simm.s32 $0x4D80;
	[sflag:s25] =	ssyncadd.s32 $0xFFFFEC00  }
0xc2: {  	[tilespmem:s18], [sflag:$0x1] =	stream.indirect.gather [hbm4b:s4+s22], $0x40, s8, s22, $0xb8;
	[tilespmem:$0x188A0] =	vst v63  }
0xc3: {  	_ =	swait.ge [sflag:s28], $0x1400  }
0xc4: {  	[sflag:s28] =	ssyncset.done $0x0  }
0xc5: {  	s9 =	simm.s32 $0x4DD0;
	[sflag:s28] =	ssyncadd.s32 $0xFFFFEC00  }
0xc6: {  	[tilespmem:s23], [sflag:$0x2] =	stream.indirect.gather [hbm4b:s4+s22], $0x40, s9, s22, $0xb8;
	[tilespmem:$0x188A0] =	vst v63  }
0xc7: {  	_ =	swait.ge [sflag:s30], $0x1400  }
0xc8: {  	[sflag:s30] =	ssyncset.done $0x0  }
0xc9: {  	s8 =	simm.s32 $0x9BA0;
	[sflag:s30] =	ssyncadd.s32 $0xFFFFEC00  }
0xca: {  	[spmem:s2] =	stream.indirect.scatter.add.f32 [tilespmem:s18], [sflag:$0x5], $0x40, s8, s22, $0xb8;
	[tilespmem:$0x188A0] =	vst v63  }
0xcb: {  	_ =	swait.ge [sflag:s31], $0x1400  }
0xcc: {  	[sflag:s31] =	ssyncset.done $0x0  }
0xcd: {  	s9 =	simm.s32 $0x9BF0;
	[sflag:s31] =	ssyncadd.s32 $0xFFFFEC00  }
0xce: {  	[spmem:s2] =	stream.indirect.scatter.add.f32 [tilespmem:s23], [sflag:$0x6], $0x40, s9, s22, $0xb8;
	[tilespmem:$0x188A0] =	vst v63  }
0xcf: {  	_ =	swait.ge [sflag:s1], $0x1400  }
0xd0: {  	[sflag:s1] =	ssyncset.done $0x0  }
0xd1: {  	[sflag:s1] =	ssyncadd.s32 $0xFFFFEC00  }
0xd2: {  	_ =	swait.ge [sflag:s6], $0x1400  }
0xd3: {  	[sflag:s6] =	ssyncset.done $0x0  }
0xd4: {  	[sflag:s6] =	ssyncadd.s32 $0xFFFFEC00  }
0xd5: {  	_ =	swait.ge [sflag:s25], $0x1400  }
0xd6: {  	[sflag:s25] =	ssyncset.done $0x0  }
0xd7: {  	[sflag:s25] =	ssyncadd.s32 $0xFFFFEC00  }
0xd8: {  	_ =	swait.ge [sflag:s28], $0x1400  }
0xd9: {  	s8 =	stileid.u32;
	[sflag:s28] =	ssyncset.done $0x0  }
0xda: {  	s7 =	sshll.u32 s8, $0x6;
	[sflag:s28] =	ssyncadd.s32 $0xFFFFEC00  }
0xdb: {  	s7 =	sor.u32 $0x1C0A, s7;
	s9 =	sshrl.u32 s5, $0x3;
	[bflag:$0x0] =	sbarrier.arrive $0xFFFF  }
0xdc: {  	[hbm:s24], [sflag:s7] =	dma.local [spmem:s9], $0x1380  }
0xdd: {  	s3 =	sadd.s32 $0x1, s3;
	_ =	swait.ge [sflag:s19], $0x1380  }
0xde: {  	p1 =	sne.s32 s3, s17;
	[sflag:s19] =	ssyncset.done $0x0  }
0xdf: {  	s8 =	sadd.s32 @!p0 $0x13800, s16;
	s9 =	sshrl.u32 @!p0 s13, $0x3;
	[sflag:s19] =	ssyncadd.s32 $0xFFFFEC80  }
0xe0: {  	[hbm:s8], [sflag:s7] =	dma.local @!p0 [spmem:s9], $0xC0  }
.Ltmp3:
0xe1: {  	_ = 	snop;
	(pc) =	sbr.rel @p1 .LBB2_1-.Ltmp3, $4  }
0xe2: {  	s7 =	simm.s32 @!p0 $0xA  }
0xe3: {  	_ =	swait.ge @!p0 [sflag:s7], $0xC0  }
0xe4: {  	[sflag:s7] =	ssyncset.done @!p0 $0x0  }
0xe5: {  	[sflag:s7] =	ssyncadd.s32 @!p0 $0xFFFFFF40  }
0xe6: {  	_ =	sfence.sel $0x180000  }
0xe7: {  	[bflag:$0x0] =	sbarrier.arrive $0xFFFF  }
0xe8: {  	_ =	strace $0x9000004A  }
0xe9: {  	s0 =	stileid.u32;
	[bflag:$0x2] =	sbarrier.arrive $0xFFFF  }
0xea: {  	p0 =	sne.s32 s0, $0x0;
	s0 =	rddreg [dreg:$0x2]  }
0xeb: {  	s0 =	sadd.s32 @!p0 $0x100000, s0  }
0xec: {  	[sflag:s0] =	ssyncadd.tile.s32 @!p0 $0x1;
	_ =	shalt  }
.Lfunc_end2:
_tile_overlayer_lowered:
.L_overlay_start_2:
0xed: {  	(tag) =	ssettag $0x2  }
0xee: {  	s0 =	rddreg [dreg:$0x0];
	s2 =	stileid.u32  }
0xef: {  	s1 =	rddreg [dreg:$0x1];
	p0 =	sne.s32 s2, $0x0  }
0xf0: {  	s3 =	rddreg [dreg:$0x2];
	[bflag:$0x3] =	sbarrier.arrive $0xFFFF;
	s2 =	simm.s32 @!p0 $0x1C0A  }
0xf1: {  	[timem:s3], [sflag:s2] =	dma.local @!p0 [hbm:s0], s1  }
0xf2: {  	s0 =	simm.s32 @!p0 $0xA  }
0xf3: {  	_ =	swait.ge @!p0 [sflag:s0], s1  }
0xf4: {  	s1 =	ssub.s32 @!p0 $0x0, s1;
	[sflag:s0] =	ssyncset.done @!p0 $0x0  }
0xf5: {  	[sflag:s0] =	ssyncadd.s32 @!p0 s1  }
0xf6: {  	[bflag:$0x3] =	sbarrier.arrive $0xFFFF  }
0xf7: {  	_ =	shalt  }

// kernel: kernel.14.cloned.1.call-start
scs
__scs_entry_jumppad:
0x0: {  	(pc) =	sbr.rel $0x88, $3  }
0x1: {  	(tag) =	ssettag $0x0;
	lr =	simm.s32 $0x1  }
0x2: {  	[smem:$0x3F92] =	sst lr;
	_ =	strace $0xD0000000  }
0x3: {  	_ = 	snop  }
0x4: {  	_ = 	snop  }
0x5: {  	_ = 	snop  }
0x6: {  	_ = 	snop  }
0x7: {  	_ = 	snop  }
__scs_overlays_trampoline_lowered:
0x8: {  	[smem:$0x3FA1] =	sst s0  }
0x9: {  	[smem:$0x3FA2] =	sst s1  }
0xa: {  	[smem:$0x3FA3] =	sst s2  }
0xb: {  	[smem:$0x3FA4] =	sst s3  }
0xc: {  	[smem:$0x3FA5] =	sst s4  }
0xd: {  	[smem:$0x3FA6] =	sst s5  }
0xe: {  	[smem:$0x3FA7] =	sst s6  }
0xf: {  	[smem:$0x3FA8] =	sst s7  }
0x10: {  	[smem:$0x3FA9] =	sst s8  }
0x11: {  	[smem:$0x3FAA] =	sst s9;
	s0 =	simm.s32 @!p0 $0x0  }
0x12: {  	s1 =	sld [smem:$0x3F90];
	s0 =	simm.s32 @p0 $0x1  }
0x13: {  	[smem:$0x3FAB] =	sst s0;
	s0 =	simm.s32 @!p1 $0x0  }
0x14: {  	s2 =	sld [smem:$0x3F8F];
	s0 =	simm.s32 @p1 $0x1  }
0x15: {  	[smem:$0x3FAC] =	sst s0;
	s0 =	simm.s32 @!p2 $0x0  }
0x16: {  	s3 =	sld [smem:$0x3FDB];
	s0 =	simm.s32 @p2 $0x1  }
0x17: {  	s4 =	simm.s32 $0x1BF5;
	[smem:$0x3FAE] =	sst s0  }
0x18: {  	s0 =	sld [smem:$0x3F91];
	_ =	swait.ge [sflag:s4], $0x0  }
0x19: {  	s7 =	sld [smem:$0x3F92]  }
0x1a: {  	s8 =	sadd.s32 $0xFFFFE003, lr  }
0x1b: {  	s9 =	sadd.s32 $0xFFFFFEF7, lr;
	s5 =	simm.s32 $0xFFFFFFFF;
	p2 =	slt.u32 s8, $0xFFFFF086  }
0x1c: {  	p1 =	slt.u32 s9, $0xF7A;
	s5 =	simm.s32 @!p2 $0x0  }
0x1d: {  	s5 =	simm.s32 @p1 $0x1;
	p0 =	seq.s32 s7, s2  }
0x1e: {  	s7 =	smul.u32 @!p0 $0xF7A, s2;
	p2 =	seq.s32 @!p0 s5, $0x0  }
0x1f: {  	s9 =	smul.u32 $0xF7A, s1;
	s8 =	simm.s32 @!p0 $0x1BF5;
	p2 =	por !p2, p0  }
0x20: {  	[sflag:s8] =	ssyncset.s32 @!p0 $0xFFFFF086;
	s6 =	sadd.s32 @!p0 s3, s7;
	s7 =	simm.s32 @!p0 $0x108  }
0x21: {  	s3 =	sadd.s32 s3, s9;
	s6 =	sadd.s32 @!p0 $0x88, s6;
	s7 =	simm.s32 @p2 $0x1082  }
0x22: {  	[simem:s7], [sflag:s8] =	dma.local @!p0 [hbm:s6], $0xF7A  }
0x23: {  	s9 =	sor.u32 $0xD0000000, s2;
	s6 =	simm.s32 $0x108;
	_ =	swait.ge @!p0 [sflag:s8], $0x0  }
0x24: {  	s3 =	sadd.s32 $0x88, s3;
	s6 =	simm.s32 @!p1 $0x1082;
	[sflag:s4] =	ssyncset.s32 $0xFFFFF086  }
0x25: {  	[simem:s6], [sflag:s4] =	dma.local [hbm:s3], $0xF7A  }
0x26: {  	[smem:$0x3F92] =	sst s1;
	(tag) =	ssettag s2;
	_ =	strace s9  }
0x27: {  	s1 =	sld [smem:$0x3FA2]  }
0x28: {  	s2 =	sld [smem:$0x3FA3]  }
0x29: {  	s4 =	sld [smem:$0x3FA5]  }
0x2a: {  	p0 =	seq.s32 s5, $0x0;
	s5 =	sld [smem:$0x3FA6]  }
0x2b: {  	s6 =	sld [smem:$0x3FA7]  }
0x2c: {  	s7 =	sld [smem:$0x3FA8]  }
0x2d: {  	s3 =	simm.s32 $0x108;
	s8 =	sld [smem:$0x3FA9]  }
0x2e: {  	s3 =	simm.s32 @!p0 $0x1082;
	s9 =	sld [smem:$0x3FAA]  }
0x2f: {  	lr =	sadd.s32 s0, s3;
	s0 =	sld [smem:$0x3FA1]  }
0x30: {  	s3 =	sld [smem:$0x3FA4]  }
0x31: {  	[smem:$0x3FAD] =	sst s10  }
0x32: {  	s10 =	sld [smem:$0x3FAB];
	_ =	sdelay $0x3  }
0x33: {  	p0 =	seq.s32 s10, $0x1;
	s10 =	sld [smem:$0x3FAD];
	_ =	sdelay $0x3  }
0x34: {  	[smem:$0x3FAD] =	sst s10  }
0x35: {  	s10 =	sld [smem:$0x3FAC];
	_ =	sdelay $0x3  }
0x36: {  	p1 =	seq.s32 s10, $0x1;
	s10 =	sld [smem:$0x3FAD];
	_ =	sdelay $0x3  }
0x37: {  	[smem:$0x3FAD] =	sst s10  }
0x38: {  	s10 =	sld [smem:$0x3FAE]  }
0x39: {  	_ = 	snop;
	(pc) =	sbr.ind lr, $3  }
0x3a: {  	_ = 	snop  }
0x3b: {  	_ = 	snop  }
0x3c: {  	p2 =	seq.s32 s10, $0x1;
	s10 =	sld [smem:$0x3FAD]  }
0x3d: {  	_ =	shalt  }
0x3e: {  	_ =	shalt  }
0x3f: {  	_ =	shalt  }
0x40: {  	_ =	shalt  }
0x41: {  	_ =	shalt  }
0x42: {  	_ =	shalt  }
0x43: {  	_ =	shalt  }
0x44: {  	_ =	shalt  }
0x45: {  	_ =	shalt  }
0x46: {  	_ =	shalt  }
0x47: {  	_ =	shalt  }
0x48: {  	_ =	shalt  }
0x49: {  	_ =	shalt  }
0x4a: {  	_ =	shalt  }
0x4b: {  	_ =	shalt  }
0x4c: {  	_ =	shalt  }
0x4d: {  	_ =	shalt  }
0x4e: {  	_ =	shalt  }
0x4f: {  	_ =	shalt  }
0x50: {  	_ =	shalt  }
0x51: {  	_ =	shalt  }
0x52: {  	_ =	shalt  }
0x53: {  	_ =	shalt  }
0x54: {  	_ =	shalt  }
0x55: {  	_ =	shalt  }
0x56: {  	_ =	shalt  }
0x57: {  	_ =	shalt  }
0x58: {  	_ =	shalt  }
0x59: {  	_ =	shalt  }
0x5a: {  	_ =	shalt  }
0x5b: {  	_ =	shalt  }
0x5c: {  	_ =	shalt  }
0x5d: {  	_ =	shalt  }
0x5e: {  	_ =	shalt  }
0x5f: {  	_ =	shalt  }
0x60: {  	_ =	shalt  }
0x61: {  	_ =	shalt  }
0x62: {  	_ =	shalt  }
0x63: {  	_ =	shalt  }
0x64: {  	_ =	shalt  }
0x65: {  	_ =	shalt  }
0x66: {  	_ =	shalt  }
0x67: {  	_ =	shalt  }
0x68: {  	_ =	shalt  }
0x69: {  	_ =	shalt  }
0x6a: {  	_ =	shalt  }
0x6b: {  	_ =	shalt  }
0x6c: {  	_ =	shalt  }
0x6d: {  	_ =	shalt  }
0x6e: {  	_ =	shalt  }
0x6f: {  	_ =	shalt  }
0x70: {  	_ =	shalt  }
0x71: {  	_ =	shalt  }
0x72: {  	_ =	shalt  }
0x73: {  	_ =	shalt  }
0x74: {  	_ =	shalt  }
0x75: {  	_ =	shalt  }
0x76: {  	_ =	shalt  }
0x77: {  	_ =	shalt  }
0x78: {  	_ =	shalt  }
0x79: {  	_ =	shalt  }
0x7a: {  	_ =	shalt  }
0x7b: {  	_ =	shalt  }
0x7c: {  	_ =	shalt  }
0x7d: {  	_ =	shalt  }
0x7e: {  	_ =	shalt  }
0x7f: {  	_ =	shalt  }
0x80: {  	_ =	shalt  }
0x81: {  	_ =	shalt  }
0x82: {  	_ =	shalt  }
0x83: {  	_ =	shalt  }
0x84: {  	_ =	shalt  }
0x85: {  	_ =	shalt  }
0x86: {  	_ =	shalt  }
0x87: {  	_ =	shalt  }
.Lfunc_end0:
.L_simem_size_0:
called_computation.2_lowered:
.L_overlay_start_0:
0x88: {  	s2 =	sld [smem:$0x3FD9]  }
0x89: {  	s3 =	sld [smem:$0x3FFE];
	_ =	sdelay $0x1  }
0x8a: {  	s1 =	srdreg.scid  }
0x8b: {  	s0 =	sand.u32 $0x1, s1  }
0x8c: {  	s16 =	sshll.u32 s0, $0xA;
	s2 =	sadd.s32 s3, s2  }
0x8d: {  	s2 =	sadd.s32 s2, s16  }
0x8e: {  	[smem:$0x3FB9] =	sst s2  }
0x8f: {  	_ = 	snop  }
0x90: {  	(tm) =	ssettm $0x1  }
0x91: {  	s17 =	sld [smem:$0x3FFB];
	_ =	sdelay $0x3  }
0x92: {  	_ =	strace s17  }
0x93: {  	s2 =	sld [smem:$0x3FFC];
	_ =	sdelay $0x3  }
0x94: {  	_ =	strace s2  }
0x95: {  	s2 =	sld [smem:$0x3FFD];
	_ =	sdelay $0x3  }
0x96: {  	_ =	strace s2  }
0x97: {  	_ =	strace $0x8FFFFFFF  }
0x98: {  	s18 =	sld [smem:$0x3FDB];
	_ =	sdelay $0x1  }
0x99: {  	s19 =	simm.s32 $_scs_section_size  }
0x9a: {  	s4 =	simm.s32 $_size__tile_overlayer_lowered;
	s5 =	simm.s32 $_tile_overlayer_lowered  }
0x9b: {  	s22 =	simm.s32 $0x1BFF;
	s21 =	sshll.u32 s5, $0x1;
	s2 =	sadd.s32 s19, s18  }
0x9c: {  	s6 =	simm.s32 $0x0;
	s20 =	sshll.u32 s4, $0x1;
	s4 =	sadd.s32 s21, s2  }
0x9d: {  	[timem:s6], [sflag:s22] =	dma.local [hbm:s4], s20  }
0x9e: {  	_ =	swait.ge [sflag:s22], s20  }
0x9f: {  	s3 =	ssub.s32 $0x0, s20;
	[sflag:s22] =	ssyncset.done $0x0  }
0xa0: {  	[sflag:s22] =	ssyncadd.s32 s3;
	_ =	sdelay $0x1  }
0xa1: {  	s23 =	simm.s32 $0x1B8B  }
0xa2: {  	_ =	swait.ge [sflag:s23], $0x1  }
0xa3: {  	[sflag:s23] =	ssyncset.done $0x0  }
0xa4: {  	s25 =	simm.s32 $0x1B8E;
	s24 =	sld [smem:$0x3FFE];
	[sflag:s23] =	ssyncadd.s32 $0xFFFFFFFF  }
0xa5: {  	s26 =	simm.s32 $execute0_lowered;
	[smem:$0x3FD2] =	sst s25  }
0xa6: {  	s4 =	sshll.u32 s26, $0x1;
	_ =	strace $0x8000004C;
	[dreg:$0x1] =	wrdreg $0xFFFFFFFF  }
0xa7: {  	s28 =	simm.s32 $_size_execute0_lowered;
	s2 =	sadd.s32 s2, s4;
	[dreg:$0x0] =	wrdreg $0x0  }
0xa8: {  	s4 =	sshll.u32 s28, $0x1;
	[dreg:$0x2] =	wrdreg s2  }
0xa9: {  	[dreg:$0x3] =	wrdreg s4  }
0xaa: {  	[dreg:$0x4] =	wrdreg $0xC0  }
0xab: {  	_ =	task [dreg:s6], $0x5FFFF  }
0xac: {  	[dreg:$0x1] =	wrdreg $0xFFFFFFFF  }
0xad: {  	[dreg:$0x0] =	wrdreg $0x60  }
0xae: {  	[dreg:$0x2] =	wrdreg s24  }
0xaf: {  	[dreg:$0x3] =	wrdreg $0x9C400  }
0xb0: {  	[dreg:$0x4] =	wrdreg $0x9  }
0xb1: {  	_ =	task.clear_ibuf [dreg:s6], $0x5FFFF;
	_ =	strace $0x9000004C  }
0xb2: {  	s29 =	simm.s32 $0x9;
	_ =	strace $0x8000004E  }
0xb3: {  	_ =	swait.ge [sflag:s29], $0x1  }
0xb4: {  	[sflag:s29] =	ssyncadd.s32 $0xFFFFFFFF  }
0xb5: {  	_ =	strace $0x9000004E  }
0xb6: {  	_ =	sfence  }
0xb7: {  	s30 =	sld [smem:$0x0];
	_ =	sdelay $0x2  }
0xb8: {  	s31 =	sshll.u32 s1, $0xD;
	s1 =	sshrl.u32 s1, $0x2  }
0xb9: {  	s3 =	sand.u32 $0x4000, s31;
	s1 =	sadd.s32 s1, s30  }
0xba: {  	s0 =	sor.u32 s3, s0;
	s1 =	sshll.u32 s1, $0x11  }
0xbb: {  	s0 =	sor.u32 s1, s0  }
0xbc: {  	s0 =	sadd.s32 $0x8F2B, s0  }
0xbd: {  	[sflag:s0] =	ssyncadd.remote.s32 $0x1  }
0xbe: {  	_ =	sfence.sel $0xFFFF  }
0xbf: {  	[dreg:$0x0] =	wrdreg $0xFFFFFFFF;
	(pc) =	sbr.abs _section_cstart, $3  }
0xc0: {  	[dreg:$0x1] =	wrdreg $0xFFFFFFFF  }
0xc1: {  	_ =	task.clear_ibuf [dreg:s6], $0x2FFFF;
	_ =	strace $0x9FFFFFFF  }
0xc2: {  	(tm) =	ssettm $0x7FFFFFFF  }
0xc3: {  	_ =	shalt  }
tec
execute0_lowered:
.L_overlay_start_1:
0x0: {  	(tag) =	ssettag $0x1  }
0x1: {  	s0 =	rddreg [dreg:$0x0]  }
0x2: {  	s2 =	rddreg [dreg:$0x1];
	s3 =	simm.s32 $0x0  }
0x3: {  	s9 =	stileid.u32;
	s1 =	srdreg.scid;
	s18 =	simm.s32 $0xEA70  }
0x4: {  	s19 =	simm.s32 $0xA;
	s29 =	simm.s32 $0x10870;
	s30 =	simm.s32 $0x1  }
0x5: {  	s31 =	simm.s32 $0x2;
	s20 =	simm.s32 $0x4;
	s5 =	smul.u32 $0x4E20, s9  }
0x6: {  	s28 =	simm.s32 $0x6;
	[smem:$0x7FF] =	sst s3;
	s7 =	smul.u32 $0x13800, s9  }
0x7: {  	s1 =	sand.u32 $0x1, s1;
	s4 =	sadd.s32 $0x16E00, s0;
	s17 =	smul.u32 $0x4E00, s9  }
0x8: {  	s13 =	sadd.s32 $0x4E000, s2;
	p0 =	sne.s32 s9, $0xF;
	_ =	strace $0x8000004D  }
0x9: {  	s6 =	smul.u32 $0x9C60, s1;
	s21 =	ssub.s32 $0x2, s1;
	s5 =	sshrl.u32 s5, $0x3  }
0xa: {  	s22 =	sshrl.u32 s21, $0x1;
	s7 =	sshrl.u32 s7, $0x2;
	s26 =	sshrl.u32 s17, $0x3  }
0xb: {  	s8 =	sadd.s32 s5, s0;
	s0 =	sadd.s32 s6, s0;
	s6 =	ssub.s32 s21, s22  }
0xc: {  	s5 =	sadd.s32 s17, s2;
	s7 =	sadd.s32 s7, s2;
	s21 =	simm.s32 $0x9  }
0xd: {  	s22 =	simm.s32 $0x50;
	s10 =	sadd.s32 $0xA00, s7;
	s23 =	sadd.s32 $0x1400, s7  }
0xe: {  	s24 =	sadd.s32 $0x1E00, s7;
	s25 =	sadd.s32 $0x2800, s7;
	s11 =	sadd.s32 $0x3C00, s7  }
0xf: {  	s12 =	sadd.s32 $0x4600, s7;
	s14 =	sadd.s32 $0x3400, s8;
	s15 =	sadd.s32 $0xD040, s8  }
0x10: {  	s16 =	sadd.s32 $0x2A800, s0;
	s17 =	smax.u32 s6, $0x1;
	[dreg:$0x3] =	wrdreg s10  }
0x11: {  	s0 =	simm.s32 $0x3;
	s6 =	simm.s32 $0x8;
	[dreg:$0x4] =	wrdreg s23  }
0x12: {  	[dreg:$0x5] =	wrdreg s24;
	s10 =	sadd.s32 $0x3200, s7;
	s7 =	smul.u32 $0x2710, s1  }
0x13: {  	[dreg:$0x6] =	wrdreg s25;
	s23 =	simm.s32 $0xF470;
	s24 =	sadd.s32 s26, s16  }
0x14: {  	v1 =	vimm.f32 $0.0e+00;
	s26 =	simm.s32 $0xFE70;
	s25 =	simm.s32 $0x5;
	s1 =	simm.s32 $0x7;
	v0 =	vmov s7  }
.LBB2_1:
0x15: {  	s7 =	simm.s32 $0x80;
	s8 =	simm.s32 $0x0  }
.LBB2_2:
0x16: {  	p1 =	sne.s32 s7, $0x2780;
	[tilespmem:s8+$0xEA70] =	vst v1;
	s9 =	smov.u32 s7;
	s7 =	sadd.s32 $0x80, s7  }
.Ltmp0:
0x17: {  	[tilespmem:s8+$0xEA80] =	vst v1;
	(pc) =	sbr.rel @p1 .LBB2_2-.Ltmp0, $2  }
0x18: {  	_ =	sdelay $0x2  }
0x19: {  	s8 =	sshra.s32 s9, $0x2  }
0x1a: {  	[tilespmem:s8+$0xEA70] =	vst v1  }
0x1b: {  	[tilespmem:s8+$0xEA80] =	vst v1  }
0x1c: {  	[spmem:s5] =	stream.linear.scatter [tilespmem:s18], [sflag:$0x9], $0xA00, $0x38;
	[tilespmem:$0x11270] =	vst v63  }
0x1d: {  	s7 =	rddreg [dreg:$0x3]  }
0x1e: {  	[spmem:s7] =	stream.linear.scatter [tilespmem:s18], [sflag:$0x9], $0xA00, $0x38;
	[tilespmem:$0x11270] =	vst v63  }
0x1f: {  	s9 =	rddreg [dreg:$0x4]  }
0x20: {  	[spmem:s9] =	stream.linear.scatter [tilespmem:s18], [sflag:$0x9], $0xA00, $0x38;
	[tilespmem:$0x11270] =	vst v63  }
0x21: {  	s8 =	rddreg [dreg:$0x5]  }
0x22: {  	[spmem:s8] =	stream.linear.scatter [tilespmem:s18], [sflag:$0x9], $0xA00, $0x38;
	[tilespmem:$0x11270] =	vst v63  }
0x23: {  	s9 =	rddreg [dreg:$0x6]  }
0x24: {  	[spmem:s9] =	stream.linear.scatter [tilespmem:s18], [sflag:$0x9], $0xA00, $0x38;
	[tilespmem:$0x11270] =	vst v63  }
0x25: {  	_ = 	snop  }
0x26: {  	[spmem:s10] =	stream.linear.scatter [tilespmem:s18], [sflag:$0x9], $0xA00, $0x38;
	[tilespmem:$0x11270] =	vst v63  }
0x27: {  	_ = 	snop  }
0x28: {  	[spmem:s11] =	stream.linear.scatter [tilespmem:s18], [sflag:$0x9], $0xA00, $0x38;
	[tilespmem:$0x11270] =	vst v63  }
0x29: {  	_ = 	snop  }
0x2a: {  	[spmem:s12] =	stream.linear.scatter [tilespmem:s18], [sflag:$0x9], $0x800, $0x38;
	[tilespmem:$0x11270] =	vst v63  }
0x2b: {  	s7 =	simm.s32 @!p0 $0xEA70  }
0x2c: {  	[spmem:s13] =	stream.linear.scatter @!p0 [tilespmem:s7], [sflag:$0x9], $0x300, $0x38;
	[tilespmem:$0x11270] =	vst v63  }
0x2d: {  	s8 =	simm.s32 $0x0  }
0x2e: {  	[tilespmem:s8], [sflag:$0xA] =	stream.linear.gather [hbm4b:s14+s8], $0x4E20, $0x38;
	[tilespmem:$0x11270] =	vst v63  }
0x2f: {  	_ =	swait.ge [sflag:s19], $0x4E20  }
0x30: {  	[sflag:s19] =	ssyncset.done $0x0  }
0x31: {  	s9 =	simm.s32 $0x4E20;
	[sflag:s19] =	ssyncadd.s32 $0xFFFFB1E0  }
0x32: {  	[tilespmem:s9], [sflag:$0xA] =	stream.linear.gather [hbm4b:s15+s8], $0x4E20, $0x38;
	[tilespmem:$0x11270] =	vst v63  }
0x33: {  	_ =	swait.ge [sflag:s19], $0x4E20  }
0x34: {  	[sflag:s19] =	ssyncset.done $0x0  }
0x35: {  	s7 =	simm.s32 $0x0;
	[sflag:s19] =	ssyncadd.s32 $0xFFFFB1E0  }
0x36: {  	v5 =	vld [tilespmem:s7+$0x0]  }
0x37: {  	v4 =	vld [tilespmem:s7+$0x10]  }
0x38: {  	v3 =	vld [tilespmem:s7+$0x20]  }
0x39: {  	s8 =	simm.s32 $0x140;
	v2 =	vld [tilespmem:s7+$0x30]  }
.LBB2_4:
0x3a: {  	p1 =	sne.s32 s8, $0x13740;
	v6 =	vld [tilespmem:s7+$0x40]  }
0x3b: {  	v5 =	vadd.s32 v0, v5  }
.Ltmp1:
0x3c: {  	s9 =	sshra.s32 s8, $0x2;
	[tilespmem:s7+$0x0] =	vst v5;
	v4 =	vadd.s32 v0, v4;
	(pc) =	sbr.rel @p1 .LBB2_4-.Ltmp1, $4  }
0x3d: {  	v5 =	vld [tilespmem:s9+$0x0];
	[tilespmem:s7+$0x10] =	vst v4;
	v3 =	vadd.s32 v0, v3  }
0x3e: {  	v4 =	vld [tilespmem:s9+$0x10];
	[tilespmem:s7+$0x20] =	vst v3;
	v2 =	vadd.s32 v0, v2  }
0x3f: {  	v3 =	vld [tilespmem:s9+$0x20];
	[tilespmem:s7+$0x30] =	vst v2;
	v6 =	vadd.s32 v0, v6  }
0x40: {  	s8 =	sadd.s32 $0x140, s8;
	v2 =	vld [tilespmem:s9+$0x30];
	[tilespmem:s7+$0x40] =	vst v6;
	s7 =	smov.u32 s9  }
0x41: {  	v6 =	vld [tilespmem:s7+$0x40]  }
0x42: {  	v5 =	vadd.s32 v0, v5  }
0x43: {  	[tilespmem:s7+$0x0] =	vst v5;
	v4 =	vadd.s32 v0, v4  }
0x44: {  	[tilespmem:s7+$0x10] =	vst v4;
	v3 =	vadd.s32 v0, v3  }
0x45: {  	[tilespmem:s7+$0x20] =	vst v3;
	v2 =	vadd.s32 v0, v2  }
0x46: {  	[tilespmem:s7+$0x30] =	vst v2;
	v2 =	vadd.s32 v0, v6  }
0x47: {  	[tilespmem:s7+$0x40] =	vst v2  }
0x48: {  	_ =	swait.ge [sflag:s21], $0xA00  }
0x49: {  	[sflag:s21] =	ssyncset.done $0x0  }
0x4a: {  	[sflag:s21] =	ssyncadd.s32 $0xFFFFF600  }
0x4b: {  	_ =	swait.ge [sflag:s21], $0xA00  }
0x4c: {  	[sflag:s21] =	ssyncset.done $0x0  }
0x4d: {  	[sflag:s21] =	ssyncadd.s32 $0xFFFFF600  }
0x4e: {  	_ =	swait.ge [sflag:s21], $0xA00  }
0x4f: {  	[sflag:s21] =	ssyncset.done $0x0  }
0x50: {  	[sflag:s21] =	ssyncadd.s32 $0xFFFFF600  }
0x51: {  	_ =	swait.ge [sflag:s21], $0xA00  }
0x52: {  	[sflag:s21] =	ssyncset.done $0x0  }
0x53: {  	[sflag:s21] =	ssyncadd.s32 $0xFFFFF600  }
0x54: {  	_ =	swait.ge [sflag:s21], $0xA00  }
0x55: {  	[sflag:s21] =	ssyncset.done $0x0  }
0x56: {  	[sflag:s21] =	ssyncadd.s32 $0xFFFFF600  }
0x57: {  	_ =	swait.ge [sflag:s21], $0xA00  }
0x58: {  	[sflag:s21] =	ssyncset.done $0x0  }
0x59: {  	[sflag:s21] =	ssyncadd.s32 $0xFFFFF600  }
0x5a: {  	_ =	swait.ge [sflag:s21], $0xA00  }
0x5b: {  	[sflag:s21] =	ssyncset.done $0x0  }
0x5c: {  	[sflag:s21] =	ssyncadd.s32 $0xFFFFF600  }
0x5d: {  	_ =	swait.ge [sflag:s21], $0x800  }
0x5e: {  	[sflag:s21] =	ssyncset.done $0x0  }
0x5f: {  	s7 =	simm.s32 @!p0 $0x9;
	[sflag:s21] =	ssyncadd.s32 $0xFFFFF800  }
0x60: {  	_ =	swait.ge @!p0 [sflag:s7], $0x300  }
0x61: {  	[sflag:s7] =	ssyncset.done @!p0 $0x0  }
0x62: {  	s8 =	simm.s32 $0x0;
	[sflag:s7] =	ssyncadd.s32 @!p0 $0xFFFFFD00  }
0x63: {  	[tilespmem:s18], [sflag:$0x1] =	stream.indirect.gather [hbm4b:s4+s22], $0x20, s8, s22, $0xb8;
	[tilespmem:$0x11270] =	vst v63  }
0x64: {  	_ = 	snop  }
0x65: {  	[tilespmem:s23], [sflag:$0x2] =	stream.indirect.gather [hbm4b:s4+s22], $0x20, s22, s22, $0xb8;
	[tilespmem:$0x11270] =	vst v63  }
0x66: {  	s9 =	simm.s32 $0xA0  }
0x67: {  	[tilespmem:s26], [sflag:$0x3] =	stream.indirect.gather [hbm4b:s4+s22], $0x20, s9, s22, $0xb8;
	[tilespmem:$0x11270] =	vst v63  }
0x68: {  	s8 =	simm.s32 $0xF0  }
0x69: {  	[tilespmem:s29], [sflag:$0x4] =	stream.indirect.gather [hbm4b:s4+s22], $0x20, s8, s22, $0xb8;
	[tilespmem:$0x11270] =	vst v63  }
0x6a: {  	[bflag:$0x0] =	sbarrier.arrive $0xFFFF  }
0x6b: {  	_ =	swait.ge [sflag:s30], $0xA00  }
0x6c: {  	[sflag:s30] =	ssyncset.done $0x0  }
0x6d: {  	s9 =	simm.s32 $0x4E20;
	[sflag:s30] =	ssyncadd.s32 $0xFFFFF600  }
0x6e: {  	[spmem:s2] =	stream.indirect.scatter.add.f32 [tilespmem:s18], [sflag:$0x5], $0x20, s9, s22, $0xb8;
	[tilespmem:$0x11270] =	vst v63  }
0x6f: {  	_ =	swait.ge [sflag:s31], $0xA00  }
0x70: {  	[sflag:s31] =	ssyncset.done $0x0  }
0x71: {  	s8 =	simm.s32 $0x4E70;
	[sflag:s31] =	ssyncadd.s32 $0xFFFFF600  }
0x72: {  	[spmem:s2] =	stream.indirect.scatter.add.f32 [tilespmem:s23], [sflag:$0x6], $0x20, s8, s22, $0xb8;
	[tilespmem:$0x11270] =	vst v63  }
0x73: {  	_ =	swait.ge [sflag:s0], $0xA00  }
0x74: {  	[sflag:s0] =	ssyncset.done $0x0  }
0x75: {  	s9 =	simm.s32 $0x4EC0;
	[sflag:s0] =	ssyncadd.s32 $0xFFFFF600  }
0x76: {  	[spmem:s2] =	stream.indirect.scatter.add.f32 [tilespmem:s26], [sflag:$0x7], $0x20, s9, s22, $0xb8;
	[tilespmem:$0x11270] =	vst v63  }
0x77: {  	_ =	swait.ge [sflag:s20], $0xA00  }
0x78: {  	[sflag:s20] =	ssyncset.done $0x0  }
0x79: {  	s8 =	simm.s32 $0x4F10;
	[sflag:s20] =	ssyncadd.s32 $0xFFFFF600  }
0x7a: {  	[spmem:s2] =	stream.indirect.scatter.add.f32 [tilespmem:s29], [sflag:$0x8], $0x20, s8, s22, $0xb8;
	[tilespmem:$0x11270] =	vst v63  }
0x7b: {  	_ =	swait.ge [sflag:s25], $0xA00  }
0x7c: {  	[sflag:s25] =	ssyncset.done $0x0  }
0x7d: {  	s9 =	simm.s32 $0x140;
	[sflag:s25] =	ssyncadd.s32 $0xFFFFF600  }
0x7e: {  	[tilespmem:s18], [sflag:$0x1] =	stream.indirect.gather [hbm4b:s4+s22], $0x20, s9, s22, $0xb8;
	[tilespmem:$0x11270] =	vst v63  }
0x7f: {  	_ =	swait.ge [sflag:s28], $0xA00  }
0x80: {  	[sflag:s28] =	ssyncset.done $0x0  }
0x81: {  	s8 =	simm.s32 $0x190;
	[sflag:s28] =	ssyncadd.s32 $0xFFFFF600  }
0x82: {  	[tilespmem:s23], [sflag:$0x2] =	stream.indirect.gather [hbm4b:s4+s22], $0x20, s8, s22, $0xb8;
	[tilespmem:$0x11270] =	vst v63  }
0x83: {  	_ =	swait.ge [sflag:s1], $0xA00  }
0x84: {  	[sflag:s1] =	ssyncset.done $0x0  }
0x85: {  	s9 =	simm.s32 $0x1E0;
	[sflag:s1] =	ssyncadd.s32 $0xFFFFF600  }
0x86: {  	[tilespmem:s26], [sflag:$0x3] =	stream.indirect.gather [hbm4b:s4+s22], $0x20, s9, s22, $0xb8;
	[tilespmem:$0x11270] =	vst v63  }
0x87: {  	_ =	swait.ge [sflag:s6], $0xA00  }
0x88: {  	[sflag:s6] =	ssyncset.done $0x0  }
0x89: {  	s7 =	simm.s32 $0x500;
	s8 =	simm.s32 $0x230;
	[sflag:s6] =	ssyncadd.s32 $0xFFFFF600  }
.LBB2_6:
0x8a: {  	[tilespmem:s29], [sflag:$0x4] =	stream.indirect.gather [hbm4b:s4+s22], $0x20, s8, s22, $0xb8;
	[tilespmem:$0x11270] =	vst v63  }
0x8b: {  	s8 =	smov.u32 s7  }
0x8c: {  	p1 =	sne.s32 s7, $0x12C00;
	s7 =	sadd.s32 $0x500, s7;
	_ =	swait.ge [sflag:s30], $0xA00  }
0x8d: {  	s8 =	sshra.s32 s8, $0x2;
	[sflag:s30] =	ssyncset.done $0x0  }
0x8e: {  	s9 =	sadd.s32 $0x4E20, s8;
	[sflag:s30] =	ssyncadd.s32 $0xFFFFF600  }
0x8f: {  	[spmem:s2] =	stream.indirect.scatter.add.f32 [tilespmem:s18], [sflag:$0x5], $0x20, s9, s22, $0xb8;
	[tilespmem:$0x11270] =	vst v63  }
0x90: {  	_ =	swait.ge [sflag:s31], $0xA00  }
0x91: {  	[sflag:s31] =	ssyncset.done $0x0  }
0x92: {  	s9 =	sadd.s32 $0x4E70, s8;
	[sflag:s31] =	ssyncadd.s32 $0xFFFFF600  }
0x93: {  	[spmem:s2] =	stream.indirect.scatter.add.f32 [tilespmem:s23], [sflag:$0x6], $0x20, s9, s22, $0xb8;
	[tilespmem:$0x11270] =	vst v63  }
0x94: {  	_ =	swait.ge [sflag:s0], $0xA00  }
0x95: {  	[sflag:s0] =	ssyncset.done $0x0  }
0x96: {  	s9 =	sadd.s32 $0x4EC0, s8;
	[sflag:s0] =	ssyncadd.s32 $0xFFFFF600  }
0x97: {  	[spmem:s2] =	stream.indirect.scatter.add.f32 [tilespmem:s26], [sflag:$0x7], $0x20, s9, s22, $0xb8;
	[tilespmem:$0x11270] =	vst v63  }
0x98: {  	_ =	swait.ge [sflag:s20], $0xA00  }
0x99: {  	[sflag:s20] =	ssyncset.done $0x0  }
0x9a: {  	s9 =	sadd.s32 $0x4F10, s8;
	[sflag:s20] =	ssyncadd.s32 $0xFFFFF600  }
0x9b: {  	[spmem:s2] =	stream.indirect.scatter.add.f32 [tilespmem:s29], [sflag:$0x8], $0x20, s9, s22, $0xb8;
	[tilespmem:$0x11270] =	vst v63  }
0x9c: {  	_ =	swait.ge [sflag:s25], $0xA00  }
0x9d: {  	[sflag:s25] =	ssyncset.done $0x0  }
0x9e: {  	s9 =	sadd.s32 $0x140, s8;
	[sflag:s25] =	ssyncadd.s32 $0xFFFFF600  }
0x9f: {  	[tilespmem:s18], [sflag:$0x1] =	stream.indirect.gather [hbm4b:s4+s22], $0x20, s9, s22, $0xb8;
	[tilespmem:$0x11270] =	vst v63  }
0xa0: {  	_ =	swait.ge [sflag:s28], $0xA00  }
0xa1: {  	[sflag:s28] =	ssyncset.done $0x0  }
0xa2: {  	s9 =	sadd.s32 $0x190, s8;
	[sflag:s28] =	ssyncadd.s32 $0xFFFFF600  }
0xa3: {  	[tilespmem:s23], [sflag:$0x2] =	stream.indirect.gather [hbm4b:s4+s22], $0x20, s9, s22, $0xb8;
	[tilespmem:$0x11270] =	vst v63  }
0xa4: {  	_ =	swait.ge [sflag:s1], $0xA00  }
0xa5: {  	[sflag:s1] =	ssyncset.done $0x0  }
.Ltmp2:
0xa6: {  	s9 =	sadd.s32 $0x1E0, s8;
	[sflag:s1] =	ssyncadd.s32 $0xFFFFF600;
	(pc) =	sbr.rel @p1 .LBB2_6-.Ltmp2, $4  }
0xa7: {  	[tilespmem:s26], [sflag:$0x3] =	stream.indirect.gather [hbm4b:s4+s22], $0x20, s9, s22, $0xb8;
	[tilespmem:$0x11270] =	vst v63  }
0xa8: {  	_ =	swait.ge [sflag:s6], $0xA00  }
0xa9: {  	[sflag:s6] =	ssyncset.done $0x0  }
0xaa: {  	s8 =	sadd.s32 $0x230, s8;
	[sflag:s6] =	ssyncadd.s32 $0xFFFFF600  }
0xab: {  	[tilespmem:s29], [sflag:$0x4] =	stream.indirect.gather [hbm4b:s4+s22], $0x20, s8, s22, $0xb8;
	[tilespmem:$0x11270] =	vst v63  }
0xac: {  	_ =	swait.ge [sflag:s30], $0xA00  }
0xad: {  	[sflag:s30] =	ssyncset.done $0x0  }
0xae: {  	s7 =	simm.s32 $0x9A60;
	[sflag:s30] =	ssyncadd.s32 $0xFFFFF600  }
0xaf: {  	[spmem:s2] =	stream.indirect.scatter.add.f32 [tilespmem:s18], [sflag:$0x5], $0x20, s7, s22, $0xb8;
	[tilespmem:$0x11270] =	vst v63  }
0xb0: {  	_ =	swait.ge [sflag:s31], $0xA00  }
0xb1: {  	[sflag:s31] =	ssyncset.done $0x0  }
0xb2: {  	s9 =	simm.s32 $0x9AB0;
	[sflag:s31] =	ssyncadd.s32 $0xFFFFF600  }
0xb3: {  	[spmem:s2] =	stream.indirect.scatter.add.f32 [tilespmem:s23], [sflag:$0x6], $0x20, s9, s22, $0xb8;
	[tilespmem:$0x11270] =	vst v63  }
0xb4: {  	_ =	swait.ge [sflag:s0], $0xA00  }
0xb5: {  	[sflag:s0] =	ssyncset.done $0x0  }
0xb6: {  	s8 =	simm.s32 $0x9B00;
	[sflag:s0] =	ssyncadd.s32 $0xFFFFF600  }
0xb7: {  	[spmem:s2] =	stream.indirect.scatter.add.f32 [tilespmem:s26], [sflag:$0x7], $0x20, s8, s22, $0xb8;
	[tilespmem:$0x11270] =	vst v63  }
0xb8: {  	_ =	swait.ge [sflag:s20], $0xA00  }
0xb9: {  	[sflag:s20] =	ssyncset.done $0x0  }
0xba: {  	s9 =	simm.s32 $0x9B50;
	[sflag:s20] =	ssyncadd.s32 $0xFFFFF600  }
0xbb: {  	[spmem:s2] =	stream.indirect.scatter.add.f32 [tilespmem:s29], [sflag:$0x8], $0x20, s9, s22, $0xb8;
	[tilespmem:$0x11270] =	vst v63  }
0xbc: {  	_ =	swait.ge [sflag:s25], $0xA00  }
0xbd: {  	[sflag:s25] =	ssyncset.done $0x0  }
0xbe: {  	s8 =	simm.s32 $0x4D80;
	[sflag:s25] =	ssyncadd.s32 $0xFFFFF600  }
0xbf: {  	[tilespmem:s18], [sflag:$0x1] =	stream.indirect.gather [hbm4b:s4+s22], $0x20, s8, s22, $0xb8;
	[tilespmem:$0x11270] =	vst v63  }
0xc0: {  	_ =	swait.ge [sflag:s28], $0xA00  }
0xc1: {  	[sflag:s28] =	ssyncset.done $0x0  }
0xc2: {  	s9 =	simm.s32 $0x4DD0;
	[sflag:s28] =	ssyncadd.s32 $0xFFFFF600  }
0xc3: {  	[tilespmem:s23], [sflag:$0x2] =	stream.indirect.gather [hbm4b:s4+s22], $0x20, s9, s22, $0xb8;
	[tilespmem:$0x11270] =	vst v63  }
0xc4: {  	_ =	swait.ge [sflag:s30], $0xA00  }
0xc5: {  	[sflag:s30] =	ssyncset.done $0x0  }
0xc6: {  	s8 =	simm.s32 $0x9BA0;
	[sflag:s30] =	ssyncadd.s32 $0xFFFFF600  }
0xc7: {  	[spmem:s2] =	stream.indirect.scatter.add.f32 [tilespmem:s18], [sflag:$0x5], $0x20, s8, s22, $0xb8;
	[tilespmem:$0x11270] =	vst v63  }
0xc8: {  	_ =	swait.ge [sflag:s31], $0xA00  }
0xc9: {  	[sflag:s31] =	ssyncset.done $0x0  }
0xca: {  	s9 =	simm.s32 $0x9BF0;
	[sflag:s31] =	ssyncadd.s32 $0xFFFFF600  }
0xcb: {  	[spmem:s2] =	stream.indirect.scatter.add.f32 [tilespmem:s23], [sflag:$0x6], $0x20, s9, s22, $0xb8;
	[tilespmem:$0x11270] =	vst v63  }
0xcc: {  	_ =	swait.ge [sflag:s1], $0xA00  }
0xcd: {  	[sflag:s1] =	ssyncset.done $0x0  }
0xce: {  	[sflag:s1] =	ssyncadd.s32 $0xFFFFF600  }
0xcf: {  	_ =	swait.ge [sflag:s6], $0xA00  }
0xd0: {  	[sflag:s6] =	ssyncset.done $0x0  }
0xd1: {  	[sflag:s6] =	ssyncadd.s32 $0xFFFFF600  }
0xd2: {  	_ =	swait.ge [sflag:s25], $0xA00  }
0xd3: {  	[sflag:s25] =	ssyncset.done $0x0  }
0xd4: {  	[sflag:s25] =	ssyncadd.s32 $0xFFFFF600  }
0xd5: {  	_ =	swait.ge [sflag:s28], $0xA00  }
0xd6: {  	s8 =	stileid.u32;
	[sflag:s28] =	ssyncset.done $0x0  }
0xd7: {  	s7 =	sshll.u32 s8, $0x6;
	[sflag:s28] =	ssyncadd.s32 $0xFFFFF600  }
0xd8: {  	s7 =	sor.u32 $0x1C0A, s7;
	s9 =	sshrl.u32 s5, $0x3;
	[bflag:$0x0] =	sbarrier.arrive $0xFFFF  }
0xd9: {  	[hbm:s24], [sflag:s7] =	dma.local [spmem:s9], $0x9C0  }
0xda: {  	s3 =	sadd.s32 $0x1, s3;
	_ =	swait.ge [sflag:s19], $0x9C0  }
0xdb: {  	p1 =	sne.s32 s3, s17;
	[sflag:s19] =	ssyncset.done $0x0  }
0xdc: {  	s8 =	sadd.s32 @!p0 $0x9C00, s16;
	s9 =	sshrl.u32 @!p0 s13, $0x3;
	[sflag:s19] =	ssyncadd.s32 $0xFFFFF640  }
0xdd: {  	[hbm:s8], [sflag:s7] =	dma.local @!p0 [spmem:s9], $0x60  }
.Ltmp3:
0xde: {  	_ = 	snop;
	(pc) =	sbr.rel @p1 .LBB2_1-.Ltmp3, $4  }
0xdf: {  	s7 =	simm.s32 @!p0 $0xA  }
0xe0: {  	_ =	swait.ge @!p0 [sflag:s7], $0x60  }
0xe1: {  	[sflag:s7] =	ssyncset.done @!p0 $0x0  }
0xe2: {  	[sflag:s7] =	ssyncadd.s32 @!p0 $0xFFFFFFA0  }
0xe3: {  	_ =	sfence.sel $0x180000  }
0xe4: {  	[bflag:$0x0] =	sbarrier.arrive $0xFFFF  }
0xe5: {  	_ =	strace $0x9000004D  }
0xe6: {  	s0 =	stileid.u32;
	[bflag:$0x2] =	sbarrier.arrive $0xFFFF  }
0xe7: {  	p0 =	sne.s32 s0, $0x0;
	s0 =	rddreg [dreg:$0x2]  }
0xe8: {  	s0 =	sadd.s32 @!p0 $0x100000, s0  }
0xe9: {  	[sflag:s0] =	ssyncadd.tile.s32 @!p0 $0x1;
	_ =	shalt  }
.Lfunc_end2:
_tile_overlayer_lowered:
.L_overlay_start_2:
0xea: {  	(tag) =	ssettag $0x2  }
0xeb: {  	s0 =	rddreg [dreg:$0x0];
	s2 =	stileid.u32  }
0xec: {  	s1 =	rddreg [dreg:$0x1];
	p0 =	sne.s32 s2, $0x0  }
0xed: {  	s3 =	rddreg [dreg:$0x2];
	[bflag:$0x3] =	sbarrier.arrive $0xFFFF;
	s2 =	simm.s32 @!p0 $0x1C0A  }
0xee: {  	[timem:s3], [sflag:s2] =	dma.local @!p0 [hbm:s0], s1  }
0xef: {  	s0 =	simm.s32 @!p0 $0xA  }
0xf0: {  	_ =	swait.ge @!p0 [sflag:s0], s1  }
0xf1: {  	s1 =	ssub.s32 @!p0 $0x0, s1;
	[sflag:s0] =	ssyncset.done @!p0 $0x0  }
0xf2: {  	[sflag:s0] =	ssyncadd.s32 @!p0 s1  }
0xf3: {  	[bflag:$0x3] =	sbarrier.arrive $0xFFFF  }
0xf4: {  	_ =	shalt  }

// kernel: kernel.8.cloned.1.call-start
scs
__scs_entry_jumppad:
0x0: {  	(pc) =	sbr.rel $0x88, $3  }
0x1: {  	(tag) =	ssettag $0x0;
	lr =	simm.s32 $0x1  }
0x2: {  	[smem:$0x3F92] =	sst lr;
	_ =	strace $0xD0000000  }
0x3: {  	_ = 	snop  }
0x4: {  	_ = 	snop  }
0x5: {  	_ = 	snop  }
0x6: {  	_ = 	snop  }
0x7: {  	_ = 	snop  }
__scs_overlays_trampoline_lowered:
0x8: {  	[smem:$0x3FA1] =	sst s0  }
0x9: {  	[smem:$0x3FA2] =	sst s1  }
0xa: {  	[smem:$0x3FA3] =	sst s2  }
0xb: {  	[smem:$0x3FA4] =	sst s3  }
0xc: {  	[smem:$0x3FA5] =	sst s4  }
0xd: {  	[smem:$0x3FA6] =	sst s5  }
0xe: {  	[smem:$0x3FA7] =	sst s6  }
0xf: {  	[smem:$0x3FA8] =	sst s7  }
0x10: {  	[smem:$0x3FA9] =	sst s8  }
0x11: {  	[smem:$0x3FAA] =	sst s9;
	s0 =	simm.s32 @!p0 $0x0  }
0x12: {  	s1 =	sld [smem:$0x3F90];
	s0 =	simm.s32 @p0 $0x1  }
0x13: {  	[smem:$0x3FAB] =	sst s0;
	s0 =	simm.s32 @!p1 $0x0  }
0x14: {  	s2 =	sld [smem:$0x3F8F];
	s0 =	simm.s32 @p1 $0x1  }
0x15: {  	[smem:$0x3FAC] =	sst s0;
	s0 =	simm.s32 @!p2 $0x0  }
0x16: {  	s3 =	sld [smem:$0x3FDB];
	s0 =	simm.s32 @p2 $0x1  }
0x17: {  	s4 =	simm.s32 $0x1BF5;
	[smem:$0x3FAE] =	sst s0  }
0x18: {  	s0 =	sld [smem:$0x3F91];
	_ =	swait.ge [sflag:s4], $0x0  }
0x19: {  	s7 =	sld [smem:$0x3F92]  }
0x1a: {  	s8 =	sadd.s32 $0xFFFFE003, lr  }
0x1b: {  	s9 =	sadd.s32 $0xFFFFFEF7, lr;
	s5 =	simm.s32 $0xFFFFFFFF;
	p2 =	slt.u32 s8, $0xFFFFF086  }
0x1c: {  	p1 =	slt.u32 s9, $0xF7A;
	s5 =	simm.s32 @!p2 $0x0  }
0x1d: {  	s5 =	simm.s32 @p1 $0x1;
	p0 =	seq.s32 s7, s2  }
0x1e: {  	s7 =	smul.u32 @!p0 $0xF7A, s2;
	p2 =	seq.s32 @!p0 s5, $0x0  }
0x1f: {  	s9 =	smul.u32 $0xF7A, s1;
	s8 =	simm.s32 @!p0 $0x1BF5;
	p2 =	por !p2, p0  }
0x20: {  	[sflag:s8] =	ssyncset.s32 @!p0 $0xFFFFF086;
	s6 =	sadd.s32 @!p0 s3, s7;
	s7 =	simm.s32 @!p0 $0x108  }
0x21: {  	s3 =	sadd.s32 s3, s9;
	s6 =	sadd.s32 @!p0 $0x88, s6;
	s7 =	simm.s32 @p2 $0x1082  }
0x22: {  	[simem:s7], [sflag:s8] =	dma.local @!p0 [hbm:s6], $0xF7A  }
0x23: {  	s9 =	sor.u32 $0xD0000000, s2;
	s6 =	simm.s32 $0x108;
	_ =	swait.ge @!p0 [sflag:s8], $0x0  }
0x24: {  	s3 =	sadd.s32 $0x88, s3;
	s6 =	simm.s32 @!p1 $0x1082;
	[sflag:s4] =	ssyncset.s32 $0xFFFFF086  }
0x25: {  	[simem:s6], [sflag:s4] =	dma.local [hbm:s3], $0xF7A  }
0x26: {  	[smem:$0x3F92] =	sst s1;
	(tag) =	ssettag s2;
	_ =	strace s9  }
0x27: {  	s1 =	sld [smem:$0x3FA2]  }
0x28: {  	s2 =	sld [smem:$0x3FA3]  }
0x29: {  	s4 =	sld [smem:$0x3FA5]  }
0x2a: {  	p0 =	seq.s32 s5, $0x0;
	s5 =	sld [smem:$0x3FA6]  }
0x2b: {  	s6 =	sld [smem:$0x3FA7]  }
0x2c: {  	s7 =	sld [smem:$0x3FA8]  }
0x2d: {  	s3 =	simm.s32 $0x108;
	s8 =	sld [smem:$0x3FA9]  }
0x2e: {  	s3 =	simm.s32 @!p0 $0x1082;
	s9 =	sld [smem:$0x3FAA]  }
0x2f: {  	lr =	sadd.s32 s0, s3;
	s0 =	sld [smem:$0x3FA1]  }
0x30: {  	s3 =	sld [smem:$0x3FA4]  }
0x31: {  	[smem:$0x3FAD] =	sst s10  }
0x32: {  	s10 =	sld [smem:$0x3FAB];
	_ =	sdelay $0x3  }
0x33: {  	p0 =	seq.s32 s10, $0x1;
	s10 =	sld [smem:$0x3FAD];
	_ =	sdelay $0x3  }
0x34: {  	[smem:$0x3FAD] =	sst s10  }
0x35: {  	s10 =	sld [smem:$0x3FAC];
	_ =	sdelay $0x3  }
0x36: {  	p1 =	seq.s32 s10, $0x1;
	s10 =	sld [smem:$0x3FAD];
	_ =	sdelay $0x3  }
0x37: {  	[smem:$0x3FAD] =	sst s10  }
0x38: {  	s10 =	sld [smem:$0x3FAE]  }
0x39: {  	_ = 	snop;
	(pc) =	sbr.ind lr, $3  }
0x3a: {  	_ = 	snop  }
0x3b: {  	_ = 	snop  }
0x3c: {  	p2 =	seq.s32 s10, $0x1;
	s10 =	sld [smem:$0x3FAD]  }
0x3d: {  	_ =	shalt  }
0x3e: {  	_ =	shalt  }
0x3f: {  	_ =	shalt  }
0x40: {  	_ =	shalt  }
0x41: {  	_ =	shalt  }
0x42: {  	_ =	shalt  }
0x43: {  	_ =	shalt  }
0x44: {  	_ =	shalt  }
0x45: {  	_ =	shalt  }
0x46: {  	_ =	shalt  }
0x47: {  	_ =	shalt  }
0x48: {  	_ =	shalt  }
0x49: {  	_ =	shalt  }
0x4a: {  	_ =	shalt  }
0x4b: {  	_ =	shalt  }
0x4c: {  	_ =	shalt  }
0x4d: {  	_ =	shalt  }
0x4e: {  	_ =	shalt  }
0x4f: {  	_ =	shalt  }
0x50: {  	_ =	shalt  }
0x51: {  	_ =	shalt  }
0x52: {  	_ =	shalt  }
0x53: {  	_ =	shalt  }
0x54: {  	_ =	shalt  }
0x55: {  	_ =	shalt  }
0x56: {  	_ =	shalt  }
0x57: {  	_ =	shalt  }
0x58: {  	_ =	shalt  }
0x59: {  	_ =	shalt  }
0x5a: {  	_ =	shalt  }
0x5b: {  	_ =	shalt  }
0x5c: {  	_ =	shalt  }
0x5d: {  	_ =	shalt  }
0x5e: {  	_ =	shalt  }
0x5f: {  	_ =	shalt  }
0x60: {  	_ =	shalt  }
0x61: {  	_ =	shalt  }
0x62: {  	_ =	shalt  }
0x63: {  	_ =	shalt  }
0x64: {  	_ =	shalt  }
0x65: {  	_ =	shalt  }
0x66: {  	_ =	shalt  }
0x67: {  	_ =	shalt  }
0x68: {  	_ =	shalt  }
0x69: {  	_ =	shalt  }
0x6a: {  	_ =	shalt  }
0x6b: {  	_ =	shalt  }
0x6c: {  	_ =	shalt  }
0x6d: {  	_ =	shalt  }
0x6e: {  	_ =	shalt  }
0x6f: {  	_ =	shalt  }
0x70: {  	_ =	shalt  }
0x71: {  	_ =	shalt  }
0x72: {  	_ =	shalt  }
0x73: {  	_ =	shalt  }
0x74: {  	_ =	shalt  }
0x75: {  	_ =	shalt  }
0x76: {  	_ =	shalt  }
0x77: {  	_ =	shalt  }
0x78: {  	_ =	shalt  }
0x79: {  	_ =	shalt  }
0x7a: {  	_ =	shalt  }
0x7b: {  	_ =	shalt  }
0x7c: {  	_ =	shalt  }
0x7d: {  	_ =	shalt  }
0x7e: {  	_ =	shalt  }
0x7f: {  	_ =	shalt  }
0x80: {  	_ =	shalt  }
0x81: {  	_ =	shalt  }
0x82: {  	_ =	shalt  }
0x83: {  	_ =	shalt  }
0x84: {  	_ =	shalt  }
0x85: {  	_ =	shalt  }
0x86: {  	_ =	shalt  }
0x87: {  	_ =	shalt  }
.Lfunc_end0:
.L_simem_size_0:
called_computation_lowered:
.L_overlay_start_0:
0x88: {  	s2 =	sld [smem:$0x3FD9]  }
0x89: {  	s3 =	sld [smem:$0x3FFE];
	_ =	sdelay $0x1  }
0x8a: {  	s1 =	srdreg.scid  }
0x8b: {  	s0 =	sand.u32 $0x1, s1  }
0x8c: {  	s17 =	sshll.u32 s0, $0xA;
	s2 =	sadd.s32 s3, s2  }
0x8d: {  	s2 =	sadd.s32 s2, s17  }
0x8e: {  	[smem:$0x3FB9] =	sst s2  }
0x8f: {  	_ = 	snop  }
0x90: {  	s2 =	sld [smem:$0x3FD0];
	(tm) =	ssettm $0x1  }
0x91: {  	s18 =	sld [smem:$0x3FFB];
	_ =	sdelay $0x3  }
0x92: {  	_ =	strace s18  }
0x93: {  	s3 =	sld [smem:$0x3FFC];
	_ =	sdelay $0x3  }
0x94: {  	_ =	strace s3  }
0x95: {  	s3 =	sld [smem:$0x3FFD];
	_ =	sdelay $0x3  }
0x96: {  	_ =	strace s3  }
0x97: {  	_ =	strace $0x8FFFFFFF  }
0x98: {  	s19 =	sld [smem:$0x3FDB];
	_ =	sdelay $0x1  }
0x99: {  	s4 =	simm.s32 $_scs_section_size  }
0x9a: {  	s5 =	simm.s32 $_size__tile_overlayer_lowered;
	s6 =	simm.s32 $_tile_overlayer_lowered  }
0x9b: {  	s22 =	simm.s32 $0x1BFF;
	s21 =	sshll.u32 s6, $0x1;
	s3 =	sadd.s32 s4, s19  }
0x9c: {  	s7 =	simm.s32 $0x0;
	s20 =	sshll.u32 s5, $0x1;
	s5 =	sadd.s32 s21, s3  }
0x9d: {  	[timem:s7], [sflag:s22] =	dma.local [hbm:s5], s20  }
0x9e: {  	_ =	swait.ge [sflag:s22], s20  }
0x9f: {  	s4 =	ssub.s32 $0x0, s20;
	[sflag:s22] =	ssyncset.done $0x0  }
0xa0: {  	[sflag:s22] =	ssyncadd.s32 s4;
	_ =	sdelay $0x1  }
0xa1: {  	s23 =	simm.s32 $0x1B8B  }
0xa2: {  	_ =	swait.ge [sflag:s23], $0x1  }
0xa3: {  	[sflag:s23] =	ssyncset.done $0x0  }
0xa4: {  	s25 =	simm.s32 $0x1B8E;
	s24 =	sld [smem:$0x3FFE];
	[sflag:s23] =	ssyncadd.s32 $0xFFFFFFFF  }
0xa5: {  	s26 =	simm.s32 $execute0_lowered;
	[smem:$0x3FD2] =	sst s25  }
0xa6: {  	s5 =	sshll.u32 s26, $0x1;
	_ =	strace $0x80000046;
	[dreg:$0x1] =	wrdreg $0xFFFFFFFF  }
0xa7: {  	s28 =	simm.s32 $_size_execute0_lowered;
	s3 =	sadd.s32 s3, s5;
	[dreg:$0x0] =	wrdreg $0x0  }
0xa8: {  	s5 =	sshll.u32 s28, $0x1;
	[dreg:$0x2] =	wrdreg s3  }
0xa9: {  	[dreg:$0x3] =	wrdreg s5  }
0xaa: {  	[dreg:$0x4] =	wrdreg $0xC0  }
0xab: {  	_ =	task [dreg:s7], $0x5FFFF  }
0xac: {  	[dreg:$0x1] =	wrdreg $0xFFFFFFFF  }
0xad: {  	[dreg:$0x0] =	wrdreg $0x60  }
0xae: {  	[dreg:$0x2] =	wrdreg s24  }
0xaf: {  	[dreg:$0x3] =	wrdreg s2  }
0xb0: {  	[dreg:$0x4] =	wrdreg $0x9C400  }
0xb1: {  	[dreg:$0x5] =	wrdreg $0x192A00  }
0xb2: {  	[dreg:$0x6] =	wrdreg $0x9  }
0xb3: {  	_ =	task.clear_ibuf [dreg:s7], $0x7FFFF;
	_ =	strace $0x90000046  }
0xb4: {  	s29 =	simm.s32 $0x9;
	_ =	strace $0x80000048  }
0xb5: {  	_ =	swait.ge [sflag:s29], $0x1  }
0xb6: {  	[sflag:s29] =	ssyncadd.s32 $0xFFFFFFFF  }
0xb7: {  	_ =	strace $0x90000048  }
0xb8: {  	_ =	sfence  }
0xb9: {  	s30 =	sld [smem:$0x0];
	_ =	sdelay $0x2  }
0xba: {  	s31 =	sshll.u32 s1, $0xD;
	s1 =	sshrl.u32 s1, $0x2  }
0xbb: {  	s3 =	sand.u32 $0x4000, s31;
	s1 =	sadd.s32 s1, s30  }
0xbc: {  	s0 =	sor.u32 s3, s0;
	s1 =	sshll.u32 s1, $0x11  }
0xbd: {  	s0 =	sor.u32 s1, s0  }
0xbe: {  	s0 =	sadd.s32 $0x8F2B, s0  }
0xbf: {  	[sflag:s0] =	ssyncadd.remote.s32 $0x1  }
0xc0: {  	_ =	sfence.sel $0xFFFF  }
0xc1: {  	[dreg:$0x0] =	wrdreg $0xFFFFFFFF;
	(pc) =	sbr.abs _section_cstart, $3  }
0xc2: {  	[dreg:$0x1] =	wrdreg $0xFFFFFFFF  }
0xc3: {  	_ =	task.clear_ibuf [dreg:s7], $0x2FFFF;
	_ =	strace $0x9FFFFFFF  }
0xc4: {  	(tm) =	ssettm $0x7FFFFFFF  }
0xc5: {  	_ =	shalt  }
tec
execute0_lowered:
.L_overlay_start_1:
0x0: {  	(tag) =	ssettag $0x1  }
0x1: {  	s1 =	rddreg [dreg:$0x0]  }
0x2: {  	s0 =	rddreg [dreg:$0x1]  }
0x3: {  	s2 =	rddreg [dreg:$0x2]  }
0x4: {  	s3 =	rddreg [dreg:$0x3]  }
0x5: {  	s18 =	stileid.u32;
	s6 =	simm.s32 $0x0;
	s5 =	srdreg.scid  }
0x6: {  	s4 =	smul.u32 $0x4E20, s18;
	[smem:$0x7FF] =	sst s6  }
0x7: {  	s6 =	sand.u32 $0x1, s5;
	s5 =	sadd.s32 $0x16E00, s1;
	s8 =	smul.u32 $0x270, s18  }
0x8: {  	s9 =	sadd.s32 $0x3E200, s1;
	s20 =	sadd.s32 $0x3E000, s1;
	p2 =	sne.s32 s18, $0xF  }
0x9: {  	_ =	strace $0x80000047;
	s7 =	smul.u32 $0x138C0, s6;
	[dreg:$0x5] =	wrdreg s9  }
0xa: {  	[dreg:$0x6] =	wrdreg s20;
	s21 =	ssub.s32 $0x2, s6;
	s9 =	smul.u32 $0x9C00, s18  }
0xb: {  	p0 =	sne.s32 s6, $0x0;
	p1 =	seq.s32 s6, $0x0;
	s4 =	sshrl.u32 s4, $0x3  }
0xc: {  	s22 =	sshrl.u32 s21, $0x1;
	s10 =	sadd.s32 $0x50, s8;
	s23 =	sadd.s32 $0xA0, s8  }
0xd: {  	s12 =	sadd.s32 $0xF0, s8;
	s15 =	sadd.s32 $0x140, s8;
	s26 =	sadd.s32 $0x190, s8  }
0xe: {  	s28 =	sadd.s32 $0x1E0, s8;
	s8 =	sadd.s32 $0x230, s8;
	p3 =	sne.s32 @!p0 s18, $0xF  }
0xf: {  	s4 =	sadd.s32 s4, s1;
	s1 =	sadd.s32 s7, s1;
	s7 =	ssub.s32 s21, s22  }
0x10: {  	s11 =	sshll.u32 s10, $0x6;
	s13 =	sshll.u32 s23, $0x6;
	s14 =	sshll.u32 s12, $0x6  }
0x11: {  	s25 =	sshll.u32 s15, $0x6;
	s16 =	sshll.u32 s26, $0x6;
	s17 =	sshll.u32 s28, $0x6  }
0x12: {  	s30 =	sshll.u32 s8, $0x6;
	s10 =	sshll.u32 s10, $0x4;
	s11 =	sadd.s32 s11, s2  }
0x13: {  	s31 =	sshrl.u32 s9, $0x2;
	s13 =	sadd.s32 s13, s2;
	[dreg:$0x7] =	wrdreg s11  }
0x14: {  	s20 =	sshll.u32 s26, $0x4;
	s24 =	sadd.s32 s14, s2;
	[dreg:$0x8] =	wrdreg s13  }
0x15: {  	s21 =	sshll.u32 s28, $0x4;
	s16 =	sadd.s32 s16, s2;
	[dreg:$0x9] =	wrdreg s24  }
0x16: {  	s8 =	sshll.u32 s8, $0x4;
	s29 =	sadd.s32 s17, s2;
	[dreg:$0xb] =	wrdreg s16  }
0x17: {  	s28 =	sshrl.u32 s9, $0x3;
	s10 =	sadd.s32 s10, s3;
	[dreg:$0xc] =	wrdreg s29  }
0x18: {  	p3 =	por p3, p0;
	s22 =	sadd.s32 s21, s3;
	[dreg:$0xf] =	wrdreg s10  }
0x19: {  	s17 =	sshll.u32 s15, $0x4;
	s26 =	sadd.s32 $0x3E400, s1;
	[dreg:$0x14] =	wrdreg s22  }
0x1a: {  	s14 =	simm.s32 $0x3;
	s13 =	sadd.s32 s25, s2;
	[dreg:$0x18] =	wrdreg s26  }
0x1b: {  	s15 =	simm.s32 $0x5;
	s16 =	sadd.s32 s30, s2;
	[dreg:$0xa] =	wrdreg s13  }
0x1c: {  	s21 =	simm.s32 $0x0;
	s19 =	sadd.s32 s17, s3;
	[dreg:$0xd] =	wrdreg s16  }
0x1d: {  	s11 =	sshll.u32 s23, $0x4;
	s23 =	sadd.s32 s8, s3;
	[dreg:$0x12] =	wrdreg s19  }
0x1e: {  	s24 =	smul.u32 $0x2700, s18;
	s25 =	sadd.s32 $0x3400, s4;
	[dreg:$0x15] =	wrdreg s23  }
0x1f: {  	s4 =	sadd.s32 $0xD040, s4;
	s30 =	smax.u32 s7, $0x1;
	[dreg:$0x16] =	wrdreg s25  }
0x20: {  	s8 =	sadd.s32 $0x27000, s3;
	s7 =	simm.s32 $0x138A0;
	[dreg:$0x17] =	wrdreg s4  }
0x21: {  	s17 =	simm.s32 $0x7;
	s18 =	simm.s32 $0x8;
	[dreg:$0x1c] =	wrdreg s30  }
0x22: {  	s16 =	sadd.s32 s31, s3;
	s10 =	sadd.s32 s11, s3;
	[smem:$0x7FD] =	sst s8  }
0x23: {  	s19 =	smul.u32 $0x2710, s6;
	s31 =	sadd.s32 s28, s26;
	[dreg:$0xe] =	wrdreg s16  }
0x24: {  	s6 =	sadd.s32 $0x9C000, s2;
	s11 =	simm.s32 $0x160A0;
	[dreg:$0x10] =	wrdreg s10  }
0x25: {  	s13 =	simm.s32 $0x1;
	s16 =	sshll.u32 s12, $0x4;
	[dreg:$0x1d] =	wrdreg s31  }
0x26: {  	s29 =	sshrl.u32 s24, $0x3;
	[dreg:$0x1f] =	wrdreg s6;
	s10 =	sadd.s32 s16, s3  }
0x27: {  	s12 =	simm.s32 $0x174A0;
	s4 =	sadd.s32 s0, s29;
	[dreg:$0x11] =	wrdreg s10  }
.Ltmp0:
0x28: {  	s0 =	sadd.s32 $0x4E00, s0;
	[dreg:$0x1a] =	wrdreg s4;
	(pc) =	sbr.rel .LBB2_1-.Ltmp0, $4  }
0x29: {  	s10 =	sadd.s32 s20, s3;
	s4 =	sadd.s32 s24, s3;
	[dreg:$0x1b] =	wrdreg s0  }
0x2a: {  	s16 =	simm.s32 $0x6;
	[dreg:$0x13] =	wrdreg s10;
	s0 =	sshrl.u32 @!p0 s4, $0x3  }
0x2b: {  	v0 =	vmov s19;
	s19 =	simm.s32 $0xA;
	s10 =	sadd.s32 s9, s2;
	[dreg:$0x1e] =	wrdreg s0  }
0x2c: {  	v1 =	vimm.f32 $0.0e+00;
	s20 =	simm.s32 $0xB;
	s9 =	simm.s32 $0x50;
	[dreg:$0x19] =	wrdreg s10  }
.LBB2_10:
0x2d: {  	[sflag:s19] =	ssyncadd.s32 $0xFFFFFB00;
	s21 =	sld [smem:$0x7FC]  }
.LBB2_11:
0x2e: {  	s0 =	stileid.u32  }
0x2f: {  	[bflag:$0x0] =	sbarrier.arrive $0xFFFF;
	s0 =	sshll.u32 s0, $0x6  }
0x30: {  	s1 =	sshrl.u32 s10, $0x3;
	s4 =	rddreg [dreg:$0x1d];
	s0 =	sor.u32 $0x1C0B, s0  }
0x31: {  	[hbm:s4], [sflag:s0] =	dma.local [spmem:s1], $0x1380  }
0x32: {  	_ =	swait.ge [sflag:s20], $0x1380  }
0x33: {  	[sflag:s20] =	ssyncset.done $0x0;
	s1 =	rddreg [dreg:$0x18]  }
0x34: {  	s4 =	sshrl.u32 @!p2 s6, $0x3;
	[sflag:s20] =	ssyncadd.s32 $0xFFFFEC80;
	s1 =	sadd.s32 @!p2 $0x13800, s1  }
0x35: {  	[hbm:s1], [sflag:s0] =	dma.local @!p2 [spmem:s4], $0xC0  }
0x36: {  	s1 =	simm.s32 @!p2 $0xB  }
0x37: {  	_ =	swait.ge @!p2 [sflag:s1], $0xC0  }
0x38: {  	[sflag:s1] =	ssyncset.done @!p2 $0x0;
	s4 =	rddreg [dreg:$0x1e]  }
0x39: {  	[sflag:s1] =	ssyncadd.s32 @!p2 $0xFFFFFF40;
	s1 =	rddreg [dreg:$0x1a]  }
0x3a: {  	[hbm:s1], [sflag:s0] =	dma.local @!p0 [spmem:s4], $0x4E0  }
0x3b: {  	s1 =	simm.s32 @!p0 $0xB  }
0x3c: {  	_ =	swait.ge @!p0 [sflag:s1], $0x4E0  }
0x3d: {  	[sflag:s1] =	ssyncset.done @!p0 $0x0  }
0x3e: {  	s4 =	rddreg [dreg:$0x1b];
	[sflag:s1] =	ssyncadd.s32 @!p0 $0xFFFFFB20;
	s1 =	sshrl.u32 @!p3 s8, $0x3  }
0x3f: {  	[hbm:s4], [sflag:s0] =	dma.local @!p3 [spmem:s1], $0x30  }
0x40: {  	s0 =	simm.s32 @!p3 $0xB  }
0x41: {  	_ =	swait.ge @!p3 [sflag:s0], $0x30  }
0x42: {  	s21 =	sadd.s32 $0x1, s21;
	s31 =	rddreg [dreg:$0x1c]  }
0x43: {  	p4 =	sne.s32 s21, s31  }
.Ltmp1:
0x44: {  	_ = 	snop;
	(pc) =	sbr.rel @!p4 .LBB2_12-.Ltmp1, $3  }
0x45: {  	_ =	sdelay $0x1  }
0x46: {  	[sflag:s0] =	ssyncset.done @!p3 $0x0  }
0x47: {  	[sflag:s0] =	ssyncadd.s32 @!p3 $0xFFFFFFD0  }
.LBB2_1:
0x48: {  	[smem:$0x7FC] =	sst s21;
	s1 =	simm.s32 $0x100;
	s0 =	simm.s32 $0x0  }
.LBB2_2:
0x49: {  	p4 =	sne.s32 s1, $0x4F00;
	[tilespmem:s0+$0x138D0] =	vst v1;
	s4 =	smov.u32 s1;
	s1 =	sadd.s32 $0x100, s1  }
.Ltmp2:
0x4a: {  	[tilespmem:s0+$0x138C0] =	vst v1;
	(pc) =	sbr.rel @p4 .LBB2_2-.Ltmp2, $3  }
0x4b: {  	[tilespmem:s0+$0x138A0] =	vst v1  }
0x4c: {  	[tilespmem:s0+$0x138B0] =	vst v1;
	_ =	sdelay $0x1  }
0x4d: {  	s0 =	sshra.s32 s4, $0x2  }
0x4e: {  	[tilespmem:s0+$0x138D0] =	vst v1  }
0x4f: {  	[tilespmem:s0+$0x138C0] =	vst v1  }
0x50: {  	[tilespmem:s0+$0x138A0] =	vst v1  }
0x51: {  	[tilespmem:s0+$0x138B0] =	vst v1;
	s29 =	simm.s32 $0x0;
	s1 =	rddreg [dreg:$0x5];
	s4 =	simm.s32 $0x188A0  }
0x52: {  	[tilespmem:s4], [sflag:$0xB] =	stream.linear.gather [hbm4b:s1+s29], $0x500, $0x38;
	[tilespmem:$0x1B9B8] =	vst v63  }
0x53: {  	_ =	swait.ge [sflag:s20], $0x500  }
0x54: {  	[sflag:s20] =	ssyncset.done $0x0  }
0x55: {  	s31 =	simm.s32 $0x18DA0;
	s30 =	rddreg [dreg:$0x6];
	[sflag:s20] =	ssyncadd.s32 $0xFFFFFB00  }
0x56: {  	[tilespmem:s31], [sflag:$0xB] =	stream.linear.gather [hbm4b:s30+s29], $0x500, $0x38;
	[tilespmem:$0x1B9B8] =	vst v63  }
0x57: {  	_ =	swait.ge [sflag:s20], $0x500  }
0x58: {  	[sflag:s20] =	ssyncset.done $0x0  }
0x59: {  	[sflag:s20] =	ssyncadd.s32 $0xFFFFFB00  }
0x5a: {  	[spmem:s10] =	stream.linear.scatter [tilespmem:s7], [sflag:$0x9], $0x1400, $0x38;
	[tilespmem:$0x1B9B8] =	vst v63  }
0x5b: {  	s10 =	rddreg [dreg:$0x7]  }
0x5c: {  	[spmem:s10] =	stream.linear.scatter [tilespmem:s7], [sflag:$0x9], $0x1400, $0x38;
	[tilespmem:$0x1B9B8] =	vst v63  }
0x5d: {  	s21 =	rddreg [dreg:$0x8]  }
0x5e: {  	[spmem:s21] =	stream.linear.scatter [tilespmem:s7], [sflag:$0x9], $0x1400, $0x38;
	[tilespmem:$0x1B9B8] =	vst v63  }
0x5f: {  	s22 =	rddreg [dreg:$0x9]  }
0x60: {  	[spmem:s22] =	stream.linear.scatter [tilespmem:s7], [sflag:$0x9], $0x1400, $0x38;
	[tilespmem:$0x1B9B8] =	vst v63  }
0x61: {  	s23 =	rddreg [dreg:$0xa]  }
0x62: {  	[spmem:s23] =	stream.linear.scatter [tilespmem:s7], [sflag:$0x9], $0x1400, $0x38;
	[tilespmem:$0x1B9B8] =	vst v63  }
0x63: {  	s24 =	rddreg [dreg:$0xb]  }
0x64: {  	[spmem:s24] =	stream.linear.scatter [tilespmem:s7], [sflag:$0x9], $0x1400, $0x38;
	[tilespmem:$0x1B9B8] =	vst v63  }
0x65: {  	s25 =	rddreg [dreg:$0xc]  }
0x66: {  	[spmem:s25] =	stream.linear.scatter [tilespmem:s7], [sflag:$0x9], $0x1400, $0x38;
	[tilespmem:$0x1B9B8] =	vst v63  }
0x67: {  	s26 =	rddreg [dreg:$0xd]  }
0x68: {  	[spmem:s26] =	stream.linear.scatter [tilespmem:s7], [sflag:$0x9], $0x1000, $0x38;
	[tilespmem:$0x1B9B8] =	vst v63  }
0x69: {  	s0 =	simm.s32 @!p2 $0x138A0  }
0x6a: {  	[spmem:s6] =	stream.linear.scatter @!p2 [tilespmem:s0], [sflag:$0x9], $0x600, $0x38;
	[tilespmem:$0x1B9B8] =	vst v63  }
0x6b: {  	s1 =	rddreg [dreg:$0xe];
	s0 =	simm.s32 @!p0 $0x18DA0  }
0x6c: {  	[spmem:s1] =	stream.linear.scatter @!p0 [tilespmem:s0], [sflag:$0x9], $0x500, $0x38;
	[tilespmem:$0x1B9B8] =	vst v63  }
0x6d: {  	s1 =	rddreg [dreg:$0xf]  }
0x6e: {  	[spmem:s1] =	stream.linear.scatter @!p0 [tilespmem:s0], [sflag:$0x9], $0x500, $0x38;
	[tilespmem:$0x1B9B8] =	vst v63  }
0x6f: {  	s1 =	rddreg [dreg:$0x10]  }
0x70: {  	[spmem:s1] =	stream.linear.scatter @!p0 [tilespmem:s0], [sflag:$0x9], $0x500, $0x38;
	[tilespmem:$0x1B9B8] =	vst v63  }
0x71: {  	s1 =	rddreg [dreg:$0x11]  }
0x72: {  	[spmem:s1] =	stream.linear.scatter @!p0 [tilespmem:s0], [sflag:$0x9], $0x500, $0x38;
	[tilespmem:$0x1B9B8] =	vst v63  }
0x73: {  	s1 =	rddreg [dreg:$0x12]  }
0x74: {  	[spmem:s1] =	stream.linear.scatter @!p0 [tilespmem:s0], [sflag:$0x9], $0x500, $0x38;
	[tilespmem:$0x1B9B8] =	vst v63  }
0x75: {  	s1 =	rddreg [dreg:$0x13]  }
0x76: {  	[spmem:s1] =	stream.linear.scatter @!p0 [tilespmem:s0], [sflag:$0x9], $0x500, $0x38;
	[tilespmem:$0x1B9B8] =	vst v63  }
0x77: {  	s1 =	rddreg [dreg:$0x14]  }
0x78: {  	[spmem:s1] =	stream.linear.scatter @!p0 [tilespmem:s0], [sflag:$0x9], $0x500, $0x38;
	[tilespmem:$0x1B9B8] =	vst v63  }
0x79: {  	s1 =	rddreg [dreg:$0x15]  }
0x7a: {  	[spmem:s1] =	stream.linear.scatter @!p0 [tilespmem:s0], [sflag:$0x9], $0x400, $0x38;
	[tilespmem:$0x1B9B8] =	vst v63  }
0x7b: {  	s0 =	simm.s32 @!p3 $0x18DA0  }
0x7c: {  	[spmem:s8] =	stream.linear.scatter @!p3 [tilespmem:s0], [sflag:$0x9], $0x180, $0x38;
	[tilespmem:$0x1B9B8] =	vst v63  }
0x7d: {  	s28 =	simm.s32 $0x0;
	s29 =	rddreg [dreg:$0x16]  }
0x7e: {  	[tilespmem:s28], [sflag:$0xB] =	stream.linear.gather [hbm4b:s29+s28], $0x4E20, $0x38;
	[tilespmem:$0x1B9B8] =	vst v63  }
0x7f: {  	_ =	swait.ge [sflag:s20], $0x4E20  }
0x80: {  	[sflag:s20] =	ssyncset.done $0x0  }
0x81: {  	s31 =	simm.s32 $0x4E20;
	s30 =	rddreg [dreg:$0x17];
	[sflag:s20] =	ssyncadd.s32 $0xFFFFB1E0  }
0x82: {  	[tilespmem:s31], [sflag:$0xB] =	stream.linear.gather [hbm4b:s30+s28], $0x4E20, $0x38;
	[tilespmem:$0x1B9B8] =	vst v63  }
0x83: {  	_ =	swait.ge [sflag:s20], $0x4E20  }
0x84: {  	[sflag:s20] =	ssyncset.done $0x0  }
0x85: {  	s0 =	simm.s32 $0x0;
	[sflag:s20] =	ssyncadd.s32 $0xFFFFB1E0  }
0x86: {  	v5 =	vld [tilespmem:s0+$0x0]  }
0x87: {  	v4 =	vld [tilespmem:s0+$0x10]  }
0x88: {  	v3 =	vld [tilespmem:s0+$0x20]  }
0x89: {  	s1 =	simm.s32 $0x140;
	v2 =	vld [tilespmem:s0+$0x30]  }
.LBB2_4:
0x8a: {  	p4 =	sne.s32 s1, $0x13740;
	v6 =	vld [tilespmem:s0+$0x40]  }
0x8b: {  	v5 =	vadd.s32 v0, v5  }
.Ltmp3:
0x8c: {  	s4 =	sshra.s32 s1, $0x2;
	[tilespmem:s0+$0x0] =	vst v5;
	v4 =	vadd.s32 v0, v4;
	(pc) =	sbr.rel @p4 .LBB2_4-.Ltmp3, $4  }
0x8d: {  	v5 =	vld [tilespmem:s4+$0x0];
	[tilespmem:s0+$0x10] =	vst v4;
	v3 =	vadd.s32 v0, v3  }
0x8e: {  	v4 =	vld [tilespmem:s4+$0x10];
	[tilespmem:s0+$0x20] =	vst v3;
	v2 =	vadd.s32 v0, v2  }
0x8f: {  	v3 =	vld [tilespmem:s4+$0x20];
	[tilespmem:s0+$0x30] =	vst v2;
	v6 =	vadd.s32 v0, v6  }
0x90: {  	s1 =	sadd.s32 $0x140, s1;
	v2 =	vld [tilespmem:s4+$0x30];
	[tilespmem:s0+$0x40] =	vst v6;
	s0 =	smov.u32 s4  }
0x91: {  	v6 =	vld [tilespmem:s0+$0x40]  }
0x92: {  	v5 =	vadd.s32 v0, v5  }
0x93: {  	[tilespmem:s0+$0x0] =	vst v5;
	v4 =	vadd.s32 v0, v4  }
0x94: {  	[tilespmem:s0+$0x10] =	vst v4;
	v3 =	vadd.s32 v0, v3  }
0x95: {  	[tilespmem:s0+$0x20] =	vst v3;
	v2 =	vadd.s32 v0, v2  }
0x96: {  	[tilespmem:s0+$0x30] =	vst v2;
	v2 =	vadd.s32 v0, v6  }
0x97: {  	s25 =	simm.s32 $0x9;
	[tilespmem:s0+$0x40] =	vst v2  }
0x98: {  	_ =	swait.ge [sflag:s25], $0x1400  }
0x99: {  	[sflag:s25] =	ssyncset.done $0x0  }
0x9a: {  	[sflag:s25] =	ssyncadd.s32 $0xFFFFEC00  }
0x9b: {  	_ =	swait.ge [sflag:s25], $0x1400  }
0x9c: {  	[sflag:s25] =	ssyncset.done $0x0  }
0x9d: {  	[sflag:s25] =	ssyncadd.s32 $0xFFFFEC00  }
0x9e: {  	_ =	swait.ge [sflag:s25], $0x1400  }
0x9f: {  	[sflag:s25] =	ssyncset.done $0x0  }
0xa0: {  	[sflag:s25] =	ssyncadd.s32 $0xFFFFEC00  }
0xa1: {  	_ =	swait.ge [sflag:s25], $0x1400  }
0xa2: {  	[sflag:s25] =	ssyncset.done $0x0  }
0xa3: {  	[sflag:s25] =	ssyncadd.s32 $0xFFFFEC00  }
0xa4: {  	_ =	swait.ge [sflag:s25], $0x1400  }
0xa5: {  	[sflag:s25] =	ssyncset.done $0x0  }
0xa6: {  	[sflag:s25] =	ssyncadd.s32 $0xFFFFEC00  }
0xa7: {  	_ =	swait.ge [sflag:s25], $0x1400  }
0xa8: {  	[sflag:s25] =	ssyncset.done $0x0  }
0xa9: {  	[sflag:s25] =	ssyncadd.s32 $0xFFFFEC00  }
0xaa: {  	_ =	swait.ge [sflag:s25], $0x1400  }
0xab: {  	[sflag:s25] =	ssyncset.done $0x0  }
0xac: {  	[sflag:s25] =	ssyncadd.s32 $0xFFFFEC00  }
0xad: {  	_ =	swait.ge [sflag:s25], $0x1000  }
0xae: {  	[sflag:s25] =	ssyncset.done $0x0  }
0xaf: {  	s0 =	simm.s32 @!p2 $0x9;
	[sflag:s25] =	ssyncadd.s32 $0xFFFFF000  }
0xb0: {  	_ =	swait.ge @!p2 [sflag:s0], $0x600  }
0xb1: {  	[sflag:s0] =	ssyncset.done @!p2 $0x0  }
0xb2: {  	[sflag:s0] =	ssyncadd.s32 @!p2 $0xFFFFFA00;
	s0 =	simm.s32 @!p0 $0x9  }
0xb3: {  	_ =	swait.ge @!p0 [sflag:s0], $0x500  }
0xb4: {  	[sflag:s0] =	ssyncset.done @!p0 $0x0  }
0xb5: {  	[sflag:s0] =	ssyncadd.s32 @!p0 $0xFFFFFB00  }
0xb6: {  	_ =	swait.ge @!p0 [sflag:s0], $0x500  }
0xb7: {  	[sflag:s0] =	ssyncset.done @!p0 $0x0  }
0xb8: {  	[sflag:s0] =	ssyncadd.s32 @!p0 $0xFFFFFB00  }
0xb9: {  	_ =	swait.ge @!p0 [sflag:s0], $0x500  }
0xba: {  	[sflag:s0] =	ssyncset.done @!p0 $0x0  }
0xbb: {  	[sflag:s0] =	ssyncadd.s32 @!p0 $0xFFFFFB00  }
0xbc: {  	_ =	swait.ge @!p0 [sflag:s0], $0x500  }
0xbd: {  	[sflag:s0] =	ssyncset.done @!p0 $0x0  }
0xbe: {  	[sflag:s0] =	ssyncadd.s32 @!p0 $0xFFFFFB00  }
0xbf: {  	_ =	swait.ge @!p0 [sflag:s0], $0x500  }
0xc0: {  	[sflag:s0] =	ssyncset.done @!p0 $0x0  }
0xc1: {  	[sflag:s0] =	ssyncadd.s32 @!p0 $0xFFFFFB00  }
0xc2: {  	_ =	swait.ge @!p0 [sflag:s0], $0x500  }
0xc3: {  	[sflag:s0] =	ssyncset.done @!p0 $0x0  }
0xc4: {  	[sflag:s0] =	ssyncadd.s32 @!p0 $0xFFFFFB00  }
0xc5: {  	_ =	swait.ge @!p0 [sflag:s0], $0x500  }
0xc6: {  	[sflag:s0] =	ssyncset.done @!p0 $0x0  }
0xc7: {  	[sflag:s0] =	ssyncadd.s32 @!p0 $0xFFFFFB00  }
0xc8: {  	_ =	swait.ge @!p0 [sflag:s0], $0x400  }
0xc9: {  	[sflag:s0] =	ssyncset.done @!p0 $0x0  }
0xca: {  	[sflag:s0] =	ssyncadd.s32 @!p0 $0xFFFFFC00;
	s0 =	simm.s32 @!p3 $0x9  }
0xcb: {  	_ =	swait.ge @!p3 [sflag:s0], $0x180  }
0xcc: {  	[sflag:s0] =	ssyncset.done @!p3 $0x0  }
0xcd: {  	s26 =	simm.s32 $0x0;
	[sflag:s0] =	ssyncadd.s32 @!p3 $0xFFFFFE80  }
0xce: {  	[tilespmem:s7], [sflag:$0x1] =	stream.indirect.gather [hbm4b:s5+s9], $0x40, s26, s9, $0xb8;
	[tilespmem:$0x1B9B8] =	vst v63  }
0xcf: {  	s6 =	simm.s32 $0x14CA0  }
0xd0: {  	[tilespmem:s6], [sflag:$0x2] =	stream.indirect.gather [hbm4b:s5+s9], $0x40, s9, s9, $0xb8;
	[tilespmem:$0x1B9B8] =	vst v63  }
0xd1: {  	s1 =	simm.s32 $0xA0  }
0xd2: {  	[tilespmem:s11], [sflag:$0x3] =	stream.indirect.gather [hbm4b:s5+s9], $0x40, s1, s9, $0xb8;
	[tilespmem:$0x1B9B8] =	vst v63  }
0xd3: {  	s4 =	simm.s32 $0xF0  }
0xd4: {  	[tilespmem:s12], [sflag:$0x4] =	stream.indirect.gather [hbm4b:s5+s9], $0x40, s4, s9, $0xb8;
	[tilespmem:$0x1B9B8] =	vst v63  }
0xd5: {  	[bflag:$0x0] =	sbarrier.arrive $0xFFFF  }
0xd6: {  	_ =	swait.ge [sflag:s13], $0x1400  }
0xd7: {  	[sflag:s13] =	ssyncset.done $0x0  }
0xd8: {  	s22 =	simm.s32 @p0 $0x2;
	s0 =	simm.s32 $0x4E20;
	[sflag:s13] =	ssyncadd.s32 $0xFFFFEC00  }
0xd9: {  	[spmem:s2] =	stream.indirect.scatter.add.f32 [tilespmem:s7], [sflag:$0x5], $0x40, s0, s9, $0xb8;
	[tilespmem:$0x1B9B8] =	vst v63  }
0xda: {  	_ =	swait.ge @p0 [sflag:s22], $0x1400  }
0xdb: {  	s24 =	simm.s32 @p0 $0x14CA0;
	[sflag:s22] =	ssyncset.done @p0 $0x0  }
0xdc: {  	s29 =	simm.s32 @p0 $0x50;
	s1 =	simm.s32 @p0 $0x4E70;
	[sflag:s22] =	ssyncadd.s32 @p0 $0xFFFFEC00  }
0xdd: {  	[spmem:s2] =	stream.indirect.scatter.add.f32 @p0 [tilespmem:s24], [sflag:$0x6], $0x40, s1, s29, $0xb8;
	[tilespmem:$0x1B9B8] =	vst v63  }
0xde: {  	s21 =	simm.s32 @!p0 $0x50;
	s23 =	simm.s32 @!p0 $0x188A0;
	s28 =	simm.s32 @!p0 $0x2  }
0xdf: {  	[spmem:s3] =	stream.indirect.scatter.add.f32 @!p0 [tilespmem:s23], [sflag:$0xA], $0x10, s0, s21, $0xb8;
	[tilespmem:$0x1B9B8] =	vst v63  }
0xe0: {  	_ =	swait.ge @!p0 [sflag:s28], $0x1400  }
0xe1: {  	[sflag:s28] =	ssyncset.done @!p0 $0x0  }
0xe2: {  	s30 =	simm.s32 @!p0 $0x14CA0;
	s0 =	simm.s32 @!p0 $0x4E70;
	[sflag:s28] =	ssyncadd.s32 @!p0 $0xFFFFEC00  }
0xe3: {  	[spmem:s2] =	stream.indirect.scatter.add.f32 @!p0 [tilespmem:s30], [sflag:$0x6], $0x40, s0, s21, $0xb8;
	[tilespmem:$0x1B9B8] =	vst v63  }
0xe4: {  	_ = 	snop  }
0xe5: {  	[spmem:s3] =	stream.indirect.scatter.add.f32 @!p0 [tilespmem:s23], [sflag:$0xA], $0x10, s0, s21, $0xb8;
	[tilespmem:$0x1B9B8] =	vst v63  }
0xe6: {  	_ =	swait.ge [sflag:s14], $0x1400  }
0xe7: {  	[sflag:s14] =	ssyncset.done $0x0  }
0xe8: {  	s31 =	simm.s32 @p0 $0x4;
	s1 =	simm.s32 $0x4EC0;
	[sflag:s14] =	ssyncadd.s32 $0xFFFFEC00  }
0xe9: {  	[spmem:s2] =	stream.indirect.scatter.add.f32 [tilespmem:s11], [sflag:$0x7], $0x40, s1, s9, $0xb8;
	[tilespmem:$0x1B9B8] =	vst v63  }
0xea: {  	_ =	swait.ge @p0 [sflag:s31], $0x1400  }
0xeb: {  	[sflag:s31] =	ssyncset.done @p0 $0x0  }
0xec: {  	s4 =	simm.s32 @p0 $0x4F10;
	s0 =	simm.s32 @p0 $0x174A0;
	[sflag:s31] =	ssyncadd.s32 @p0 $0xFFFFEC00  }
0xed: {  	[spmem:s2] =	stream.indirect.scatter.add.f32 @p0 [tilespmem:s0], [sflag:$0x8], $0x40, s4, s29, $0xb8;
	[tilespmem:$0x1B9B8] =	vst v63  }
0xee: {  	s25 =	simm.s32 @!p0 $0x4  }
0xef: {  	[spmem:s3] =	stream.indirect.scatter.add.f32 @!p0 [tilespmem:s23], [sflag:$0xA], $0x10, s1, s21, $0xb8;
	[tilespmem:$0x1B9B8] =	vst v63  }
0xf0: {  	_ =	swait.ge @!p0 [sflag:s25], $0x1400  }
0xf1: {  	[sflag:s25] =	ssyncset.done @!p0 $0x0  }
0xf2: {  	s26 =	simm.s32 @!p0 $0x174A0;
	s1 =	simm.s32 @!p0 $0x4F10;
	[sflag:s25] =	ssyncadd.s32 @!p0 $0xFFFFEC00  }
0xf3: {  	[spmem:s2] =	stream.indirect.scatter.add.f32 @!p0 [tilespmem:s26], [sflag:$0x8], $0x40, s1, s21, $0xb8;
	[tilespmem:$0x1B9B8] =	vst v63  }
0xf4: {  	_ = 	snop  }
0xf5: {  	[spmem:s3] =	stream.indirect.scatter.add.f32 @!p0 [tilespmem:s23], [sflag:$0xA], $0x10, s1, s21, $0xb8;
	[tilespmem:$0x1B9B8] =	vst v63  }
0xf6: {  	_ =	swait.ge [sflag:s15], $0x1400  }
0xf7: {  	[sflag:s15] =	ssyncset.done $0x0  }
0xf8: {  	s8 =	simm.s32 $0x140;
	[sflag:s15] =	ssyncadd.s32 $0xFFFFEC00  }
0xf9: {  	[tilespmem:s7], [sflag:$0x1] =	stream.indirect.gather [hbm4b:s5+s9], $0x40, s8, s9, $0xb8;
	[tilespmem:$0x1B9B8] =	vst v63  }
0xfa: {  	_ =	swait.ge [sflag:s16], $0x1400  }
0xfb: {  	[sflag:s16] =	ssyncset.done $0x0  }
0xfc: {  	s10 =	simm.s32 $0x190;
	[sflag:s16] =	ssyncadd.s32 $0xFFFFEC00  }
0xfd: {  	[tilespmem:s6], [sflag:$0x2] =	stream.indirect.gather [hbm4b:s5+s9], $0x40, s10, s9, $0xb8;
	[tilespmem:$0x1B9B8] =	vst v63  }
0xfe: {  	_ =	swait.ge [sflag:s17], $0x1400  }
0xff: {  	[sflag:s17] =	ssyncset.done $0x0  }
0x100: {  	s20 =	simm.s32 $0x1E0;
	[sflag:s17] =	ssyncadd.s32 $0xFFFFEC00  }
0x101: {  	[tilespmem:s11], [sflag:$0x3] =	stream.indirect.gather [hbm4b:s5+s9], $0x40, s20, s9, $0xb8;
	[tilespmem:$0x1B9B8] =	vst v63  }
0x102: {  	_ =	swait.ge [sflag:s18], $0x1400  }
0x103: {  	[sflag:s18] =	ssyncset.done $0x0  }
0x104: {  	s4 =	simm.s32 $0x230;
	s1 =	simm.s32 $0x500;
	[sflag:s18] =	ssyncadd.s32 $0xFFFFEC00  }
.LBB2_6:
0x105: {  	[tilespmem:s12], [sflag:$0x4] =	stream.indirect.gather [hbm4b:s5+s9], $0x40, s4, s9, $0xb8;
	[tilespmem:$0x1B9B8] =	vst v63  }
0x106: {  	s20 =	smov.u32 s1;
	s1 =	sadd.s32 $0x500, s1;
	_ =	swait.ge [sflag:s13], $0x1400  }
0x107: {  	s4 =	sshra.s32 s20, $0x2;
	p4 =	sne.s32 s1, $0x13100;
	[sflag:s13] =	ssyncset.done $0x0  }
0x108: {  	s6 =	sadd.s32 $0x4E20, s4;
	[sflag:s13] =	ssyncadd.s32 $0xFFFFEC00  }
0x109: {  	[spmem:s2] =	stream.indirect.scatter.add.f32 [tilespmem:s7], [sflag:$0x5], $0x40, s6, s9, $0xb8;
	[tilespmem:$0x1B9B8] =	vst v63  }
0x10a: {  	_ =	swait.ge @p0 [sflag:s22], $0x1400  }
0x10b: {  	s8 =	sshra.s32 @p0 s20, $0x2;
	[sflag:s22] =	ssyncset.done @p0 $0x0  }
0x10c: {  	s10 =	sadd.s32 @p0 $0x4E70, s8;
	[sflag:s22] =	ssyncadd.s32 @p0 $0xFFFFEC00  }
0x10d: {  	[spmem:s2] =	stream.indirect.scatter.add.f32 @p0 [tilespmem:s24], [sflag:$0x6], $0x40, s10, s29, $0xb8;
	[tilespmem:$0x1B9B8] =	vst v63  }
0x10e: {  	_ = 	snop  }
0x10f: {  	[spmem:s3] =	stream.indirect.scatter.add.f32 @!p0 [tilespmem:s23], [sflag:$0xA], $0x10, s6, s21, $0xb8;
	[tilespmem:$0x1B9B8] =	vst v63  }
0x110: {  	_ =	swait.ge @!p0 [sflag:s28], $0x1400  }
0x111: {  	s6 =	sshra.s32 @!p0 s20, $0x2;
	[sflag:s28] =	ssyncset.done @!p0 $0x0  }
0x112: {  	s10 =	sadd.s32 @!p0 $0x4E70, s6;
	[sflag:s28] =	ssyncadd.s32 @!p0 $0xFFFFEC00  }
0x113: {  	[spmem:s2] =	stream.indirect.scatter.add.f32 @!p0 [tilespmem:s30], [sflag:$0x6], $0x40, s10, s21, $0xb8;
	[tilespmem:$0x1B9B8] =	vst v63  }
0x114: {  	_ = 	snop  }
0x115: {  	[spmem:s3] =	stream.indirect.scatter.add.f32 @!p0 [tilespmem:s23], [sflag:$0xA], $0x10, s10, s21, $0xb8;
	[tilespmem:$0x1B9B8] =	vst v63  }
0x116: {  	_ =	swait.ge [sflag:s14], $0x1400  }
0x117: {  	[sflag:s14] =	ssyncset.done $0x0  }
0x118: {  	s10 =	sadd.s32 $0x4EC0, s4;
	[sflag:s14] =	ssyncadd.s32 $0xFFFFEC00  }
0x119: {  	[spmem:s2] =	stream.indirect.scatter.add.f32 [tilespmem:s11], [sflag:$0x7], $0x40, s10, s9, $0xb8;
	[tilespmem:$0x1B9B8] =	vst v63  }
0x11a: {  	_ =	swait.ge @p0 [sflag:s31], $0x1400  }
0x11b: {  	[sflag:s31] =	ssyncset.done @p0 $0x0  }
0x11c: {  	s8 =	sadd.s32 @p0 $0x4F10, s8;
	[sflag:s31] =	ssyncadd.s32 @p0 $0xFFFFEC00  }
0x11d: {  	[spmem:s2] =	stream.indirect.scatter.add.f32 @p0 [tilespmem:s0], [sflag:$0x8], $0x40, s8, s29, $0xb8;
	[tilespmem:$0x1B9B8] =	vst v63  }
0x11e: {  	_ = 	snop  }
0x11f: {  	[spmem:s3] =	stream.indirect.scatter.add.f32 @!p0 [tilespmem:s23], [sflag:$0xA], $0x10, s10, s21, $0xb8;
	[tilespmem:$0x1B9B8] =	vst v63  }
0x120: {  	s10 =	simm.s32 $0x14CA0  }
0x121: {  	_ =	swait.ge @!p0 [sflag:s25], $0x1400  }
0x122: {  	[sflag:s25] =	ssyncset.done @!p0 $0x0  }
0x123: {  	s6 =	sadd.s32 @!p0 $0x4F10, s6;
	[sflag:s25] =	ssyncadd.s32 @!p0 $0xFFFFEC00  }
0x124: {  	[spmem:s2] =	stream.indirect.scatter.add.f32 @!p0 [tilespmem:s26], [sflag:$0x8], $0x40, s6, s21, $0xb8;
	[tilespmem:$0x1B9B8] =	vst v63  }
0x125: {  	_ = 	snop  }
0x126: {  	[spmem:s3] =	stream.indirect.scatter.add.f32 @!p0 [tilespmem:s23], [sflag:$0xA], $0x10, s6, s21, $0xb8;
	[tilespmem:$0x1B9B8] =	vst v63  }
0x127: {  	_ =	swait.ge [sflag:s15], $0x1400  }
0x128: {  	[sflag:s15] =	ssyncset.done $0x0  }
0x129: {  	s6 =	sadd.s32 $0x140, s4;
	[sflag:s15] =	ssyncadd.s32 $0xFFFFEC00  }
0x12a: {  	[tilespmem:s7], [sflag:$0x1] =	stream.indirect.gather [hbm4b:s5+s9], $0x40, s6, s9, $0xb8;
	[tilespmem:$0x1B9B8] =	vst v63  }
0x12b: {  	_ =	swait.ge [sflag:s16], $0x1400  }
0x12c: {  	[sflag:s16] =	ssyncset.done $0x0  }
0x12d: {  	s6 =	sadd.s32 $0x190, s4;
	[sflag:s16] =	ssyncadd.s32 $0xFFFFEC00  }
0x12e: {  	[tilespmem:s10], [sflag:$0x2] =	stream.indirect.gather [hbm4b:s5+s9], $0x40, s6, s9, $0xb8;
	[tilespmem:$0x1B9B8] =	vst v63  }
0x12f: {  	_ =	swait.ge [sflag:s17], $0x1400  }
0x130: {  	[sflag:s17] =	ssyncset.done $0x0  }
.Ltmp4:
0x131: {  	s6 =	sadd.s32 $0x1E0, s4;
	[sflag:s17] =	ssyncadd.s32 $0xFFFFEC00;
	(pc) =	sbr.rel @p4 .LBB2_6-.Ltmp4, $4  }
0x132: {  	[tilespmem:s11], [sflag:$0x3] =	stream.indirect.gather [hbm4b:s5+s9], $0x40, s6, s9, $0xb8;
	[tilespmem:$0x1B9B8] =	vst v63  }
0x133: {  	_ =	swait.ge [sflag:s18], $0x1400  }
0x134: {  	[sflag:s18] =	ssyncset.done $0x0  }
0x135: {  	s4 =	sadd.s32 $0x230, s4;
	[sflag:s18] =	ssyncadd.s32 $0xFFFFEC00  }
0x136: {  	[tilespmem:s12], [sflag:$0x4] =	stream.indirect.gather [hbm4b:s5+s9], $0x40, s4, s9, $0xb8;
	[tilespmem:$0x1B9B8] =	vst v63  }
0x137: {  	_ =	swait.ge [sflag:s13], $0x1400  }
0x138: {  	[sflag:s13] =	ssyncset.done $0x0  }
0x139: {  	s0 =	simm.s32 $0x9A60;
	[sflag:s13] =	ssyncadd.s32 $0xFFFFEC00  }
0x13a: {  	[spmem:s2] =	stream.indirect.scatter.add.f32 [tilespmem:s7], [sflag:$0x5], $0x40, s0, s9, $0xb8;
	[tilespmem:$0x1B9B8] =	vst v63  }
0x13b: {  	s1 =	simm.s32 @p1 $0x9A60;
	s4 =	simm.s32 @p1 $0x188A0;
	s0 =	simm.s32 @p1 $0x50  }
0x13c: {  	[spmem:s3] =	stream.indirect.scatter.add.f32 @p1 [tilespmem:s4], [sflag:$0xA], $0x10, s1, s0, $0xb8;
	[tilespmem:$0x1B9B8] =	vst v63  }
0x13d: {  	s1 =	simm.s32 @p1 $0x2  }
0x13e: {  	_ =	swait.ge @p1 [sflag:s1], $0x1400  }
0x13f: {  	[sflag:s1] =	ssyncset.done @p1 $0x0  }
0x140: {  	s6 =	simm.s32 @p1 $0x14CA0;
	[sflag:s1] =	ssyncadd.s32 @p1 $0xFFFFEC00;
	s1 =	simm.s32 @p1 $0x9AB0  }
0x141: {  	[spmem:s2] =	stream.indirect.scatter.add.f32 @p1 [tilespmem:s6], [sflag:$0x6], $0x40, s1, s0, $0xb8;
	[tilespmem:$0x1B9B8] =	vst v63  }
0x142: {  	_ = 	snop  }
0x143: {  	[spmem:s3] =	stream.indirect.scatter.add.f32 @p1 [tilespmem:s4], [sflag:$0xA], $0x10, s1, s0, $0xb8;
	[tilespmem:$0x1B9B8] =	vst v63  }
0x144: {  	s1 =	simm.s32 @!p1 $0x2  }
0x145: {  	_ =	swait.ge @!p1 [sflag:s1], $0x1400  }
0x146: {  	s8 =	simm.s32 @!p1 $0x14CA0;
	[sflag:s1] =	ssyncset.done @!p1 $0x0  }
0x147: {  	s6 =	simm.s32 @!p1 $0x9AB0;
	[sflag:s1] =	ssyncadd.s32 @!p1 $0xFFFFEC00;
	s1 =	simm.s32 @!p1 $0x50  }
0x148: {  	[spmem:s2] =	stream.indirect.scatter.add.f32 @!p1 [tilespmem:s8], [sflag:$0x6], $0x40, s6, s1, $0xb8;
	[tilespmem:$0x1B9B8] =	vst v63  }
0x149: {  	_ =	swait.ge [sflag:s14], $0x1400  }
0x14a: {  	[sflag:s14] =	ssyncset.done $0x0  }
0x14b: {  	s20 =	simm.s32 $0x9B00;
	[sflag:s14] =	ssyncadd.s32 $0xFFFFEC00  }
0x14c: {  	[spmem:s2] =	stream.indirect.scatter.add.f32 [tilespmem:s11], [sflag:$0x7], $0x40, s20, s9, $0xb8;
	[tilespmem:$0x1B9B8] =	vst v63  }
0x14d: {  	s6 =	simm.s32 @p1 $0x9B00  }
0x14e: {  	[spmem:s3] =	stream.indirect.scatter.add.f32 @p1 [tilespmem:s4], [sflag:$0xA], $0x10, s6, s0, $0xb8;
	[tilespmem:$0x1B9B8] =	vst v63  }
0x14f: {  	s6 =	simm.s32 @p1 $0x4  }
0x150: {  	_ =	swait.ge @p1 [sflag:s6], $0x1400  }
0x151: {  	[sflag:s6] =	ssyncset.done @p1 $0x0  }
0x152: {  	s8 =	simm.s32 @p1 $0x174A0;
	[sflag:s6] =	ssyncadd.s32 @p1 $0xFFFFEC00;
	s6 =	simm.s32 @p1 $0x9B50  }
0x153: {  	[spmem:s2] =	stream.indirect.scatter.add.f32 @p1 [tilespmem:s8], [sflag:$0x8], $0x40, s6, s0, $0xb8;
	[tilespmem:$0x1B9B8] =	vst v63  }
0x154: {  	_ = 	snop  }
0x155: {  	[spmem:s3] =	stream.indirect.scatter.add.f32 @p1 [tilespmem:s4], [sflag:$0xA], $0x10, s6, s0, $0xb8;
	[tilespmem:$0x1B9B8] =	vst v63  }
0x156: {  	s0 =	simm.s32 @!p1 $0x4  }
0x157: {  	_ =	swait.ge @!p1 [sflag:s0], $0x1400  }
0x158: {  	[sflag:s0] =	ssyncset.done @!p1 $0x0  }
0x159: {  	s4 =	simm.s32 @!p1 $0x174A0;
	[sflag:s0] =	ssyncadd.s32 @!p1 $0xFFFFEC00;
	s0 =	simm.s32 @!p1 $0x9B50  }
0x15a: {  	[spmem:s2] =	stream.indirect.scatter.add.f32 @!p1 [tilespmem:s4], [sflag:$0x8], $0x40, s0, s1, $0xb8;
	[tilespmem:$0x1B9B8] =	vst v63  }
0x15b: {  	_ =	swait.ge [sflag:s15], $0x1400  }
0x15c: {  	[sflag:s15] =	ssyncset.done $0x0  }
0x15d: {  	s25 =	simm.s32 $0x4D80;
	[sflag:s15] =	ssyncadd.s32 $0xFFFFEC00  }
0x15e: {  	[tilespmem:s7], [sflag:$0x1] =	stream.indirect.gather [hbm4b:s5+s9], $0x40, s25, s9, $0xb8;
	[tilespmem:$0x1B9B8] =	vst v63  }
0x15f: {  	_ =	swait.ge [sflag:s16], $0x1400  }
0x160: {  	[sflag:s16] =	ssyncset.done $0x0  }
0x161: {  	s26 =	simm.s32 $0x4DD0;
	[sflag:s16] =	ssyncadd.s32 $0xFFFFEC00  }
0x162: {  	[tilespmem:s10], [sflag:$0x2] =	stream.indirect.gather [hbm4b:s5+s9], $0x40, s26, s9, $0xb8;
	[tilespmem:$0x1B9B8] =	vst v63  }
0x163: {  	_ =	swait.ge [sflag:s13], $0x1400  }
0x164: {  	[sflag:s13] =	ssyncset.done $0x0  }
0x165: {  	s31 =	simm.s32 $0x9BA0;
	[sflag:s13] =	ssyncadd.s32 $0xFFFFEC00  }
0x166: {  	[spmem:s2] =	stream.indirect.scatter.add.f32 [tilespmem:s7], [sflag:$0x5], $0x40, s31, s9, $0xb8;
	[tilespmem:$0x1B9B8] =	vst v63  }
0x167: {  	_ =	swait.ge @p0 [sflag:s22], $0x1400  }
0x168: {  	[sflag:s22] =	ssyncset.done @p0 $0x0  }
0x169: {  	s0 =	simm.s32 @p0 $0x9BF0;
	[sflag:s22] =	ssyncadd.s32 @p0 $0xFFFFEC00  }
0x16a: {  	[spmem:s2] =	stream.indirect.scatter.add.f32 @p0 [tilespmem:s24], [sflag:$0x6], $0x40, s0, s29, $0xb8;
	[tilespmem:$0x1B9B8] =	vst v63  }
0x16b: {  	s0 =	simm.s32 @!p0 $0x9BA0  }
0x16c: {  	[spmem:s3] =	stream.indirect.scatter.add.f32 @!p0 [tilespmem:s23], [sflag:$0xA], $0x10, s0, s21, $0xb8;
	[tilespmem:$0x1B9B8] =	vst v63  }
0x16d: {  	_ =	swait.ge @!p0 [sflag:s28], $0x1400  }
0x16e: {  	[sflag:s28] =	ssyncset.done @!p0 $0x0  }
0x16f: {  	s0 =	simm.s32 @!p0 $0x9BF0;
	[sflag:s28] =	ssyncadd.s32 @!p0 $0xFFFFEC00  }
0x170: {  	[spmem:s2] =	stream.indirect.scatter.add.f32 @!p0 [tilespmem:s30], [sflag:$0x6], $0x40, s0, s21, $0xb8;
	[tilespmem:$0x1B9B8] =	vst v63  }
0x171: {  	_ = 	snop  }
0x172: {  	[spmem:s3] =	stream.indirect.scatter.add.f32 @!p0 [tilespmem:s23], [sflag:$0xA], $0x10, s0, s21, $0xb8;
	[tilespmem:$0x1B9B8] =	vst v63  }
0x173: {  	_ =	swait.ge [sflag:s17], $0x1400  }
0x174: {  	[sflag:s17] =	ssyncset.done $0x0  }
0x175: {  	[sflag:s17] =	ssyncadd.s32 $0xFFFFEC00  }
0x176: {  	_ =	swait.ge [sflag:s18], $0x1400  }
0x177: {  	[sflag:s18] =	ssyncset.done $0x0  }
0x178: {  	[sflag:s18] =	ssyncadd.s32 $0xFFFFEC00  }
0x179: {  	_ =	swait.ge [sflag:s15], $0x1400  }
0x17a: {  	[sflag:s15] =	ssyncset.done $0x0  }
0x17b: {  	[sflag:s15] =	ssyncadd.s32 $0xFFFFEC00  }
.Ltmp5:
0x17c: {  	_ =	swait.ge [sflag:s16], $0x1400;
	(pc) =	sbr.rel @p0 .LBB2_11-.Ltmp5, $4  }
0x17d: {  	s10 =	rddreg [dreg:$0x19]  }
0x17e: {  	s6 =	rddreg [dreg:$0x1f]  }
0x17f: {  	s20 =	simm.s32 $0xB;
	[sflag:s16] =	ssyncset.done $0x0;
	s8 =	sld [smem:$0x7FD]  }
0x180: {  	s0 =	simm.s32 $0xFA;
	s21 =	sld [smem:$0x7FC];
	[sflag:s16] =	ssyncadd.s32 $0xFFFFEC00  }
0x181: {  	_ =	swait.ge [sflag:s19], $0x500  }
0x182: {  	s0 =	sadd.s32 $0xFFFFFFFF, s0;
	[sflag:s19] =	ssyncset.done $0x0  }
.LBB2_9:
0x183: {  	p4 =	sne.s32 s0, $0x1;
	s0 =	sadd.s32 $0xFFFFFFFF, s0;
	[sflag:s19] =	ssyncadd.s32 $0xFFFFFB00  }
.Ltmp6:
0x184: {  	(pc) =	sbr.rel @p4 .LBB2_9-.Ltmp6, $3  }
0x185: {  	_ =	sdelay $0x1  }
0x186: {  	_ =	swait.ge [sflag:s19], $0x500  }
0x187: {  	[sflag:s19] =	ssyncset.done $0x0  }
.Ltmp7:
0x188: {  	_ = 	snop;
	(pc) =	sbr.rel .LBB2_10-.Ltmp7, $1  }
0x189: {  	_ =	sdelay $0x3  }
.LBB2_12:
0x18a: {  	_ =	sfence.sel $0x180000  }
0x18b: {  	[bflag:$0x0] =	sbarrier.arrive $0xFFFF  }
0x18c: {  	_ =	strace $0x90000047  }
0x18d: {  	s0 =	stileid.u32;
	[bflag:$0x2] =	sbarrier.arrive $0xFFFF  }
0x18e: {  	p0 =	sne.s32 s0, $0x0;
	s0 =	rddreg [dreg:$0x4]  }
0x18f: {  	s0 =	sadd.s32 @!p0 $0x100000, s0  }
0x190: {  	[sflag:s0] =	ssyncadd.tile.s32 @!p0 $0x1;
	_ =	shalt  }
.Lfunc_end2:
_tile_overlayer_lowered:
.L_overlay_start_2:
0x191: {  	(tag) =	ssettag $0x2  }
0x192: {  	s0 =	rddreg [dreg:$0x0];
	s2 =	stileid.u32  }
0x193: {  	s1 =	rddreg [dreg:$0x1];
	p0 =	sne.s32 s2, $0x0  }
0x194: {  	s3 =	rddreg [dreg:$0x2];
	[bflag:$0x3] =	sbarrier.arrive $0xFFFF;
	s2 =	simm.s32 @!p0 $0x1C0B  }
0x195: {  	[timem:s3], [sflag:s2] =	dma.local @!p0 [hbm:s0], s1  }
0x196: {  	s0 =	simm.s32 @!p0 $0xB  }
0x197: {  	_ =	swait.ge @!p0 [sflag:s0], s1  }
0x198: {  	s1 =	ssub.s32 @!p0 $0x0, s1;
	[sflag:s0] =	ssyncset.done @!p0 $0x0  }
0x199: {  	[sflag:s0] =	ssyncadd.s32 @!p0 s1  }
0x19a: {  	[bflag:$0x3] =	sbarrier.arrive $0xFFFF  }
0x19b: {  	_ =	shalt  }

</sc_bundles>
